<compile_context>
chip_gen: v7x
topology: tpu7x:2x2x1
jax: 0.10.2.dev20260603
libtpu: 0.0.44.dev20260713+nightly
codegen_flags: <defaults>
</compile_context>

<pallas_src>
import functools

import jax
import jax.numpy as jnp
from jax import lax
from jax.experimental import pallas as pl
from jax.experimental.pallas import tpu as pltpu
from jax.experimental.pallas import tpu_sc as plsc

VOCAB = 1000000
D_MODEL = 64
BATCH = 4096
HIST = 200

N = BATCH * HIST
NC, NS = 2, 16
NW = NC * NS
PER_W = N // NW
CH = 128
NV = CH // 16
NCH = PER_W // CH
NBUF = 10
LAG = 4
NGROUP = NCH // NBUF

_mesh = plsc.VectorSubcoreMesh(core_axis_name="c", subcore_axis_name="s")


@functools.partial(
    pl.kernel,
    out_type=jax.ShapeDtypeStruct((NW * NCH, CH, D_MODEL), jnp.float32),
    mesh=_mesh,
    scratch_types=[
        pltpu.VMEM((NCH, CH), jnp.int32),
        pltpu.VMEM((NBUF, CH, D_MODEL), jnp.float32),
    ] + [pltpu.SemaphoreType.DMA] * (2 * NBUF),
    compiler_params=pltpu.CompilerParams(use_tc_tiling_on_sc=False),
)
def _embed_sc(x_hbm, tab_hbm, out_hbm, idx_v, rows_v, *sems):
    gsems = sems[:NBUF]
    wsems = sems[NBUF:]
    wid = lax.axis_index("s") * NC + lax.axis_index("c")
    pltpu.sync_copy(x_hbm.at[wid], idx_v)

    def fire_gather(j, b):
        for k in range(NV):
            idx16 = idx_v[j, pl.ds(k * 16, 16)]
            pltpu.async_copy(tab_hbm.at[idx16],
                             rows_v.at[b, pl.ds(k * 16, 16)], gsems[b])

    def wait_gather(b):
        pltpu.make_async_copy(tab_hbm.at[idx_v.at[0]], rows_v.at[b],
                              gsems[b]).wait()

    def wait_writeback(b):
        pltpu.make_async_copy(rows_v.at[b], out_hbm.at[0], wsems[b]).wait()

    for b in range(NBUF):
        fire_gather(b, b)

    def group(g, carry):
        for b in range(NBUF):
            j = g * NBUF + b
            wait_gather(b)
            pltpu.async_copy(rows_v.at[b], out_hbm.at[wid * NCH + j], wsems[b])

            bw = (b - LAG) % NBUF

            @pl.when(jnp.logical_and(j - LAG >= 0, j - LAG + NBUF < NCH))
            def _():
                wait_writeback(bw)
                fire_gather(j - LAG + NBUF, bw)

        return carry

    lax.fori_loop(0, NGROUP, group, 0)

    for b in range(NBUF):
        wait_writeback(b)


def kernel(x, embed_weight):
    xf = x.reshape(-1).astype(jnp.int32).reshape(NW, NCH, CH)
    out = _embed_sc(xf, embed_weight)
    return out.reshape(BATCH, HIST, D_MODEL)

# --- scband reference (transcript-rebuilt; emitter-appended) ---
"""Pipeline reference for scband-embedder-6820408066086 (READ-ONLY COPY).

The authoritative reference and input builder live on the scoring server;
editing this copy changes nothing except your own understanding.
"""

import jax, jax.numpy as jnp
import numpy as np

VOCAB = 1000000
D_MODEL = 64
BATCH = 4096
HIST = 200

def setup_inputs(seed: int = 0) -> dict:
    key = jax.random.key(seed)
    k_idx, k_tab = jax.random.split(key)
    x = jax.random.randint(k_idx, (BATCH, HIST), 0, VOCAB, dtype=jnp.int64)
    embed_weight = jax.random.normal(k_tab, (VOCAB, D_MODEL), dtype=jnp.float32)
    return {"x": x, "embed_weight": embed_weight}

def reference(x, embed_weight):
    # nn.Embedding forward: gather rows of the table by index
    return jnp.take(embed_weight, x, axis=0)

if __name__ == "__main__":
    import jax
    _d = setup_inputs()
    print(jax.jit(kernel)(*tuple(_d.values())))

</pallas_src>

<mosaic_0001>
#map = affine_map<(d0, d1) -> (0, 0, 0)>
#map1 = affine_map<(d0, d1) -> (0, 0)>
module attributes {stable_mosaic.version = 14 : i64} {
  func.func @_embed_sc(%arg0: i32, %arg1: i32, %arg2: memref<32x200x128xi32, #tpu.memory_space<hbm>>, %arg3: memref<1000000x64xf32, #tpu.memory_space<hbm>>, %arg4: memref<6400x128x64xf32, #tpu.memory_space<hbm>>, %arg5: memref<200x128xi32, #tpu.memory_space<vmem>>, %arg6: memref<10x128x64xf32, #tpu.memory_space<vmem>>, %arg7: memref<!tpu.dma_semaphore, #tpu.memory_space<semaphore_mem>>, %arg8: memref<!tpu.dma_semaphore, #tpu.memory_space<semaphore_mem>>, %arg9: memref<!tpu.dma_semaphore, #tpu.memory_space<semaphore_mem>>, %arg10: memref<!tpu.dma_semaphore, #tpu.memory_space<semaphore_mem>>, %arg11: memref<!tpu.dma_semaphore, #tpu.memory_space<semaphore_mem>>, %arg12: memref<!tpu.dma_semaphore, #tpu.memory_space<semaphore_mem>>, %arg13: memref<!tpu.dma_semaphore, #tpu.memory_space<semaphore_mem>>, %arg14: memref<!tpu.dma_semaphore, #tpu.memory_space<semaphore_mem>>, %arg15: memref<!tpu.dma_semaphore, #tpu.memory_space<semaphore_mem>>, %arg16: memref<!tpu.dma_semaphore, #tpu.memory_space<semaphore_mem>>, %arg17: memref<!tpu.dma_semaphore, #tpu.memory_space<semaphore_mem>>, %arg18: memref<!tpu.dma_semaphore, #tpu.memory_space<semaphore_mem>>, %arg19: memref<!tpu.dma_semaphore, #tpu.memory_space<semaphore_mem>>, %arg20: memref<!tpu.dma_semaphore, #tpu.memory_space<semaphore_mem>>, %arg21: memref<!tpu.dma_semaphore, #tpu.memory_space<semaphore_mem>>, %arg22: memref<!tpu.dma_semaphore, #tpu.memory_space<semaphore_mem>>, %arg23: memref<!tpu.dma_semaphore, #tpu.memory_space<semaphore_mem>>, %arg24: memref<!tpu.dma_semaphore, #tpu.memory_space<semaphore_mem>>, %arg25: memref<!tpu.dma_semaphore, #tpu.memory_space<semaphore_mem>>, %arg26: memref<!tpu.dma_semaphore, #tpu.memory_space<semaphore_mem>>) attributes {dimension_semantics = [#tpu.dimension_semantics<core_parallel>, #tpu.dimension_semantics<subcore_parallel>], iteration_bounds = array<i64: 2, 16>, scalar_prefetch = 0 : i64, scratch_operands = 22 : i64, tpu.core_type = #tpu.core_type<sc_vector_subcore>, window_params = [{transform_indices = #map}, {transform_indices = #map1}, {transform_indices = #map}]} {
    %mul3A = arith.constant 2 : i32
    %mul3A_0 = arith.muli %arg1, %mul3A : i32
    %add3A = arith.addi %mul3A_0, %arg0 : i32
    "tpu.region"() ({
      %run_scoped3A = tpu.sem_alloc : memref<!tpu.dma_semaphore, #tpu.memory_space<semaphore_mem>>
      %dma_start3A_1223 = arith.constant 0 : i32
      %dma_start3A_1224 = arith.constant 0 : i32
      %dma_start3A_1225 = tpu.memref_slice %arg2[%add3A, %dma_start3A_1223, %dma_start3A_1224] : memref<32x200x128xi32, #tpu.memory_space<hbm>> -> memref<1x200x128xi32, #tpu.memory_space<hbm>>
      %dma_start3A_1226 = tpu.memref_squeeze %dma_start3A_1225 : memref<1x200x128xi32, #tpu.memory_space<hbm>> -> memref<200x128xi32, #tpu.memory_space<hbm>>
      %dma_start3A_1227 = arith.constant 0 : i32
      %dma_start3A_1228 = arith.constant 0 : i32
      %dma_start3A_1229 = tpu.memref_slice %arg2[%add3A, %dma_start3A_1227, %dma_start3A_1228] : memref<32x200x128xi32, #tpu.memory_space<hbm>> -> memref<1x200x128xi32, #tpu.memory_space<hbm>>
      %dma_start3A_1230 = tpu.memref_squeeze %dma_start3A_1229 : memref<1x200x128xi32, #tpu.memory_space<hbm>> -> memref<200x128xi32, #tpu.memory_space<hbm>>
      tpu.enqueue_dma source(%dma_start3A_1230 : memref<200x128xi32, #tpu.memory_space<hbm>>) target(%arg5 : memref<200x128xi32, #tpu.memory_space<vmem>>) target_semaphore(%run_scoped3A : memref<!tpu.dma_semaphore, #tpu.memory_space<semaphore_mem>>)
      %dma_wait3A_1231 = arith.constant 0 : i32
      %dma_wait3A_1232 = arith.constant 0 : i32
      %dma_wait3A_1233 = tpu.memref_slice %arg2[%add3A, %dma_wait3A_1231, %dma_wait3A_1232] : memref<32x200x128xi32, #tpu.memory_space<hbm>> -> memref<1x200x128xi32, #tpu.memory_space<hbm>>
      %dma_wait3A_1234 = tpu.memref_squeeze %dma_wait3A_1233 : memref<1x200x128xi32, #tpu.memory_space<hbm>> -> memref<200x128xi32, #tpu.memory_space<hbm>>
      %dma_wait3A_1235 = arith.constant 0 : i32
      %dma_wait3A_1236 = arith.constant 0 : i32
      %dma_wait3A_1237 = tpu.memref_slice %arg2[%add3A, %dma_wait3A_1235, %dma_wait3A_1236] : memref<32x200x128xi32, #tpu.memory_space<hbm>> -> memref<1x200x128xi32, #tpu.memory_space<hbm>>
      %dma_wait3A_1238 = tpu.memref_squeeze %dma_wait3A_1237 : memref<1x200x128xi32, #tpu.memory_space<hbm>> -> memref<200x128xi32, #tpu.memory_space<hbm>>
      tpu.wait_dma2 semaphore(%run_scoped3A : memref<!tpu.dma_semaphore, #tpu.memory_space<semaphore_mem>>) src(%dma_wait3A_1238 : memref<200x128xi32, #tpu.memory_space<hbm>>) dst(%arg5 : memref<200x128xi32, #tpu.memory_space<vmem>>)
      tpu.yield
    }) : () -> ()
    %get3A = arith.constant 0 : i32
    %get3A_1 = arith.index_cast %get3A : i32 to index
    %get3A_2 = arith.constant 0 : index
    %get3A_3 = tpu.vector_load %arg5[%get3A_1, %get3A_2] {strides = array<i32>} : memref<200x128xi32, #tpu.memory_space<vmem>>, vector<1x16xi32>,
    %get3A_4 = vector.shape_cast %get3A_3 : vector<1x16xi32> to vector<16xi32>
    %dma_start3A = arith.constant 0 : i32
    %dma_start3A_5 = arith.constant 0 : i32
    %dma_start3A_6 = arith.constant 0 : i32
    %dma_start3A_7 = tpu.memref_slice %arg6[%dma_start3A, %dma_start3A_5, %dma_start3A_6] : memref<10x128x64xf32, #tpu.memory_space<vmem>> -> memref<1x16x64xf32, #tpu.memory_space<vmem>>
    %dma_start3A_8 = tpu.memref_squeeze %dma_start3A_7 : memref<1x16x64xf32, #tpu.memory_space<vmem>> -> memref<16x64xf32, #tpu.memory_space<vmem>>
    %dma_start3A_9 = arith.constant 0 : i32
    %dma_start3A_10 = arith.constant 0 : i32
    %dma_start3A_11 = tpu.memref_slice %arg3[%dma_start3A_9, %dma_start3A_10] : memref<1000000x64xf32, #tpu.memory_space<hbm>> -> memref<1000000x64xf32, #tpu.memory_space<hbm>>
    tpu.enqueue_indirect_dma source(%dma_start3A_11 : memref<1000000x64xf32, #tpu.memory_space<hbm>>) target(%dma_start3A_8 : memref<16x64xf32, #tpu.memory_space<vmem>>) offsets(%get3A_4 : vector<16xi32>) semaphore(%arg7 : memref<!tpu.dma_semaphore, #tpu.memory_space<semaphore_mem>>)
    %get3A_12 = arith.constant 0 : i32
    %get3A_13 = arith.index_cast %get3A_12 : i32 to index
    %get3A_14 = arith.constant 16 : index
    %get3A_15 = tpu.vector_load %arg5[%get3A_13, %get3A_14] {strides = array<i32>} : memref<200x128xi32, #tpu.memory_space<vmem>>, vector<1x16xi32>,
    %get3A_16 = vector.shape_cast %get3A_15 : vector<1x16xi32> to vector<16xi32>
    %dma_start3A_17 = arith.constant 0 : i32
    %dma_start3A_18 = arith.constant 16 : i32
    %dma_start3A_19 = arith.constant 0 : i32
    %dma_start3A_20 = tpu.memref_slice %arg6[%dma_start3A_17, %dma_start3A_18, %dma_start3A_19] : memref<10x128x64xf32, #tpu.memory_space<vmem>> -> memref<1x16x64xf32, #tpu.memory_space<vmem>>
    %dma_start3A_21 = tpu.memref_squeeze %dma_start3A_20 : memref<1x16x64xf32, #tpu.memory_space<vmem>> -> memref<16x64xf32, #tpu.memory_space<vmem>>
    %dma_start3A_22 = arith.constant 0 : i32
    %dma_start3A_23 = arith.constant 0 : i32
    %dma_start3A_24 = tpu.memref_slice %arg3[%dma_start3A_22, %dma_start3A_23] : memref<1000000x64xf32, #tpu.memory_space<hbm>> -> memref<1000000x64xf32, #tpu.memory_space<hbm>>
    tpu.enqueue_indirect_dma source(%dma_start3A_24 : memref<1000000x64xf32, #tpu.memory_space<hbm>>) target(%dma_start3A_21 : memref<16x64xf32, #tpu.memory_space<vmem>>) offsets(%get3A_16 : vector<16xi32>) semaphore(%arg7 : memref<!tpu.dma_semaphore, #tpu.memory_space<semaphore_mem>>)
    %get3A_25 = arith.constant 0 : i32
    %get3A_26 = arith.index_cast %get3A_25 : i32 to index
    %get3A_27 = arith.constant 32 : index
    %get3A_28 = tpu.vector_load %arg5[%get3A_26, %get3A_27] {strides = array<i32>} : memref<200x128xi32, #tpu.memory_space<vmem>>, vector<1x16xi32>,
    %get3A_29 = vector.shape_cast %get3A_28 : vector<1x16xi32> to vector<16xi32>
    %dma_start3A_30 = arith.constant 0 : i32
    %dma_start3A_31 = arith.constant 32 : i32
    %dma_start3A_32 = arith.constant 0 : i32
    %dma_start3A_33 = tpu.memref_slice %arg6[%dma_start3A_30, %dma_start3A_31, %dma_start3A_32] : memref<10x128x64xf32, #tpu.memory_space<vmem>> -> memref<1x16x64xf32, #tpu.memory_space<vmem>>
    %dma_start3A_34 = tpu.memref_squeeze %dma_start3A_33 : memref<1x16x64xf32, #tpu.memory_space<vmem>> -> memref<16x64xf32, #tpu.memory_space<vmem>>
    %dma_start3A_35 = arith.constant 0 : i32
    %dma_start3A_36 = arith.constant 0 : i32
    %dma_start3A_37 = tpu.memref_slice %arg3[%dma_start3A_35, %dma_start3A_36] : memref<1000000x64xf32, #tpu.memory_space<hbm>> -> memref<1000000x64xf32, #tpu.memory_space<hbm>>
    tpu.enqueue_indirect_dma source(%dma_start3A_37 : memref<1000000x64xf32, #tpu.memory_space<hbm>>) target(%dma_start3A_34 : memref<16x64xf32, #tpu.memory_space<vmem>>) offsets(%get3A_29 : vector<16xi32>) semaphore(%arg7 : memref<!tpu.dma_semaphore, #tpu.memory_space<semaphore_mem>>)
    %get3A_38 = arith.constant 0 : i32
    %get3A_39 = arith.index_cast %get3A_38 : i32 to index
    %get3A_40 = arith.constant 48 : index
    %get3A_41 = tpu.vector_load %arg5[%get3A_39, %get3A_40] {strides = array<i32>} : memref<200x128xi32, #tpu.memory_space<vmem>>, vector<1x16xi32>,
    %get3A_42 = vector.shape_cast %get3A_41 : vector<1x16xi32> to vector<16xi32>
    %dma_start3A_43 = arith.constant 0 : i32
    %dma_start3A_44 = arith.constant 48 : i32
    %dma_start3A_45 = arith.constant 0 : i32
    %dma_start3A_46 = tpu.memref_slice %arg6[%dma_start3A_43, %dma_start3A_44, %dma_start3A_45] : memref<10x128x64xf32, #tpu.memory_space<vmem>> -> memref<1x16x64xf32, #tpu.memory_space<vmem>>
    %dma_start3A_47 = tpu.memref_squeeze %dma_start3A_46 : memref<1x16x64xf32, #tpu.memory_space<vmem>> -> memref<16x64xf32, #tpu.memory_space<vmem>>
    %dma_start3A_48 = arith.constant 0 : i32
    %dma_start3A_49 = arith.constant 0 : i32
    %dma_start3A_50 = tpu.memref_slice %arg3[%dma_start3A_48, %dma_start3A_49] : memref<1000000x64xf32, #tpu.memory_space<hbm>> -> memref<1000000x64xf32, #tpu.memory_space<hbm>>
    tpu.enqueue_indirect_dma source(%dma_start3A_50 : memref<1000000x64xf32, #tpu.memory_space<hbm>>) target(%dma_start3A_47 : memref<16x64xf32, #tpu.memory_space<vmem>>) offsets(%get3A_42 : vector<16xi32>) semaphore(%arg7 : memref<!tpu.dma_semaphore, #tpu.memory_space<semaphore_mem>>)
    %get3A_51 = arith.constant 0 : i32
    %get3A_52 = arith.index_cast %get3A_51 : i32 to index
    %get3A_53 = arith.constant 64 : index
    %get3A_54 = tpu.vector_load %arg5[%get3A_52, %get3A_53] {strides = array<i32>} : memref<200x128xi32, #tpu.memory_space<vmem>>, vector<1x16xi32>,
    %get3A_55 = vector.shape_cast %get3A_54 : vector<1x16xi32> to vector<16xi32>
    %dma_start3A_56 = arith.constant 0 : i32
    %dma_start3A_57 = arith.constant 64 : i32
    %dma_start3A_58 = arith.constant 0 : i32
    %dma_start3A_59 = tpu.memref_slice %arg6[%dma_start3A_56, %dma_start3A_57, %dma_start3A_58] : memref<10x128x64xf32, #tpu.memory_space<vmem>> -> memref<1x16x64xf32, #tpu.memory_space<vmem>>
    %dma_start3A_60 = tpu.memref_squeeze %dma_start3A_59 : memref<1x16x64xf32, #tpu.memory_space<vmem>> -> memref<16x64xf32, #tpu.memory_space<vmem>>
    %dma_start3A_61 = arith.constant 0 : i32
    %dma_start3A_62 = arith.constant 0 : i32
    %dma_start3A_63 = tpu.memref_slice %arg3[%dma_start3A_61, %dma_start3A_62] : memref<1000000x64xf32, #tpu.memory_space<hbm>> -> memref<1000000x64xf32, #tpu.memory_space<hbm>>
    tpu.enqueue_indirect_dma source(%dma_start3A_63 : memref<1000000x64xf32, #tpu.memory_space<hbm>>) target(%dma_start3A_60 : memref<16x64xf32, #tpu.memory_space<vmem>>) offsets(%get3A_55 : vector<16xi32>) semaphore(%arg7 : memref<!tpu.dma_semaphore, #tpu.memory_space<semaphore_mem>>)
    %get3A_64 = arith.constant 0 : i32
    %get3A_65 = arith.index_cast %get3A_64 : i32 to index
    %get3A_66 = arith.constant 80 : index
    %get3A_67 = tpu.vector_load %arg5[%get3A_65, %get3A_66] {strides = array<i32>} : memref<200x128xi32, #tpu.memory_space<vmem>>, vector<1x16xi32>,
    %get3A_68 = vector.shape_cast %get3A_67 : vector<1x16xi32> to vector<16xi32>
    %dma_start3A_69 = arith.constant 0 : i32
    %dma_start3A_70 = arith.constant 80 : i32
    %dma_start3A_71 = arith.constant 0 : i32
    %dma_start3A_72 = tpu.memref_slice %arg6[%dma_start3A_69, %dma_start3A_70, %dma_start3A_71] : memref<10x128x64xf32, #tpu.memory_space<vmem>> -> memref<1x16x64xf32, #tpu.memory_space<vmem>>
    %dma_start3A_73 = tpu.memref_squeeze %dma_start3A_72 : memref<1x16x64xf32, #tpu.memory_space<vmem>> -> memref<16x64xf32, #tpu.memory_space<vmem>>
    %dma_start3A_74 = arith.constant 0 : i32
    %dma_start3A_75 = arith.constant 0 : i32
    %dma_start3A_76 = tpu.memref_slice %arg3[%dma_start3A_74, %dma_start3A_75] : memref<1000000x64xf32, #tpu.memory_space<hbm>> -> memref<1000000x64xf32, #tpu.memory_space<hbm>>
    tpu.enqueue_indirect_dma source(%dma_start3A_76 : memref<1000000x64xf32, #tpu.memory_space<hbm>>) target(%dma_start3A_73 : memref<16x64xf32, #tpu.memory_space<vmem>>) offsets(%get3A_68 : vector<16xi32>) semaphore(%arg7 : memref<!tpu.dma_semaphore, #tpu.memory_space<semaphore_mem>>)
    %get3A_77 = arith.constant 0 : i32
    %get3A_78 = arith.index_cast %get3A_77 : i32 to index
    %get3A_79 = arith.constant 96 : index
    %get3A_80 = tpu.vector_load %arg5[%get3A_78, %get3A_79] {strides = array<i32>} : memref<200x128xi32, #tpu.memory_space<vmem>>, vector<1x16xi32>,
    %get3A_81 = vector.shape_cast %get3A_80 : vector<1x16xi32> to vector<16xi32>
    %dma_start3A_82 = arith.constant 0 : i32
    %dma_start3A_83 = arith.constant 96 : i32
    %dma_start3A_84 = arith.constant 0 : i32
    %dma_start3A_85 = tpu.memref_slice %arg6[%dma_start3A_82, %dma_start3A_83, %dma_start3A_84] : memref<10x128x64xf32, #tpu.memory_space<vmem>> -> memref<1x16x64xf32, #tpu.memory_space<vmem>>
    %dma_start3A_86 = tpu.memref_squeeze %dma_start3A_85 : memref<1x16x64xf32, #tpu.memory_space<vmem>> -> memref<16x64xf32, #tpu.memory_space<vmem>>
    %dma_start3A_87 = arith.constant 0 : i32
    %dma_start3A_88 = arith.constant 0 : i32
    %dma_start3A_89 = tpu.memref_slice %arg3[%dma_start3A_87, %dma_start3A_88] : memref<1000000x64xf32, #tpu.memory_space<hbm>> -> memref<1000000x64xf32, #tpu.memory_space<hbm>>
    tpu.enqueue_indirect_dma source(%dma_start3A_89 : memref<1000000x64xf32, #tpu.memory_space<hbm>>) target(%dma_start3A_86 : memref<16x64xf32, #tpu.memory_space<vmem>>) offsets(%get3A_81 : vector<16xi32>) semaphore(%arg7 : memref<!tpu.dma_semaphore, #tpu.memory_space<semaphore_mem>>)
    %get3A_90 = arith.constant 0 : i32
    %get3A_91 = arith.index_cast %get3A_90 : i32 to index
    %get3A_92 = arith.constant 112 : index
    %get3A_93 = tpu.vector_load %arg5[%get3A_91, %get3A_92] {strides = array<i32>} : memref<200x128xi32, #tpu.memory_space<vmem>>, vector<1x16xi32>,
    %get3A_94 = vector.shape_cast %get3A_93 : vector<1x16xi32> to vector<16xi32>
    %dma_start3A_95 = arith.constant 0 : i32
    %dma_start3A_96 = arith.constant 112 : i32
    %dma_start3A_97 = arith.constant 0 : i32
    %dma_start3A_98 = tpu.memref_slice %arg6[%dma_start3A_95, %dma_start3A_96, %dma_start3A_97] : memref<10x128x64xf32, #tpu.memory_space<vmem>> -> memref<1x16x64xf32, #tpu.memory_space<vmem>>
    %dma_start3A_99 = tpu.memref_squeeze %dma_start3A_98 : memref<1x16x64xf32, #tpu.memory_space<vmem>> -> memref<16x64xf32, #tpu.memory_space<vmem>>
    %dma_start3A_100 = arith.constant 0 : i32
    %dma_start3A_101 = arith.constant 0 : i32
    %dma_start3A_102 = tpu.memref_slice %arg3[%dma_start3A_100, %dma_start3A_101] : memref<1000000x64xf32, #tpu.memory_space<hbm>> -> memref<1000000x64xf32, #tpu.memory_space<hbm>>
    tpu.enqueue_indirect_dma source(%dma_start3A_102 : memref<1000000x64xf32, #tpu.memory_space<hbm>>) target(%dma_start3A_99 : memref<16x64xf32, #tpu.memory_space<vmem>>) offsets(%get3A_94 : vector<16xi32>) semaphore(%arg7 : memref<!tpu.dma_semaphore, #tpu.memory_space<semaphore_mem>>)
    %get3A_103 = arith.constant 1 : i32
    %get3A_104 = arith.index_cast %get3A_103 : i32 to index
    %get3A_105 = arith.constant 0 : index
    %get3A_106 = tpu.vector_load %arg5[%get3A_104, %get3A_105] {strides = array<i32>} : memref<200x128xi32, #tpu.memory_space<vmem>>, vector<1x16xi32>,
    %get3A_107 = vector.shape_cast %get3A_106 : vector<1x16xi32> to vector<16xi32>
    %dma_start3A_108 = arith.constant 1 : i32
    %dma_start3A_109 = arith.constant 0 : i32
    %dma_start3A_110 = arith.constant 0 : i32
    %dma_start3A_111 = tpu.memref_slice %arg6[%dma_start3A_108, %dma_start3A_109, %dma_start3A_110] : memref<10x128x64xf32, #tpu.memory_space<vmem>> -> memref<1x16x64xf32, #tpu.memory_space<vmem>>
    %dma_start3A_112 = tpu.memref_squeeze %dma_start3A_111 : memref<1x16x64xf32, #tpu.memory_space<vmem>> -> memref<16x64xf32, #tpu.memory_space<vmem>>
    %dma_start3A_113 = arith.constant 0 : i32
    %dma_start3A_114 = arith.constant 0 : i32
    %dma_start3A_115 = tpu.memref_slice %arg3[%dma_start3A_113, %dma_start3A_114] : memref<1000000x64xf32, #tpu.memory_space<hbm>> -> memref<1000000x64xf32, #tpu.memory_space<hbm>>
    tpu.enqueue_indirect_dma source(%dma_start3A_115 : memref<1000000x64xf32, #tpu.memory_space<hbm>>) target(%dma_start3A_112 : memref<16x64xf32, #tpu.memory_space<vmem>>) offsets(%get3A_107 : vector<16xi32>) semaphore(%arg8 : memref<!tpu.dma_semaphore, #tpu.memory_space<semaphore_mem>>)
    %get3A_116 = arith.constant 1 : i32
    %get3A_117 = arith.index_cast %get3A_116 : i32 to index
    %get3A_118 = arith.constant 16 : index
    %get3A_119 = tpu.vector_load %arg5[%get3A_117, %get3A_118] {strides = array<i32>} : memref<200x128xi32, #tpu.memory_space<vmem>>, vector<1x16xi32>,
    %get3A_120 = vector.shape_cast %get3A_119 : vector<1x16xi32> to vector<16xi32>
    %dma_start3A_121 = arith.constant 1 : i32
    %dma_start3A_122 = arith.constant 16 : i32
    %dma_start3A_123 = arith.constant 0 : i32
    %dma_start3A_124 = tpu.memref_slice %arg6[%dma_start3A_121, %dma_start3A_122, %dma_start3A_123] : memref<10x128x64xf32, #tpu.memory_space<vmem>> -> memref<1x16x64xf32, #tpu.memory_space<vmem>>
    %dma_start3A_125 = tpu.memref_squeeze %dma_start3A_124 : memref<1x16x64xf32, #tpu.memory_space<vmem>> -> memref<16x64xf32, #tpu.memory_space<vmem>>
    %dma_start3A_126 = arith.constant 0 : i32
    %dma_start3A_127 = arith.constant 0 : i32
    %dma_start3A_128 = tpu.memref_slice %arg3[%dma_start3A_126, %dma_start3A_127] : memref<1000000x64xf32, #tpu.memory_space<hbm>> -> memref<1000000x64xf32, #tpu.memory_space<hbm>>
    tpu.enqueue_indirect_dma source(%dma_start3A_128 : memref<1000000x64xf32, #tpu.memory_space<hbm>>) target(%dma_start3A_125 : memref<16x64xf32, #tpu.memory_space<vmem>>) offsets(%get3A_120 : vector<16xi32>) semaphore(%arg8 : memref<!tpu.dma_semaphore, #tpu.memory_space<semaphore_mem>>)
    %get3A_129 = arith.constant 1 : i32
    %get3A_130 = arith.index_cast %get3A_129 : i32 to index
    %get3A_131 = arith.constant 32 : index
    %get3A_132 = tpu.vector_load %arg5[%get3A_130, %get3A_131] {strides = array<i32>} : memref<200x128xi32, #tpu.memory_space<vmem>>, vector<1x16xi32>,
    %get3A_133 = vector.shape_cast %get3A_132 : vector<1x16xi32> to vector<16xi32>
    %dma_start3A_134 = arith.constant 1 : i32
    %dma_start3A_135 = arith.constant 32 : i32
    %dma_start3A_136 = arith.constant 0 : i32
    %dma_start3A_137 = tpu.memref_slice %arg6[%dma_start3A_134, %dma_start3A_135, %dma_start3A_136] : memref<10x128x64xf32, #tpu.memory_space<vmem>> -> memref<1x16x64xf32, #tpu.memory_space<vmem>>
    %dma_start3A_138 = tpu.memref_squeeze %dma_start3A_137 : memref<1x16x64xf32, #tpu.memory_space<vmem>> -> memref<16x64xf32, #tpu.memory_space<vmem>>
    %dma_start3A_139 = arith.constant 0 : i32
    %dma_start3A_140 = arith.constant 0 : i32
    %dma_start3A_141 = tpu.memref_slice %arg3[%dma_start3A_139, %dma_start3A_140] : memref<1000000x64xf32, #tpu.memory_space<hbm>> -> memref<1000000x64xf32, #tpu.memory_space<hbm>>
    tpu.enqueue_indirect_dma source(%dma_start3A_141 : memref<1000000x64xf32, #tpu.memory_space<hbm>>) target(%dma_start3A_138 : memref<16x64xf32, #tpu.memory_space<vmem>>) offsets(%get3A_133 : vector<16xi32>) semaphore(%arg8 : memref<!tpu.dma_semaphore, #tpu.memory_space<semaphore_mem>>)
    %get3A_142 = arith.constant 1 : i32
    %get3A_143 = arith.index_cast %get3A_142 : i32 to index
    %get3A_144 = arith.constant 48 : index
    %get3A_145 = tpu.vector_load %arg5[%get3A_143, %get3A_144] {strides = array<i32>} : memref<200x128xi32, #tpu.memory_space<vmem>>, vector<1x16xi32>,
    %get3A_146 = vector.shape_cast %get3A_145 : vector<1x16xi32> to vector<16xi32>
    %dma_start3A_147 = arith.constant 1 : i32
    %dma_start3A_148 = arith.constant 48 : i32
    %dma_start3A_149 = arith.constant 0 : i32
    %dma_start3A_150 = tpu.memref_slice %arg6[%dma_start3A_147, %dma_start3A_148, %dma_start3A_149] : memref<10x128x64xf32, #tpu.memory_space<vmem>> -> memref<1x16x64xf32, #tpu.memory_space<vmem>>
    %dma_start3A_151 = tpu.memref_squeeze %dma_start3A_150 : memref<1x16x64xf32, #tpu.memory_space<vmem>> -> memref<16x64xf32, #tpu.memory_space<vmem>>
    %dma_start3A_152 = arith.constant 0 : i32
    %dma_start3A_153 = arith.constant 0 : i32
    %dma_start3A_154 = tpu.memref_slice %arg3[%dma_start3A_152, %dma_start3A_153] : memref<1000000x64xf32, #tpu.memory_space<hbm>> -> memref<1000000x64xf32, #tpu.memory_space<hbm>>
    tpu.enqueue_indirect_dma source(%dma_start3A_154 : memref<1000000x64xf32, #tpu.memory_space<hbm>>) target(%dma_start3A_151 : memref<16x64xf32, #tpu.memory_space<vmem>>) offsets(%get3A_146 : vector<16xi32>) semaphore(%arg8 : memref<!tpu.dma_semaphore, #tpu.memory_space<semaphore_mem>>)
    %get3A_155 = arith.constant 1 : i32
    %get3A_156 = arith.index_cast %get3A_155 : i32 to index
    %get3A_157 = arith.constant 64 : index
    %get3A_158 = tpu.vector_load %arg5[%get3A_156, %get3A_157] {strides = array<i32>} : memref<200x128xi32, #tpu.memory_space<vmem>>, vector<1x16xi32>,
    %get3A_159 = vector.shape_cast %get3A_158 : vector<1x16xi32> to vector<16xi32>
    %dma_start3A_160 = arith.constant 1 : i32
    %dma_start3A_161 = arith.constant 64 : i32
    %dma_start3A_162 = arith.constant 0 : i32
    %dma_start3A_163 = tpu.memref_slice %arg6[%dma_start3A_160, %dma_start3A_161, %dma_start3A_162] : memref<10x128x64xf32, #tpu.memory_space<vmem>> -> memref<1x16x64xf32, #tpu.memory_space<vmem>>
    %dma_start3A_164 = tpu.memref_squeeze %dma_start3A_163 : memref<1x16x64xf32, #tpu.memory_space<vmem>> -> memref<16x64xf32, #tpu.memory_space<vmem>>
    %dma_start3A_165 = arith.constant 0 : i32
    %dma_start3A_166 = arith.constant 0 : i32
    %dma_start3A_167 = tpu.memref_slice %arg3[%dma_start3A_165, %dma_start3A_166] : memref<1000000x64xf32, #tpu.memory_space<hbm>> -> memref<1000000x64xf32, #tpu.memory_space<hbm>>
    tpu.enqueue_indirect_dma source(%dma_start3A_167 : memref<1000000x64xf32, #tpu.memory_space<hbm>>) target(%dma_start3A_164 : memref<16x64xf32, #tpu.memory_space<vmem>>) offsets(%get3A_159 : vector<16xi32>) semaphore(%arg8 : memref<!tpu.dma_semaphore, #tpu.memory_space<semaphore_mem>>)
    %get3A_168 = arith.constant 1 : i32
    %get3A_169 = arith.index_cast %get3A_168 : i32 to index
    %get3A_170 = arith.constant 80 : index
    %get3A_171 = tpu.vector_load %arg5[%get3A_169, %get3A_170] {strides = array<i32>} : memref<200x128xi32, #tpu.memory_space<vmem>>, vector<1x16xi32>,
    %get3A_172 = vector.shape_cast %get3A_171 : vector<1x16xi32> to vector<16xi32>
    %dma_start3A_173 = arith.constant 1 : i32
    %dma_start3A_174 = arith.constant 80 : i32
    %dma_start3A_175 = arith.constant 0 : i32
    %dma_start3A_176 = tpu.memref_slice %arg6[%dma_start3A_173, %dma_start3A_174, %dma_start3A_175] : memref<10x128x64xf32, #tpu.memory_space<vmem>> -> memref<1x16x64xf32, #tpu.memory_space<vmem>>
    %dma_start3A_177 = tpu.memref_squeeze %dma_start3A_176 : memref<1x16x64xf32, #tpu.memory_space<vmem>> -> memref<16x64xf32, #tpu.memory_space<vmem>>
    %dma_start3A_178 = arith.constant 0 : i32
    %dma_start3A_179 = arith.constant 0 : i32
    %dma_start3A_180 = tpu.memref_slice %arg3[%dma_start3A_178, %dma_start3A_179] : memref<1000000x64xf32, #tpu.memory_space<hbm>> -> memref<1000000x64xf32, #tpu.memory_space<hbm>>
    tpu.enqueue_indirect_dma source(%dma_start3A_180 : memref<1000000x64xf32, #tpu.memory_space<hbm>>) target(%dma_start3A_177 : memref<16x64xf32, #tpu.memory_space<vmem>>) offsets(%get3A_172 : vector<16xi32>) semaphore(%arg8 : memref<!tpu.dma_semaphore, #tpu.memory_space<semaphore_mem>>)
    %get3A_181 = arith.constant 1 : i32
    %get3A_182 = arith.index_cast %get3A_181 : i32 to index
    %get3A_183 = arith.constant 96 : index
    %get3A_184 = tpu.vector_load %arg5[%get3A_182, %get3A_183] {strides = array<i32>} : memref<200x128xi32, #tpu.memory_space<vmem>>, vector<1x16xi32>,
    %get3A_185 = vector.shape_cast %get3A_184 : vector<1x16xi32> to vector<16xi32>
    %dma_start3A_186 = arith.constant 1 : i32
    %dma_start3A_187 = arith.constant 96 : i32
    %dma_start3A_188 = arith.constant 0 : i32
    %dma_start3A_189 = tpu.memref_slice %arg6[%dma_start3A_186, %dma_start3A_187, %dma_start3A_188] : memref<10x128x64xf32, #tpu.memory_space<vmem>> -> memref<1x16x64xf32, #tpu.memory_space<vmem>>
    %dma_start3A_190 = tpu.memref_squeeze %dma_start3A_189 : memref<1x16x64xf32, #tpu.memory_space<vmem>> -> memref<16x64xf32, #tpu.memory_space<vmem>>
    %dma_start3A_191 = arith.constant 0 : i32
    %dma_start3A_192 = arith.constant 0 : i32
    %dma_start3A_193 = tpu.memref_slice %arg3[%dma_start3A_191, %dma_start3A_192] : memref<1000000x64xf32, #tpu.memory_space<hbm>> -> memref<1000000x64xf32, #tpu.memory_space<hbm>>
    tpu.enqueue_indirect_dma source(%dma_start3A_193 : memref<1000000x64xf32, #tpu.memory_space<hbm>>) target(%dma_start3A_190 : memref<16x64xf32, #tpu.memory_space<vmem>>) offsets(%get3A_185 : vector<16xi32>) semaphore(%arg8 : memref<!tpu.dma_semaphore, #tpu.memory_space<semaphore_mem>>)
    %get3A_194 = arith.constant 1 : i32
    %get3A_195 = arith.index_cast %get3A_194 : i32 to index
    %get3A_196 = arith.constant 112 : index
    %get3A_197 = tpu.vector_load %arg5[%get3A_195, %get3A_196] {strides = array<i32>} : memref<200x128xi32, #tpu.memory_space<vmem>>, vector<1x16xi32>,
    %get3A_198 = vector.shape_cast %get3A_197 : vector<1x16xi32> to vector<16xi32>
    %dma_start3A_199 = arith.constant 1 : i32
    %dma_start3A_200 = arith.constant 112 : i32
    %dma_start3A_201 = arith.constant 0 : i32
    %dma_start3A_202 = tpu.memref_slice %arg6[%dma_start3A_199, %dma_start3A_200, %dma_start3A_201] : memref<10x128x64xf32, #tpu.memory_space<vmem>> -> memref<1x16x64xf32, #tpu.memory_space<vmem>>
    %dma_start3A_203 = tpu.memref_squeeze %dma_start3A_202 : memref<1x16x64xf32, #tpu.memory_space<vmem>> -> memref<16x64xf32, #tpu.memory_space<vmem>>
    %dma_start3A_204 = arith.constant 0 : i32
    %dma_start3A_205 = arith.constant 0 : i32
    %dma_start3A_206 = tpu.memref_slice %arg3[%dma_start3A_204, %dma_start3A_205] : memref<1000000x64xf32, #tpu.memory_space<hbm>> -> memref<1000000x64xf32, #tpu.memory_space<hbm>>
    tpu.enqueue_indirect_dma source(%dma_start3A_206 : memref<1000000x64xf32, #tpu.memory_space<hbm>>) target(%dma_start3A_203 : memref<16x64xf32, #tpu.memory_space<vmem>>) offsets(%get3A_198 : vector<16xi32>) semaphore(%arg8 : memref<!tpu.dma_semaphore, #tpu.memory_space<semaphore_mem>>)
    %get3A_207 = arith.constant 2 : i32
    %get3A_208 = arith.index_cast %get3A_207 : i32 to index
    %get3A_209 = arith.constant 0 : index
    %get3A_210 = tpu.vector_load %arg5[%get3A_208, %get3A_209] {strides = array<i32>} : memref<200x128xi32, #tpu.memory_space<vmem>>, vector<1x16xi32>,
    %get3A_211 = vector.shape_cast %get3A_210 : vector<1x16xi32> to vector<16xi32>
    %dma_start3A_212 = arith.constant 2 : i32
    %dma_start3A_213 = arith.constant 0 : i32
    %dma_start3A_214 = arith.constant 0 : i32
    %dma_start3A_215 = tpu.memref_slice %arg6[%dma_start3A_212, %dma_start3A_213, %dma_start3A_214] : memref<10x128x64xf32, #tpu.memory_space<vmem>> -> memref<1x16x64xf32, #tpu.memory_space<vmem>>
    %dma_start3A_216 = tpu.memref_squeeze %dma_start3A_215 : memref<1x16x64xf32, #tpu.memory_space<vmem>> -> memref<16x64xf32, #tpu.memory_space<vmem>>
    %dma_start3A_217 = arith.constant 0 : i32
    %dma_start3A_218 = arith.constant 0 : i32
    %dma_start3A_219 = tpu.memref_slice %arg3[%dma_start3A_217, %dma_start3A_218] : memref<1000000x64xf32, #tpu.memory_space<hbm>> -> memref<1000000x64xf32, #tpu.memory_space<hbm>>
    tpu.enqueue_indirect_dma source(%dma_start3A_219 : memref<1000000x64xf32, #tpu.memory_space<hbm>>) target(%dma_start3A_216 : memref<16x64xf32, #tpu.memory_space<vmem>>) offsets(%get3A_211 : vector<16xi32>) semaphore(%arg9 : memref<!tpu.dma_semaphore, #tpu.memory_space<semaphore_mem>>)
    %get3A_220 = arith.constant 2 : i32
    %get3A_221 = arith.index_cast %get3A_220 : i32 to index
    %get3A_222 = arith.constant 16 : index
    %get3A_223 = tpu.vector_load %arg5[%get3A_221, %get3A_222] {strides = array<i32>} : memref<200x128xi32, #tpu.memory_space<vmem>>, vector<1x16xi32>,
    %get3A_224 = vector.shape_cast %get3A_223 : vector<1x16xi32> to vector<16xi32>
    %dma_start3A_225 = arith.constant 2 : i32
    %dma_start3A_226 = arith.constant 16 : i32
    %dma_start3A_227 = arith.constant 0 : i32
    %dma_start3A_228 = tpu.memref_slice %arg6[%dma_start3A_225, %dma_start3A_226, %dma_start3A_227] : memref<10x128x64xf32, #tpu.memory_space<vmem>> -> memref<1x16x64xf32, #tpu.memory_space<vmem>>
    %dma_start3A_229 = tpu.memref_squeeze %dma_start3A_228 : memref<1x16x64xf32, #tpu.memory_space<vmem>> -> memref<16x64xf32, #tpu.memory_space<vmem>>
    %dma_start3A_230 = arith.constant 0 : i32
    %dma_start3A_231 = arith.constant 0 : i32
    %dma_start3A_232 = tpu.memref_slice %arg3[%dma_start3A_230, %dma_start3A_231] : memref<1000000x64xf32, #tpu.memory_space<hbm>> -> memref<1000000x64xf32, #tpu.memory_space<hbm>>
    tpu.enqueue_indirect_dma source(%dma_start3A_232 : memref<1000000x64xf32, #tpu.memory_space<hbm>>) target(%dma_start3A_229 : memref<16x64xf32, #tpu.memory_space<vmem>>) offsets(%get3A_224 : vector<16xi32>) semaphore(%arg9 : memref<!tpu.dma_semaphore, #tpu.memory_space<semaphore_mem>>)
    %get3A_233 = arith.constant 2 : i32
    %get3A_234 = arith.index_cast %get3A_233 : i32 to index
    %get3A_235 = arith.constant 32 : index
    %get3A_236 = tpu.vector_load %arg5[%get3A_234, %get3A_235] {strides = array<i32>} : memref<200x128xi32, #tpu.memory_space<vmem>>, vector<1x16xi32>,
    %get3A_237 = vector.shape_cast %get3A_236 : vector<1x16xi32> to vector<16xi32>
    %dma_start3A_238 = arith.constant 2 : i32
    %dma_start3A_239 = arith.constant 32 : i32
    %dma_start3A_240 = arith.constant 0 : i32
    %dma_start3A_241 = tpu.memref_slice %arg6[%dma_start3A_238, %dma_start3A_239, %dma_start3A_240] : memref<10x128x64xf32, #tpu.memory_space<vmem>> -> memref<1x16x64xf32, #tpu.memory_space<vmem>>
    %dma_start3A_242 = tpu.memref_squeeze %dma_start3A_241 : memref<1x16x64xf32, #tpu.memory_space<vmem>> -> memref<16x64xf32, #tpu.memory_space<vmem>>
    %dma_start3A_243 = arith.constant 0 : i32
    %dma_start3A_244 = arith.constant 0 : i32
    %dma_start3A_245 = tpu.memref_slice %arg3[%dma_start3A_243, %dma_start3A_244] : memref<1000000x64xf32, #tpu.memory_space<hbm>> -> memref<1000000x64xf32, #tpu.memory_space<hbm>>
    tpu.enqueue_indirect_dma source(%dma_start3A_245 : memref<1000000x64xf32, #tpu.memory_space<hbm>>) target(%dma_start3A_242 : memref<16x64xf32, #tpu.memory_space<vmem>>) offsets(%get3A_237 : vector<16xi32>) semaphore(%arg9 : memref<!tpu.dma_semaphore, #tpu.memory_space<semaphore_mem>>)
    %get3A_246 = arith.constant 2 : i32
    %get3A_247 = arith.index_cast %get3A_246 : i32 to index
    %get3A_248 = arith.constant 48 : index
    %get3A_249 = tpu.vector_load %arg5[%get3A_247, %get3A_248] {strides = array<i32>} : memref<200x128xi32, #tpu.memory_space<vmem>>, vector<1x16xi32>,
    %get3A_250 = vector.shape_cast %get3A_249 : vector<1x16xi32> to vector<16xi32>
    %dma_start3A_251 = arith.constant 2 : i32
    %dma_start3A_252 = arith.constant 48 : i32
    %dma_start3A_253 = arith.constant 0 : i32
    %dma_start3A_254 = tpu.memref_slice %arg6[%dma_start3A_251, %dma_start3A_252, %dma_start3A_253] : memref<10x128x64xf32, #tpu.memory_space<vmem>> -> memref<1x16x64xf32, #tpu.memory_space<vmem>>
    %dma_start3A_255 = tpu.memref_squeeze %dma_start3A_254 : memref<1x16x64xf32, #tpu.memory_space<vmem>> -> memref<16x64xf32, #tpu.memory_space<vmem>>
    %dma_start3A_256 = arith.constant 0 : i32
    %dma_start3A_257 = arith.constant 0 : i32
    %dma_start3A_258 = tpu.memref_slice %arg3[%dma_start3A_256, %dma_start3A_257] : memref<1000000x64xf32, #tpu.memory_space<hbm>> -> memref<1000000x64xf32, #tpu.memory_space<hbm>>
    tpu.enqueue_indirect_dma source(%dma_start3A_258 : memref<1000000x64xf32, #tpu.memory_space<hbm>>) target(%dma_start3A_255 : memref<16x64xf32, #tpu.memory_space<vmem>>) offsets(%get3A_250 : vector<16xi32>) semaphore(%arg9 : memref<!tpu.dma_semaphore, #tpu.memory_space<semaphore_mem>>)
    %get3A_259 = arith.constant 2 : i32
    %get3A_260 = arith.index_cast %get3A_259 : i32 to index
    %get3A_261 = arith.constant 64 : index
    %get3A_262 = tpu.vector_load %arg5[%get3A_260, %get3A_261] {strides = array<i32>} : memref<200x128xi32, #tpu.memory_space<vmem>>, vector<1x16xi32>,
    %get3A_263 = vector.shape_cast %get3A_262 : vector<1x16xi32> to vector<16xi32>
    %dma_start3A_264 = arith.constant 2 : i32
    %dma_start3A_265 = arith.constant 64 : i32
    %dma_start3A_266 = arith.constant 0 : i32
    %dma_start3A_267 = tpu.memref_slice %arg6[%dma_start3A_264, %dma_start3A_265, %dma_start3A_266] : memref<10x128x64xf32, #tpu.memory_space<vmem>> -> memref<1x16x64xf32, #tpu.memory_space<vmem>>
    %dma_start3A_268 = tpu.memref_squeeze %dma_start3A_267 : memref<1x16x64xf32, #tpu.memory_space<vmem>> -> memref<16x64xf32, #tpu.memory_space<vmem>>
    %dma_start3A_269 = arith.constant 0 : i32
    %dma_start3A_270 = arith.constant 0 : i32
    %dma_start3A_271 = tpu.memref_slice %arg3[%dma_start3A_269, %dma_start3A_270] : memref<1000000x64xf32, #tpu.memory_space<hbm>> -> memref<1000000x64xf32, #tpu.memory_space<hbm>>
    tpu.enqueue_indirect_dma source(%dma_start3A_271 : memref<1000000x64xf32, #tpu.memory_space<hbm>>) target(%dma_start3A_268 : memref<16x64xf32, #tpu.memory_space<vmem>>) offsets(%get3A_263 : vector<16xi32>) semaphore(%arg9 : memref<!tpu.dma_semaphore, #tpu.memory_space<semaphore_mem>>)
    %get3A_272 = arith.constant 2 : i32
    %get3A_273 = arith.index_cast %get3A_272 : i32 to index
    %get3A_274 = arith.constant 80 : index
    %get3A_275 = tpu.vector_load %arg5[%get3A_273, %get3A_274] {strides = array<i32>} : memref<200x128xi32, #tpu.memory_space<vmem>>, vector<1x16xi32>,
    %get3A_276 = vector.shape_cast %get3A_275 : vector<1x16xi32> to vector<16xi32>
    %dma_start3A_277 = arith.constant 2 : i32
    %dma_start3A_278 = arith.constant 80 : i32
    %dma_start3A_279 = arith.constant 0 : i32
    %dma_start3A_280 = tpu.memref_slice %arg6[%dma_start3A_277, %dma_start3A_278, %dma_start3A_279] : memref<10x128x64xf32, #tpu.memory_space<vmem>> -> memref<1x16x64xf32, #tpu.memory_space<vmem>>
    %dma_start3A_281 = tpu.memref_squeeze %dma_start3A_280 : memref<1x16x64xf32, #tpu.memory_space<vmem>> -> memref<16x64xf32, #tpu.memory_space<vmem>>
    %dma_start3A_282 = arith.constant 0 : i32
    %dma_start3A_283 = arith.constant 0 : i32
    %dma_start3A_284 = tpu.memref_slice %arg3[%dma_start3A_282, %dma_start3A_283] : memref<1000000x64xf32, #tpu.memory_space<hbm>> -> memref<1000000x64xf32, #tpu.memory_space<hbm>>
    tpu.enqueue_indirect_dma source(%dma_start3A_284 : memref<1000000x64xf32, #tpu.memory_space<hbm>>) target(%dma_start3A_281 : memref<16x64xf32, #tpu.memory_space<vmem>>) offsets(%get3A_276 : vector<16xi32>) semaphore(%arg9 : memref<!tpu.dma_semaphore, #tpu.memory_space<semaphore_mem>>)
    %get3A_285 = arith.constant 2 : i32
    %get3A_286 = arith.index_cast %get3A_285 : i32 to index
    %get3A_287 = arith.constant 96 : index
    %get3A_288 = tpu.vector_load %arg5[%get3A_286, %get3A_287] {strides = array<i32>} : memref<200x128xi32, #tpu.memory_space<vmem>>, vector<1x16xi32>,
    %get3A_289 = vector.shape_cast %get3A_288 : vector<1x16xi32> to vector<16xi32>
    %dma_start3A_290 = arith.constant 2 : i32
    %dma_start3A_291 = arith.constant 96 : i32
    %dma_start3A_292 = arith.constant 0 : i32
    %dma_start3A_293 = tpu.memref_slice %arg6[%dma_start3A_290, %dma_start3A_291, %dma_start3A_292] : memref<10x128x64xf32, #tpu.memory_space<vmem>> -> memref<1x16x64xf32, #tpu.memory_space<vmem>>
    %dma_start3A_294 = tpu.memref_squeeze %dma_start3A_293 : memref<1x16x64xf32, #tpu.memory_space<vmem>> -> memref<16x64xf32, #tpu.memory_space<vmem>>
    %dma_start3A_295 = arith.constant 0 : i32
    %dma_start3A_296 = arith.constant 0 : i32
    %dma_start3A_297 = tpu.memref_slice %arg3[%dma_start3A_295, %dma_start3A_296] : memref<1000000x64xf32, #tpu.memory_space<hbm>> -> memref<1000000x64xf32, #tpu.memory_space<hbm>>
    tpu.enqueue_indirect_dma source(%dma_start3A_297 : memref<1000000x64xf32, #tpu.memory_space<hbm>>) target(%dma_start3A_294 : memref<16x64xf32, #tpu.memory_space<vmem>>) offsets(%get3A_289 : vector<16xi32>) semaphore(%arg9 : memref<!tpu.dma_semaphore, #tpu.memory_space<semaphore_mem>>)
    %get3A_298 = arith.constant 2 : i32
    %get3A_299 = arith.index_cast %get3A_298 : i32 to index
    %get3A_300 = arith.constant 112 : index
    %get3A_301 = tpu.vector_load %arg5[%get3A_299, %get3A_300] {strides = array<i32>} : memref<200x128xi32, #tpu.memory_space<vmem>>, vector<1x16xi32>,
    %get3A_302 = vector.shape_cast %get3A_301 : vector<1x16xi32> to vector<16xi32>
    %dma_start3A_303 = arith.constant 2 : i32
    %dma_start3A_304 = arith.constant 112 : i32
    %dma_start3A_305 = arith.constant 0 : i32
    %dma_start3A_306 = tpu.memref_slice %arg6[%dma_start3A_303, %dma_start3A_304, %dma_start3A_305] : memref<10x128x64xf32, #tpu.memory_space<vmem>> -> memref<1x16x64xf32, #tpu.memory_space<vmem>>
    %dma_start3A_307 = tpu.memref_squeeze %dma_start3A_306 : memref<1x16x64xf32, #tpu.memory_space<vmem>> -> memref<16x64xf32, #tpu.memory_space<vmem>>
    %dma_start3A_308 = arith.constant 0 : i32
    %dma_start3A_309 = arith.constant 0 : i32
    %dma_start3A_310 = tpu.memref_slice %arg3[%dma_start3A_308, %dma_start3A_309] : memref<1000000x64xf32, #tpu.memory_space<hbm>> -> memref<1000000x64xf32, #tpu.memory_space<hbm>>
    tpu.enqueue_indirect_dma source(%dma_start3A_310 : memref<1000000x64xf32, #tpu.memory_space<hbm>>) target(%dma_start3A_307 : memref<16x64xf32, #tpu.memory_space<vmem>>) offsets(%get3A_302 : vector<16xi32>) semaphore(%arg9 : memref<!tpu.dma_semaphore, #tpu.memory_space<semaphore_mem>>)
    %get3A_311 = arith.constant 3 : i32
    %get3A_312 = arith.index_cast %get3A_311 : i32 to index
    %get3A_313 = arith.constant 0 : index
    %get3A_314 = tpu.vector_load %arg5[%get3A_312, %get3A_313] {strides = array<i32>} : memref<200x128xi32, #tpu.memory_space<vmem>>, vector<1x16xi32>,
    %get3A_315 = vector.shape_cast %get3A_314 : vector<1x16xi32> to vector<16xi32>
    %dma_start3A_316 = arith.constant 3 : i32
    %dma_start3A_317 = arith.constant 0 : i32
    %dma_start3A_318 = arith.constant 0 : i32
    %dma_start3A_319 = tpu.memref_slice %arg6[%dma_start3A_316, %dma_start3A_317, %dma_start3A_318] : memref<10x128x64xf32, #tpu.memory_space<vmem>> -> memref<1x16x64xf32, #tpu.memory_space<vmem>>
    %dma_start3A_320 = tpu.memref_squeeze %dma_start3A_319 : memref<1x16x64xf32, #tpu.memory_space<vmem>> -> memref<16x64xf32, #tpu.memory_space<vmem>>
    %dma_start3A_321 = arith.constant 0 : i32
    %dma_start3A_322 = arith.constant 0 : i32
    %dma_start3A_323 = tpu.memref_slice %arg3[%dma_start3A_321, %dma_start3A_322] : memref<1000000x64xf32, #tpu.memory_space<hbm>> -> memref<1000000x64xf32, #tpu.memory_space<hbm>>
    tpu.enqueue_indirect_dma source(%dma_start3A_323 : memref<1000000x64xf32, #tpu.memory_space<hbm>>) target(%dma_start3A_320 : memref<16x64xf32, #tpu.memory_space<vmem>>) offsets(%get3A_315 : vector<16xi32>) semaphore(%arg10 : memref<!tpu.dma_semaphore, #tpu.memory_space<semaphore_mem>>)
    %get3A_324 = arith.constant 3 : i32
    %get3A_325 = arith.index_cast %get3A_324 : i32 to index
    %get3A_326 = arith.constant 16 : index
    %get3A_327 = tpu.vector_load %arg5[%get3A_325, %get3A_326] {strides = array<i32>} : memref<200x128xi32, #tpu.memory_space<vmem>>, vector<1x16xi32>,
    %get3A_328 = vector.shape_cast %get3A_327 : vector<1x16xi32> to vector<16xi32>
    %dma_start3A_329 = arith.constant 3 : i32
    %dma_start3A_330 = arith.constant 16 : i32
    %dma_start3A_331 = arith.constant 0 : i32
    %dma_start3A_332 = tpu.memref_slice %arg6[%dma_start3A_329, %dma_start3A_330, %dma_start3A_331] : memref<10x128x64xf32, #tpu.memory_space<vmem>> -> memref<1x16x64xf32, #tpu.memory_space<vmem>>
    %dma_start3A_333 = tpu.memref_squeeze %dma_start3A_332 : memref<1x16x64xf32, #tpu.memory_space<vmem>> -> memref<16x64xf32, #tpu.memory_space<vmem>>
    %dma_start3A_334 = arith.constant 0 : i32
    %dma_start3A_335 = arith.constant 0 : i32
    %dma_start3A_336 = tpu.memref_slice %arg3[%dma_start3A_334, %dma_start3A_335] : memref<1000000x64xf32, #tpu.memory_space<hbm>> -> memref<1000000x64xf32, #tpu.memory_space<hbm>>
    tpu.enqueue_indirect_dma source(%dma_start3A_336 : memref<1000000x64xf32, #tpu.memory_space<hbm>>) target(%dma_start3A_333 : memref<16x64xf32, #tpu.memory_space<vmem>>) offsets(%get3A_328 : vector<16xi32>) semaphore(%arg10 : memref<!tpu.dma_semaphore, #tpu.memory_space<semaphore_mem>>)
    %get3A_337 = arith.constant 3 : i32
    %get3A_338 = arith.index_cast %get3A_337 : i32 to index
    %get3A_339 = arith.constant 32 : index
    %get3A_340 = tpu.vector_load %arg5[%get3A_338, %get3A_339] {strides = array<i32>} : memref<200x128xi32, #tpu.memory_space<vmem>>, vector<1x16xi32>,
    %get3A_341 = vector.shape_cast %get3A_340 : vector<1x16xi32> to vector<16xi32>
    %dma_start3A_342 = arith.constant 3 : i32
    %dma_start3A_343 = arith.constant 32 : i32
    %dma_start3A_344 = arith.constant 0 : i32
    %dma_start3A_345 = tpu.memref_slice %arg6[%dma_start3A_342, %dma_start3A_343, %dma_start3A_344] : memref<10x128x64xf32, #tpu.memory_space<vmem>> -> memref<1x16x64xf32, #tpu.memory_space<vmem>>
    %dma_start3A_346 = tpu.memref_squeeze %dma_start3A_345 : memref<1x16x64xf32, #tpu.memory_space<vmem>> -> memref<16x64xf32, #tpu.memory_space<vmem>>
    %dma_start3A_347 = arith.constant 0 : i32
    %dma_start3A_348 = arith.constant 0 : i32
    %dma_start3A_349 = tpu.memref_slice %arg3[%dma_start3A_347, %dma_start3A_348] : memref<1000000x64xf32, #tpu.memory_space<hbm>> -> memref<1000000x64xf32, #tpu.memory_space<hbm>>
    tpu.enqueue_indirect_dma source(%dma_start3A_349 : memref<1000000x64xf32, #tpu.memory_space<hbm>>) target(%dma_start3A_346 : memref<16x64xf32, #tpu.memory_space<vmem>>) offsets(%get3A_341 : vector<16xi32>) semaphore(%arg10 : memref<!tpu.dma_semaphore, #tpu.memory_space<semaphore_mem>>)
    %get3A_350 = arith.constant 3 : i32
    %get3A_351 = arith.index_cast %get3A_350 : i32 to index
    %get3A_352 = arith.constant 48 : index
    %get3A_353 = tpu.vector_load %arg5[%get3A_351, %get3A_352] {strides = array<i32>} : memref<200x128xi32, #tpu.memory_space<vmem>>, vector<1x16xi32>,
    %get3A_354 = vector.shape_cast %get3A_353 : vector<1x16xi32> to vector<16xi32>
    %dma_start3A_355 = arith.constant 3 : i32
    %dma_start3A_356 = arith.constant 48 : i32
    %dma_start3A_357 = arith.constant 0 : i32
    %dma_start3A_358 = tpu.memref_slice %arg6[%dma_start3A_355, %dma_start3A_356, %dma_start3A_357] : memref<10x128x64xf32, #tpu.memory_space<vmem>> -> memref<1x16x64xf32, #tpu.memory_space<vmem>>
    %dma_start3A_359 = tpu.memref_squeeze %dma_start3A_358 : memref<1x16x64xf32, #tpu.memory_space<vmem>> -> memref<16x64xf32, #tpu.memory_space<vmem>>
    %dma_start3A_360 = arith.constant 0 : i32
    %dma_start3A_361 = arith.constant 0 : i32
    %dma_start3A_362 = tpu.memref_slice %arg3[%dma_start3A_360, %dma_start3A_361] : memref<1000000x64xf32, #tpu.memory_space<hbm>> -> memref<1000000x64xf32, #tpu.memory_space<hbm>>
    tpu.enqueue_indirect_dma source(%dma_start3A_362 : memref<1000000x64xf32, #tpu.memory_space<hbm>>) target(%dma_start3A_359 : memref<16x64xf32, #tpu.memory_space<vmem>>) offsets(%get3A_354 : vector<16xi32>) semaphore(%arg10 : memref<!tpu.dma_semaphore, #tpu.memory_space<semaphore_mem>>)
    %get3A_363 = arith.constant 3 : i32
    %get3A_364 = arith.index_cast %get3A_363 : i32 to index
    %get3A_365 = arith.constant 64 : index
    %get3A_366 = tpu.vector_load %arg5[%get3A_364, %get3A_365] {strides = array<i32>} : memref<200x128xi32, #tpu.memory_space<vmem>>, vector<1x16xi32>,
    %get3A_367 = vector.shape_cast %get3A_366 : vector<1x16xi32> to vector<16xi32>
    %dma_start3A_368 = arith.constant 3 : i32
    %dma_start3A_369 = arith.constant 64 : i32
    %dma_start3A_370 = arith.constant 0 : i32
    %dma_start3A_371 = tpu.memref_slice %arg6[%dma_start3A_368, %dma_start3A_369, %dma_start3A_370] : memref<10x128x64xf32, #tpu.memory_space<vmem>> -> memref<1x16x64xf32, #tpu.memory_space<vmem>>
    %dma_start3A_372 = tpu.memref_squeeze %dma_start3A_371 : memref<1x16x64xf32, #tpu.memory_space<vmem>> -> memref<16x64xf32, #tpu.memory_space<vmem>>
    %dma_start3A_373 = arith.constant 0 : i32
    %dma_start3A_374 = arith.constant 0 : i32
    %dma_start3A_375 = tpu.memref_slice %arg3[%dma_start3A_373, %dma_start3A_374] : memref<1000000x64xf32, #tpu.memory_space<hbm>> -> memref<1000000x64xf32, #tpu.memory_space<hbm>>
    tpu.enqueue_indirect_dma source(%dma_start3A_375 : memref<1000000x64xf32, #tpu.memory_space<hbm>>) target(%dma_start3A_372 : memref<16x64xf32, #tpu.memory_space<vmem>>) offsets(%get3A_367 : vector<16xi32>) semaphore(%arg10 : memref<!tpu.dma_semaphore, #tpu.memory_space<semaphore_mem>>)
    %get3A_376 = arith.constant 3 : i32
    %get3A_377 = arith.index_cast %get3A_376 : i32 to index
    %get3A_378 = arith.constant 80 : index
    %get3A_379 = tpu.vector_load %arg5[%get3A_377, %get3A_378] {strides = array<i32>} : memref<200x128xi32, #tpu.memory_space<vmem>>, vector<1x16xi32>,
    %get3A_380 = vector.shape_cast %get3A_379 : vector<1x16xi32> to vector<16xi32>
    %dma_start3A_381 = arith.constant 3 : i32
    %dma_start3A_382 = arith.constant 80 : i32
    %dma_start3A_383 = arith.constant 0 : i32
    %dma_start3A_384 = tpu.memref_slice %arg6[%dma_start3A_381, %dma_start3A_382, %dma_start3A_383] : memref<10x128x64xf32, #tpu.memory_space<vmem>> -> memref<1x16x64xf32, #tpu.memory_space<vmem>>
    %dma_start3A_385 = tpu.memref_squeeze %dma_start3A_384 : memref<1x16x64xf32, #tpu.memory_space<vmem>> -> memref<16x64xf32, #tpu.memory_space<vmem>>
    %dma_start3A_386 = arith.constant 0 : i32
    %dma_start3A_387 = arith.constant 0 : i32
    %dma_start3A_388 = tpu.memref_slice %arg3[%dma_start3A_386, %dma_start3A_387] : memref<1000000x64xf32, #tpu.memory_space<hbm>> -> memref<1000000x64xf32, #tpu.memory_space<hbm>>
    tpu.enqueue_indirect_dma source(%dma_start3A_388 : memref<1000000x64xf32, #tpu.memory_space<hbm>>) target(%dma_start3A_385 : memref<16x64xf32, #tpu.memory_space<vmem>>) offsets(%get3A_380 : vector<16xi32>) semaphore(%arg10 : memref<!tpu.dma_semaphore, #tpu.memory_space<semaphore_mem>>)
    %get3A_389 = arith.constant 3 : i32
    %get3A_390 = arith.index_cast %get3A_389 : i32 to index
    %get3A_391 = arith.constant 96 : index
    %get3A_392 = tpu.vector_load %arg5[%get3A_390, %get3A_391] {strides = array<i32>} : memref<200x128xi32, #tpu.memory_space<vmem>>, vector<1x16xi32>,
    %get3A_393 = vector.shape_cast %get3A_392 : vector<1x16xi32> to vector<16xi32>
    %dma_start3A_394 = arith.constant 3 : i32
    %dma_start3A_395 = arith.constant 96 : i32
    %dma_start3A_396 = arith.constant 0 : i32
    %dma_start3A_397 = tpu.memref_slice %arg6[%dma_start3A_394, %dma_start3A_395, %dma_start3A_396] : memref<10x128x64xf32, #tpu.memory_space<vmem>> -> memref<1x16x64xf32, #tpu.memory_space<vmem>>
    %dma_start3A_398 = tpu.memref_squeeze %dma_start3A_397 : memref<1x16x64xf32, #tpu.memory_space<vmem>> -> memref<16x64xf32, #tpu.memory_space<vmem>>
    %dma_start3A_399 = arith.constant 0 : i32
    %dma_start3A_400 = arith.constant 0 : i32
    %dma_start3A_401 = tpu.memref_slice %arg3[%dma_start3A_399, %dma_start3A_400] : memref<1000000x64xf32, #tpu.memory_space<hbm>> -> memref<1000000x64xf32, #tpu.memory_space<hbm>>
    tpu.enqueue_indirect_dma source(%dma_start3A_401 : memref<1000000x64xf32, #tpu.memory_space<hbm>>) target(%dma_start3A_398 : memref<16x64xf32, #tpu.memory_space<vmem>>) offsets(%get3A_393 : vector<16xi32>) semaphore(%arg10 : memref<!tpu.dma_semaphore, #tpu.memory_space<semaphore_mem>>)
    %get3A_402 = arith.constant 3 : i32
    %get3A_403 = arith.index_cast %get3A_402 : i32 to index
    %get3A_404 = arith.constant 112 : index
    %get3A_405 = tpu.vector_load %arg5[%get3A_403, %get3A_404] {strides = array<i32>} : memref<200x128xi32, #tpu.memory_space<vmem>>, vector<1x16xi32>,
    %get3A_406 = vector.shape_cast %get3A_405 : vector<1x16xi32> to vector<16xi32>
    %dma_start3A_407 = arith.constant 3 : i32
    %dma_start3A_408 = arith.constant 112 : i32
    %dma_start3A_409 = arith.constant 0 : i32
    %dma_start3A_410 = tpu.memref_slice %arg6[%dma_start3A_407, %dma_start3A_408, %dma_start3A_409] : memref<10x128x64xf32, #tpu.memory_space<vmem>> -> memref<1x16x64xf32, #tpu.memory_space<vmem>>
    %dma_start3A_411 = tpu.memref_squeeze %dma_start3A_410 : memref<1x16x64xf32, #tpu.memory_space<vmem>> -> memref<16x64xf32, #tpu.memory_space<vmem>>
    %dma_start3A_412 = arith.constant 0 : i32
    %dma_start3A_413 = arith.constant 0 : i32
    %dma_start3A_414 = tpu.memref_slice %arg3[%dma_start3A_412, %dma_start3A_413] : memref<1000000x64xf32, #tpu.memory_space<hbm>> -> memref<1000000x64xf32, #tpu.memory_space<hbm>>
    tpu.enqueue_indirect_dma source(%dma_start3A_414 : memref<1000000x64xf32, #tpu.memory_space<hbm>>) target(%dma_start3A_411 : memref<16x64xf32, #tpu.memory_space<vmem>>) offsets(%get3A_406 : vector<16xi32>) semaphore(%arg10 : memref<!tpu.dma_semaphore, #tpu.memory_space<semaphore_mem>>)
    %get3A_415 = arith.constant 4 : i32
    %get3A_416 = arith.index_cast %get3A_415 : i32 to index
    %get3A_417 = arith.constant 0 : index
    %get3A_418 = tpu.vector_load %arg5[%get3A_416, %get3A_417] {strides = array<i32>} : memref<200x128xi32, #tpu.memory_space<vmem>>, vector<1x16xi32>,
    %get3A_419 = vector.shape_cast %get3A_418 : vector<1x16xi32> to vector<16xi32>
    %dma_start3A_420 = arith.constant 4 : i32
    %dma_start3A_421 = arith.constant 0 : i32
    %dma_start3A_422 = arith.constant 0 : i32
    %dma_start3A_423 = tpu.memref_slice %arg6[%dma_start3A_420, %dma_start3A_421, %dma_start3A_422] : memref<10x128x64xf32, #tpu.memory_space<vmem>> -> memref<1x16x64xf32, #tpu.memory_space<vmem>>
    %dma_start3A_424 = tpu.memref_squeeze %dma_start3A_423 : memref<1x16x64xf32, #tpu.memory_space<vmem>> -> memref<16x64xf32, #tpu.memory_space<vmem>>
    %dma_start3A_425 = arith.constant 0 : i32
    %dma_start3A_426 = arith.constant 0 : i32
    %dma_start3A_427 = tpu.memref_slice %arg3[%dma_start3A_425, %dma_start3A_426] : memref<1000000x64xf32, #tpu.memory_space<hbm>> -> memref<1000000x64xf32, #tpu.memory_space<hbm>>
    tpu.enqueue_indirect_dma source(%dma_start3A_427 : memref<1000000x64xf32, #tpu.memory_space<hbm>>) target(%dma_start3A_424 : memref<16x64xf32, #tpu.memory_space<vmem>>) offsets(%get3A_419 : vector<16xi32>) semaphore(%arg11 : memref<!tpu.dma_semaphore, #tpu.memory_space<semaphore_mem>>)
    %get3A_428 = arith.constant 4 : i32
    %get3A_429 = arith.index_cast %get3A_428 : i32 to index
    %get3A_430 = arith.constant 16 : index
    %get3A_431 = tpu.vector_load %arg5[%get3A_429, %get3A_430] {strides = array<i32>} : memref<200x128xi32, #tpu.memory_space<vmem>>, vector<1x16xi32>,
    %get3A_432 = vector.shape_cast %get3A_431 : vector<1x16xi32> to vector<16xi32>
    %dma_start3A_433 = arith.constant 4 : i32
    %dma_start3A_434 = arith.constant 16 : i32
    %dma_start3A_435 = arith.constant 0 : i32
    %dma_start3A_436 = tpu.memref_slice %arg6[%dma_start3A_433, %dma_start3A_434, %dma_start3A_435] : memref<10x128x64xf32, #tpu.memory_space<vmem>> -> memref<1x16x64xf32, #tpu.memory_space<vmem>>
    %dma_start3A_437 = tpu.memref_squeeze %dma_start3A_436 : memref<1x16x64xf32, #tpu.memory_space<vmem>> -> memref<16x64xf32, #tpu.memory_space<vmem>>
    %dma_start3A_438 = arith.constant 0 : i32
    %dma_start3A_439 = arith.constant 0 : i32
    %dma_start3A_440 = tpu.memref_slice %arg3[%dma_start3A_438, %dma_start3A_439] : memref<1000000x64xf32, #tpu.memory_space<hbm>> -> memref<1000000x64xf32, #tpu.memory_space<hbm>>
    tpu.enqueue_indirect_dma source(%dma_start3A_440 : memref<1000000x64xf32, #tpu.memory_space<hbm>>) target(%dma_start3A_437 : memref<16x64xf32, #tpu.memory_space<vmem>>) offsets(%get3A_432 : vector<16xi32>) semaphore(%arg11 : memref<!tpu.dma_semaphore, #tpu.memory_space<semaphore_mem>>)
    %get3A_441 = arith.constant 4 : i32
    %get3A_442 = arith.index_cast %get3A_441 : i32 to index
    %get3A_443 = arith.constant 32 : index
    %get3A_444 = tpu.vector_load %arg5[%get3A_442, %get3A_443] {strides = array<i32>} : memref<200x128xi32, #tpu.memory_space<vmem>>, vector<1x16xi32>,
    %get3A_445 = vector.shape_cast %get3A_444 : vector<1x16xi32> to vector<16xi32>
    %dma_start3A_446 = arith.constant 4 : i32
    %dma_start3A_447 = arith.constant 32 : i32
    %dma_start3A_448 = arith.constant 0 : i32
    %dma_start3A_449 = tpu.memref_slice %arg6[%dma_start3A_446, %dma_start3A_447, %dma_start3A_448] : memref<10x128x64xf32, #tpu.memory_space<vmem>> -> memref<1x16x64xf32, #tpu.memory_space<vmem>>
    %dma_start3A_450 = tpu.memref_squeeze %dma_start3A_449 : memref<1x16x64xf32, #tpu.memory_space<vmem>> -> memref<16x64xf32, #tpu.memory_space<vmem>>
    %dma_start3A_451 = arith.constant 0 : i32
    %dma_start3A_452 = arith.constant 0 : i32
    %dma_start3A_453 = tpu.memref_slice %arg3[%dma_start3A_451, %dma_start3A_452] : memref<1000000x64xf32, #tpu.memory_space<hbm>> -> memref<1000000x64xf32, #tpu.memory_space<hbm>>
    tpu.enqueue_indirect_dma source(%dma_start3A_453 : memref<1000000x64xf32, #tpu.memory_space<hbm>>) target(%dma_start3A_450 : memref<16x64xf32, #tpu.memory_space<vmem>>) offsets(%get3A_445 : vector<16xi32>) semaphore(%arg11 : memref<!tpu.dma_semaphore, #tpu.memory_space<semaphore_mem>>)
    %get3A_454 = arith.constant 4 : i32
    %get3A_455 = arith.index_cast %get3A_454 : i32 to index
    %get3A_456 = arith.constant 48 : index
    %get3A_457 = tpu.vector_load %arg5[%get3A_455, %get3A_456] {strides = array<i32>} : memref<200x128xi32, #tpu.memory_space<vmem>>, vector<1x16xi32>,
    %get3A_458 = vector.shape_cast %get3A_457 : vector<1x16xi32> to vector<16xi32>
    %dma_start3A_459 = arith.constant 4 : i32
    %dma_start3A_460 = arith.constant 48 : i32
    %dma_start3A_461 = arith.constant 0 : i32
    %dma_start3A_462 = tpu.memref_slice %arg6[%dma_start3A_459, %dma_start3A_460, %dma_start3A_461] : memref<10x128x64xf32, #tpu.memory_space<vmem>> -> memref<1x16x64xf32, #tpu.memory_space<vmem>>
    %dma_start3A_463 = tpu.memref_squeeze %dma_start3A_462 : memref<1x16x64xf32, #tpu.memory_space<vmem>> -> memref<16x64xf32, #tpu.memory_space<vmem>>
    %dma_start3A_464 = arith.constant 0 : i32
    %dma_start3A_465 = arith.constant 0 : i32
    %dma_start3A_466 = tpu.memref_slice %arg3[%dma_start3A_464, %dma_start3A_465] : memref<1000000x64xf32, #tpu.memory_space<hbm>> -> memref<1000000x64xf32, #tpu.memory_space<hbm>>
    tpu.enqueue_indirect_dma source(%dma_start3A_466 : memref<1000000x64xf32, #tpu.memory_space<hbm>>) target(%dma_start3A_463 : memref<16x64xf32, #tpu.memory_space<vmem>>) offsets(%get3A_458 : vector<16xi32>) semaphore(%arg11 : memref<!tpu.dma_semaphore, #tpu.memory_space<semaphore_mem>>)
    %get3A_467 = arith.constant 4 : i32
    %get3A_468 = arith.index_cast %get3A_467 : i32 to index
    %get3A_469 = arith.constant 64 : index
    %get3A_470 = tpu.vector_load %arg5[%get3A_468, %get3A_469] {strides = array<i32>} : memref<200x128xi32, #tpu.memory_space<vmem>>, vector<1x16xi32>,
    %get3A_471 = vector.shape_cast %get3A_470 : vector<1x16xi32> to vector<16xi32>
    %dma_start3A_472 = arith.constant 4 : i32
    %dma_start3A_473 = arith.constant 64 : i32
    %dma_start3A_474 = arith.constant 0 : i32
    %dma_start3A_475 = tpu.memref_slice %arg6[%dma_start3A_472, %dma_start3A_473, %dma_start3A_474] : memref<10x128x64xf32, #tpu.memory_space<vmem>> -> memref<1x16x64xf32, #tpu.memory_space<vmem>>
    %dma_start3A_476 = tpu.memref_squeeze %dma_start3A_475 : memref<1x16x64xf32, #tpu.memory_space<vmem>> -> memref<16x64xf32, #tpu.memory_space<vmem>>
    %dma_start3A_477 = arith.constant 0 : i32
    %dma_start3A_478 = arith.constant 0 : i32
    %dma_start3A_479 = tpu.memref_slice %arg3[%dma_start3A_477, %dma_start3A_478] : memref<1000000x64xf32, #tpu.memory_space<hbm>> -> memref<1000000x64xf32, #tpu.memory_space<hbm>>
    tpu.enqueue_indirect_dma source(%dma_start3A_479 : memref<1000000x64xf32, #tpu.memory_space<hbm>>) target(%dma_start3A_476 : memref<16x64xf32, #tpu.memory_space<vmem>>) offsets(%get3A_471 : vector<16xi32>) semaphore(%arg11 : memref<!tpu.dma_semaphore, #tpu.memory_space<semaphore_mem>>)
    %get3A_480 = arith.constant 4 : i32
    %get3A_481 = arith.index_cast %get3A_480 : i32 to index
    %get3A_482 = arith.constant 80 : index
    %get3A_483 = tpu.vector_load %arg5[%get3A_481, %get3A_482] {strides = array<i32>} : memref<200x128xi32, #tpu.memory_space<vmem>>, vector<1x16xi32>,
    %get3A_484 = vector.shape_cast %get3A_483 : vector<1x16xi32> to vector<16xi32>
    %dma_start3A_485 = arith.constant 4 : i32
    %dma_start3A_486 = arith.constant 80 : i32
    %dma_start3A_487 = arith.constant 0 : i32
    %dma_start3A_488 = tpu.memref_slice %arg6[%dma_start3A_485, %dma_start3A_486, %dma_start3A_487] : memref<10x128x64xf32, #tpu.memory_space<vmem>> -> memref<1x16x64xf32, #tpu.memory_space<vmem>>
    %dma_start3A_489 = tpu.memref_squeeze %dma_start3A_488 : memref<1x16x64xf32, #tpu.memory_space<vmem>> -> memref<16x64xf32, #tpu.memory_space<vmem>>
    %dma_start3A_490 = arith.constant 0 : i32
    %dma_start3A_491 = arith.constant 0 : i32
    %dma_start3A_492 = tpu.memref_slice %arg3[%dma_start3A_490, %dma_start3A_491] : memref<1000000x64xf32, #tpu.memory_space<hbm>> -> memref<1000000x64xf32, #tpu.memory_space<hbm>>
    tpu.enqueue_indirect_dma source(%dma_start3A_492 : memref<1000000x64xf32, #tpu.memory_space<hbm>>) target(%dma_start3A_489 : memref<16x64xf32, #tpu.memory_space<vmem>>) offsets(%get3A_484 : vector<16xi32>) semaphore(%arg11 : memref<!tpu.dma_semaphore, #tpu.memory_space<semaphore_mem>>)
    %get3A_493 = arith.constant 4 : i32
    %get3A_494 = arith.index_cast %get3A_493 : i32 to index
    %get3A_495 = arith.constant 96 : index
    %get3A_496 = tpu.vector_load %arg5[%get3A_494, %get3A_495] {strides = array<i32>} : memref<200x128xi32, #tpu.memory_space<vmem>>, vector<1x16xi32>,
    %get3A_497 = vector.shape_cast %get3A_496 : vector<1x16xi32> to vector<16xi32>
    %dma_start3A_498 = arith.constant 4 : i32
    %dma_start3A_499 = arith.constant 96 : i32
    %dma_start3A_500 = arith.constant 0 : i32
    %dma_start3A_501 = tpu.memref_slice %arg6[%dma_start3A_498, %dma_start3A_499, %dma_start3A_500] : memref<10x128x64xf32, #tpu.memory_space<vmem>> -> memref<1x16x64xf32, #tpu.memory_space<vmem>>
    %dma_start3A_502 = tpu.memref_squeeze %dma_start3A_501 : memref<1x16x64xf32, #tpu.memory_space<vmem>> -> memref<16x64xf32, #tpu.memory_space<vmem>>
    %dma_start3A_503 = arith.constant 0 : i32
    %dma_start3A_504 = arith.constant 0 : i32
    %dma_start3A_505 = tpu.memref_slice %arg3[%dma_start3A_503, %dma_start3A_504] : memref<1000000x64xf32, #tpu.memory_space<hbm>> -> memref<1000000x64xf32, #tpu.memory_space<hbm>>
    tpu.enqueue_indirect_dma source(%dma_start3A_505 : memref<1000000x64xf32, #tpu.memory_space<hbm>>) target(%dma_start3A_502 : memref<16x64xf32, #tpu.memory_space<vmem>>) offsets(%get3A_497 : vector<16xi32>) semaphore(%arg11 : memref<!tpu.dma_semaphore, #tpu.memory_space<semaphore_mem>>)
    %get3A_506 = arith.constant 4 : i32
    %get3A_507 = arith.index_cast %get3A_506 : i32 to index
    %get3A_508 = arith.constant 112 : index
    %get3A_509 = tpu.vector_load %arg5[%get3A_507, %get3A_508] {strides = array<i32>} : memref<200x128xi32, #tpu.memory_space<vmem>>, vector<1x16xi32>,
    %get3A_510 = vector.shape_cast %get3A_509 : vector<1x16xi32> to vector<16xi32>
    %dma_start3A_511 = arith.constant 4 : i32
    %dma_start3A_512 = arith.constant 112 : i32
    %dma_start3A_513 = arith.constant 0 : i32
    %dma_start3A_514 = tpu.memref_slice %arg6[%dma_start3A_511, %dma_start3A_512, %dma_start3A_513] : memref<10x128x64xf32, #tpu.memory_space<vmem>> -> memref<1x16x64xf32, #tpu.memory_space<vmem>>
    %dma_start3A_515 = tpu.memref_squeeze %dma_start3A_514 : memref<1x16x64xf32, #tpu.memory_space<vmem>> -> memref<16x64xf32, #tpu.memory_space<vmem>>
    %dma_start3A_516 = arith.constant 0 : i32
    %dma_start3A_517 = arith.constant 0 : i32
    %dma_start3A_518 = tpu.memref_slice %arg3[%dma_start3A_516, %dma_start3A_517] : memref<1000000x64xf32, #tpu.memory_space<hbm>> -> memref<1000000x64xf32, #tpu.memory_space<hbm>>
    tpu.enqueue_indirect_dma source(%dma_start3A_518 : memref<1000000x64xf32, #tpu.memory_space<hbm>>) target(%dma_start3A_515 : memref<16x64xf32, #tpu.memory_space<vmem>>) offsets(%get3A_510 : vector<16xi32>) semaphore(%arg11 : memref<!tpu.dma_semaphore, #tpu.memory_space<semaphore_mem>>)
    %get3A_519 = arith.constant 5 : i32
    %get3A_520 = arith.index_cast %get3A_519 : i32 to index
    %get3A_521 = arith.constant 0 : index
    %get3A_522 = tpu.vector_load %arg5[%get3A_520, %get3A_521] {strides = array<i32>} : memref<200x128xi32, #tpu.memory_space<vmem>>, vector<1x16xi32>,
    %get3A_523 = vector.shape_cast %get3A_522 : vector<1x16xi32> to vector<16xi32>
    %dma_start3A_524 = arith.constant 5 : i32
    %dma_start3A_525 = arith.constant 0 : i32
    %dma_start3A_526 = arith.constant 0 : i32
    %dma_start3A_527 = tpu.memref_slice %arg6[%dma_start3A_524, %dma_start3A_525, %dma_start3A_526] : memref<10x128x64xf32, #tpu.memory_space<vmem>> -> memref<1x16x64xf32, #tpu.memory_space<vmem>>
    %dma_start3A_528 = tpu.memref_squeeze %dma_start3A_527 : memref<1x16x64xf32, #tpu.memory_space<vmem>> -> memref<16x64xf32, #tpu.memory_space<vmem>>
    %dma_start3A_529 = arith.constant 0 : i32
    %dma_start3A_530 = arith.constant 0 : i32
    %dma_start3A_531 = tpu.memref_slice %arg3[%dma_start3A_529, %dma_start3A_530] : memref<1000000x64xf32, #tpu.memory_space<hbm>> -> memref<1000000x64xf32, #tpu.memory_space<hbm>>
    tpu.enqueue_indirect_dma source(%dma_start3A_531 : memref<1000000x64xf32, #tpu.memory_space<hbm>>) target(%dma_start3A_528 : memref<16x64xf32, #tpu.memory_space<vmem>>) offsets(%get3A_523 : vector<16xi32>) semaphore(%arg12 : memref<!tpu.dma_semaphore, #tpu.memory_space<semaphore_mem>>)
    %get3A_532 = arith.constant 5 : i32
    %get3A_533 = arith.index_cast %get3A_532 : i32 to index
    %get3A_534 = arith.constant 16 : index
    %get3A_535 = tpu.vector_load %arg5[%get3A_533, %get3A_534] {strides = array<i32>} : memref<200x128xi32, #tpu.memory_space<vmem>>, vector<1x16xi32>,
    %get3A_536 = vector.shape_cast %get3A_535 : vector<1x16xi32> to vector<16xi32>
    %dma_start3A_537 = arith.constant 5 : i32
    %dma_start3A_538 = arith.constant 16 : i32
    %dma_start3A_539 = arith.constant 0 : i32
    %dma_start3A_540 = tpu.memref_slice %arg6[%dma_start3A_537, %dma_start3A_538, %dma_start3A_539] : memref<10x128x64xf32, #tpu.memory_space<vmem>> -> memref<1x16x64xf32, #tpu.memory_space<vmem>>
    %dma_start3A_541 = tpu.memref_squeeze %dma_start3A_540 : memref<1x16x64xf32, #tpu.memory_space<vmem>> -> memref<16x64xf32, #tpu.memory_space<vmem>>
    %dma_start3A_542 = arith.constant 0 : i32
    %dma_start3A_543 = arith.constant 0 : i32
    %dma_start3A_544 = tpu.memref_slice %arg3[%dma_start3A_542, %dma_start3A_543] : memref<1000000x64xf32, #tpu.memory_space<hbm>> -> memref<1000000x64xf32, #tpu.memory_space<hbm>>
    tpu.enqueue_indirect_dma source(%dma_start3A_544 : memref<1000000x64xf32, #tpu.memory_space<hbm>>) target(%dma_start3A_541 : memref<16x64xf32, #tpu.memory_space<vmem>>) offsets(%get3A_536 : vector<16xi32>) semaphore(%arg12 : memref<!tpu.dma_semaphore, #tpu.memory_space<semaphore_mem>>)
    %get3A_545 = arith.constant 5 : i32
    %get3A_546 = arith.index_cast %get3A_545 : i32 to index
    %get3A_547 = arith.constant 32 : index
    %get3A_548 = tpu.vector_load %arg5[%get3A_546, %get3A_547] {strides = array<i32>} : memref<200x128xi32, #tpu.memory_space<vmem>>, vector<1x16xi32>,
    %get3A_549 = vector.shape_cast %get3A_548 : vector<1x16xi32> to vector<16xi32>
    %dma_start3A_550 = arith.constant 5 : i32
    %dma_start3A_551 = arith.constant 32 : i32
    %dma_start3A_552 = arith.constant 0 : i32
    %dma_start3A_553 = tpu.memref_slice %arg6[%dma_start3A_550, %dma_start3A_551, %dma_start3A_552] : memref<10x128x64xf32, #tpu.memory_space<vmem>> -> memref<1x16x64xf32, #tpu.memory_space<vmem>>
    %dma_start3A_554 = tpu.memref_squeeze %dma_start3A_553 : memref<1x16x64xf32, #tpu.memory_space<vmem>> -> memref<16x64xf32, #tpu.memory_space<vmem>>
    %dma_start3A_555 = arith.constant 0 : i32
    %dma_start3A_556 = arith.constant 0 : i32
    %dma_start3A_557 = tpu.memref_slice %arg3[%dma_start3A_555, %dma_start3A_556] : memref<1000000x64xf32, #tpu.memory_space<hbm>> -> memref<1000000x64xf32, #tpu.memory_space<hbm>>
    tpu.enqueue_indirect_dma source(%dma_start3A_557 : memref<1000000x64xf32, #tpu.memory_space<hbm>>) target(%dma_start3A_554 : memref<16x64xf32, #tpu.memory_space<vmem>>) offsets(%get3A_549 : vector<16xi32>) semaphore(%arg12 : memref<!tpu.dma_semaphore, #tpu.memory_space<semaphore_mem>>)
    %get3A_558 = arith.constant 5 : i32
    %get3A_559 = arith.index_cast %get3A_558 : i32 to index
    %get3A_560 = arith.constant 48 : index
    %get3A_561 = tpu.vector_load %arg5[%get3A_559, %get3A_560] {strides = array<i32>} : memref<200x128xi32, #tpu.memory_space<vmem>>, vector<1x16xi32>,
    %get3A_562 = vector.shape_cast %get3A_561 : vector<1x16xi32> to vector<16xi32>
    %dma_start3A_563 = arith.constant 5 : i32
    %dma_start3A_564 = arith.constant 48 : i32
    %dma_start3A_565 = arith.constant 0 : i32
    %dma_start3A_566 = tpu.memref_slice %arg6[%dma_start3A_563, %dma_start3A_564, %dma_start3A_565] : memref<10x128x64xf32, #tpu.memory_space<vmem>> -> memref<1x16x64xf32, #tpu.memory_space<vmem>>
    %dma_start3A_567 = tpu.memref_squeeze %dma_start3A_566 : memref<1x16x64xf32, #tpu.memory_space<vmem>> -> memref<16x64xf32, #tpu.memory_space<vmem>>
    %dma_start3A_568 = arith.constant 0 : i32
    %dma_start3A_569 = arith.constant 0 : i32
    %dma_start3A_570 = tpu.memref_slice %arg3[%dma_start3A_568, %dma_start3A_569] : memref<1000000x64xf32, #tpu.memory_space<hbm>> -> memref<1000000x64xf32, #tpu.memory_space<hbm>>
    tpu.enqueue_indirect_dma source(%dma_start3A_570 : memref<1000000x64xf32, #tpu.memory_space<hbm>>) target(%dma_start3A_567 : memref<16x64xf32, #tpu.memory_space<vmem>>) offsets(%get3A_562 : vector<16xi32>) semaphore(%arg12 : memref<!tpu.dma_semaphore, #tpu.memory_space<semaphore_mem>>)
    %get3A_571 = arith.constant 5 : i32
    %get3A_572 = arith.index_cast %get3A_571 : i32 to index
    %get3A_573 = arith.constant 64 : index
    %get3A_574 = tpu.vector_load %arg5[%get3A_572, %get3A_573] {strides = array<i32>} : memref<200x128xi32, #tpu.memory_space<vmem>>, vector<1x16xi32>,
    %get3A_575 = vector.shape_cast %get3A_574 : vector<1x16xi32> to vector<16xi32>
    %dma_start3A_576 = arith.constant 5 : i32
    %dma_start3A_577 = arith.constant 64 : i32
    %dma_start3A_578 = arith.constant 0 : i32
    %dma_start3A_579 = tpu.memref_slice %arg6[%dma_start3A_576, %dma_start3A_577, %dma_start3A_578] : memref<10x128x64xf32, #tpu.memory_space<vmem>> -> memref<1x16x64xf32, #tpu.memory_space<vmem>>
    %dma_start3A_580 = tpu.memref_squeeze %dma_start3A_579 : memref<1x16x64xf32, #tpu.memory_space<vmem>> -> memref<16x64xf32, #tpu.memory_space<vmem>>
    %dma_start3A_581 = arith.constant 0 : i32
    %dma_start3A_582 = arith.constant 0 : i32
    %dma_start3A_583 = tpu.memref_slice %arg3[%dma_start3A_581, %dma_start3A_582] : memref<1000000x64xf32, #tpu.memory_space<hbm>> -> memref<1000000x64xf32, #tpu.memory_space<hbm>>
    tpu.enqueue_indirect_dma source(%dma_start3A_583 : memref<1000000x64xf32, #tpu.memory_space<hbm>>) target(%dma_start3A_580 : memref<16x64xf32, #tpu.memory_space<vmem>>) offsets(%get3A_575 : vector<16xi32>) semaphore(%arg12 : memref<!tpu.dma_semaphore, #tpu.memory_space<semaphore_mem>>)
    %get3A_584 = arith.constant 5 : i32
    %get3A_585 = arith.index_cast %get3A_584 : i32 to index
    %get3A_586 = arith.constant 80 : index
    %get3A_587 = tpu.vector_load %arg5[%get3A_585, %get3A_586] {strides = array<i32>} : memref<200x128xi32, #tpu.memory_space<vmem>>, vector<1x16xi32>,
    %get3A_588 = vector.shape_cast %get3A_587 : vector<1x16xi32> to vector<16xi32>
    %dma_start3A_589 = arith.constant 5 : i32
    %dma_start3A_590 = arith.constant 80 : i32
    %dma_start3A_591 = arith.constant 0 : i32
    %dma_start3A_592 = tpu.memref_slice %arg6[%dma_start3A_589, %dma_start3A_590, %dma_start3A_591] : memref<10x128x64xf32, #tpu.memory_space<vmem>> -> memref<1x16x64xf32, #tpu.memory_space<vmem>>
    %dma_start3A_593 = tpu.memref_squeeze %dma_start3A_592 : memref<1x16x64xf32, #tpu.memory_space<vmem>> -> memref<16x64xf32, #tpu.memory_space<vmem>>
    %dma_start3A_594 = arith.constant 0 : i32
    %dma_start3A_595 = arith.constant 0 : i32
    %dma_start3A_596 = tpu.memref_slice %arg3[%dma_start3A_594, %dma_start3A_595] : memref<1000000x64xf32, #tpu.memory_space<hbm>> -> memref<1000000x64xf32, #tpu.memory_space<hbm>>
    tpu.enqueue_indirect_dma source(%dma_start3A_596 : memref<1000000x64xf32, #tpu.memory_space<hbm>>) target(%dma_start3A_593 : memref<16x64xf32, #tpu.memory_space<vmem>>) offsets(%get3A_588 : vector<16xi32>) semaphore(%arg12 : memref<!tpu.dma_semaphore, #tpu.memory_space<semaphore_mem>>)
    %get3A_597 = arith.constant 5 : i32
    %get3A_598 = arith.index_cast %get3A_597 : i32 to index
    %get3A_599 = arith.constant 96 : index
    %get3A_600 = tpu.vector_load %arg5[%get3A_598, %get3A_599] {strides = array<i32>} : memref<200x128xi32, #tpu.memory_space<vmem>>, vector<1x16xi32>,
    %get3A_601 = vector.shape_cast %get3A_600 : vector<1x16xi32> to vector<16xi32>
    %dma_start3A_602 = arith.constant 5 : i32
    %dma_start3A_603 = arith.constant 96 : i32
    %dma_start3A_604 = arith.constant 0 : i32
    %dma_start3A_605 = tpu.memref_slice %arg6[%dma_start3A_602, %dma_start3A_603, %dma_start3A_604] : memref<10x128x64xf32, #tpu.memory_space<vmem>> -> memref<1x16x64xf32, #tpu.memory_space<vmem>>
    %dma_start3A_606 = tpu.memref_squeeze %dma_start3A_605 : memref<1x16x64xf32, #tpu.memory_space<vmem>> -> memref<16x64xf32, #tpu.memory_space<vmem>>
    %dma_start3A_607 = arith.constant 0 : i32
    %dma_start3A_608 = arith.constant 0 : i32
    %dma_start3A_609 = tpu.memref_slice %arg3[%dma_start3A_607, %dma_start3A_608] : memref<1000000x64xf32, #tpu.memory_space<hbm>> -> memref<1000000x64xf32, #tpu.memory_space<hbm>>
    tpu.enqueue_indirect_dma source(%dma_start3A_609 : memref<1000000x64xf32, #tpu.memory_space<hbm>>) target(%dma_start3A_606 : memref<16x64xf32, #tpu.memory_space<vmem>>) offsets(%get3A_601 : vector<16xi32>) semaphore(%arg12 : memref<!tpu.dma_semaphore, #tpu.memory_space<semaphore_mem>>)
    %get3A_610 = arith.constant 5 : i32
    %get3A_611 = arith.index_cast %get3A_610 : i32 to index
    %get3A_612 = arith.constant 112 : index
    %get3A_613 = tpu.vector_load %arg5[%get3A_611, %get3A_612] {strides = array<i32>} : memref<200x128xi32, #tpu.memory_space<vmem>>, vector<1x16xi32>,
    %get3A_614 = vector.shape_cast %get3A_613 : vector<1x16xi32> to vector<16xi32>
    %dma_start3A_615 = arith.constant 5 : i32
    %dma_start3A_616 = arith.constant 112 : i32
    %dma_start3A_617 = arith.constant 0 : i32
    %dma_start3A_618 = tpu.memref_slice %arg6[%dma_start3A_615, %dma_start3A_616, %dma_start3A_617] : memref<10x128x64xf32, #tpu.memory_space<vmem>> -> memref<1x16x64xf32, #tpu.memory_space<vmem>>
    %dma_start3A_619 = tpu.memref_squeeze %dma_start3A_618 : memref<1x16x64xf32, #tpu.memory_space<vmem>> -> memref<16x64xf32, #tpu.memory_space<vmem>>
    %dma_start3A_620 = arith.constant 0 : i32
    %dma_start3A_621 = arith.constant 0 : i32
    %dma_start3A_622 = tpu.memref_slice %arg3[%dma_start3A_620, %dma_start3A_621] : memref<1000000x64xf32, #tpu.memory_space<hbm>> -> memref<1000000x64xf32, #tpu.memory_space<hbm>>
    tpu.enqueue_indirect_dma source(%dma_start3A_622 : memref<1000000x64xf32, #tpu.memory_space<hbm>>) target(%dma_start3A_619 : memref<16x64xf32, #tpu.memory_space<vmem>>) offsets(%get3A_614 : vector<16xi32>) semaphore(%arg12 : memref<!tpu.dma_semaphore, #tpu.memory_space<semaphore_mem>>)
    %get3A_623 = arith.constant 6 : i32
    %get3A_624 = arith.index_cast %get3A_623 : i32 to index
    %get3A_625 = arith.constant 0 : index
    %get3A_626 = tpu.vector_load %arg5[%get3A_624, %get3A_625] {strides = array<i32>} : memref<200x128xi32, #tpu.memory_space<vmem>>, vector<1x16xi32>,
    %get3A_627 = vector.shape_cast %get3A_626 : vector<1x16xi32> to vector<16xi32>
    %dma_start3A_628 = arith.constant 6 : i32
    %dma_start3A_629 = arith.constant 0 : i32
    %dma_start3A_630 = arith.constant 0 : i32
    %dma_start3A_631 = tpu.memref_slice %arg6[%dma_start3A_628, %dma_start3A_629, %dma_start3A_630] : memref<10x128x64xf32, #tpu.memory_space<vmem>> -> memref<1x16x64xf32, #tpu.memory_space<vmem>>
    %dma_start3A_632 = tpu.memref_squeeze %dma_start3A_631 : memref<1x16x64xf32, #tpu.memory_space<vmem>> -> memref<16x64xf32, #tpu.memory_space<vmem>>
    %dma_start3A_633 = arith.constant 0 : i32
    %dma_start3A_634 = arith.constant 0 : i32
    %dma_start3A_635 = tpu.memref_slice %arg3[%dma_start3A_633, %dma_start3A_634] : memref<1000000x64xf32, #tpu.memory_space<hbm>> -> memref<1000000x64xf32, #tpu.memory_space<hbm>>
    tpu.enqueue_indirect_dma source(%dma_start3A_635 : memref<1000000x64xf32, #tpu.memory_space<hbm>>) target(%dma_start3A_632 : memref<16x64xf32, #tpu.memory_space<vmem>>) offsets(%get3A_627 : vector<16xi32>) semaphore(%arg13 : memref<!tpu.dma_semaphore, #tpu.memory_space<semaphore_mem>>)
    %get3A_636 = arith.constant 6 : i32
    %get3A_637 = arith.index_cast %get3A_636 : i32 to index
    %get3A_638 = arith.constant 16 : index
    %get3A_639 = tpu.vector_load %arg5[%get3A_637, %get3A_638] {strides = array<i32>} : memref<200x128xi32, #tpu.memory_space<vmem>>, vector<1x16xi32>,
    %get3A_640 = vector.shape_cast %get3A_639 : vector<1x16xi32> to vector<16xi32>
    %dma_start3A_641 = arith.constant 6 : i32
    %dma_start3A_642 = arith.constant 16 : i32
    %dma_start3A_643 = arith.constant 0 : i32
    %dma_start3A_644 = tpu.memref_slice %arg6[%dma_start3A_641, %dma_start3A_642, %dma_start3A_643] : memref<10x128x64xf32, #tpu.memory_space<vmem>> -> memref<1x16x64xf32, #tpu.memory_space<vmem>>
    %dma_start3A_645 = tpu.memref_squeeze %dma_start3A_644 : memref<1x16x64xf32, #tpu.memory_space<vmem>> -> memref<16x64xf32, #tpu.memory_space<vmem>>
    %dma_start3A_646 = arith.constant 0 : i32
    %dma_start3A_647 = arith.constant 0 : i32
    %dma_start3A_648 = tpu.memref_slice %arg3[%dma_start3A_646, %dma_start3A_647] : memref<1000000x64xf32, #tpu.memory_space<hbm>> -> memref<1000000x64xf32, #tpu.memory_space<hbm>>
    tpu.enqueue_indirect_dma source(%dma_start3A_648 : memref<1000000x64xf32, #tpu.memory_space<hbm>>) target(%dma_start3A_645 : memref<16x64xf32, #tpu.memory_space<vmem>>) offsets(%get3A_640 : vector<16xi32>) semaphore(%arg13 : memref<!tpu.dma_semaphore, #tpu.memory_space<semaphore_mem>>)
    %get3A_649 = arith.constant 6 : i32
    %get3A_650 = arith.index_cast %get3A_649 : i32 to index
    %get3A_651 = arith.constant 32 : index
    %get3A_652 = tpu.vector_load %arg5[%get3A_650, %get3A_651] {strides = array<i32>} : memref<200x128xi32, #tpu.memory_space<vmem>>, vector<1x16xi32>,
    %get3A_653 = vector.shape_cast %get3A_652 : vector<1x16xi32> to vector<16xi32>
    %dma_start3A_654 = arith.constant 6 : i32
    %dma_start3A_655 = arith.constant 32 : i32
    %dma_start3A_656 = arith.constant 0 : i32
    %dma_start3A_657 = tpu.memref_slice %arg6[%dma_start3A_654, %dma_start3A_655, %dma_start3A_656] : memref<10x128x64xf32, #tpu.memory_space<vmem>> -> memref<1x16x64xf32, #tpu.memory_space<vmem>>
    %dma_start3A_658 = tpu.memref_squeeze %dma_start3A_657 : memref<1x16x64xf32, #tpu.memory_space<vmem>> -> memref<16x64xf32, #tpu.memory_space<vmem>>
    %dma_start3A_659 = arith.constant 0 : i32
    %dma_start3A_660 = arith.constant 0 : i32
    %dma_start3A_661 = tpu.memref_slice %arg3[%dma_start3A_659, %dma_start3A_660] : memref<1000000x64xf32, #tpu.memory_space<hbm>> -> memref<1000000x64xf32, #tpu.memory_space<hbm>>
    tpu.enqueue_indirect_dma source(%dma_start3A_661 : memref<1000000x64xf32, #tpu.memory_space<hbm>>) target(%dma_start3A_658 : memref<16x64xf32, #tpu.memory_space<vmem>>) offsets(%get3A_653 : vector<16xi32>) semaphore(%arg13 : memref<!tpu.dma_semaphore, #tpu.memory_space<semaphore_mem>>)
    %get3A_662 = arith.constant 6 : i32
    %get3A_663 = arith.index_cast %get3A_662 : i32 to index
    %get3A_664 = arith.constant 48 : index
    %get3A_665 = tpu.vector_load %arg5[%get3A_663, %get3A_664] {strides = array<i32>} : memref<200x128xi32, #tpu.memory_space<vmem>>, vector<1x16xi32>,
    %get3A_666 = vector.shape_cast %get3A_665 : vector<1x16xi32> to vector<16xi32>
    %dma_start3A_667 = arith.constant 6 : i32
    %dma_start3A_668 = arith.constant 48 : i32
    %dma_start3A_669 = arith.constant 0 : i32
    %dma_start3A_670 = tpu.memref_slice %arg6[%dma_start3A_667, %dma_start3A_668, %dma_start3A_669] : memref<10x128x64xf32, #tpu.memory_space<vmem>> -> memref<1x16x64xf32, #tpu.memory_space<vmem>>
    %dma_start3A_671 = tpu.memref_squeeze %dma_start3A_670 : memref<1x16x64xf32, #tpu.memory_space<vmem>> -> memref<16x64xf32, #tpu.memory_space<vmem>>
    %dma_start3A_672 = arith.constant 0 : i32
    %dma_start3A_673 = arith.constant 0 : i32
    %dma_start3A_674 = tpu.memref_slice %arg3[%dma_start3A_672, %dma_start3A_673] : memref<1000000x64xf32, #tpu.memory_space<hbm>> -> memref<1000000x64xf32, #tpu.memory_space<hbm>>
    tpu.enqueue_indirect_dma source(%dma_start3A_674 : memref<1000000x64xf32, #tpu.memory_space<hbm>>) target(%dma_start3A_671 : memref<16x64xf32, #tpu.memory_space<vmem>>) offsets(%get3A_666 : vector<16xi32>) semaphore(%arg13 : memref<!tpu.dma_semaphore, #tpu.memory_space<semaphore_mem>>)
    %get3A_675 = arith.constant 6 : i32
    %get3A_676 = arith.index_cast %get3A_675 : i32 to index
    %get3A_677 = arith.constant 64 : index
    %get3A_678 = tpu.vector_load %arg5[%get3A_676, %get3A_677] {strides = array<i32>} : memref<200x128xi32, #tpu.memory_space<vmem>>, vector<1x16xi32>,
    %get3A_679 = vector.shape_cast %get3A_678 : vector<1x16xi32> to vector<16xi32>
    %dma_start3A_680 = arith.constant 6 : i32
    %dma_start3A_681 = arith.constant 64 : i32
    %dma_start3A_682 = arith.constant 0 : i32
    %dma_start3A_683 = tpu.memref_slice %arg6[%dma_start3A_680, %dma_start3A_681, %dma_start3A_682] : memref<10x128x64xf32, #tpu.memory_space<vmem>> -> memref<1x16x64xf32, #tpu.memory_space<vmem>>
    %dma_start3A_684 = tpu.memref_squeeze %dma_start3A_683 : memref<1x16x64xf32, #tpu.memory_space<vmem>> -> memref<16x64xf32, #tpu.memory_space<vmem>>
    %dma_start3A_685 = arith.constant 0 : i32
    %dma_start3A_686 = arith.constant 0 : i32
    %dma_start3A_687 = tpu.memref_slice %arg3[%dma_start3A_685, %dma_start3A_686] : memref<1000000x64xf32, #tpu.memory_space<hbm>> -> memref<1000000x64xf32, #tpu.memory_space<hbm>>
    tpu.enqueue_indirect_dma source(%dma_start3A_687 : memref<1000000x64xf32, #tpu.memory_space<hbm>>) target(%dma_start3A_684 : memref<16x64xf32, #tpu.memory_space<vmem>>) offsets(%get3A_679 : vector<16xi32>) semaphore(%arg13 : memref<!tpu.dma_semaphore, #tpu.memory_space<semaphore_mem>>)
    %get3A_688 = arith.constant 6 : i32
    %get3A_689 = arith.index_cast %get3A_688 : i32 to index
    %get3A_690 = arith.constant 80 : index
    %get3A_691 = tpu.vector_load %arg5[%get3A_689, %get3A_690] {strides = array<i32>} : memref<200x128xi32, #tpu.memory_space<vmem>>, vector<1x16xi32>,
    %get3A_692 = vector.shape_cast %get3A_691 : vector<1x16xi32> to vector<16xi32>
    %dma_start3A_693 = arith.constant 6 : i32
    %dma_start3A_694 = arith.constant 80 : i32
    %dma_start3A_695 = arith.constant 0 : i32
    %dma_start3A_696 = tpu.memref_slice %arg6[%dma_start3A_693, %dma_start3A_694, %dma_start3A_695] : memref<10x128x64xf32, #tpu.memory_space<vmem>> -> memref<1x16x64xf32, #tpu.memory_space<vmem>>
    %dma_start3A_697 = tpu.memref_squeeze %dma_start3A_696 : memref<1x16x64xf32, #tpu.memory_space<vmem>> -> memref<16x64xf32, #tpu.memory_space<vmem>>
    %dma_start3A_698 = arith.constant 0 : i32
    %dma_start3A_699 = arith.constant 0 : i32
    %dma_start3A_700 = tpu.memref_slice %arg3[%dma_start3A_698, %dma_start3A_699] : memref<1000000x64xf32, #tpu.memory_space<hbm>> -> memref<1000000x64xf32, #tpu.memory_space<hbm>>
    tpu.enqueue_indirect_dma source(%dma_start3A_700 : memref<1000000x64xf32, #tpu.memory_space<hbm>>) target(%dma_start3A_697 : memref<16x64xf32, #tpu.memory_space<vmem>>) offsets(%get3A_692 : vector<16xi32>) semaphore(%arg13 : memref<!tpu.dma_semaphore, #tpu.memory_space<semaphore_mem>>)
    %get3A_701 = arith.constant 6 : i32
    %get3A_702 = arith.index_cast %get3A_701 : i32 to index
    %get3A_703 = arith.constant 96 : index
    %get3A_704 = tpu.vector_load %arg5[%get3A_702, %get3A_703] {strides = array<i32>} : memref<200x128xi32, #tpu.memory_space<vmem>>, vector<1x16xi32>,
    %get3A_705 = vector.shape_cast %get3A_704 : vector<1x16xi32> to vector<16xi32>
    %dma_start3A_706 = arith.constant 6 : i32
    %dma_start3A_707 = arith.constant 96 : i32
    %dma_start3A_708 = arith.constant 0 : i32
    %dma_start3A_709 = tpu.memref_slice %arg6[%dma_start3A_706, %dma_start3A_707, %dma_start3A_708] : memref<10x128x64xf32, #tpu.memory_space<vmem>> -> memref<1x16x64xf32, #tpu.memory_space<vmem>>
    %dma_start3A_710 = tpu.memref_squeeze %dma_start3A_709 : memref<1x16x64xf32, #tpu.memory_space<vmem>> -> memref<16x64xf32, #tpu.memory_space<vmem>>
    %dma_start3A_711 = arith.constant 0 : i32
    %dma_start3A_712 = arith.constant 0 : i32
    %dma_start3A_713 = tpu.memref_slice %arg3[%dma_start3A_711, %dma_start3A_712] : memref<1000000x64xf32, #tpu.memory_space<hbm>> -> memref<1000000x64xf32, #tpu.memory_space<hbm>>
    tpu.enqueue_indirect_dma source(%dma_start3A_713 : memref<1000000x64xf32, #tpu.memory_space<hbm>>) target(%dma_start3A_710 : memref<16x64xf32, #tpu.memory_space<vmem>>) offsets(%get3A_705 : vector<16xi32>) semaphore(%arg13 : memref<!tpu.dma_semaphore, #tpu.memory_space<semaphore_mem>>)
    %get3A_714 = arith.constant 6 : i32
    %get3A_715 = arith.index_cast %get3A_714 : i32 to index
    %get3A_716 = arith.constant 112 : index
    %get3A_717 = tpu.vector_load %arg5[%get3A_715, %get3A_716] {strides = array<i32>} : memref<200x128xi32, #tpu.memory_space<vmem>>, vector<1x16xi32>,
    %get3A_718 = vector.shape_cast %get3A_717 : vector<1x16xi32> to vector<16xi32>
    %dma_start3A_719 = arith.constant 6 : i32
    %dma_start3A_720 = arith.constant 112 : i32
    %dma_start3A_721 = arith.constant 0 : i32
    %dma_start3A_722 = tpu.memref_slice %arg6[%dma_start3A_719, %dma_start3A_720, %dma_start3A_721] : memref<10x128x64xf32, #tpu.memory_space<vmem>> -> memref<1x16x64xf32, #tpu.memory_space<vmem>>
    %dma_start3A_723 = tpu.memref_squeeze %dma_start3A_722 : memref<1x16x64xf32, #tpu.memory_space<vmem>> -> memref<16x64xf32, #tpu.memory_space<vmem>>
    %dma_start3A_724 = arith.constant 0 : i32
    %dma_start3A_725 = arith.constant 0 : i32
    %dma_start3A_726 = tpu.memref_slice %arg3[%dma_start3A_724, %dma_start3A_725] : memref<1000000x64xf32, #tpu.memory_space<hbm>> -> memref<1000000x64xf32, #tpu.memory_space<hbm>>
    tpu.enqueue_indirect_dma source(%dma_start3A_726 : memref<1000000x64xf32, #tpu.memory_space<hbm>>) target(%dma_start3A_723 : memref<16x64xf32, #tpu.memory_space<vmem>>) offsets(%get3A_718 : vector<16xi32>) semaphore(%arg13 : memref<!tpu.dma_semaphore, #tpu.memory_space<semaphore_mem>>)
    %get3A_727 = arith.constant 7 : i32
    %get3A_728 = arith.index_cast %get3A_727 : i32 to index
    %get3A_729 = arith.constant 0 : index
    %get3A_730 = tpu.vector_load %arg5[%get3A_728, %get3A_729] {strides = array<i32>} : memref<200x128xi32, #tpu.memory_space<vmem>>, vector<1x16xi32>,
    %get3A_731 = vector.shape_cast %get3A_730 : vector<1x16xi32> to vector<16xi32>
    %dma_start3A_732 = arith.constant 7 : i32
    %dma_start3A_733 = arith.constant 0 : i32
    %dma_start3A_734 = arith.constant 0 : i32
    %dma_start3A_735 = tpu.memref_slice %arg6[%dma_start3A_732, %dma_start3A_733, %dma_start3A_734] : memref<10x128x64xf32, #tpu.memory_space<vmem>> -> memref<1x16x64xf32, #tpu.memory_space<vmem>>
    %dma_start3A_736 = tpu.memref_squeeze %dma_start3A_735 : memref<1x16x64xf32, #tpu.memory_space<vmem>> -> memref<16x64xf32, #tpu.memory_space<vmem>>
    %dma_start3A_737 = arith.constant 0 : i32
    %dma_start3A_738 = arith.constant 0 : i32
    %dma_start3A_739 = tpu.memref_slice %arg3[%dma_start3A_737, %dma_start3A_738] : memref<1000000x64xf32, #tpu.memory_space<hbm>> -> memref<1000000x64xf32, #tpu.memory_space<hbm>>
    tpu.enqueue_indirect_dma source(%dma_start3A_739 : memref<1000000x64xf32, #tpu.memory_space<hbm>>) target(%dma_start3A_736 : memref<16x64xf32, #tpu.memory_space<vmem>>) offsets(%get3A_731 : vector<16xi32>) semaphore(%arg14 : memref<!tpu.dma_semaphore, #tpu.memory_space<semaphore_mem>>)
    %get3A_740 = arith.constant 7 : i32
    %get3A_741 = arith.index_cast %get3A_740 : i32 to index
    %get3A_742 = arith.constant 16 : index
    %get3A_743 = tpu.vector_load %arg5[%get3A_741, %get3A_742] {strides = array<i32>} : memref<200x128xi32, #tpu.memory_space<vmem>>, vector<1x16xi32>,
    %get3A_744 = vector.shape_cast %get3A_743 : vector<1x16xi32> to vector<16xi32>
    %dma_start3A_745 = arith.constant 7 : i32
    %dma_start3A_746 = arith.constant 16 : i32
    %dma_start3A_747 = arith.constant 0 : i32
    %dma_start3A_748 = tpu.memref_slice %arg6[%dma_start3A_745, %dma_start3A_746, %dma_start3A_747] : memref<10x128x64xf32, #tpu.memory_space<vmem>> -> memref<1x16x64xf32, #tpu.memory_space<vmem>>
    %dma_start3A_749 = tpu.memref_squeeze %dma_start3A_748 : memref<1x16x64xf32, #tpu.memory_space<vmem>> -> memref<16x64xf32, #tpu.memory_space<vmem>>
    %dma_start3A_750 = arith.constant 0 : i32
    %dma_start3A_751 = arith.constant 0 : i32
    %dma_start3A_752 = tpu.memref_slice %arg3[%dma_start3A_750, %dma_start3A_751] : memref<1000000x64xf32, #tpu.memory_space<hbm>> -> memref<1000000x64xf32, #tpu.memory_space<hbm>>
    tpu.enqueue_indirect_dma source(%dma_start3A_752 : memref<1000000x64xf32, #tpu.memory_space<hbm>>) target(%dma_start3A_749 : memref<16x64xf32, #tpu.memory_space<vmem>>) offsets(%get3A_744 : vector<16xi32>) semaphore(%arg14 : memref<!tpu.dma_semaphore, #tpu.memory_space<semaphore_mem>>)
    %get3A_753 = arith.constant 7 : i32
    %get3A_754 = arith.index_cast %get3A_753 : i32 to index
    %get3A_755 = arith.constant 32 : index
    %get3A_756 = tpu.vector_load %arg5[%get3A_754, %get3A_755] {strides = array<i32>} : memref<200x128xi32, #tpu.memory_space<vmem>>, vector<1x16xi32>,
    %get3A_757 = vector.shape_cast %get3A_756 : vector<1x16xi32> to vector<16xi32>
    %dma_start3A_758 = arith.constant 7 : i32
    %dma_start3A_759 = arith.constant 32 : i32
    %dma_start3A_760 = arith.constant 0 : i32
    %dma_start3A_761 = tpu.memref_slice %arg6[%dma_start3A_758, %dma_start3A_759, %dma_start3A_760] : memref<10x128x64xf32, #tpu.memory_space<vmem>> -> memref<1x16x64xf32, #tpu.memory_space<vmem>>
    %dma_start3A_762 = tpu.memref_squeeze %dma_start3A_761 : memref<1x16x64xf32, #tpu.memory_space<vmem>> -> memref<16x64xf32, #tpu.memory_space<vmem>>
    %dma_start3A_763 = arith.constant 0 : i32
    %dma_start3A_764 = arith.constant 0 : i32
    %dma_start3A_765 = tpu.memref_slice %arg3[%dma_start3A_763, %dma_start3A_764] : memref<1000000x64xf32, #tpu.memory_space<hbm>> -> memref<1000000x64xf32, #tpu.memory_space<hbm>>
    tpu.enqueue_indirect_dma source(%dma_start3A_765 : memref<1000000x64xf32, #tpu.memory_space<hbm>>) target(%dma_start3A_762 : memref<16x64xf32, #tpu.memory_space<vmem>>) offsets(%get3A_757 : vector<16xi32>) semaphore(%arg14 : memref<!tpu.dma_semaphore, #tpu.memory_space<semaphore_mem>>)
    %get3A_766 = arith.constant 7 : i32
    %get3A_767 = arith.index_cast %get3A_766 : i32 to index
    %get3A_768 = arith.constant 48 : index
    %get3A_769 = tpu.vector_load %arg5[%get3A_767, %get3A_768] {strides = array<i32>} : memref<200x128xi32, #tpu.memory_space<vmem>>, vector<1x16xi32>,
    %get3A_770 = vector.shape_cast %get3A_769 : vector<1x16xi32> to vector<16xi32>
    %dma_start3A_771 = arith.constant 7 : i32
    %dma_start3A_772 = arith.constant 48 : i32
    %dma_start3A_773 = arith.constant 0 : i32
    %dma_start3A_774 = tpu.memref_slice %arg6[%dma_start3A_771, %dma_start3A_772, %dma_start3A_773] : memref<10x128x64xf32, #tpu.memory_space<vmem>> -> memref<1x16x64xf32, #tpu.memory_space<vmem>>
    %dma_start3A_775 = tpu.memref_squeeze %dma_start3A_774 : memref<1x16x64xf32, #tpu.memory_space<vmem>> -> memref<16x64xf32, #tpu.memory_space<vmem>>
    %dma_start3A_776 = arith.constant 0 : i32
    %dma_start3A_777 = arith.constant 0 : i32
    %dma_start3A_778 = tpu.memref_slice %arg3[%dma_start3A_776, %dma_start3A_777] : memref<1000000x64xf32, #tpu.memory_space<hbm>> -> memref<1000000x64xf32, #tpu.memory_space<hbm>>
    tpu.enqueue_indirect_dma source(%dma_start3A_778 : memref<1000000x64xf32, #tpu.memory_space<hbm>>) target(%dma_start3A_775 : memref<16x64xf32, #tpu.memory_space<vmem>>) offsets(%get3A_770 : vector<16xi32>) semaphore(%arg14 : memref<!tpu.dma_semaphore, #tpu.memory_space<semaphore_mem>>)
    %get3A_779 = arith.constant 7 : i32
    %get3A_780 = arith.index_cast %get3A_779 : i32 to index
    %get3A_781 = arith.constant 64 : index
    %get3A_782 = tpu.vector_load %arg5[%get3A_780, %get3A_781] {strides = array<i32>} : memref<200x128xi32, #tpu.memory_space<vmem>>, vector<1x16xi32>,
    %get3A_783 = vector.shape_cast %get3A_782 : vector<1x16xi32> to vector<16xi32>
    %dma_start3A_784 = arith.constant 7 : i32
    %dma_start3A_785 = arith.constant 64 : i32
    %dma_start3A_786 = arith.constant 0 : i32
    %dma_start3A_787 = tpu.memref_slice %arg6[%dma_start3A_784, %dma_start3A_785, %dma_start3A_786] : memref<10x128x64xf32, #tpu.memory_space<vmem>> -> memref<1x16x64xf32, #tpu.memory_space<vmem>>
    %dma_start3A_788 = tpu.memref_squeeze %dma_start3A_787 : memref<1x16x64xf32, #tpu.memory_space<vmem>> -> memref<16x64xf32, #tpu.memory_space<vmem>>
    %dma_start3A_789 = arith.constant 0 : i32
    %dma_start3A_790 = arith.constant 0 : i32
    %dma_start3A_791 = tpu.memref_slice %arg3[%dma_start3A_789, %dma_start3A_790] : memref<1000000x64xf32, #tpu.memory_space<hbm>> -> memref<1000000x64xf32, #tpu.memory_space<hbm>>
    tpu.enqueue_indirect_dma source(%dma_start3A_791 : memref<1000000x64xf32, #tpu.memory_space<hbm>>) target(%dma_start3A_788 : memref<16x64xf32, #tpu.memory_space<vmem>>) offsets(%get3A_783 : vector<16xi32>) semaphore(%arg14 : memref<!tpu.dma_semaphore, #tpu.memory_space<semaphore_mem>>)
    %get3A_792 = arith.constant 7 : i32
    %get3A_793 = arith.index_cast %get3A_792 : i32 to index
    %get3A_794 = arith.constant 80 : index
    %get3A_795 = tpu.vector_load %arg5[%get3A_793, %get3A_794] {strides = array<i32>} : memref<200x128xi32, #tpu.memory_space<vmem>>, vector<1x16xi32>,
    %get3A_796 = vector.shape_cast %get3A_795 : vector<1x16xi32> to vector<16xi32>
    %dma_start3A_797 = arith.constant 7 : i32
    %dma_start3A_798 = arith.constant 80 : i32
    %dma_start3A_799 = arith.constant 0 : i32
    %dma_start3A_800 = tpu.memref_slice %arg6[%dma_start3A_797, %dma_start3A_798, %dma_start3A_799] : memref<10x128x64xf32, #tpu.memory_space<vmem>> -> memref<1x16x64xf32, #tpu.memory_space<vmem>>
    %dma_start3A_801 = tpu.memref_squeeze %dma_start3A_800 : memref<1x16x64xf32, #tpu.memory_space<vmem>> -> memref<16x64xf32, #tpu.memory_space<vmem>>
    %dma_start3A_802 = arith.constant 0 : i32
    %dma_start3A_803 = arith.constant 0 : i32
    %dma_start3A_804 = tpu.memref_slice %arg3[%dma_start3A_802, %dma_start3A_803] : memref<1000000x64xf32, #tpu.memory_space<hbm>> -> memref<1000000x64xf32, #tpu.memory_space<hbm>>
    tpu.enqueue_indirect_dma source(%dma_start3A_804 : memref<1000000x64xf32, #tpu.memory_space<hbm>>) target(%dma_start3A_801 : memref<16x64xf32, #tpu.memory_space<vmem>>) offsets(%get3A_796 : vector<16xi32>) semaphore(%arg14 : memref<!tpu.dma_semaphore, #tpu.memory_space<semaphore_mem>>)
    %get3A_805 = arith.constant 7 : i32
    %get3A_806 = arith.index_cast %get3A_805 : i32 to index
    %get3A_807 = arith.constant 96 : index
    %get3A_808 = tpu.vector_load %arg5[%get3A_806, %get3A_807] {strides = array<i32>} : memref<200x128xi32, #tpu.memory_space<vmem>>, vector<1x16xi32>,
    %get3A_809 = vector.shape_cast %get3A_808 : vector<1x16xi32> to vector<16xi32>
    %dma_start3A_810 = arith.constant 7 : i32
    %dma_start3A_811 = arith.constant 96 : i32
    %dma_start3A_812 = arith.constant 0 : i32
    %dma_start3A_813 = tpu.memref_slice %arg6[%dma_start3A_810, %dma_start3A_811, %dma_start3A_812] : memref<10x128x64xf32, #tpu.memory_space<vmem>> -> memref<1x16x64xf32, #tpu.memory_space<vmem>>
    %dma_start3A_814 = tpu.memref_squeeze %dma_start3A_813 : memref<1x16x64xf32, #tpu.memory_space<vmem>> -> memref<16x64xf32, #tpu.memory_space<vmem>>
    %dma_start3A_815 = arith.constant 0 : i32
    %dma_start3A_816 = arith.constant 0 : i32
    %dma_start3A_817 = tpu.memref_slice %arg3[%dma_start3A_815, %dma_start3A_816] : memref<1000000x64xf32, #tpu.memory_space<hbm>> -> memref<1000000x64xf32, #tpu.memory_space<hbm>>
    tpu.enqueue_indirect_dma source(%dma_start3A_817 : memref<1000000x64xf32, #tpu.memory_space<hbm>>) target(%dma_start3A_814 : memref<16x64xf32, #tpu.memory_space<vmem>>) offsets(%get3A_809 : vector<16xi32>) semaphore(%arg14 : memref<!tpu.dma_semaphore, #tpu.memory_space<semaphore_mem>>)
    %get3A_818 = arith.constant 7 : i32
    %get3A_819 = arith.index_cast %get3A_818 : i32 to index
    %get3A_820 = arith.constant 112 : index
    %get3A_821 = tpu.vector_load %arg5[%get3A_819, %get3A_820] {strides = array<i32>} : memref<200x128xi32, #tpu.memory_space<vmem>>, vector<1x16xi32>,
    %get3A_822 = vector.shape_cast %get3A_821 : vector<1x16xi32> to vector<16xi32>
    %dma_start3A_823 = arith.constant 7 : i32
    %dma_start3A_824 = arith.constant 112 : i32
    %dma_start3A_825 = arith.constant 0 : i32
    %dma_start3A_826 = tpu.memref_slice %arg6[%dma_start3A_823, %dma_start3A_824, %dma_start3A_825] : memref<10x128x64xf32, #tpu.memory_space<vmem>> -> memref<1x16x64xf32, #tpu.memory_space<vmem>>
    %dma_start3A_827 = tpu.memref_squeeze %dma_start3A_826 : memref<1x16x64xf32, #tpu.memory_space<vmem>> -> memref<16x64xf32, #tpu.memory_space<vmem>>
    %dma_start3A_828 = arith.constant 0 : i32
    %dma_start3A_829 = arith.constant 0 : i32
    %dma_start3A_830 = tpu.memref_slice %arg3[%dma_start3A_828, %dma_start3A_829] : memref<1000000x64xf32, #tpu.memory_space<hbm>> -> memref<1000000x64xf32, #tpu.memory_space<hbm>>
    tpu.enqueue_indirect_dma source(%dma_start3A_830 : memref<1000000x64xf32, #tpu.memory_space<hbm>>) target(%dma_start3A_827 : memref<16x64xf32, #tpu.memory_space<vmem>>) offsets(%get3A_822 : vector<16xi32>) semaphore(%arg14 : memref<!tpu.dma_semaphore, #tpu.memory_space<semaphore_mem>>)
    %get3A_831 = arith.constant 8 : i32
    %get3A_832 = arith.index_cast %get3A_831 : i32 to index
    %get3A_833 = arith.constant 0 : index
    %get3A_834 = tpu.vector_load %arg5[%get3A_832, %get3A_833] {strides = array<i32>} : memref<200x128xi32, #tpu.memory_space<vmem>>, vector<1x16xi32>,
    %get3A_835 = vector.shape_cast %get3A_834 : vector<1x16xi32> to vector<16xi32>
    %dma_start3A_836 = arith.constant 8 : i32
    %dma_start3A_837 = arith.constant 0 : i32
    %dma_start3A_838 = arith.constant 0 : i32
    %dma_start3A_839 = tpu.memref_slice %arg6[%dma_start3A_836, %dma_start3A_837, %dma_start3A_838] : memref<10x128x64xf32, #tpu.memory_space<vmem>> -> memref<1x16x64xf32, #tpu.memory_space<vmem>>
    %dma_start3A_840 = tpu.memref_squeeze %dma_start3A_839 : memref<1x16x64xf32, #tpu.memory_space<vmem>> -> memref<16x64xf32, #tpu.memory_space<vmem>>
    %dma_start3A_841 = arith.constant 0 : i32
    %dma_start3A_842 = arith.constant 0 : i32
    %dma_start3A_843 = tpu.memref_slice %arg3[%dma_start3A_841, %dma_start3A_842] : memref<1000000x64xf32, #tpu.memory_space<hbm>> -> memref<1000000x64xf32, #tpu.memory_space<hbm>>
    tpu.enqueue_indirect_dma source(%dma_start3A_843 : memref<1000000x64xf32, #tpu.memory_space<hbm>>) target(%dma_start3A_840 : memref<16x64xf32, #tpu.memory_space<vmem>>) offsets(%get3A_835 : vector<16xi32>) semaphore(%arg15 : memref<!tpu.dma_semaphore, #tpu.memory_space<semaphore_mem>>)
    %get3A_844 = arith.constant 8 : i32
    %get3A_845 = arith.index_cast %get3A_844 : i32 to index
    %get3A_846 = arith.constant 16 : index
    %get3A_847 = tpu.vector_load %arg5[%get3A_845, %get3A_846] {strides = array<i32>} : memref<200x128xi32, #tpu.memory_space<vmem>>, vector<1x16xi32>,
    %get3A_848 = vector.shape_cast %get3A_847 : vector<1x16xi32> to vector<16xi32>
    %dma_start3A_849 = arith.constant 8 : i32
    %dma_start3A_850 = arith.constant 16 : i32
    %dma_start3A_851 = arith.constant 0 : i32
    %dma_start3A_852 = tpu.memref_slice %arg6[%dma_start3A_849, %dma_start3A_850, %dma_start3A_851] : memref<10x128x64xf32, #tpu.memory_space<vmem>> -> memref<1x16x64xf32, #tpu.memory_space<vmem>>
    %dma_start3A_853 = tpu.memref_squeeze %dma_start3A_852 : memref<1x16x64xf32, #tpu.memory_space<vmem>> -> memref<16x64xf32, #tpu.memory_space<vmem>>
    %dma_start3A_854 = arith.constant 0 : i32
    %dma_start3A_855 = arith.constant 0 : i32
    %dma_start3A_856 = tpu.memref_slice %arg3[%dma_start3A_854, %dma_start3A_855] : memref<1000000x64xf32, #tpu.memory_space<hbm>> -> memref<1000000x64xf32, #tpu.memory_space<hbm>>
    tpu.enqueue_indirect_dma source(%dma_start3A_856 : memref<1000000x64xf32, #tpu.memory_space<hbm>>) target(%dma_start3A_853 : memref<16x64xf32, #tpu.memory_space<vmem>>) offsets(%get3A_848 : vector<16xi32>) semaphore(%arg15 : memref<!tpu.dma_semaphore, #tpu.memory_space<semaphore_mem>>)
    %get3A_857 = arith.constant 8 : i32
    %get3A_858 = arith.index_cast %get3A_857 : i32 to index
    %get3A_859 = arith.constant 32 : index
    %get3A_860 = tpu.vector_load %arg5[%get3A_858, %get3A_859] {strides = array<i32>} : memref<200x128xi32, #tpu.memory_space<vmem>>, vector<1x16xi32>,
    %get3A_861 = vector.shape_cast %get3A_860 : vector<1x16xi32> to vector<16xi32>
    %dma_start3A_862 = arith.constant 8 : i32
    %dma_start3A_863 = arith.constant 32 : i32
    %dma_start3A_864 = arith.constant 0 : i32
    %dma_start3A_865 = tpu.memref_slice %arg6[%dma_start3A_862, %dma_start3A_863, %dma_start3A_864] : memref<10x128x64xf32, #tpu.memory_space<vmem>> -> memref<1x16x64xf32, #tpu.memory_space<vmem>>
    %dma_start3A_866 = tpu.memref_squeeze %dma_start3A_865 : memref<1x16x64xf32, #tpu.memory_space<vmem>> -> memref<16x64xf32, #tpu.memory_space<vmem>>
    %dma_start3A_867 = arith.constant 0 : i32
    %dma_start3A_868 = arith.constant 0 : i32
    %dma_start3A_869 = tpu.memref_slice %arg3[%dma_start3A_867, %dma_start3A_868] : memref<1000000x64xf32, #tpu.memory_space<hbm>> -> memref<1000000x64xf32, #tpu.memory_space<hbm>>
    tpu.enqueue_indirect_dma source(%dma_start3A_869 : memref<1000000x64xf32, #tpu.memory_space<hbm>>) target(%dma_start3A_866 : memref<16x64xf32, #tpu.memory_space<vmem>>) offsets(%get3A_861 : vector<16xi32>) semaphore(%arg15 : memref<!tpu.dma_semaphore, #tpu.memory_space<semaphore_mem>>)
    %get3A_870 = arith.constant 8 : i32
    %get3A_871 = arith.index_cast %get3A_870 : i32 to index
    %get3A_872 = arith.constant 48 : index
    %get3A_873 = tpu.vector_load %arg5[%get3A_871, %get3A_872] {strides = array<i32>} : memref<200x128xi32, #tpu.memory_space<vmem>>, vector<1x16xi32>,
    %get3A_874 = vector.shape_cast %get3A_873 : vector<1x16xi32> to vector<16xi32>
    %dma_start3A_875 = arith.constant 8 : i32
    %dma_start3A_876 = arith.constant 48 : i32
    %dma_start3A_877 = arith.constant 0 : i32
    %dma_start3A_878 = tpu.memref_slice %arg6[%dma_start3A_875, %dma_start3A_876, %dma_start3A_877] : memref<10x128x64xf32, #tpu.memory_space<vmem>> -> memref<1x16x64xf32, #tpu.memory_space<vmem>>
    %dma_start3A_879 = tpu.memref_squeeze %dma_start3A_878 : memref<1x16x64xf32, #tpu.memory_space<vmem>> -> memref<16x64xf32, #tpu.memory_space<vmem>>
    %dma_start3A_880 = arith.constant 0 : i32
    %dma_start3A_881 = arith.constant 0 : i32
    %dma_start3A_882 = tpu.memref_slice %arg3[%dma_start3A_880, %dma_start3A_881] : memref<1000000x64xf32, #tpu.memory_space<hbm>> -> memref<1000000x64xf32, #tpu.memory_space<hbm>>
    tpu.enqueue_indirect_dma source(%dma_start3A_882 : memref<1000000x64xf32, #tpu.memory_space<hbm>>) target(%dma_start3A_879 : memref<16x64xf32, #tpu.memory_space<vmem>>) offsets(%get3A_874 : vector<16xi32>) semaphore(%arg15 : memref<!tpu.dma_semaphore, #tpu.memory_space<semaphore_mem>>)
    %get3A_883 = arith.constant 8 : i32
    %get3A_884 = arith.index_cast %get3A_883 : i32 to index
    %get3A_885 = arith.constant 64 : index
    %get3A_886 = tpu.vector_load %arg5[%get3A_884, %get3A_885] {strides = array<i32>} : memref<200x128xi32, #tpu.memory_space<vmem>>, vector<1x16xi32>,
    %get3A_887 = vector.shape_cast %get3A_886 : vector<1x16xi32> to vector<16xi32>
    %dma_start3A_888 = arith.constant 8 : i32
    %dma_start3A_889 = arith.constant 64 : i32
    %dma_start3A_890 = arith.constant 0 : i32
    %dma_start3A_891 = tpu.memref_slice %arg6[%dma_start3A_888, %dma_start3A_889, %dma_start3A_890] : memref<10x128x64xf32, #tpu.memory_space<vmem>> -> memref<1x16x64xf32, #tpu.memory_space<vmem>>
    %dma_start3A_892 = tpu.memref_squeeze %dma_start3A_891 : memref<1x16x64xf32, #tpu.memory_space<vmem>> -> memref<16x64xf32, #tpu.memory_space<vmem>>
    %dma_start3A_893 = arith.constant 0 : i32
    %dma_start3A_894 = arith.constant 0 : i32
    %dma_start3A_895 = tpu.memref_slice %arg3[%dma_start3A_893, %dma_start3A_894] : memref<1000000x64xf32, #tpu.memory_space<hbm>> -> memref<1000000x64xf32, #tpu.memory_space<hbm>>
    tpu.enqueue_indirect_dma source(%dma_start3A_895 : memref<1000000x64xf32, #tpu.memory_space<hbm>>) target(%dma_start3A_892 : memref<16x64xf32, #tpu.memory_space<vmem>>) offsets(%get3A_887 : vector<16xi32>) semaphore(%arg15 : memref<!tpu.dma_semaphore, #tpu.memory_space<semaphore_mem>>)
    %get3A_896 = arith.constant 8 : i32
    %get3A_897 = arith.index_cast %get3A_896 : i32 to index
    %get3A_898 = arith.constant 80 : index
    %get3A_899 = tpu.vector_load %arg5[%get3A_897, %get3A_898] {strides = array<i32>} : memref<200x128xi32, #tpu.memory_space<vmem>>, vector<1x16xi32>,
    %get3A_900 = vector.shape_cast %get3A_899 : vector<1x16xi32> to vector<16xi32>
    %dma_start3A_901 = arith.constant 8 : i32
    %dma_start3A_902 = arith.constant 80 : i32
    %dma_start3A_903 = arith.constant 0 : i32
    %dma_start3A_904 = tpu.memref_slice %arg6[%dma_start3A_901, %dma_start3A_902, %dma_start3A_903] : memref<10x128x64xf32, #tpu.memory_space<vmem>> -> memref<1x16x64xf32, #tpu.memory_space<vmem>>
    %dma_start3A_905 = tpu.memref_squeeze %dma_start3A_904 : memref<1x16x64xf32, #tpu.memory_space<vmem>> -> memref<16x64xf32, #tpu.memory_space<vmem>>
    %dma_start3A_906 = arith.constant 0 : i32
    %dma_start3A_907 = arith.constant 0 : i32
    %dma_start3A_908 = tpu.memref_slice %arg3[%dma_start3A_906, %dma_start3A_907] : memref<1000000x64xf32, #tpu.memory_space<hbm>> -> memref<1000000x64xf32, #tpu.memory_space<hbm>>
    tpu.enqueue_indirect_dma source(%dma_start3A_908 : memref<1000000x64xf32, #tpu.memory_space<hbm>>) target(%dma_start3A_905 : memref<16x64xf32, #tpu.memory_space<vmem>>) offsets(%get3A_900 : vector<16xi32>) semaphore(%arg15 : memref<!tpu.dma_semaphore, #tpu.memory_space<semaphore_mem>>)
    %get3A_909 = arith.constant 8 : i32
    %get3A_910 = arith.index_cast %get3A_909 : i32 to index
    %get3A_911 = arith.constant 96 : index
    %get3A_912 = tpu.vector_load %arg5[%get3A_910, %get3A_911] {strides = array<i32>} : memref<200x128xi32, #tpu.memory_space<vmem>>, vector<1x16xi32>,
    %get3A_913 = vector.shape_cast %get3A_912 : vector<1x16xi32> to vector<16xi32>
    %dma_start3A_914 = arith.constant 8 : i32
    %dma_start3A_915 = arith.constant 96 : i32
    %dma_start3A_916 = arith.constant 0 : i32
    %dma_start3A_917 = tpu.memref_slice %arg6[%dma_start3A_914, %dma_start3A_915, %dma_start3A_916] : memref<10x128x64xf32, #tpu.memory_space<vmem>> -> memref<1x16x64xf32, #tpu.memory_space<vmem>>
    %dma_start3A_918 = tpu.memref_squeeze %dma_start3A_917 : memref<1x16x64xf32, #tpu.memory_space<vmem>> -> memref<16x64xf32, #tpu.memory_space<vmem>>
    %dma_start3A_919 = arith.constant 0 : i32
    %dma_start3A_920 = arith.constant 0 : i32
    %dma_start3A_921 = tpu.memref_slice %arg3[%dma_start3A_919, %dma_start3A_920] : memref<1000000x64xf32, #tpu.memory_space<hbm>> -> memref<1000000x64xf32, #tpu.memory_space<hbm>>
    tpu.enqueue_indirect_dma source(%dma_start3A_921 : memref<1000000x64xf32, #tpu.memory_space<hbm>>) target(%dma_start3A_918 : memref<16x64xf32, #tpu.memory_space<vmem>>) offsets(%get3A_913 : vector<16xi32>) semaphore(%arg15 : memref<!tpu.dma_semaphore, #tpu.memory_space<semaphore_mem>>)
    %get3A_922 = arith.constant 8 : i32
    %get3A_923 = arith.index_cast %get3A_922 : i32 to index
    %get3A_924 = arith.constant 112 : index
    %get3A_925 = tpu.vector_load %arg5[%get3A_923, %get3A_924] {strides = array<i32>} : memref<200x128xi32, #tpu.memory_space<vmem>>, vector<1x16xi32>,
    %get3A_926 = vector.shape_cast %get3A_925 : vector<1x16xi32> to vector<16xi32>
    %dma_start3A_927 = arith.constant 8 : i32
    %dma_start3A_928 = arith.constant 112 : i32
    %dma_start3A_929 = arith.constant 0 : i32
    %dma_start3A_930 = tpu.memref_slice %arg6[%dma_start3A_927, %dma_start3A_928, %dma_start3A_929] : memref<10x128x64xf32, #tpu.memory_space<vmem>> -> memref<1x16x64xf32, #tpu.memory_space<vmem>>
    %dma_start3A_931 = tpu.memref_squeeze %dma_start3A_930 : memref<1x16x64xf32, #tpu.memory_space<vmem>> -> memref<16x64xf32, #tpu.memory_space<vmem>>
    %dma_start3A_932 = arith.constant 0 : i32
    %dma_start3A_933 = arith.constant 0 : i32
    %dma_start3A_934 = tpu.memref_slice %arg3[%dma_start3A_932, %dma_start3A_933] : memref<1000000x64xf32, #tpu.memory_space<hbm>> -> memref<1000000x64xf32, #tpu.memory_space<hbm>>
    tpu.enqueue_indirect_dma source(%dma_start3A_934 : memref<1000000x64xf32, #tpu.memory_space<hbm>>) target(%dma_start3A_931 : memref<16x64xf32, #tpu.memory_space<vmem>>) offsets(%get3A_926 : vector<16xi32>) semaphore(%arg15 : memref<!tpu.dma_semaphore, #tpu.memory_space<semaphore_mem>>)
    %get3A_935 = arith.constant 9 : i32
    %get3A_936 = arith.index_cast %get3A_935 : i32 to index
    %get3A_937 = arith.constant 0 : index
    %get3A_938 = tpu.vector_load %arg5[%get3A_936, %get3A_937] {strides = array<i32>} : memref<200x128xi32, #tpu.memory_space<vmem>>, vector<1x16xi32>,
    %get3A_939 = vector.shape_cast %get3A_938 : vector<1x16xi32> to vector<16xi32>
    %dma_start3A_940 = arith.constant 9 : i32
    %dma_start3A_941 = arith.constant 0 : i32
    %dma_start3A_942 = arith.constant 0 : i32
    %dma_start3A_943 = tpu.memref_slice %arg6[%dma_start3A_940, %dma_start3A_941, %dma_start3A_942] : memref<10x128x64xf32, #tpu.memory_space<vmem>> -> memref<1x16x64xf32, #tpu.memory_space<vmem>>
    %dma_start3A_944 = tpu.memref_squeeze %dma_start3A_943 : memref<1x16x64xf32, #tpu.memory_space<vmem>> -> memref<16x64xf32, #tpu.memory_space<vmem>>
    %dma_start3A_945 = arith.constant 0 : i32
    %dma_start3A_946 = arith.constant 0 : i32
    %dma_start3A_947 = tpu.memref_slice %arg3[%dma_start3A_945, %dma_start3A_946] : memref<1000000x64xf32, #tpu.memory_space<hbm>> -> memref<1000000x64xf32, #tpu.memory_space<hbm>>
    tpu.enqueue_indirect_dma source(%dma_start3A_947 : memref<1000000x64xf32, #tpu.memory_space<hbm>>) target(%dma_start3A_944 : memref<16x64xf32, #tpu.memory_space<vmem>>) offsets(%get3A_939 : vector<16xi32>) semaphore(%arg16 : memref<!tpu.dma_semaphore, #tpu.memory_space<semaphore_mem>>)
    %get3A_948 = arith.constant 9 : i32
    %get3A_949 = arith.index_cast %get3A_948 : i32 to index
    %get3A_950 = arith.constant 16 : index
    %get3A_951 = tpu.vector_load %arg5[%get3A_949, %get3A_950] {strides = array<i32>} : memref<200x128xi32, #tpu.memory_space<vmem>>, vector<1x16xi32>,
    %get3A_952 = vector.shape_cast %get3A_951 : vector<1x16xi32> to vector<16xi32>
    %dma_start3A_953 = arith.constant 9 : i32
    %dma_start3A_954 = arith.constant 16 : i32
    %dma_start3A_955 = arith.constant 0 : i32
    %dma_start3A_956 = tpu.memref_slice %arg6[%dma_start3A_953, %dma_start3A_954, %dma_start3A_955] : memref<10x128x64xf32, #tpu.memory_space<vmem>> -> memref<1x16x64xf32, #tpu.memory_space<vmem>>
    %dma_start3A_957 = tpu.memref_squeeze %dma_start3A_956 : memref<1x16x64xf32, #tpu.memory_space<vmem>> -> memref<16x64xf32, #tpu.memory_space<vmem>>
    %dma_start3A_958 = arith.constant 0 : i32
    %dma_start3A_959 = arith.constant 0 : i32
    %dma_start3A_960 = tpu.memref_slice %arg3[%dma_start3A_958, %dma_start3A_959] : memref<1000000x64xf32, #tpu.memory_space<hbm>> -> memref<1000000x64xf32, #tpu.memory_space<hbm>>
    tpu.enqueue_indirect_dma source(%dma_start3A_960 : memref<1000000x64xf32, #tpu.memory_space<hbm>>) target(%dma_start3A_957 : memref<16x64xf32, #tpu.memory_space<vmem>>) offsets(%get3A_952 : vector<16xi32>) semaphore(%arg16 : memref<!tpu.dma_semaphore, #tpu.memory_space<semaphore_mem>>)
    %get3A_961 = arith.constant 9 : i32
    %get3A_962 = arith.index_cast %get3A_961 : i32 to index
    %get3A_963 = arith.constant 32 : index
    %get3A_964 = tpu.vector_load %arg5[%get3A_962, %get3A_963] {strides = array<i32>} : memref<200x128xi32, #tpu.memory_space<vmem>>, vector<1x16xi32>,
    %get3A_965 = vector.shape_cast %get3A_964 : vector<1x16xi32> to vector<16xi32>
    %dma_start3A_966 = arith.constant 9 : i32
    %dma_start3A_967 = arith.constant 32 : i32
    %dma_start3A_968 = arith.constant 0 : i32
    %dma_start3A_969 = tpu.memref_slice %arg6[%dma_start3A_966, %dma_start3A_967, %dma_start3A_968] : memref<10x128x64xf32, #tpu.memory_space<vmem>> -> memref<1x16x64xf32, #tpu.memory_space<vmem>>
    %dma_start3A_970 = tpu.memref_squeeze %dma_start3A_969 : memref<1x16x64xf32, #tpu.memory_space<vmem>> -> memref<16x64xf32, #tpu.memory_space<vmem>>
    %dma_start3A_971 = arith.constant 0 : i32
    %dma_start3A_972 = arith.constant 0 : i32
    %dma_start3A_973 = tpu.memref_slice %arg3[%dma_start3A_971, %dma_start3A_972] : memref<1000000x64xf32, #tpu.memory_space<hbm>> -> memref<1000000x64xf32, #tpu.memory_space<hbm>>
    tpu.enqueue_indirect_dma source(%dma_start3A_973 : memref<1000000x64xf32, #tpu.memory_space<hbm>>) target(%dma_start3A_970 : memref<16x64xf32, #tpu.memory_space<vmem>>) offsets(%get3A_965 : vector<16xi32>) semaphore(%arg16 : memref<!tpu.dma_semaphore, #tpu.memory_space<semaphore_mem>>)
    %get3A_974 = arith.constant 9 : i32
    %get3A_975 = arith.index_cast %get3A_974 : i32 to index
    %get3A_976 = arith.constant 48 : index
    %get3A_977 = tpu.vector_load %arg5[%get3A_975, %get3A_976] {strides = array<i32>} : memref<200x128xi32, #tpu.memory_space<vmem>>, vector<1x16xi32>,
    %get3A_978 = vector.shape_cast %get3A_977 : vector<1x16xi32> to vector<16xi32>
    %dma_start3A_979 = arith.constant 9 : i32
    %dma_start3A_980 = arith.constant 48 : i32
    %dma_start3A_981 = arith.constant 0 : i32
    %dma_start3A_982 = tpu.memref_slice %arg6[%dma_start3A_979, %dma_start3A_980, %dma_start3A_981] : memref<10x128x64xf32, #tpu.memory_space<vmem>> -> memref<1x16x64xf32, #tpu.memory_space<vmem>>
    %dma_start3A_983 = tpu.memref_squeeze %dma_start3A_982 : memref<1x16x64xf32, #tpu.memory_space<vmem>> -> memref<16x64xf32, #tpu.memory_space<vmem>>
    %dma_start3A_984 = arith.constant 0 : i32
    %dma_start3A_985 = arith.constant 0 : i32
    %dma_start3A_986 = tpu.memref_slice %arg3[%dma_start3A_984, %dma_start3A_985] : memref<1000000x64xf32, #tpu.memory_space<hbm>> -> memref<1000000x64xf32, #tpu.memory_space<hbm>>
    tpu.enqueue_indirect_dma source(%dma_start3A_986 : memref<1000000x64xf32, #tpu.memory_space<hbm>>) target(%dma_start3A_983 : memref<16x64xf32, #tpu.memory_space<vmem>>) offsets(%get3A_978 : vector<16xi32>) semaphore(%arg16 : memref<!tpu.dma_semaphore, #tpu.memory_space<semaphore_mem>>)
    %get3A_987 = arith.constant 9 : i32
    %get3A_988 = arith.index_cast %get3A_987 : i32 to index
    %get3A_989 = arith.constant 64 : index
    %get3A_990 = tpu.vector_load %arg5[%get3A_988, %get3A_989] {strides = array<i32>} : memref<200x128xi32, #tpu.memory_space<vmem>>, vector<1x16xi32>,
    %get3A_991 = vector.shape_cast %get3A_990 : vector<1x16xi32> to vector<16xi32>
    %dma_start3A_992 = arith.constant 9 : i32
    %dma_start3A_993 = arith.constant 64 : i32
    %dma_start3A_994 = arith.constant 0 : i32
    %dma_start3A_995 = tpu.memref_slice %arg6[%dma_start3A_992, %dma_start3A_993, %dma_start3A_994] : memref<10x128x64xf32, #tpu.memory_space<vmem>> -> memref<1x16x64xf32, #tpu.memory_space<vmem>>
    %dma_start3A_996 = tpu.memref_squeeze %dma_start3A_995 : memref<1x16x64xf32, #tpu.memory_space<vmem>> -> memref<16x64xf32, #tpu.memory_space<vmem>>
    %dma_start3A_997 = arith.constant 0 : i32
    %dma_start3A_998 = arith.constant 0 : i32
    %dma_start3A_999 = tpu.memref_slice %arg3[%dma_start3A_997, %dma_start3A_998] : memref<1000000x64xf32, #tpu.memory_space<hbm>> -> memref<1000000x64xf32, #tpu.memory_space<hbm>>
    tpu.enqueue_indirect_dma source(%dma_start3A_999 : memref<1000000x64xf32, #tpu.memory_space<hbm>>) target(%dma_start3A_996 : memref<16x64xf32, #tpu.memory_space<vmem>>) offsets(%get3A_991 : vector<16xi32>) semaphore(%arg16 : memref<!tpu.dma_semaphore, #tpu.memory_space<semaphore_mem>>)
    %get3A_1000 = arith.constant 9 : i32
    %get3A_1001 = arith.index_cast %get3A_1000 : i32 to index
    %get3A_1002 = arith.constant 80 : index
    %get3A_1003 = tpu.vector_load %arg5[%get3A_1001, %get3A_1002] {strides = array<i32>} : memref<200x128xi32, #tpu.memory_space<vmem>>, vector<1x16xi32>,
    %get3A_1004 = vector.shape_cast %get3A_1003 : vector<1x16xi32> to vector<16xi32>
    %dma_start3A_1005 = arith.constant 9 : i32
    %dma_start3A_1006 = arith.constant 80 : i32
    %dma_start3A_1007 = arith.constant 0 : i32
    %dma_start3A_1008 = tpu.memref_slice %arg6[%dma_start3A_1005, %dma_start3A_1006, %dma_start3A_1007] : memref<10x128x64xf32, #tpu.memory_space<vmem>> -> memref<1x16x64xf32, #tpu.memory_space<vmem>>
    %dma_start3A_1009 = tpu.memref_squeeze %dma_start3A_1008 : memref<1x16x64xf32, #tpu.memory_space<vmem>> -> memref<16x64xf32, #tpu.memory_space<vmem>>
    %dma_start3A_1010 = arith.constant 0 : i32
    %dma_start3A_1011 = arith.constant 0 : i32
    %dma_start3A_1012 = tpu.memref_slice %arg3[%dma_start3A_1010, %dma_start3A_1011] : memref<1000000x64xf32, #tpu.memory_space<hbm>> -> memref<1000000x64xf32, #tpu.memory_space<hbm>>
    tpu.enqueue_indirect_dma source(%dma_start3A_1012 : memref<1000000x64xf32, #tpu.memory_space<hbm>>) target(%dma_start3A_1009 : memref<16x64xf32, #tpu.memory_space<vmem>>) offsets(%get3A_1004 : vector<16xi32>) semaphore(%arg16 : memref<!tpu.dma_semaphore, #tpu.memory_space<semaphore_mem>>)
    %get3A_1013 = arith.constant 9 : i32
    %get3A_1014 = arith.index_cast %get3A_1013 : i32 to index
    %get3A_1015 = arith.constant 96 : index
    %get3A_1016 = tpu.vector_load %arg5[%get3A_1014, %get3A_1015] {strides = array<i32>} : memref<200x128xi32, #tpu.memory_space<vmem>>, vector<1x16xi32>,
    %get3A_1017 = vector.shape_cast %get3A_1016 : vector<1x16xi32> to vector<16xi32>
    %dma_start3A_1018 = arith.constant 9 : i32
    %dma_start3A_1019 = arith.constant 96 : i32
    %dma_start3A_1020 = arith.constant 0 : i32
    %dma_start3A_1021 = tpu.memref_slice %arg6[%dma_start3A_1018, %dma_start3A_1019, %dma_start3A_1020] : memref<10x128x64xf32, #tpu.memory_space<vmem>> -> memref<1x16x64xf32, #tpu.memory_space<vmem>>
    %dma_start3A_1022 = tpu.memref_squeeze %dma_start3A_1021 : memref<1x16x64xf32, #tpu.memory_space<vmem>> -> memref<16x64xf32, #tpu.memory_space<vmem>>
    %dma_start3A_1023 = arith.constant 0 : i32
    %dma_start3A_1024 = arith.constant 0 : i32
    %dma_start3A_1025 = tpu.memref_slice %arg3[%dma_start3A_1023, %dma_start3A_1024] : memref<1000000x64xf32, #tpu.memory_space<hbm>> -> memref<1000000x64xf32, #tpu.memory_space<hbm>>
    tpu.enqueue_indirect_dma source(%dma_start3A_1025 : memref<1000000x64xf32, #tpu.memory_space<hbm>>) target(%dma_start3A_1022 : memref<16x64xf32, #tpu.memory_space<vmem>>) offsets(%get3A_1017 : vector<16xi32>) semaphore(%arg16 : memref<!tpu.dma_semaphore, #tpu.memory_space<semaphore_mem>>)
    %get3A_1026 = arith.constant 9 : i32
    %get3A_1027 = arith.index_cast %get3A_1026 : i32 to index
    %get3A_1028 = arith.constant 112 : index
    %get3A_1029 = tpu.vector_load %arg5[%get3A_1027, %get3A_1028] {strides = array<i32>} : memref<200x128xi32, #tpu.memory_space<vmem>>, vector<1x16xi32>,
    %get3A_1030 = vector.shape_cast %get3A_1029 : vector<1x16xi32> to vector<16xi32>
    %dma_start3A_1031 = arith.constant 9 : i32
    %dma_start3A_1032 = arith.constant 112 : i32
    %dma_start3A_1033 = arith.constant 0 : i32
    %dma_start3A_1034 = tpu.memref_slice %arg6[%dma_start3A_1031, %dma_start3A_1032, %dma_start3A_1033] : memref<10x128x64xf32, #tpu.memory_space<vmem>> -> memref<1x16x64xf32, #tpu.memory_space<vmem>>
    %dma_start3A_1035 = tpu.memref_squeeze %dma_start3A_1034 : memref<1x16x64xf32, #tpu.memory_space<vmem>> -> memref<16x64xf32, #tpu.memory_space<vmem>>
    %dma_start3A_1036 = arith.constant 0 : i32
    %dma_start3A_1037 = arith.constant 0 : i32
    %dma_start3A_1038 = tpu.memref_slice %arg3[%dma_start3A_1036, %dma_start3A_1037] : memref<1000000x64xf32, #tpu.memory_space<hbm>> -> memref<1000000x64xf32, #tpu.memory_space<hbm>>
    tpu.enqueue_indirect_dma source(%dma_start3A_1038 : memref<1000000x64xf32, #tpu.memory_space<hbm>>) target(%dma_start3A_1035 : memref<16x64xf32, #tpu.memory_space<vmem>>) offsets(%get3A_1030 : vector<16xi32>) semaphore(%arg16 : memref<!tpu.dma_semaphore, #tpu.memory_space<semaphore_mem>>)
    %scan3A = arith.constant 0 : i32
    %scan3A_1039 = arith.constant 0 : i32
    %scan3A_1040 = arith.constant 20 : i32
    %scan3A_1041 = arith.addi %scan3A_1039, %scan3A_1040 : i32
    %scan3A_1042 = arith.constant 1 : i32
    scf.for %scan3A_1223 = %scan3A_1039 to %scan3A_1041 step %scan3A_1042  : i32 {
      %mul3A_1224 = arith.constant 10 : i32
      %mul3A_1225 = arith.muli %scan3A_1223, %mul3A_1224 : i32
      %add3A_1226 = arith.constant 0 : i32
      %add3A_1227 = arith.addi %mul3A_1225, %add3A_1226 : i32
      %dma_wait3A_1228 = arith.constant 0 : i32
      %dma_wait3A_1229 = arith.constant 0 : i32
      %dma_wait3A_1230 = arith.constant 0 : i32
      %dma_wait3A_1231 = arith.constant 0 : i32
      %dma_wait3A_1232 = tpu.memref_slice %arg6[%dma_wait3A_1229, %dma_wait3A_1230, %dma_wait3A_1231] : memref<10x128x64xf32, #tpu.memory_space<vmem>> -> memref<1x128x64xf32, #tpu.memory_space<vmem>>
      %dma_wait3A_1233 = tpu.memref_squeeze %dma_wait3A_1232 : memref<1x128x64xf32, #tpu.memory_space<vmem>> -> memref<128x64xf32, #tpu.memory_space<vmem>>
      %dma_wait3A_1234 = arith.constant 0 : i32
      %dma_wait3A_1235 = tpu.memref_slice %arg5[%dma_wait3A_1228, %dma_wait3A_1234] : memref<200x128xi32, #tpu.memory_space<vmem>> -> memref<1x128xi32, #tpu.memory_space<vmem>>
      %dma_wait3A_1236 = tpu.memref_squeeze %dma_wait3A_1235 : memref<1x128xi32, #tpu.memory_space<vmem>> -> memref<128xi32, #tpu.memory_space<vmem>>
      %dma_wait3A_1237 = arith.constant 0 : i32
      %dma_wait3A_1238 = arith.constant 0 : i32
      %dma_wait3A_1239 = tpu.memref_slice %arg3[%dma_wait3A_1237, %dma_wait3A_1238] : memref<1000000x64xf32, #tpu.memory_space<hbm>> -> memref<1000000x64xf32, #tpu.memory_space<hbm>>
      tpu.wait_indirect_dma semaphore(%arg7 : memref<!tpu.dma_semaphore, #tpu.memory_space<semaphore_mem>>) src(%dma_wait3A_1239 : memref<1000000x64xf32, #tpu.memory_space<hbm>>) dst(%dma_wait3A_1233 : memref<128x64xf32, #tpu.memory_space<vmem>>)
      %mul3A_1240 = arith.constant 200 : i32
      %mul3A_1241 = arith.muli %add3A, %mul3A_1240 : i32
      %add3A_1242 = arith.addi %mul3A_1241, %add3A_1227 : i32
      %dma_start3A_1243 = arith.constant 0 : i32
      %dma_start3A_1244 = arith.constant 0 : i32
      %dma_start3A_1245 = arith.constant 0 : i32
      %dma_start3A_1246 = tpu.memref_slice %arg6[%dma_start3A_1243, %dma_start3A_1244, %dma_start3A_1245] : memref<10x128x64xf32, #tpu.memory_space<vmem>> -> memref<1x128x64xf32, #tpu.memory_space<vmem>>
      %dma_start3A_1247 = tpu.memref_squeeze %dma_start3A_1246 : memref<1x128x64xf32, #tpu.memory_space<vmem>> -> memref<128x64xf32, #tpu.memory_space<vmem>>
      %dma_start3A_1248 = arith.constant 0 : i32
      %dma_start3A_1249 = arith.constant 0 : i32
      %dma_start3A_1250 = tpu.memref_slice %arg4[%add3A_1242, %dma_start3A_1248, %dma_start3A_1249] : memref<6400x128x64xf32, #tpu.memory_space<hbm>> -> memref<1x128x64xf32, #tpu.memory_space<hbm>>
      %dma_start3A_1251 = tpu.memref_squeeze %dma_start3A_1250 : memref<1x128x64xf32, #tpu.memory_space<hbm>> -> memref<128x64xf32, #tpu.memory_space<hbm>>
      %dma_start3A_1252 = arith.constant 0 : i32
      %dma_start3A_1253 = arith.constant 0 : i32
      %dma_start3A_1254 = tpu.memref_slice %arg4[%add3A_1242, %dma_start3A_1252, %dma_start3A_1253] : memref<6400x128x64xf32, #tpu.memory_space<hbm>> -> memref<1x128x64xf32, #tpu.memory_space<hbm>>
      %dma_start3A_1255 = tpu.memref_squeeze %dma_start3A_1254 : memref<1x128x64xf32, #tpu.memory_space<hbm>> -> memref<128x64xf32, #tpu.memory_space<hbm>>
      %dma_start3A_1256 = arith.constant 0 : i32
      %dma_start3A_1257 = arith.constant 0 : i32
      %dma_start3A_1258 = tpu.memref_slice %arg6[%dma_start3A_1243, %dma_start3A_1256, %dma_start3A_1257] : memref<10x128x64xf32, #tpu.memory_space<vmem>> -> memref<1x128x64xf32, #tpu.memory_space<vmem>>
      %dma_start3A_1259 = tpu.memref_squeeze %dma_start3A_1258 : memref<1x128x64xf32, #tpu.memory_space<vmem>> -> memref<128x64xf32, #tpu.memory_space<vmem>>
      tpu.enqueue_dma source(%dma_start3A_1259 : memref<128x64xf32, #tpu.memory_space<vmem>>) target(%dma_start3A_1255 : memref<128x64xf32, #tpu.memory_space<hbm>>) target_semaphore(%arg17 : memref<!tpu.dma_semaphore, #tpu.memory_space<semaphore_mem>>)
      %sub3A = arith.constant 4 : i32
      %sub3A_1260 = arith.subi %add3A_1227, %sub3A : i32
      %ge3A = arith.constant 0 : i32
      %ge3A_1261 = arith.cmpi sge, %sub3A_1260, %ge3A : i32
      %sub3A_1262 = arith.constant 4 : i32
      %sub3A_1263 = arith.subi %add3A_1227, %sub3A_1262 : i32
      %add3A_1264 = arith.constant 10 : i32
      %add3A_1265 = arith.addi %sub3A_1263, %add3A_1264 : i32
      %lt3A = arith.constant 200 : i32
      %lt3A_1266 = arith.cmpi slt, %add3A_1265, %lt3A : i32
      %and3A = arith.andi %ge3A_1261, %lt3A_1266 : i1
      %convert_element_type3A = arith.extui %and3A : i1 to i32
      %cond3A = arith.constant 0 : i32
      %cond3A_1267 = arith.cmpi ne, %convert_element_type3A, %cond3A : i32
      scf.if %cond3A_1267 {
        %dma_wait3A_1718 = arith.constant 6 : i32
        %dma_wait3A_1719 = arith.constant 0 : i32
        %dma_wait3A_1720 = arith.constant 0 : i32
        %dma_wait3A_1721 = arith.constant 0 : i32
        %dma_wait3A_1722 = tpu.memref_slice %arg6[%dma_wait3A_1718, %dma_wait3A_1720, %dma_wait3A_1721] : memref<10x128x64xf32, #tpu.memory_space<vmem>> -> memref<1x128x64xf32, #tpu.memory_space<vmem>>
        %dma_wait3A_1723 = tpu.memref_squeeze %dma_wait3A_1722 : memref<1x128x64xf32, #tpu.memory_space<vmem>> -> memref<128x64xf32, #tpu.memory_space<vmem>>
        %dma_wait3A_1724 = arith.constant 0 : i32
        %dma_wait3A_1725 = arith.constant 0 : i32
        %dma_wait3A_1726 = tpu.memref_slice %arg4[%dma_wait3A_1719, %dma_wait3A_1724, %dma_wait3A_1725] : memref<6400x128x64xf32, #tpu.memory_space<hbm>> -> memref<1x128x64xf32, #tpu.memory_space<hbm>>
        %dma_wait3A_1727 = tpu.memref_squeeze %dma_wait3A_1726 : memref<1x128x64xf32, #tpu.memory_space<hbm>> -> memref<128x64xf32, #tpu.memory_space<hbm>>
        %dma_wait3A_1728 = arith.constant 0 : i32
        %dma_wait3A_1729 = arith.constant 0 : i32
        %dma_wait3A_1730 = tpu.memref_slice %arg4[%dma_wait3A_1719, %dma_wait3A_1728, %dma_wait3A_1729] : memref<6400x128x64xf32, #tpu.memory_space<hbm>> -> memref<1x128x64xf32, #tpu.memory_space<hbm>>
        %dma_wait3A_1731 = tpu.memref_squeeze %dma_wait3A_1730 : memref<1x128x64xf32, #tpu.memory_space<hbm>> -> memref<128x64xf32, #tpu.memory_space<hbm>>
        %dma_wait3A_1732 = arith.constant 0 : i32
        %dma_wait3A_1733 = arith.constant 0 : i32
        %dma_wait3A_1734 = tpu.memref_slice %arg6[%dma_wait3A_1718, %dma_wait3A_1732, %dma_wait3A_1733] : memref<10x128x64xf32, #tpu.memory_space<vmem>> -> memref<1x128x64xf32, #tpu.memory_space<vmem>>
        %dma_wait3A_1735 = tpu.memref_squeeze %dma_wait3A_1734 : memref<1x128x64xf32, #tpu.memory_space<vmem>> -> memref<128x64xf32, #tpu.memory_space<vmem>>
        tpu.wait_dma2 semaphore(%arg23 : memref<!tpu.dma_semaphore, #tpu.memory_space<semaphore_mem>>) src(%dma_wait3A_1735 : memref<128x64xf32, #tpu.memory_space<vmem>>) dst(%dma_wait3A_1731 : memref<128x64xf32, #tpu.memory_space<hbm>>)
        %sub3A_1736 = arith.constant 4 : i32
        %sub3A_1737 = arith.subi %add3A_1227, %sub3A_1736 : i32
        %add3A_1738 = arith.constant 10 : i32
        %add3A_1739 = arith.addi %sub3A_1737, %add3A_1738 : i32
        %get3A_1740 = arith.index_cast %add3A_1739 : i32 to index
        %get3A_1741 = arith.constant 0 : index
        %get3A_1742 = tpu.vector_load %arg5[%get3A_1740, %get3A_1741] {strides = array<i32>} : memref<200x128xi32, #tpu.memory_space<vmem>>, vector<1x16xi32>,
        %get3A_1743 = vector.shape_cast %get3A_1742 : vector<1x16xi32> to vector<16xi32>
        %dma_start3A_1744 = arith.constant 6 : i32
        %dma_start3A_1745 = arith.constant 0 : i32
        %dma_start3A_1746 = arith.constant 0 : i32
        %dma_start3A_1747 = tpu.memref_slice %arg6[%dma_start3A_1744, %dma_start3A_1745, %dma_start3A_1746] : memref<10x128x64xf32, #tpu.memory_space<vmem>> -> memref<1x16x64xf32, #tpu.memory_space<vmem>>
        %dma_start3A_1748 = tpu.memref_squeeze %dma_start3A_1747 : memref<1x16x64xf32, #tpu.memory_space<vmem>> -> memref<16x64xf32, #tpu.memory_space<vmem>>
        %dma_start3A_1749 = arith.constant 0 : i32
        %dma_start3A_1750 = arith.constant 0 : i32
        %dma_start3A_1751 = tpu.memref_slice %arg3[%dma_start3A_1749, %dma_start3A_1750] : memref<1000000x64xf32, #tpu.memory_space<hbm>> -> memref<1000000x64xf32, #tpu.memory_space<hbm>>
        tpu.enqueue_indirect_dma source(%dma_start3A_1751 : memref<1000000x64xf32, #tpu.memory_space<hbm>>) target(%dma_start3A_1748 : memref<16x64xf32, #tpu.memory_space<vmem>>) offsets(%get3A_1743 : vector<16xi32>) semaphore(%arg13 : memref<!tpu.dma_semaphore, #tpu.memory_space<semaphore_mem>>)
        %get3A_1752 = arith.index_cast %add3A_1739 : i32 to index
        %get3A_1753 = arith.constant 16 : index
        %get3A_1754 = tpu.vector_load %arg5[%get3A_1752, %get3A_1753] {strides = array<i32>} : memref<200x128xi32, #tpu.memory_space<vmem>>, vector<1x16xi32>,
        %get3A_1755 = vector.shape_cast %get3A_1754 : vector<1x16xi32> to vector<16xi32>
        %dma_start3A_1756 = arith.constant 6 : i32
        %dma_start3A_1757 = arith.constant 16 : i32
        %dma_start3A_1758 = arith.constant 0 : i32
        %dma_start3A_1759 = tpu.memref_slice %arg6[%dma_start3A_1756, %dma_start3A_1757, %dma_start3A_1758] : memref<10x128x64xf32, #tpu.memory_space<vmem>> -> memref<1x16x64xf32, #tpu.memory_space<vmem>>
        %dma_start3A_1760 = tpu.memref_squeeze %dma_start3A_1759 : memref<1x16x64xf32, #tpu.memory_space<vmem>> -> memref<16x64xf32, #tpu.memory_space<vmem>>
        %dma_start3A_1761 = arith.constant 0 : i32
        %dma_start3A_1762 = arith.constant 0 : i32
        %dma_start3A_1763 = tpu.memref_slice %arg3[%dma_start3A_1761, %dma_start3A_1762] : memref<1000000x64xf32, #tpu.memory_space<hbm>> -> memref<1000000x64xf32, #tpu.memory_space<hbm>>
        tpu.enqueue_indirect_dma source(%dma_start3A_1763 : memref<1000000x64xf32, #tpu.memory_space<hbm>>) target(%dma_start3A_1760 : memref<16x64xf32, #tpu.memory_space<vmem>>) offsets(%get3A_1755 : vector<16xi32>) semaphore(%arg13 : memref<!tpu.dma_semaphore, #tpu.memory_space<semaphore_mem>>)
        %get3A_1764 = arith.index_cast %add3A_1739 : i32 to index
        %get3A_1765 = arith.constant 32 : index
        %get3A_1766 = tpu.vector_load %arg5[%get3A_1764, %get3A_1765] {strides = array<i32>} : memref<200x128xi32, #tpu.memory_space<vmem>>, vector<1x16xi32>,
        %get3A_1767 = vector.shape_cast %get3A_1766 : vector<1x16xi32> to vector<16xi32>
        %dma_start3A_1768 = arith.constant 6 : i32
        %dma_start3A_1769 = arith.constant 32 : i32
        %dma_start3A_1770 = arith.constant 0 : i32
        %dma_start3A_1771 = tpu.memref_slice %arg6[%dma_start3A_1768, %dma_start3A_1769, %dma_start3A_1770] : memref<10x128x64xf32, #tpu.memory_space<vmem>> -> memref<1x16x64xf32, #tpu.memory_space<vmem>>
        %dma_start3A_1772 = tpu.memref_squeeze %dma_start3A_1771 : memref<1x16x64xf32, #tpu.memory_space<vmem>> -> memref<16x64xf32, #tpu.memory_space<vmem>>
        %dma_start3A_1773 = arith.constant 0 : i32
        %dma_start3A_1774 = arith.constant 0 : i32
        %dma_start3A_1775 = tpu.memref_slice %arg3[%dma_start3A_1773, %dma_start3A_1774] : memref<1000000x64xf32, #tpu.memory_space<hbm>> -> memref<1000000x64xf32, #tpu.memory_space<hbm>>
        tpu.enqueue_indirect_dma source(%dma_start3A_1775 : memref<1000000x64xf32, #tpu.memory_space<hbm>>) target(%dma_start3A_1772 : memref<16x64xf32, #tpu.memory_space<vmem>>) offsets(%get3A_1767 : vector<16xi32>) semaphore(%arg13 : memref<!tpu.dma_semaphore, #tpu.memory_space<semaphore_mem>>)
        %get3A_1776 = arith.index_cast %add3A_1739 : i32 to index
        %get3A_1777 = arith.constant 48 : index
        %get3A_1778 = tpu.vector_load %arg5[%get3A_1776, %get3A_1777] {strides = array<i32>} : memref<200x128xi32, #tpu.memory_space<vmem>>, vector<1x16xi32>,
        %get3A_1779 = vector.shape_cast %get3A_1778 : vector<1x16xi32> to vector<16xi32>
        %dma_start3A_1780 = arith.constant 6 : i32
        %dma_start3A_1781 = arith.constant 48 : i32
        %dma_start3A_1782 = arith.constant 0 : i32
        %dma_start3A_1783 = tpu.memref_slice %arg6[%dma_start3A_1780, %dma_start3A_1781, %dma_start3A_1782] : memref<10x128x64xf32, #tpu.memory_space<vmem>> -> memref<1x16x64xf32, #tpu.memory_space<vmem>>
        %dma_start3A_1784 = tpu.memref_squeeze %dma_start3A_1783 : memref<1x16x64xf32, #tpu.memory_space<vmem>> -> memref<16x64xf32, #tpu.memory_space<vmem>>
        %dma_start3A_1785 = arith.constant 0 : i32
        %dma_start3A_1786 = arith.constant 0 : i32
        %dma_start3A_1787 = tpu.memref_slice %arg3[%dma_start3A_1785, %dma_start3A_1786] : memref<1000000x64xf32, #tpu.memory_space<hbm>> -> memref<1000000x64xf32, #tpu.memory_space<hbm>>
        tpu.enqueue_indirect_dma source(%dma_start3A_1787 : memref<1000000x64xf32, #tpu.memory_space<hbm>>) target(%dma_start3A_1784 : memref<16x64xf32, #tpu.memory_space<vmem>>) offsets(%get3A_1779 : vector<16xi32>) semaphore(%arg13 : memref<!tpu.dma_semaphore, #tpu.memory_space<semaphore_mem>>)
        %get3A_1788 = arith.index_cast %add3A_1739 : i32 to index
        %get3A_1789 = arith.constant 64 : index
        %get3A_1790 = tpu.vector_load %arg5[%get3A_1788, %get3A_1789] {strides = array<i32>} : memref<200x128xi32, #tpu.memory_space<vmem>>, vector<1x16xi32>,
        %get3A_1791 = vector.shape_cast %get3A_1790 : vector<1x16xi32> to vector<16xi32>
        %dma_start3A_1792 = arith.constant 6 : i32
        %dma_start3A_1793 = arith.constant 64 : i32
        %dma_start3A_1794 = arith.constant 0 : i32
        %dma_start3A_1795 = tpu.memref_slice %arg6[%dma_start3A_1792, %dma_start3A_1793, %dma_start3A_1794] : memref<10x128x64xf32, #tpu.memory_space<vmem>> -> memref<1x16x64xf32, #tpu.memory_space<vmem>>
        %dma_start3A_1796 = tpu.memref_squeeze %dma_start3A_1795 : memref<1x16x64xf32, #tpu.memory_space<vmem>> -> memref<16x64xf32, #tpu.memory_space<vmem>>
        %dma_start3A_1797 = arith.constant 0 : i32
        %dma_start3A_1798 = arith.constant 0 : i32
        %dma_start3A_1799 = tpu.memref_slice %arg3[%dma_start3A_1797, %dma_start3A_1798] : memref<1000000x64xf32, #tpu.memory_space<hbm>> -> memref<1000000x64xf32, #tpu.memory_space<hbm>>
        tpu.enqueue_indirect_dma source(%dma_start3A_1799 : memref<1000000x64xf32, #tpu.memory_space<hbm>>) target(%dma_start3A_1796 : memref<16x64xf32, #tpu.memory_space<vmem>>) offsets(%get3A_1791 : vector<16xi32>) semaphore(%arg13 : memref<!tpu.dma_semaphore, #tpu.memory_space<semaphore_mem>>)
        %get3A_1800 = arith.index_cast %add3A_1739 : i32 to index
        %get3A_1801 = arith.constant 80 : index
        %get3A_1802 = tpu.vector_load %arg5[%get3A_1800, %get3A_1801] {strides = array<i32>} : memref<200x128xi32, #tpu.memory_space<vmem>>, vector<1x16xi32>,
        %get3A_1803 = vector.shape_cast %get3A_1802 : vector<1x16xi32> to vector<16xi32>
        %dma_start3A_1804 = arith.constant 6 : i32
        %dma_start3A_1805 = arith.constant 80 : i32
        %dma_start3A_1806 = arith.constant 0 : i32
        %dma_start3A_1807 = tpu.memref_slice %arg6[%dma_start3A_1804, %dma_start3A_1805, %dma_start3A_1806] : memref<10x128x64xf32, #tpu.memory_space<vmem>> -> memref<1x16x64xf32, #tpu.memory_space<vmem>>
        %dma_start3A_1808 = tpu.memref_squeeze %dma_start3A_1807 : memref<1x16x64xf32, #tpu.memory_space<vmem>> -> memref<16x64xf32, #tpu.memory_space<vmem>>
        %dma_start3A_1809 = arith.constant 0 : i32
        %dma_start3A_1810 = arith.constant 0 : i32
        %dma_start3A_1811 = tpu.memref_slice %arg3[%dma_start3A_1809, %dma_start3A_1810] : memref<1000000x64xf32, #tpu.memory_space<hbm>> -> memref<1000000x64xf32, #tpu.memory_space<hbm>>
        tpu.enqueue_indirect_dma source(%dma_start3A_1811 : memref<1000000x64xf32, #tpu.memory_space<hbm>>) target(%dma_start3A_1808 : memref<16x64xf32, #tpu.memory_space<vmem>>) offsets(%get3A_1803 : vector<16xi32>) semaphore(%arg13 : memref<!tpu.dma_semaphore, #tpu.memory_space<semaphore_mem>>)
        %get3A_1812 = arith.index_cast %add3A_1739 : i32 to index
        %get3A_1813 = arith.constant 96 : index
        %get3A_1814 = tpu.vector_load %arg5[%get3A_1812, %get3A_1813] {strides = array<i32>} : memref<200x128xi32, #tpu.memory_space<vmem>>, vector<1x16xi32>,
        %get3A_1815 = vector.shape_cast %get3A_1814 : vector<1x16xi32> to vector<16xi32>
        %dma_start3A_1816 = arith.constant 6 : i32
        %dma_start3A_1817 = arith.constant 96 : i32
        %dma_start3A_1818 = arith.constant 0 : i32
        %dma_start3A_1819 = tpu.memref_slice %arg6[%dma_start3A_1816, %dma_start3A_1817, %dma_start3A_1818] : memref<10x128x64xf32, #tpu.memory_space<vmem>> -> memref<1x16x64xf32, #tpu.memory_space<vmem>>
        %dma_start3A_1820 = tpu.memref_squeeze %dma_start3A_1819 : memref<1x16x64xf32, #tpu.memory_space<vmem>> -> memref<16x64xf32, #tpu.memory_space<vmem>>
        %dma_start3A_1821 = arith.constant 0 : i32
        %dma_start3A_1822 = arith.constant 0 : i32
        %dma_start3A_1823 = tpu.memref_slice %arg3[%dma_start3A_1821, %dma_start3A_1822] : memref<1000000x64xf32, #tpu.memory_space<hbm>> -> memref<1000000x64xf32, #tpu.memory_space<hbm>>
        tpu.enqueue_indirect_dma source(%dma_start3A_1823 : memref<1000000x64xf32, #tpu.memory_space<hbm>>) target(%dma_start3A_1820 : memref<16x64xf32, #tpu.memory_space<vmem>>) offsets(%get3A_1815 : vector<16xi32>) semaphore(%arg13 : memref<!tpu.dma_semaphore, #tpu.memory_space<semaphore_mem>>)
        %get3A_1824 = arith.index_cast %add3A_1739 : i32 to index
        %get3A_1825 = arith.constant 112 : index
        %get3A_1826 = tpu.vector_load %arg5[%get3A_1824, %get3A_1825] {strides = array<i32>} : memref<200x128xi32, #tpu.memory_space<vmem>>, vector<1x16xi32>,
        %get3A_1827 = vector.shape_cast %get3A_1826 : vector<1x16xi32> to vector<16xi32>
        %dma_start3A_1828 = arith.constant 6 : i32
        %dma_start3A_1829 = arith.constant 112 : i32
        %dma_start3A_1830 = arith.constant 0 : i32
        %dma_start3A_1831 = tpu.memref_slice %arg6[%dma_start3A_1828, %dma_start3A_1829, %dma_start3A_1830] : memref<10x128x64xf32, #tpu.memory_space<vmem>> -> memref<1x16x64xf32, #tpu.memory_space<vmem>>
        %dma_start3A_1832 = tpu.memref_squeeze %dma_start3A_1831 : memref<1x16x64xf32, #tpu.memory_space<vmem>> -> memref<16x64xf32, #tpu.memory_space<vmem>>
        %dma_start3A_1833 = arith.constant 0 : i32
        %dma_start3A_1834 = arith.constant 0 : i32
        %dma_start3A_1835 = tpu.memref_slice %arg3[%dma_start3A_1833, %dma_start3A_1834] : memref<1000000x64xf32, #tpu.memory_space<hbm>> -> memref<1000000x64xf32, #tpu.memory_space<hbm>>
        tpu.enqueue_indirect_dma source(%dma_start3A_1835 : memref<1000000x64xf32, #tpu.memory_space<hbm>>) target(%dma_start3A_1832 : memref<16x64xf32, #tpu.memory_space<vmem>>) offsets(%get3A_1827 : vector<16xi32>) semaphore(%arg13 : memref<!tpu.dma_semaphore, #tpu.memory_space<semaphore_mem>>)
      } else {
      }
      %mul3A_1268 = arith.constant 10 : i32
      %mul3A_1269 = arith.muli %scan3A_1223, %mul3A_1268 : i32
      %add3A_1270 = arith.constant 1 : i32
      %add3A_1271 = arith.addi %mul3A_1269, %add3A_1270 : i32
      %dma_wait3A_1272 = arith.constant 0 : i32
      %dma_wait3A_1273 = arith.constant 1 : i32
      %dma_wait3A_1274 = arith.constant 0 : i32
      %dma_wait3A_1275 = arith.constant 0 : i32
      %dma_wait3A_1276 = tpu.memref_slice %arg6[%dma_wait3A_1273, %dma_wait3A_1274, %dma_wait3A_1275] : memref<10x128x64xf32, #tpu.memory_space<vmem>> -> memref<1x128x64xf32, #tpu.memory_space<vmem>>
      %dma_wait3A_1277 = tpu.memref_squeeze %dma_wait3A_1276 : memref<1x128x64xf32, #tpu.memory_space<vmem>> -> memref<128x64xf32, #tpu.memory_space<vmem>>
      %dma_wait3A_1278 = arith.constant 0 : i32
      %dma_wait3A_1279 = tpu.memref_slice %arg5[%dma_wait3A_1272, %dma_wait3A_1278] : memref<200x128xi32, #tpu.memory_space<vmem>> -> memref<1x128xi32, #tpu.memory_space<vmem>>
      %dma_wait3A_1280 = tpu.memref_squeeze %dma_wait3A_1279 : memref<1x128xi32, #tpu.memory_space<vmem>> -> memref<128xi32, #tpu.memory_space<vmem>>
      %dma_wait3A_1281 = arith.constant 0 : i32
      %dma_wait3A_1282 = arith.constant 0 : i32
      %dma_wait3A_1283 = tpu.memref_slice %arg3[%dma_wait3A_1281, %dma_wait3A_1282] : memref<1000000x64xf32, #tpu.memory_space<hbm>> -> memref<1000000x64xf32, #tpu.memory_space<hbm>>
      tpu.wait_indirect_dma semaphore(%arg8 : memref<!tpu.dma_semaphore, #tpu.memory_space<semaphore_mem>>) src(%dma_wait3A_1283 : memref<1000000x64xf32, #tpu.memory_space<hbm>>) dst(%dma_wait3A_1277 : memref<128x64xf32, #tpu.memory_space<vmem>>)
      %mul3A_1284 = arith.constant 200 : i32
      %mul3A_1285 = arith.muli %add3A, %mul3A_1284 : i32
      %add3A_1286 = arith.addi %mul3A_1285, %add3A_1271 : i32
      %dma_start3A_1287 = arith.constant 1 : i32
      %dma_start3A_1288 = arith.constant 0 : i32
      %dma_start3A_1289 = arith.constant 0 : i32
      %dma_start3A_1290 = tpu.memref_slice %arg6[%dma_start3A_1287, %dma_start3A_1288, %dma_start3A_1289] : memref<10x128x64xf32, #tpu.memory_space<vmem>> -> memref<1x128x64xf32, #tpu.memory_space<vmem>>
      %dma_start3A_1291 = tpu.memref_squeeze %dma_start3A_1290 : memref<1x128x64xf32, #tpu.memory_space<vmem>> -> memref<128x64xf32, #tpu.memory_space<vmem>>
      %dma_start3A_1292 = arith.constant 0 : i32
      %dma_start3A_1293 = arith.constant 0 : i32
      %dma_start3A_1294 = tpu.memref_slice %arg4[%add3A_1286, %dma_start3A_1292, %dma_start3A_1293] : memref<6400x128x64xf32, #tpu.memory_space<hbm>> -> memref<1x128x64xf32, #tpu.memory_space<hbm>>
      %dma_start3A_1295 = tpu.memref_squeeze %dma_start3A_1294 : memref<1x128x64xf32, #tpu.memory_space<hbm>> -> memref<128x64xf32, #tpu.memory_space<hbm>>
      %dma_start3A_1296 = arith.constant 0 : i32
      %dma_start3A_1297 = arith.constant 0 : i32
      %dma_start3A_1298 = tpu.memref_slice %arg4[%add3A_1286, %dma_start3A_1296, %dma_start3A_1297] : memref<6400x128x64xf32, #tpu.memory_space<hbm>> -> memref<1x128x64xf32, #tpu.memory_space<hbm>>
      %dma_start3A_1299 = tpu.memref_squeeze %dma_start3A_1298 : memref<1x128x64xf32, #tpu.memory_space<hbm>> -> memref<128x64xf32, #tpu.memory_space<hbm>>
      %dma_start3A_1300 = arith.constant 0 : i32
      %dma_start3A_1301 = arith.constant 0 : i32
      %dma_start3A_1302 = tpu.memref_slice %arg6[%dma_start3A_1287, %dma_start3A_1300, %dma_start3A_1301] : memref<10x128x64xf32, #tpu.memory_space<vmem>> -> memref<1x128x64xf32, #tpu.memory_space<vmem>>
      %dma_start3A_1303 = tpu.memref_squeeze %dma_start3A_1302 : memref<1x128x64xf32, #tpu.memory_space<vmem>> -> memref<128x64xf32, #tpu.memory_space<vmem>>
      tpu.enqueue_dma source(%dma_start3A_1303 : memref<128x64xf32, #tpu.memory_space<vmem>>) target(%dma_start3A_1299 : memref<128x64xf32, #tpu.memory_space<hbm>>) target_semaphore(%arg18 : memref<!tpu.dma_semaphore, #tpu.memory_space<semaphore_mem>>)
      %sub3A_1304 = arith.constant 4 : i32
      %sub3A_1305 = arith.subi %add3A_1271, %sub3A_1304 : i32
      %ge3A_1306 = arith.constant 0 : i32
      %ge3A_1307 = arith.cmpi sge, %sub3A_1305, %ge3A_1306 : i32
      %sub3A_1308 = arith.constant 4 : i32
      %sub3A_1309 = arith.subi %add3A_1271, %sub3A_1308 : i32
      %add3A_1310 = arith.constant 10 : i32
      %add3A_1311 = arith.addi %sub3A_1309, %add3A_1310 : i32
      %lt3A_1312 = arith.constant 200 : i32
      %lt3A_1313 = arith.cmpi slt, %add3A_1311, %lt3A_1312 : i32
      %and3A_1314 = arith.andi %ge3A_1307, %lt3A_1313 : i1
      %convert_element_type3A_1315 = arith.extui %and3A_1314 : i1 to i32
      %cond3A_1316 = arith.constant 0 : i32
      %cond3A_1317 = arith.cmpi ne, %convert_element_type3A_1315, %cond3A_1316 : i32
      scf.if %cond3A_1317 {
        %dma_wait3A_1718 = arith.constant 7 : i32
        %dma_wait3A_1719 = arith.constant 0 : i32
        %dma_wait3A_1720 = arith.constant 0 : i32
        %dma_wait3A_1721 = arith.constant 0 : i32
        %dma_wait3A_1722 = tpu.memref_slice %arg6[%dma_wait3A_1718, %dma_wait3A_1720, %dma_wait3A_1721] : memref<10x128x64xf32, #tpu.memory_space<vmem>> -> memref<1x128x64xf32, #tpu.memory_space<vmem>>
        %dma_wait3A_1723 = tpu.memref_squeeze %dma_wait3A_1722 : memref<1x128x64xf32, #tpu.memory_space<vmem>> -> memref<128x64xf32, #tpu.memory_space<vmem>>
        %dma_wait3A_1724 = arith.constant 0 : i32
        %dma_wait3A_1725 = arith.constant 0 : i32
        %dma_wait3A_1726 = tpu.memref_slice %arg4[%dma_wait3A_1719, %dma_wait3A_1724, %dma_wait3A_1725] : memref<6400x128x64xf32, #tpu.memory_space<hbm>> -> memref<1x128x64xf32, #tpu.memory_space<hbm>>
        %dma_wait3A_1727 = tpu.memref_squeeze %dma_wait3A_1726 : memref<1x128x64xf32, #tpu.memory_space<hbm>> -> memref<128x64xf32, #tpu.memory_space<hbm>>
        %dma_wait3A_1728 = arith.constant 0 : i32
        %dma_wait3A_1729 = arith.constant 0 : i32
        %dma_wait3A_1730 = tpu.memref_slice %arg4[%dma_wait3A_1719, %dma_wait3A_1728, %dma_wait3A_1729] : memref<6400x128x64xf32, #tpu.memory_space<hbm>> -> memref<1x128x64xf32, #tpu.memory_space<hbm>>
        %dma_wait3A_1731 = tpu.memref_squeeze %dma_wait3A_1730 : memref<1x128x64xf32, #tpu.memory_space<hbm>> -> memref<128x64xf32, #tpu.memory_space<hbm>>
        %dma_wait3A_1732 = arith.constant 0 : i32
        %dma_wait3A_1733 = arith.constant 0 : i32
        %dma_wait3A_1734 = tpu.memref_slice %arg6[%dma_wait3A_1718, %dma_wait3A_1732, %dma_wait3A_1733] : memref<10x128x64xf32, #tpu.memory_space<vmem>> -> memref<1x128x64xf32, #tpu.memory_space<vmem>>
        %dma_wait3A_1735 = tpu.memref_squeeze %dma_wait3A_1734 : memref<1x128x64xf32, #tpu.memory_space<vmem>> -> memref<128x64xf32, #tpu.memory_space<vmem>>
        tpu.wait_dma2 semaphore(%arg24 : memref<!tpu.dma_semaphore, #tpu.memory_space<semaphore_mem>>) src(%dma_wait3A_1735 : memref<128x64xf32, #tpu.memory_space<vmem>>) dst(%dma_wait3A_1731 : memref<128x64xf32, #tpu.memory_space<hbm>>)
        %sub3A_1736 = arith.constant 4 : i32
        %sub3A_1737 = arith.subi %add3A_1271, %sub3A_1736 : i32
        %add3A_1738 = arith.constant 10 : i32
        %add3A_1739 = arith.addi %sub3A_1737, %add3A_1738 : i32
        %get3A_1740 = arith.index_cast %add3A_1739 : i32 to index
        %get3A_1741 = arith.constant 0 : index
        %get3A_1742 = tpu.vector_load %arg5[%get3A_1740, %get3A_1741] {strides = array<i32>} : memref<200x128xi32, #tpu.memory_space<vmem>>, vector<1x16xi32>,
        %get3A_1743 = vector.shape_cast %get3A_1742 : vector<1x16xi32> to vector<16xi32>
        %dma_start3A_1744 = arith.constant 7 : i32
        %dma_start3A_1745 = arith.constant 0 : i32
        %dma_start3A_1746 = arith.constant 0 : i32
        %dma_start3A_1747 = tpu.memref_slice %arg6[%dma_start3A_1744, %dma_start3A_1745, %dma_start3A_1746] : memref<10x128x64xf32, #tpu.memory_space<vmem>> -> memref<1x16x64xf32, #tpu.memory_space<vmem>>
        %dma_start3A_1748 = tpu.memref_squeeze %dma_start3A_1747 : memref<1x16x64xf32, #tpu.memory_space<vmem>> -> memref<16x64xf32, #tpu.memory_space<vmem>>
        %dma_start3A_1749 = arith.constant 0 : i32
        %dma_start3A_1750 = arith.constant 0 : i32
        %dma_start3A_1751 = tpu.memref_slice %arg3[%dma_start3A_1749, %dma_start3A_1750] : memref<1000000x64xf32, #tpu.memory_space<hbm>> -> memref<1000000x64xf32, #tpu.memory_space<hbm>>
        tpu.enqueue_indirect_dma source(%dma_start3A_1751 : memref<1000000x64xf32, #tpu.memory_space<hbm>>) target(%dma_start3A_1748 : memref<16x64xf32, #tpu.memory_space<vmem>>) offsets(%get3A_1743 : vector<16xi32>) semaphore(%arg14 : memref<!tpu.dma_semaphore, #tpu.memory_space<semaphore_mem>>)
        %get3A_1752 = arith.index_cast %add3A_1739 : i32 to index
        %get3A_1753 = arith.constant 16 : index
        %get3A_1754 = tpu.vector_load %arg5[%get3A_1752, %get3A_1753] {strides = array<i32>} : memref<200x128xi32, #tpu.memory_space<vmem>>, vector<1x16xi32>,
        %get3A_1755 = vector.shape_cast %get3A_1754 : vector<1x16xi32> to vector<16xi32>
        %dma_start3A_1756 = arith.constant 7 : i32
        %dma_start3A_1757 = arith.constant 16 : i32
        %dma_start3A_1758 = arith.constant 0 : i32
        %dma_start3A_1759 = tpu.memref_slice %arg6[%dma_start3A_1756, %dma_start3A_1757, %dma_start3A_1758] : memref<10x128x64xf32, #tpu.memory_space<vmem>> -> memref<1x16x64xf32, #tpu.memory_space<vmem>>
        %dma_start3A_1760 = tpu.memref_squeeze %dma_start3A_1759 : memref<1x16x64xf32, #tpu.memory_space<vmem>> -> memref<16x64xf32, #tpu.memory_space<vmem>>
        %dma_start3A_1761 = arith.constant 0 : i32
        %dma_start3A_1762 = arith.constant 0 : i32
        %dma_start3A_1763 = tpu.memref_slice %arg3[%dma_start3A_1761, %dma_start3A_1762] : memref<1000000x64xf32, #tpu.memory_space<hbm>> -> memref<1000000x64xf32, #tpu.memory_space<hbm>>
        tpu.enqueue_indirect_dma source(%dma_start3A_1763 : memref<1000000x64xf32, #tpu.memory_space<hbm>>) target(%dma_start3A_1760 : memref<16x64xf32, #tpu.memory_space<vmem>>) offsets(%get3A_1755 : vector<16xi32>) semaphore(%arg14 : memref<!tpu.dma_semaphore, #tpu.memory_space<semaphore_mem>>)
        %get3A_1764 = arith.index_cast %add3A_1739 : i32 to index
        %get3A_1765 = arith.constant 32 : index
        %get3A_1766 = tpu.vector_load %arg5[%get3A_1764, %get3A_1765] {strides = array<i32>} : memref<200x128xi32, #tpu.memory_space<vmem>>, vector<1x16xi32>,
        %get3A_1767 = vector.shape_cast %get3A_1766 : vector<1x16xi32> to vector<16xi32>
        %dma_start3A_1768 = arith.constant 7 : i32
        %dma_start3A_1769 = arith.constant 32 : i32
        %dma_start3A_1770 = arith.constant 0 : i32
        %dma_start3A_1771 = tpu.memref_slice %arg6[%dma_start3A_1768, %dma_start3A_1769, %dma_start3A_1770] : memref<10x128x64xf32, #tpu.memory_space<vmem>> -> memref<1x16x64xf32, #tpu.memory_space<vmem>>
        %dma_start3A_1772 = tpu.memref_squeeze %dma_start3A_1771 : memref<1x16x64xf32, #tpu.memory_space<vmem>> -> memref<16x64xf32, #tpu.memory_space<vmem>>
        %dma_start3A_1773 = arith.constant 0 : i32
        %dma_start3A_1774 = arith.constant 0 : i32
        %dma_start3A_1775 = tpu.memref_slice %arg3[%dma_start3A_1773, %dma_start3A_1774] : memref<1000000x64xf32, #tpu.memory_space<hbm>> -> memref<1000000x64xf32, #tpu.memory_space<hbm>>
        tpu.enqueue_indirect_dma source(%dma_start3A_1775 : memref<1000000x64xf32, #tpu.memory_space<hbm>>) target(%dma_start3A_1772 : memref<16x64xf32, #tpu.memory_space<vmem>>) offsets(%get3A_1767 : vector<16xi32>) semaphore(%arg14 : memref<!tpu.dma_semaphore, #tpu.memory_space<semaphore_mem>>)
        %get3A_1776 = arith.index_cast %add3A_1739 : i32 to index
        %get3A_1777 = arith.constant 48 : index
        %get3A_1778 = tpu.vector_load %arg5[%get3A_1776, %get3A_1777] {strides = array<i32>} : memref<200x128xi32, #tpu.memory_space<vmem>>, vector<1x16xi32>,
        %get3A_1779 = vector.shape_cast %get3A_1778 : vector<1x16xi32> to vector<16xi32>
        %dma_start3A_1780 = arith.constant 7 : i32
        %dma_start3A_1781 = arith.constant 48 : i32
        %dma_start3A_1782 = arith.constant 0 : i32
        %dma_start3A_1783 = tpu.memref_slice %arg6[%dma_start3A_1780, %dma_start3A_1781, %dma_start3A_1782] : memref<10x128x64xf32, #tpu.memory_space<vmem>> -> memref<1x16x64xf32, #tpu.memory_space<vmem>>
        %dma_start3A_1784 = tpu.memref_squeeze %dma_start3A_1783 : memref<1x16x64xf32, #tpu.memory_space<vmem>> -> memref<16x64xf32, #tpu.memory_space<vmem>>
        %dma_start3A_1785 = arith.constant 0 : i32
        %dma_start3A_1786 = arith.constant 0 : i32
        %dma_start3A_1787 = tpu.memref_slice %arg3[%dma_start3A_1785, %dma_start3A_1786] : memref<1000000x64xf32, #tpu.memory_space<hbm>> -> memref<1000000x64xf32, #tpu.memory_space<hbm>>
        tpu.enqueue_indirect_dma source(%dma_start3A_1787 : memref<1000000x64xf32, #tpu.memory_space<hbm>>) target(%dma_start3A_1784 : memref<16x64xf32, #tpu.memory_space<vmem>>) offsets(%get3A_1779 : vector<16xi32>) semaphore(%arg14 : memref<!tpu.dma_semaphore, #tpu.memory_space<semaphore_mem>>)
        %get3A_1788 = arith.index_cast %add3A_1739 : i32 to index
        %get3A_1789 = arith.constant 64 : index
        %get3A_1790 = tpu.vector_load %arg5[%get3A_1788, %get3A_1789] {strides = array<i32>} : memref<200x128xi32, #tpu.memory_space<vmem>>, vector<1x16xi32>,
        %get3A_1791 = vector.shape_cast %get3A_1790 : vector<1x16xi32> to vector<16xi32>
        %dma_start3A_1792 = arith.constant 7 : i32
        %dma_start3A_1793 = arith.constant 64 : i32
        %dma_start3A_1794 = arith.constant 0 : i32
        %dma_start3A_1795 = tpu.memref_slice %arg6[%dma_start3A_1792, %dma_start3A_1793, %dma_start3A_1794] : memref<10x128x64xf32, #tpu.memory_space<vmem>> -> memref<1x16x64xf32, #tpu.memory_space<vmem>>
        %dma_start3A_1796 = tpu.memref_squeeze %dma_start3A_1795 : memref<1x16x64xf32, #tpu.memory_space<vmem>> -> memref<16x64xf32, #tpu.memory_space<vmem>>
        %dma_start3A_1797 = arith.constant 0 : i32
        %dma_start3A_1798 = arith.constant 0 : i32
        %dma_start3A_1799 = tpu.memref_slice %arg3[%dma_start3A_1797, %dma_start3A_1798] : memref<1000000x64xf32, #tpu.memory_space<hbm>> -> memref<1000000x64xf32, #tpu.memory_space<hbm>>
        tpu.enqueue_indirect_dma source(%dma_start3A_1799 : memref<1000000x64xf32, #tpu.memory_space<hbm>>) target(%dma_start3A_1796 : memref<16x64xf32, #tpu.memory_space<vmem>>) offsets(%get3A_1791 : vector<16xi32>) semaphore(%arg14 : memref<!tpu.dma_semaphore, #tpu.memory_space<semaphore_mem>>)
        %get3A_1800 = arith.index_cast %add3A_1739 : i32 to index
        %get3A_1801 = arith.constant 80 : index
        %get3A_1802 = tpu.vector_load %arg5[%get3A_1800, %get3A_1801] {strides = array<i32>} : memref<200x128xi32, #tpu.memory_space<vmem>>, vector<1x16xi32>,
        %get3A_1803 = vector.shape_cast %get3A_1802 : vector<1x16xi32> to vector<16xi32>
        %dma_start3A_1804 = arith.constant 7 : i32
        %dma_start3A_1805 = arith.constant 80 : i32
        %dma_start3A_1806 = arith.constant 0 : i32
        %dma_start3A_1807 = tpu.memref_slice %arg6[%dma_start3A_1804, %dma_start3A_1805, %dma_start3A_1806] : memref<10x128x64xf32, #tpu.memory_space<vmem>> -> memref<1x16x64xf32, #tpu.memory_space<vmem>>
        %dma_start3A_1808 = tpu.memref_squeeze %dma_start3A_1807 : memref<1x16x64xf32, #tpu.memory_space<vmem>> -> memref<16x64xf32, #tpu.memory_space<vmem>>
        %dma_start3A_1809 = arith.constant 0 : i32
        %dma_start3A_1810 = arith.constant 0 : i32
        %dma_start3A_1811 = tpu.memref_slice %arg3[%dma_start3A_1809, %dma_start3A_1810] : memref<1000000x64xf32, #tpu.memory_space<hbm>> -> memref<1000000x64xf32, #tpu.memory_space<hbm>>
        tpu.enqueue_indirect_dma source(%dma_start3A_1811 : memref<1000000x64xf32, #tpu.memory_space<hbm>>) target(%dma_start3A_1808 : memref<16x64xf32, #tpu.memory_space<vmem>>) offsets(%get3A_1803 : vector<16xi32>) semaphore(%arg14 : memref<!tpu.dma_semaphore, #tpu.memory_space<semaphore_mem>>)
        %get3A_1812 = arith.index_cast %add3A_1739 : i32 to index
        %get3A_1813 = arith.constant 96 : index
        %get3A_1814 = tpu.vector_load %arg5[%get3A_1812, %get3A_1813] {strides = array<i32>} : memref<200x128xi32, #tpu.memory_space<vmem>>, vector<1x16xi32>,
        %get3A_1815 = vector.shape_cast %get3A_1814 : vector<1x16xi32> to vector<16xi32>
        %dma_start3A_1816 = arith.constant 7 : i32
        %dma_start3A_1817 = arith.constant 96 : i32
        %dma_start3A_1818 = arith.constant 0 : i32
        %dma_start3A_1819 = tpu.memref_slice %arg6[%dma_start3A_1816, %dma_start3A_1817, %dma_start3A_1818] : memref<10x128x64xf32, #tpu.memory_space<vmem>> -> memref<1x16x64xf32, #tpu.memory_space<vmem>>
        %dma_start3A_1820 = tpu.memref_squeeze %dma_start3A_1819 : memref<1x16x64xf32, #tpu.memory_space<vmem>> -> memref<16x64xf32, #tpu.memory_space<vmem>>
        %dma_start3A_1821 = arith.constant 0 : i32
        %dma_start3A_1822 = arith.constant 0 : i32
        %dma_start3A_1823 = tpu.memref_slice %arg3[%dma_start3A_1821, %dma_start3A_1822] : memref<1000000x64xf32, #tpu.memory_space<hbm>> -> memref<1000000x64xf32, #tpu.memory_space<hbm>>
        tpu.enqueue_indirect_dma source(%dma_start3A_1823 : memref<1000000x64xf32, #tpu.memory_space<hbm>>) target(%dma_start3A_1820 : memref<16x64xf32, #tpu.memory_space<vmem>>) offsets(%get3A_1815 : vector<16xi32>) semaphore(%arg14 : memref<!tpu.dma_semaphore, #tpu.memory_space<semaphore_mem>>)
        %get3A_1824 = arith.index_cast %add3A_1739 : i32 to index
        %get3A_1825 = arith.constant 112 : index
        %get3A_1826 = tpu.vector_load %arg5[%get3A_1824, %get3A_1825] {strides = array<i32>} : memref<200x128xi32, #tpu.memory_space<vmem>>, vector<1x16xi32>,
        %get3A_1827 = vector.shape_cast %get3A_1826 : vector<1x16xi32> to vector<16xi32>
        %dma_start3A_1828 = arith.constant 7 : i32
        %dma_start3A_1829 = arith.constant 112 : i32
        %dma_start3A_1830 = arith.constant 0 : i32
        %dma_start3A_1831 = tpu.memref_slice %arg6[%dma_start3A_1828, %dma_start3A_1829, %dma_start3A_1830] : memref<10x128x64xf32, #tpu.memory_space<vmem>> -> memref<1x16x64xf32, #tpu.memory_space<vmem>>
        %dma_start3A_1832 = tpu.memref_squeeze %dma_start3A_1831 : memref<1x16x64xf32, #tpu.memory_space<vmem>> -> memref<16x64xf32, #tpu.memory_space<vmem>>
        %dma_start3A_1833 = arith.constant 0 : i32
        %dma_start3A_1834 = arith.constant 0 : i32
        %dma_start3A_1835 = tpu.memref_slice %arg3[%dma_start3A_1833, %dma_start3A_1834] : memref<1000000x64xf32, #tpu.memory_space<hbm>> -> memref<1000000x64xf32, #tpu.memory_space<hbm>>
        tpu.enqueue_indirect_dma source(%dma_start3A_1835 : memref<1000000x64xf32, #tpu.memory_space<hbm>>) target(%dma_start3A_1832 : memref<16x64xf32, #tpu.memory_space<vmem>>) offsets(%get3A_1827 : vector<16xi32>) semaphore(%arg14 : memref<!tpu.dma_semaphore, #tpu.memory_space<semaphore_mem>>)
      } else {
      }
      %mul3A_1318 = arith.constant 10 : i32
      %mul3A_1319 = arith.muli %scan3A_1223, %mul3A_1318 : i32
      %add3A_1320 = arith.constant 2 : i32
      %add3A_1321 = arith.addi %mul3A_1319, %add3A_1320 : i32
      %dma_wait3A_1322 = arith.constant 0 : i32
      %dma_wait3A_1323 = arith.constant 2 : i32
      %dma_wait3A_1324 = arith.constant 0 : i32
      %dma_wait3A_1325 = arith.constant 0 : i32
      %dma_wait3A_1326 = tpu.memref_slice %arg6[%dma_wait3A_1323, %dma_wait3A_1324, %dma_wait3A_1325] : memref<10x128x64xf32, #tpu.memory_space<vmem>> -> memref<1x128x64xf32, #tpu.memory_space<vmem>>
      %dma_wait3A_1327 = tpu.memref_squeeze %dma_wait3A_1326 : memref<1x128x64xf32, #tpu.memory_space<vmem>> -> memref<128x64xf32, #tpu.memory_space<vmem>>
      %dma_wait3A_1328 = arith.constant 0 : i32
      %dma_wait3A_1329 = tpu.memref_slice %arg5[%dma_wait3A_1322, %dma_wait3A_1328] : memref<200x128xi32, #tpu.memory_space<vmem>> -> memref<1x128xi32, #tpu.memory_space<vmem>>
      %dma_wait3A_1330 = tpu.memref_squeeze %dma_wait3A_1329 : memref<1x128xi32, #tpu.memory_space<vmem>> -> memref<128xi32, #tpu.memory_space<vmem>>
      %dma_wait3A_1331 = arith.constant 0 : i32
      %dma_wait3A_1332 = arith.constant 0 : i32
      %dma_wait3A_1333 = tpu.memref_slice %arg3[%dma_wait3A_1331, %dma_wait3A_1332] : memref<1000000x64xf32, #tpu.memory_space<hbm>> -> memref<1000000x64xf32, #tpu.memory_space<hbm>>
      tpu.wait_indirect_dma semaphore(%arg9 : memref<!tpu.dma_semaphore, #tpu.memory_space<semaphore_mem>>) src(%dma_wait3A_1333 : memref<1000000x64xf32, #tpu.memory_space<hbm>>) dst(%dma_wait3A_1327 : memref<128x64xf32, #tpu.memory_space<vmem>>)
      %mul3A_1334 = arith.constant 200 : i32
      %mul3A_1335 = arith.muli %add3A, %mul3A_1334 : i32
      %add3A_1336 = arith.addi %mul3A_1335, %add3A_1321 : i32
      %dma_start3A_1337 = arith.constant 2 : i32
      %dma_start3A_1338 = arith.constant 0 : i32
      %dma_start3A_1339 = arith.constant 0 : i32
      %dma_start3A_1340 = tpu.memref_slice %arg6[%dma_start3A_1337, %dma_start3A_1338, %dma_start3A_1339] : memref<10x128x64xf32, #tpu.memory_space<vmem>> -> memref<1x128x64xf32, #tpu.memory_space<vmem>>
      %dma_start3A_1341 = tpu.memref_squeeze %dma_start3A_1340 : memref<1x128x64xf32, #tpu.memory_space<vmem>> -> memref<128x64xf32, #tpu.memory_space<vmem>>
      %dma_start3A_1342 = arith.constant 0 : i32
      %dma_start3A_1343 = arith.constant 0 : i32
      %dma_start3A_1344 = tpu.memref_slice %arg4[%add3A_1336, %dma_start3A_1342, %dma_start3A_1343] : memref<6400x128x64xf32, #tpu.memory_space<hbm>> -> memref<1x128x64xf32, #tpu.memory_space<hbm>>
      %dma_start3A_1345 = tpu.memref_squeeze %dma_start3A_1344 : memref<1x128x64xf32, #tpu.memory_space<hbm>> -> memref<128x64xf32, #tpu.memory_space<hbm>>
      %dma_start3A_1346 = arith.constant 0 : i32
      %dma_start3A_1347 = arith.constant 0 : i32
      %dma_start3A_1348 = tpu.memref_slice %arg4[%add3A_1336, %dma_start3A_1346, %dma_start3A_1347] : memref<6400x128x64xf32, #tpu.memory_space<hbm>> -> memref<1x128x64xf32, #tpu.memory_space<hbm>>
      %dma_start3A_1349 = tpu.memref_squeeze %dma_start3A_1348 : memref<1x128x64xf32, #tpu.memory_space<hbm>> -> memref<128x64xf32, #tpu.memory_space<hbm>>
      %dma_start3A_1350 = arith.constant 0 : i32
      %dma_start3A_1351 = arith.constant 0 : i32
      %dma_start3A_1352 = tpu.memref_slice %arg6[%dma_start3A_1337, %dma_start3A_1350, %dma_start3A_1351] : memref<10x128x64xf32, #tpu.memory_space<vmem>> -> memref<1x128x64xf32, #tpu.memory_space<vmem>>
      %dma_start3A_1353 = tpu.memref_squeeze %dma_start3A_1352 : memref<1x128x64xf32, #tpu.memory_space<vmem>> -> memref<128x64xf32, #tpu.memory_space<vmem>>
      tpu.enqueue_dma source(%dma_start3A_1353 : memref<128x64xf32, #tpu.memory_space<vmem>>) target(%dma_start3A_1349 : memref<128x64xf32, #tpu.memory_space<hbm>>) target_semaphore(%arg19 : memref<!tpu.dma_semaphore, #tpu.memory_space<semaphore_mem>>)
      %sub3A_1354 = arith.constant 4 : i32
      %sub3A_1355 = arith.subi %add3A_1321, %sub3A_1354 : i32
      %ge3A_1356 = arith.constant 0 : i32
      %ge3A_1357 = arith.cmpi sge, %sub3A_1355, %ge3A_1356 : i32
      %sub3A_1358 = arith.constant 4 : i32
      %sub3A_1359 = arith.subi %add3A_1321, %sub3A_1358 : i32
      %add3A_1360 = arith.constant 10 : i32
      %add3A_1361 = arith.addi %sub3A_1359, %add3A_1360 : i32
      %lt3A_1362 = arith.constant 200 : i32
      %lt3A_1363 = arith.cmpi slt, %add3A_1361, %lt3A_1362 : i32
      %and3A_1364 = arith.andi %ge3A_1357, %lt3A_1363 : i1
      %convert_element_type3A_1365 = arith.extui %and3A_1364 : i1 to i32
      %cond3A_1366 = arith.constant 0 : i32
      %cond3A_1367 = arith.cmpi ne, %convert_element_type3A_1365, %cond3A_1366 : i32
      scf.if %cond3A_1367 {
        %dma_wait3A_1718 = arith.constant 8 : i32
        %dma_wait3A_1719 = arith.constant 0 : i32
        %dma_wait3A_1720 = arith.constant 0 : i32
        %dma_wait3A_1721 = arith.constant 0 : i32
        %dma_wait3A_1722 = tpu.memref_slice %arg6[%dma_wait3A_1718, %dma_wait3A_1720, %dma_wait3A_1721] : memref<10x128x64xf32, #tpu.memory_space<vmem>> -> memref<1x128x64xf32, #tpu.memory_space<vmem>>
        %dma_wait3A_1723 = tpu.memref_squeeze %dma_wait3A_1722 : memref<1x128x64xf32, #tpu.memory_space<vmem>> -> memref<128x64xf32, #tpu.memory_space<vmem>>
        %dma_wait3A_1724 = arith.constant 0 : i32
        %dma_wait3A_1725 = arith.constant 0 : i32
        %dma_wait3A_1726 = tpu.memref_slice %arg4[%dma_wait3A_1719, %dma_wait3A_1724, %dma_wait3A_1725] : memref<6400x128x64xf32, #tpu.memory_space<hbm>> -> memref<1x128x64xf32, #tpu.memory_space<hbm>>
        %dma_wait3A_1727 = tpu.memref_squeeze %dma_wait3A_1726 : memref<1x128x64xf32, #tpu.memory_space<hbm>> -> memref<128x64xf32, #tpu.memory_space<hbm>>
        %dma_wait3A_1728 = arith.constant 0 : i32
        %dma_wait3A_1729 = arith.constant 0 : i32
        %dma_wait3A_1730 = tpu.memref_slice %arg4[%dma_wait3A_1719, %dma_wait3A_1728, %dma_wait3A_1729] : memref<6400x128x64xf32, #tpu.memory_space<hbm>> -> memref<1x128x64xf32, #tpu.memory_space<hbm>>
        %dma_wait3A_1731 = tpu.memref_squeeze %dma_wait3A_1730 : memref<1x128x64xf32, #tpu.memory_space<hbm>> -> memref<128x64xf32, #tpu.memory_space<hbm>>
        %dma_wait3A_1732 = arith.constant 0 : i32
        %dma_wait3A_1733 = arith.constant 0 : i32
        %dma_wait3A_1734 = tpu.memref_slice %arg6[%dma_wait3A_1718, %dma_wait3A_1732, %dma_wait3A_1733] : memref<10x128x64xf32, #tpu.memory_space<vmem>> -> memref<1x128x64xf32, #tpu.memory_space<vmem>>
        %dma_wait3A_1735 = tpu.memref_squeeze %dma_wait3A_1734 : memref<1x128x64xf32, #tpu.memory_space<vmem>> -> memref<128x64xf32, #tpu.memory_space<vmem>>
        tpu.wait_dma2 semaphore(%arg25 : memref<!tpu.dma_semaphore, #tpu.memory_space<semaphore_mem>>) src(%dma_wait3A_1735 : memref<128x64xf32, #tpu.memory_space<vmem>>) dst(%dma_wait3A_1731 : memref<128x64xf32, #tpu.memory_space<hbm>>)
        %sub3A_1736 = arith.constant 4 : i32
        %sub3A_1737 = arith.subi %add3A_1321, %sub3A_1736 : i32
        %add3A_1738 = arith.constant 10 : i32
        %add3A_1739 = arith.addi %sub3A_1737, %add3A_1738 : i32
        %get3A_1740 = arith.index_cast %add3A_1739 : i32 to index
        %get3A_1741 = arith.constant 0 : index
        %get3A_1742 = tpu.vector_load %arg5[%get3A_1740, %get3A_1741] {strides = array<i32>} : memref<200x128xi32, #tpu.memory_space<vmem>>, vector<1x16xi32>,
        %get3A_1743 = vector.shape_cast %get3A_1742 : vector<1x16xi32> to vector<16xi32>
        %dma_start3A_1744 = arith.constant 8 : i32
        %dma_start3A_1745 = arith.constant 0 : i32
        %dma_start3A_1746 = arith.constant 0 : i32
        %dma_start3A_1747 = tpu.memref_slice %arg6[%dma_start3A_1744, %dma_start3A_1745, %dma_start3A_1746] : memref<10x128x64xf32, #tpu.memory_space<vmem>> -> memref<1x16x64xf32, #tpu.memory_space<vmem>>
        %dma_start3A_1748 = tpu.memref_squeeze %dma_start3A_1747 : memref<1x16x64xf32, #tpu.memory_space<vmem>> -> memref<16x64xf32, #tpu.memory_space<vmem>>
        %dma_start3A_1749 = arith.constant 0 : i32
        %dma_start3A_1750 = arith.constant 0 : i32
        %dma_start3A_1751 = tpu.memref_slice %arg3[%dma_start3A_1749, %dma_start3A_1750] : memref<1000000x64xf32, #tpu.memory_space<hbm>> -> memref<1000000x64xf32, #tpu.memory_space<hbm>>
        tpu.enqueue_indirect_dma source(%dma_start3A_1751 : memref<1000000x64xf32, #tpu.memory_space<hbm>>) target(%dma_start3A_1748 : memref<16x64xf32, #tpu.memory_space<vmem>>) offsets(%get3A_1743 : vector<16xi32>) semaphore(%arg15 : memref<!tpu.dma_semaphore, #tpu.memory_space<semaphore_mem>>)
        %get3A_1752 = arith.index_cast %add3A_1739 : i32 to index
        %get3A_1753 = arith.constant 16 : index
        %get3A_1754 = tpu.vector_load %arg5[%get3A_1752, %get3A_1753] {strides = array<i32>} : memref<200x128xi32, #tpu.memory_space<vmem>>, vector<1x16xi32>,
        %get3A_1755 = vector.shape_cast %get3A_1754 : vector<1x16xi32> to vector<16xi32>
        %dma_start3A_1756 = arith.constant 8 : i32
        %dma_start3A_1757 = arith.constant 16 : i32
        %dma_start3A_1758 = arith.constant 0 : i32
        %dma_start3A_1759 = tpu.memref_slice %arg6[%dma_start3A_1756, %dma_start3A_1757, %dma_start3A_1758] : memref<10x128x64xf32, #tpu.memory_space<vmem>> -> memref<1x16x64xf32, #tpu.memory_space<vmem>>
        %dma_start3A_1760 = tpu.memref_squeeze %dma_start3A_1759 : memref<1x16x64xf32, #tpu.memory_space<vmem>> -> memref<16x64xf32, #tpu.memory_space<vmem>>
        %dma_start3A_1761 = arith.constant 0 : i32
        %dma_start3A_1762 = arith.constant 0 : i32
        %dma_start3A_1763 = tpu.memref_slice %arg3[%dma_start3A_1761, %dma_start3A_1762] : memref<1000000x64xf32, #tpu.memory_space<hbm>> -> memref<1000000x64xf32, #tpu.memory_space<hbm>>
        tpu.enqueue_indirect_dma source(%dma_start3A_1763 : memref<1000000x64xf32, #tpu.memory_space<hbm>>) target(%dma_start3A_1760 : memref<16x64xf32, #tpu.memory_space<vmem>>) offsets(%get3A_1755 : vector<16xi32>) semaphore(%arg15 : memref<!tpu.dma_semaphore, #tpu.memory_space<semaphore_mem>>)
        %get3A_1764 = arith.index_cast %add3A_1739 : i32 to index
        %get3A_1765 = arith.constant 32 : index
        %get3A_1766 = tpu.vector_load %arg5[%get3A_1764, %get3A_1765] {strides = array<i32>} : memref<200x128xi32, #tpu.memory_space<vmem>>, vector<1x16xi32>,
        %get3A_1767 = vector.shape_cast %get3A_1766 : vector<1x16xi32> to vector<16xi32>
        %dma_start3A_1768 = arith.constant 8 : i32
        %dma_start3A_1769 = arith.constant 32 : i32
        %dma_start3A_1770 = arith.constant 0 : i32
        %dma_start3A_1771 = tpu.memref_slice %arg6[%dma_start3A_1768, %dma_start3A_1769, %dma_start3A_1770] : memref<10x128x64xf32, #tpu.memory_space<vmem>> -> memref<1x16x64xf32, #tpu.memory_space<vmem>>
        %dma_start3A_1772 = tpu.memref_squeeze %dma_start3A_1771 : memref<1x16x64xf32, #tpu.memory_space<vmem>> -> memref<16x64xf32, #tpu.memory_space<vmem>>
        %dma_start3A_1773 = arith.constant 0 : i32
        %dma_start3A_1774 = arith.constant 0 : i32
        %dma_start3A_1775 = tpu.memref_slice %arg3[%dma_start3A_1773, %dma_start3A_1774] : memref<1000000x64xf32, #tpu.memory_space<hbm>> -> memref<1000000x64xf32, #tpu.memory_space<hbm>>
        tpu.enqueue_indirect_dma source(%dma_start3A_1775 : memref<1000000x64xf32, #tpu.memory_space<hbm>>) target(%dma_start3A_1772 : memref<16x64xf32, #tpu.memory_space<vmem>>) offsets(%get3A_1767 : vector<16xi32>) semaphore(%arg15 : memref<!tpu.dma_semaphore, #tpu.memory_space<semaphore_mem>>)
        %get3A_1776 = arith.index_cast %add3A_1739 : i32 to index
        %get3A_1777 = arith.constant 48 : index
        %get3A_1778 = tpu.vector_load %arg5[%get3A_1776, %get3A_1777] {strides = array<i32>} : memref<200x128xi32, #tpu.memory_space<vmem>>, vector<1x16xi32>,
        %get3A_1779 = vector.shape_cast %get3A_1778 : vector<1x16xi32> to vector<16xi32>
        %dma_start3A_1780 = arith.constant 8 : i32
        %dma_start3A_1781 = arith.constant 48 : i32
        %dma_start3A_1782 = arith.constant 0 : i32
        %dma_start3A_1783 = tpu.memref_slice %arg6[%dma_start3A_1780, %dma_start3A_1781, %dma_start3A_1782] : memref<10x128x64xf32, #tpu.memory_space<vmem>> -> memref<1x16x64xf32, #tpu.memory_space<vmem>>
        %dma_start3A_1784 = tpu.memref_squeeze %dma_start3A_1783 : memref<1x16x64xf32, #tpu.memory_space<vmem>> -> memref<16x64xf32, #tpu.memory_space<vmem>>
        %dma_start3A_1785 = arith.constant 0 : i32
        %dma_start3A_1786 = arith.constant 0 : i32
        %dma_start3A_1787 = tpu.memref_slice %arg3[%dma_start3A_1785, %dma_start3A_1786] : memref<1000000x64xf32, #tpu.memory_space<hbm>> -> memref<1000000x64xf32, #tpu.memory_space<hbm>>
        tpu.enqueue_indirect_dma source(%dma_start3A_1787 : memref<1000000x64xf32, #tpu.memory_space<hbm>>) target(%dma_start3A_1784 : memref<16x64xf32, #tpu.memory_space<vmem>>) offsets(%get3A_1779 : vector<16xi32>) semaphore(%arg15 : memref<!tpu.dma_semaphore, #tpu.memory_space<semaphore_mem>>)
        %get3A_1788 = arith.index_cast %add3A_1739 : i32 to index
        %get3A_1789 = arith.constant 64 : index
        %get3A_1790 = tpu.vector_load %arg5[%get3A_1788, %get3A_1789] {strides = array<i32>} : memref<200x128xi32, #tpu.memory_space<vmem>>, vector<1x16xi32>,
        %get3A_1791 = vector.shape_cast %get3A_1790 : vector<1x16xi32> to vector<16xi32>
        %dma_start3A_1792 = arith.constant 8 : i32
        %dma_start3A_1793 = arith.constant 64 : i32
        %dma_start3A_1794 = arith.constant 0 : i32
        %dma_start3A_1795 = tpu.memref_slice %arg6[%dma_start3A_1792, %dma_start3A_1793, %dma_start3A_1794] : memref<10x128x64xf32, #tpu.memory_space<vmem>> -> memref<1x16x64xf32, #tpu.memory_space<vmem>>
        %dma_start3A_1796 = tpu.memref_squeeze %dma_start3A_1795 : memref<1x16x64xf32, #tpu.memory_space<vmem>> -> memref<16x64xf32, #tpu.memory_space<vmem>>
        %dma_start3A_1797 = arith.constant 0 : i32
        %dma_start3A_1798 = arith.constant 0 : i32
        %dma_start3A_1799 = tpu.memref_slice %arg3[%dma_start3A_1797, %dma_start3A_1798] : memref<1000000x64xf32, #tpu.memory_space<hbm>> -> memref<1000000x64xf32, #tpu.memory_space<hbm>>
        tpu.enqueue_indirect_dma source(%dma_start3A_1799 : memref<1000000x64xf32, #tpu.memory_space<hbm>>) target(%dma_start3A_1796 : memref<16x64xf32, #tpu.memory_space<vmem>>) offsets(%get3A_1791 : vector<16xi32>) semaphore(%arg15 : memref<!tpu.dma_semaphore, #tpu.memory_space<semaphore_mem>>)
        %get3A_1800 = arith.index_cast %add3A_1739 : i32 to index
        %get3A_1801 = arith.constant 80 : index
        %get3A_1802 = tpu.vector_load %arg5[%get3A_1800, %get3A_1801] {strides = array<i32>} : memref<200x128xi32, #tpu.memory_space<vmem>>, vector<1x16xi32>,
        %get3A_1803 = vector.shape_cast %get3A_1802 : vector<1x16xi32> to vector<16xi32>
        %dma_start3A_1804 = arith.constant 8 : i32
        %dma_start3A_1805 = arith.constant 80 : i32
        %dma_start3A_1806 = arith.constant 0 : i32
        %dma_start3A_1807 = tpu.memref_slice %arg6[%dma_start3A_1804, %dma_start3A_1805, %dma_start3A_1806] : memref<10x128x64xf32, #tpu.memory_space<vmem>> -> memref<1x16x64xf32, #tpu.memory_space<vmem>>
        %dma_start3A_1808 = tpu.memref_squeeze %dma_start3A_1807 : memref<1x16x64xf32, #tpu.memory_space<vmem>> -> memref<16x64xf32, #tpu.memory_space<vmem>>
        %dma_start3A_1809 = arith.constant 0 : i32
        %dma_start3A_1810 = arith.constant 0 : i32
        %dma_start3A_1811 = tpu.memref_slice %arg3[%dma_start3A_1809, %dma_start3A_1810] : memref<1000000x64xf32, #tpu.memory_space<hbm>> -> memref<1000000x64xf32, #tpu.memory_space<hbm>>
        tpu.enqueue_indirect_dma source(%dma_start3A_1811 : memref<1000000x64xf32, #tpu.memory_space<hbm>>) target(%dma_start3A_1808 : memref<16x64xf32, #tpu.memory_space<vmem>>) offsets(%get3A_1803 : vector<16xi32>) semaphore(%arg15 : memref<!tpu.dma_semaphore, #tpu.memory_space<semaphore_mem>>)
        %get3A_1812 = arith.index_cast %add3A_1739 : i32 to index
        %get3A_1813 = arith.constant 96 : index
        %get3A_1814 = tpu.vector_load %arg5[%get3A_1812, %get3A_1813] {strides = array<i32>} : memref<200x128xi32, #tpu.memory_space<vmem>>, vector<1x16xi32>,
        %get3A_1815 = vector.shape_cast %get3A_1814 : vector<1x16xi32> to vector<16xi32>
        %dma_start3A_1816 = arith.constant 8 : i32
        %dma_start3A_1817 = arith.constant 96 : i32
        %dma_start3A_1818 = arith.constant 0 : i32
        %dma_start3A_1819 = tpu.memref_slice %arg6[%dma_start3A_1816, %dma_start3A_1817, %dma_start3A_1818] : memref<10x128x64xf32, #tpu.memory_space<vmem>> -> memref<1x16x64xf32, #tpu.memory_space<vmem>>
        %dma_start3A_1820 = tpu.memref_squeeze %dma_start3A_1819 : memref<1x16x64xf32, #tpu.memory_space<vmem>> -> memref<16x64xf32, #tpu.memory_space<vmem>>
        %dma_start3A_1821 = arith.constant 0 : i32
        %dma_start3A_1822 = arith.constant 0 : i32
        %dma_start3A_1823 = tpu.memref_slice %arg3[%dma_start3A_1821, %dma_start3A_1822] : memref<1000000x64xf32, #tpu.memory_space<hbm>> -> memref<1000000x64xf32, #tpu.memory_space<hbm>>
        tpu.enqueue_indirect_dma source(%dma_start3A_1823 : memref<1000000x64xf32, #tpu.memory_space<hbm>>) target(%dma_start3A_1820 : memref<16x64xf32, #tpu.memory_space<vmem>>) offsets(%get3A_1815 : vector<16xi32>) semaphore(%arg15 : memref<!tpu.dma_semaphore, #tpu.memory_space<semaphore_mem>>)
        %get3A_1824 = arith.index_cast %add3A_1739 : i32 to index
        %get3A_1825 = arith.constant 112 : index
        %get3A_1826 = tpu.vector_load %arg5[%get3A_1824, %get3A_1825] {strides = array<i32>} : memref<200x128xi32, #tpu.memory_space<vmem>>, vector<1x16xi32>,
        %get3A_1827 = vector.shape_cast %get3A_1826 : vector<1x16xi32> to vector<16xi32>
        %dma_start3A_1828 = arith.constant 8 : i32
        %dma_start3A_1829 = arith.constant 112 : i32
        %dma_start3A_1830 = arith.constant 0 : i32
        %dma_start3A_1831 = tpu.memref_slice %arg6[%dma_start3A_1828, %dma_start3A_1829, %dma_start3A_1830] : memref<10x128x64xf32, #tpu.memory_space<vmem>> -> memref<1x16x64xf32, #tpu.memory_space<vmem>>
        %dma_start3A_1832 = tpu.memref_squeeze %dma_start3A_1831 : memref<1x16x64xf32, #tpu.memory_space<vmem>> -> memref<16x64xf32, #tpu.memory_space<vmem>>
        %dma_start3A_1833 = arith.constant 0 : i32
        %dma_start3A_1834 = arith.constant 0 : i32
        %dma_start3A_1835 = tpu.memref_slice %arg3[%dma_start3A_1833, %dma_start3A_1834] : memref<1000000x64xf32, #tpu.memory_space<hbm>> -> memref<1000000x64xf32, #tpu.memory_space<hbm>>
        tpu.enqueue_indirect_dma source(%dma_start3A_1835 : memref<1000000x64xf32, #tpu.memory_space<hbm>>) target(%dma_start3A_1832 : memref<16x64xf32, #tpu.memory_space<vmem>>) offsets(%get3A_1827 : vector<16xi32>) semaphore(%arg15 : memref<!tpu.dma_semaphore, #tpu.memory_space<semaphore_mem>>)
      } else {
      }
      %mul3A_1368 = arith.constant 10 : i32
      %mul3A_1369 = arith.muli %scan3A_1223, %mul3A_1368 : i32
      %add3A_1370 = arith.constant 3 : i32
      %add3A_1371 = arith.addi %mul3A_1369, %add3A_1370 : i32
      %dma_wait3A_1372 = arith.constant 0 : i32
      %dma_wait3A_1373 = arith.constant 3 : i32
      %dma_wait3A_1374 = arith.constant 0 : i32
      %dma_wait3A_1375 = arith.constant 0 : i32
      %dma_wait3A_1376 = tpu.memref_slice %arg6[%dma_wait3A_1373, %dma_wait3A_1374, %dma_wait3A_1375] : memref<10x128x64xf32, #tpu.memory_space<vmem>> -> memref<1x128x64xf32, #tpu.memory_space<vmem>>
      %dma_wait3A_1377 = tpu.memref_squeeze %dma_wait3A_1376 : memref<1x128x64xf32, #tpu.memory_space<vmem>> -> memref<128x64xf32, #tpu.memory_space<vmem>>
      %dma_wait3A_1378 = arith.constant 0 : i32
      %dma_wait3A_1379 = tpu.memref_slice %arg5[%dma_wait3A_1372, %dma_wait3A_1378] : memref<200x128xi32, #tpu.memory_space<vmem>> -> memref<1x128xi32, #tpu.memory_space<vmem>>
      %dma_wait3A_1380 = tpu.memref_squeeze %dma_wait3A_1379 : memref<1x128xi32, #tpu.memory_space<vmem>> -> memref<128xi32, #tpu.memory_space<vmem>>
      %dma_wait3A_1381 = arith.constant 0 : i32
      %dma_wait3A_1382 = arith.constant 0 : i32
      %dma_wait3A_1383 = tpu.memref_slice %arg3[%dma_wait3A_1381, %dma_wait3A_1382] : memref<1000000x64xf32, #tpu.memory_space<hbm>> -> memref<1000000x64xf32, #tpu.memory_space<hbm>>
      tpu.wait_indirect_dma semaphore(%arg10 : memref<!tpu.dma_semaphore, #tpu.memory_space<semaphore_mem>>) src(%dma_wait3A_1383 : memref<1000000x64xf32, #tpu.memory_space<hbm>>) dst(%dma_wait3A_1377 : memref<128x64xf32, #tpu.memory_space<vmem>>)
      %mul3A_1384 = arith.constant 200 : i32
      %mul3A_1385 = arith.muli %add3A, %mul3A_1384 : i32
      %add3A_1386 = arith.addi %mul3A_1385, %add3A_1371 : i32
      %dma_start3A_1387 = arith.constant 3 : i32
      %dma_start3A_1388 = arith.constant 0 : i32
      %dma_start3A_1389 = arith.constant 0 : i32
      %dma_start3A_1390 = tpu.memref_slice %arg6[%dma_start3A_1387, %dma_start3A_1388, %dma_start3A_1389] : memref<10x128x64xf32, #tpu.memory_space<vmem>> -> memref<1x128x64xf32, #tpu.memory_space<vmem>>
      %dma_start3A_1391 = tpu.memref_squeeze %dma_start3A_1390 : memref<1x128x64xf32, #tpu.memory_space<vmem>> -> memref<128x64xf32, #tpu.memory_space<vmem>>
      %dma_start3A_1392 = arith.constant 0 : i32
      %dma_start3A_1393 = arith.constant 0 : i32
      %dma_start3A_1394 = tpu.memref_slice %arg4[%add3A_1386, %dma_start3A_1392, %dma_start3A_1393] : memref<6400x128x64xf32, #tpu.memory_space<hbm>> -> memref<1x128x64xf32, #tpu.memory_space<hbm>>
      %dma_start3A_1395 = tpu.memref_squeeze %dma_start3A_1394 : memref<1x128x64xf32, #tpu.memory_space<hbm>> -> memref<128x64xf32, #tpu.memory_space<hbm>>
      %dma_start3A_1396 = arith.constant 0 : i32
      %dma_start3A_1397 = arith.constant 0 : i32
      %dma_start3A_1398 = tpu.memref_slice %arg4[%add3A_1386, %dma_start3A_1396, %dma_start3A_1397] : memref<6400x128x64xf32, #tpu.memory_space<hbm>> -> memref<1x128x64xf32, #tpu.memory_space<hbm>>
      %dma_start3A_1399 = tpu.memref_squeeze %dma_start3A_1398 : memref<1x128x64xf32, #tpu.memory_space<hbm>> -> memref<128x64xf32, #tpu.memory_space<hbm>>
      %dma_start3A_1400 = arith.constant 0 : i32
      %dma_start3A_1401 = arith.constant 0 : i32
      %dma_start3A_1402 = tpu.memref_slice %arg6[%dma_start3A_1387, %dma_start3A_1400, %dma_start3A_1401] : memref<10x128x64xf32, #tpu.memory_space<vmem>> -> memref<1x128x64xf32, #tpu.memory_space<vmem>>
      %dma_start3A_1403 = tpu.memref_squeeze %dma_start3A_1402 : memref<1x128x64xf32, #tpu.memory_space<vmem>> -> memref<128x64xf32, #tpu.memory_space<vmem>>
      tpu.enqueue_dma source(%dma_start3A_1403 : memref<128x64xf32, #tpu.memory_space<vmem>>) target(%dma_start3A_1399 : memref<128x64xf32, #tpu.memory_space<hbm>>) target_semaphore(%arg20 : memref<!tpu.dma_semaphore, #tpu.memory_space<semaphore_mem>>)
      %sub3A_1404 = arith.constant 4 : i32
      %sub3A_1405 = arith.subi %add3A_1371, %sub3A_1404 : i32
      %ge3A_1406 = arith.constant 0 : i32
      %ge3A_1407 = arith.cmpi sge, %sub3A_1405, %ge3A_1406 : i32
      %sub3A_1408 = arith.constant 4 : i32
      %sub3A_1409 = arith.subi %add3A_1371, %sub3A_1408 : i32
      %add3A_1410 = arith.constant 10 : i32
      %add3A_1411 = arith.addi %sub3A_1409, %add3A_1410 : i32
      %lt3A_1412 = arith.constant 200 : i32
      %lt3A_1413 = arith.cmpi slt, %add3A_1411, %lt3A_1412 : i32
      %and3A_1414 = arith.andi %ge3A_1407, %lt3A_1413 : i1
      %convert_element_type3A_1415 = arith.extui %and3A_1414 : i1 to i32
      %cond3A_1416 = arith.constant 0 : i32
      %cond3A_1417 = arith.cmpi ne, %convert_element_type3A_1415, %cond3A_1416 : i32
      scf.if %cond3A_1417 {
        %dma_wait3A_1718 = arith.constant 9 : i32
        %dma_wait3A_1719 = arith.constant 0 : i32
        %dma_wait3A_1720 = arith.constant 0 : i32
        %dma_wait3A_1721 = arith.constant 0 : i32
        %dma_wait3A_1722 = tpu.memref_slice %arg6[%dma_wait3A_1718, %dma_wait3A_1720, %dma_wait3A_1721] : memref<10x128x64xf32, #tpu.memory_space<vmem>> -> memref<1x128x64xf32, #tpu.memory_space<vmem>>
        %dma_wait3A_1723 = tpu.memref_squeeze %dma_wait3A_1722 : memref<1x128x64xf32, #tpu.memory_space<vmem>> -> memref<128x64xf32, #tpu.memory_space<vmem>>
        %dma_wait3A_1724 = arith.constant 0 : i32
        %dma_wait3A_1725 = arith.constant 0 : i32
        %dma_wait3A_1726 = tpu.memref_slice %arg4[%dma_wait3A_1719, %dma_wait3A_1724, %dma_wait3A_1725] : memref<6400x128x64xf32, #tpu.memory_space<hbm>> -> memref<1x128x64xf32, #tpu.memory_space<hbm>>
        %dma_wait3A_1727 = tpu.memref_squeeze %dma_wait3A_1726 : memref<1x128x64xf32, #tpu.memory_space<hbm>> -> memref<128x64xf32, #tpu.memory_space<hbm>>
        %dma_wait3A_1728 = arith.constant 0 : i32
        %dma_wait3A_1729 = arith.constant 0 : i32
        %dma_wait3A_1730 = tpu.memref_slice %arg4[%dma_wait3A_1719, %dma_wait3A_1728, %dma_wait3A_1729] : memref<6400x128x64xf32, #tpu.memory_space<hbm>> -> memref<1x128x64xf32, #tpu.memory_space<hbm>>
        %dma_wait3A_1731 = tpu.memref_squeeze %dma_wait3A_1730 : memref<1x128x64xf32, #tpu.memory_space<hbm>> -> memref<128x64xf32, #tpu.memory_space<hbm>>
        %dma_wait3A_1732 = arith.constant 0 : i32
        %dma_wait3A_1733 = arith.constant 0 : i32
        %dma_wait3A_1734 = tpu.memref_slice %arg6[%dma_wait3A_1718, %dma_wait3A_1732, %dma_wait3A_1733] : memref<10x128x64xf32, #tpu.memory_space<vmem>> -> memref<1x128x64xf32, #tpu.memory_space<vmem>>
        %dma_wait3A_1735 = tpu.memref_squeeze %dma_wait3A_1734 : memref<1x128x64xf32, #tpu.memory_space<vmem>> -> memref<128x64xf32, #tpu.memory_space<vmem>>
        tpu.wait_dma2 semaphore(%arg26 : memref<!tpu.dma_semaphore, #tpu.memory_space<semaphore_mem>>) src(%dma_wait3A_1735 : memref<128x64xf32, #tpu.memory_space<vmem>>) dst(%dma_wait3A_1731 : memref<128x64xf32, #tpu.memory_space<hbm>>)
        %sub3A_1736 = arith.constant 4 : i32
        %sub3A_1737 = arith.subi %add3A_1371, %sub3A_1736 : i32
        %add3A_1738 = arith.constant 10 : i32
        %add3A_1739 = arith.addi %sub3A_1737, %add3A_1738 : i32
        %get3A_1740 = arith.index_cast %add3A_1739 : i32 to index
        %get3A_1741 = arith.constant 0 : index
        %get3A_1742 = tpu.vector_load %arg5[%get3A_1740, %get3A_1741] {strides = array<i32>} : memref<200x128xi32, #tpu.memory_space<vmem>>, vector<1x16xi32>,
        %get3A_1743 = vector.shape_cast %get3A_1742 : vector<1x16xi32> to vector<16xi32>
        %dma_start3A_1744 = arith.constant 9 : i32
        %dma_start3A_1745 = arith.constant 0 : i32
        %dma_start3A_1746 = arith.constant 0 : i32
        %dma_start3A_1747 = tpu.memref_slice %arg6[%dma_start3A_1744, %dma_start3A_1745, %dma_start3A_1746] : memref<10x128x64xf32, #tpu.memory_space<vmem>> -> memref<1x16x64xf32, #tpu.memory_space<vmem>>
        %dma_start3A_1748 = tpu.memref_squeeze %dma_start3A_1747 : memref<1x16x64xf32, #tpu.memory_space<vmem>> -> memref<16x64xf32, #tpu.memory_space<vmem>>
        %dma_start3A_1749 = arith.constant 0 : i32
        %dma_start3A_1750 = arith.constant 0 : i32
        %dma_start3A_1751 = tpu.memref_slice %arg3[%dma_start3A_1749, %dma_start3A_1750] : memref<1000000x64xf32, #tpu.memory_space<hbm>> -> memref<1000000x64xf32, #tpu.memory_space<hbm>>
        tpu.enqueue_indirect_dma source(%dma_start3A_1751 : memref<1000000x64xf32, #tpu.memory_space<hbm>>) target(%dma_start3A_1748 : memref<16x64xf32, #tpu.memory_space<vmem>>) offsets(%get3A_1743 : vector<16xi32>) semaphore(%arg16 : memref<!tpu.dma_semaphore, #tpu.memory_space<semaphore_mem>>)
        %get3A_1752 = arith.index_cast %add3A_1739 : i32 to index
        %get3A_1753 = arith.constant 16 : index
        %get3A_1754 = tpu.vector_load %arg5[%get3A_1752, %get3A_1753] {strides = array<i32>} : memref<200x128xi32, #tpu.memory_space<vmem>>, vector<1x16xi32>,
        %get3A_1755 = vector.shape_cast %get3A_1754 : vector<1x16xi32> to vector<16xi32>
        %dma_start3A_1756 = arith.constant 9 : i32
        %dma_start3A_1757 = arith.constant 16 : i32
        %dma_start3A_1758 = arith.constant 0 : i32
        %dma_start3A_1759 = tpu.memref_slice %arg6[%dma_start3A_1756, %dma_start3A_1757, %dma_start3A_1758] : memref<10x128x64xf32, #tpu.memory_space<vmem>> -> memref<1x16x64xf32, #tpu.memory_space<vmem>>
        %dma_start3A_1760 = tpu.memref_squeeze %dma_start3A_1759 : memref<1x16x64xf32, #tpu.memory_space<vmem>> -> memref<16x64xf32, #tpu.memory_space<vmem>>
        %dma_start3A_1761 = arith.constant 0 : i32
        %dma_start3A_1762 = arith.constant 0 : i32
        %dma_start3A_1763 = tpu.memref_slice %arg3[%dma_start3A_1761, %dma_start3A_1762] : memref<1000000x64xf32, #tpu.memory_space<hbm>> -> memref<1000000x64xf32, #tpu.memory_space<hbm>>
        tpu.enqueue_indirect_dma source(%dma_start3A_1763 : memref<1000000x64xf32, #tpu.memory_space<hbm>>) target(%dma_start3A_1760 : memref<16x64xf32, #tpu.memory_space<vmem>>) offsets(%get3A_1755 : vector<16xi32>) semaphore(%arg16 : memref<!tpu.dma_semaphore, #tpu.memory_space<semaphore_mem>>)
        %get3A_1764 = arith.index_cast %add3A_1739 : i32 to index
        %get3A_1765 = arith.constant 32 : index
        %get3A_1766 = tpu.vector_load %arg5[%get3A_1764, %get3A_1765] {strides = array<i32>} : memref<200x128xi32, #tpu.memory_space<vmem>>, vector<1x16xi32>,
        %get3A_1767 = vector.shape_cast %get3A_1766 : vector<1x16xi32> to vector<16xi32>
        %dma_start3A_1768 = arith.constant 9 : i32
        %dma_start3A_1769 = arith.constant 32 : i32
        %dma_start3A_1770 = arith.constant 0 : i32
        %dma_start3A_1771 = tpu.memref_slice %arg6[%dma_start3A_1768, %dma_start3A_1769, %dma_start3A_1770] : memref<10x128x64xf32, #tpu.memory_space<vmem>> -> memref<1x16x64xf32, #tpu.memory_space<vmem>>
        %dma_start3A_1772 = tpu.memref_squeeze %dma_start3A_1771 : memref<1x16x64xf32, #tpu.memory_space<vmem>> -> memref<16x64xf32, #tpu.memory_space<vmem>>
        %dma_start3A_1773 = arith.constant 0 : i32
        %dma_start3A_1774 = arith.constant 0 : i32
        %dma_start3A_1775 = tpu.memref_slice %arg3[%dma_start3A_1773, %dma_start3A_1774] : memref<1000000x64xf32, #tpu.memory_space<hbm>> -> memref<1000000x64xf32, #tpu.memory_space<hbm>>
        tpu.enqueue_indirect_dma source(%dma_start3A_1775 : memref<1000000x64xf32, #tpu.memory_space<hbm>>) target(%dma_start3A_1772 : memref<16x64xf32, #tpu.memory_space<vmem>>) offsets(%get3A_1767 : vector<16xi32>) semaphore(%arg16 : memref<!tpu.dma_semaphore, #tpu.memory_space<semaphore_mem>>)
        %get3A_1776 = arith.index_cast %add3A_1739 : i32 to index
        %get3A_1777 = arith.constant 48 : index
        %get3A_1778 = tpu.vector_load %arg5[%get3A_1776, %get3A_1777] {strides = array<i32>} : memref<200x128xi32, #tpu.memory_space<vmem>>, vector<1x16xi32>,
        %get3A_1779 = vector.shape_cast %get3A_1778 : vector<1x16xi32> to vector<16xi32>
        %dma_start3A_1780 = arith.constant 9 : i32
        %dma_start3A_1781 = arith.constant 48 : i32
        %dma_start3A_1782 = arith.constant 0 : i32
        %dma_start3A_1783 = tpu.memref_slice %arg6[%dma_start3A_1780, %dma_start3A_1781, %dma_start3A_1782] : memref<10x128x64xf32, #tpu.memory_space<vmem>> -> memref<1x16x64xf32, #tpu.memory_space<vmem>>
        %dma_start3A_1784 = tpu.memref_squeeze %dma_start3A_1783 : memref<1x16x64xf32, #tpu.memory_space<vmem>> -> memref<16x64xf32, #tpu.memory_space<vmem>>
        %dma_start3A_1785 = arith.constant 0 : i32
        %dma_start3A_1786 = arith.constant 0 : i32
        %dma_start3A_1787 = tpu.memref_slice %arg3[%dma_start3A_1785, %dma_start3A_1786] : memref<1000000x64xf32, #tpu.memory_space<hbm>> -> memref<1000000x64xf32, #tpu.memory_space<hbm>>
        tpu.enqueue_indirect_dma source(%dma_start3A_1787 : memref<1000000x64xf32, #tpu.memory_space<hbm>>) target(%dma_start3A_1784 : memref<16x64xf32, #tpu.memory_space<vmem>>) offsets(%get3A_1779 : vector<16xi32>) semaphore(%arg16 : memref<!tpu.dma_semaphore, #tpu.memory_space<semaphore_mem>>)
        %get3A_1788 = arith.index_cast %add3A_1739 : i32 to index
        %get3A_1789 = arith.constant 64 : index
        %get3A_1790 = tpu.vector_load %arg5[%get3A_1788, %get3A_1789] {strides = array<i32>} : memref<200x128xi32, #tpu.memory_space<vmem>>, vector<1x16xi32>,
        %get3A_1791 = vector.shape_cast %get3A_1790 : vector<1x16xi32> to vector<16xi32>
        %dma_start3A_1792 = arith.constant 9 : i32
        %dma_start3A_1793 = arith.constant 64 : i32
        %dma_start3A_1794 = arith.constant 0 : i32
        %dma_start3A_1795 = tpu.memref_slice %arg6[%dma_start3A_1792, %dma_start3A_1793, %dma_start3A_1794] : memref<10x128x64xf32, #tpu.memory_space<vmem>> -> memref<1x16x64xf32, #tpu.memory_space<vmem>>
        %dma_start3A_1796 = tpu.memref_squeeze %dma_start3A_1795 : memref<1x16x64xf32, #tpu.memory_space<vmem>> -> memref<16x64xf32, #tpu.memory_space<vmem>>
        %dma_start3A_1797 = arith.constant 0 : i32
        %dma_start3A_1798 = arith.constant 0 : i32
        %dma_start3A_1799 = tpu.memref_slice %arg3[%dma_start3A_1797, %dma_start3A_1798] : memref<1000000x64xf32, #tpu.memory_space<hbm>> -> memref<1000000x64xf32, #tpu.memory_space<hbm>>
        tpu.enqueue_indirect_dma source(%dma_start3A_1799 : memref<1000000x64xf32, #tpu.memory_space<hbm>>) target(%dma_start3A_1796 : memref<16x64xf32, #tpu.memory_space<vmem>>) offsets(%get3A_1791 : vector<16xi32>) semaphore(%arg16 : memref<!tpu.dma_semaphore, #tpu.memory_space<semaphore_mem>>)
        %get3A_1800 = arith.index_cast %add3A_1739 : i32 to index
        %get3A_1801 = arith.constant 80 : index
        %get3A_1802 = tpu.vector_load %arg5[%get3A_1800, %get3A_1801] {strides = array<i32>} : memref<200x128xi32, #tpu.memory_space<vmem>>, vector<1x16xi32>,
        %get3A_1803 = vector.shape_cast %get3A_1802 : vector<1x16xi32> to vector<16xi32>
        %dma_start3A_1804 = arith.constant 9 : i32
        %dma_start3A_1805 = arith.constant 80 : i32
        %dma_start3A_1806 = arith.constant 0 : i32
        %dma_start3A_1807 = tpu.memref_slice %arg6[%dma_start3A_1804, %dma_start3A_1805, %dma_start3A_1806] : memref<10x128x64xf32, #tpu.memory_space<vmem>> -> memref<1x16x64xf32, #tpu.memory_space<vmem>>
        %dma_start3A_1808 = tpu.memref_squeeze %dma_start3A_1807 : memref<1x16x64xf32, #tpu.memory_space<vmem>> -> memref<16x64xf32, #tpu.memory_space<vmem>>
        %dma_start3A_1809 = arith.constant 0 : i32
        %dma_start3A_1810 = arith.constant 0 : i32
        %dma_start3A_1811 = tpu.memref_slice %arg3[%dma_start3A_1809, %dma_start3A_1810] : memref<1000000x64xf32, #tpu.memory_space<hbm>> -> memref<1000000x64xf32, #tpu.memory_space<hbm>>
        tpu.enqueue_indirect_dma source(%dma_start3A_1811 : memref<1000000x64xf32, #tpu.memory_space<hbm>>) target(%dma_start3A_1808 : memref<16x64xf32, #tpu.memory_space<vmem>>) offsets(%get3A_1803 : vector<16xi32>) semaphore(%arg16 : memref<!tpu.dma_semaphore, #tpu.memory_space<semaphore_mem>>)
        %get3A_1812 = arith.index_cast %add3A_1739 : i32 to index
        %get3A_1813 = arith.constant 96 : index
        %get3A_1814 = tpu.vector_load %arg5[%get3A_1812, %get3A_1813] {strides = array<i32>} : memref<200x128xi32, #tpu.memory_space<vmem>>, vector<1x16xi32>,
        %get3A_1815 = vector.shape_cast %get3A_1814 : vector<1x16xi32> to vector<16xi32>
        %dma_start3A_1816 = arith.constant 9 : i32
        %dma_start3A_1817 = arith.constant 96 : i32
        %dma_start3A_1818 = arith.constant 0 : i32
        %dma_start3A_1819 = tpu.memref_slice %arg6[%dma_start3A_1816, %dma_start3A_1817, %dma_start3A_1818] : memref<10x128x64xf32, #tpu.memory_space<vmem>> -> memref<1x16x64xf32, #tpu.memory_space<vmem>>
        %dma_start3A_1820 = tpu.memref_squeeze %dma_start3A_1819 : memref<1x16x64xf32, #tpu.memory_space<vmem>> -> memref<16x64xf32, #tpu.memory_space<vmem>>
        %dma_start3A_1821 = arith.constant 0 : i32
        %dma_start3A_1822 = arith.constant 0 : i32
        %dma_start3A_1823 = tpu.memref_slice %arg3[%dma_start3A_1821, %dma_start3A_1822] : memref<1000000x64xf32, #tpu.memory_space<hbm>> -> memref<1000000x64xf32, #tpu.memory_space<hbm>>
        tpu.enqueue_indirect_dma source(%dma_start3A_1823 : memref<1000000x64xf32, #tpu.memory_space<hbm>>) target(%dma_start3A_1820 : memref<16x64xf32, #tpu.memory_space<vmem>>) offsets(%get3A_1815 : vector<16xi32>) semaphore(%arg16 : memref<!tpu.dma_semaphore, #tpu.memory_space<semaphore_mem>>)
        %get3A_1824 = arith.index_cast %add3A_1739 : i32 to index
        %get3A_1825 = arith.constant 112 : index
        %get3A_1826 = tpu.vector_load %arg5[%get3A_1824, %get3A_1825] {strides = array<i32>} : memref<200x128xi32, #tpu.memory_space<vmem>>, vector<1x16xi32>,
        %get3A_1827 = vector.shape_cast %get3A_1826 : vector<1x16xi32> to vector<16xi32>
        %dma_start3A_1828 = arith.constant 9 : i32
        %dma_start3A_1829 = arith.constant 112 : i32
        %dma_start3A_1830 = arith.constant 0 : i32
        %dma_start3A_1831 = tpu.memref_slice %arg6[%dma_start3A_1828, %dma_start3A_1829, %dma_start3A_1830] : memref<10x128x64xf32, #tpu.memory_space<vmem>> -> memref<1x16x64xf32, #tpu.memory_space<vmem>>
        %dma_start3A_1832 = tpu.memref_squeeze %dma_start3A_1831 : memref<1x16x64xf32, #tpu.memory_space<vmem>> -> memref<16x64xf32, #tpu.memory_space<vmem>>
        %dma_start3A_1833 = arith.constant 0 : i32
        %dma_start3A_1834 = arith.constant 0 : i32
        %dma_start3A_1835 = tpu.memref_slice %arg3[%dma_start3A_1833, %dma_start3A_1834] : memref<1000000x64xf32, #tpu.memory_space<hbm>> -> memref<1000000x64xf32, #tpu.memory_space<hbm>>
        tpu.enqueue_indirect_dma source(%dma_start3A_1835 : memref<1000000x64xf32, #tpu.memory_space<hbm>>) target(%dma_start3A_1832 : memref<16x64xf32, #tpu.memory_space<vmem>>) offsets(%get3A_1827 : vector<16xi32>) semaphore(%arg16 : memref<!tpu.dma_semaphore, #tpu.memory_space<semaphore_mem>>)
      } else {
      }
      %mul3A_1418 = arith.constant 10 : i32
      %mul3A_1419 = arith.muli %scan3A_1223, %mul3A_1418 : i32
      %add3A_1420 = arith.constant 4 : i32
      %add3A_1421 = arith.addi %mul3A_1419, %add3A_1420 : i32
      %dma_wait3A_1422 = arith.constant 0 : i32
      %dma_wait3A_1423 = arith.constant 4 : i32
      %dma_wait3A_1424 = arith.constant 0 : i32
      %dma_wait3A_1425 = arith.constant 0 : i32
      %dma_wait3A_1426 = tpu.memref_slice %arg6[%dma_wait3A_1423, %dma_wait3A_1424, %dma_wait3A_1425] : memref<10x128x64xf32, #tpu.memory_space<vmem>> -> memref<1x128x64xf32, #tpu.memory_space<vmem>>
      %dma_wait3A_1427 = tpu.memref_squeeze %dma_wait3A_1426 : memref<1x128x64xf32, #tpu.memory_space<vmem>> -> memref<128x64xf32, #tpu.memory_space<vmem>>
      %dma_wait3A_1428 = arith.constant 0 : i32
      %dma_wait3A_1429 = tpu.memref_slice %arg5[%dma_wait3A_1422, %dma_wait3A_1428] : memref<200x128xi32, #tpu.memory_space<vmem>> -> memref<1x128xi32, #tpu.memory_space<vmem>>
      %dma_wait3A_1430 = tpu.memref_squeeze %dma_wait3A_1429 : memref<1x128xi32, #tpu.memory_space<vmem>> -> memref<128xi32, #tpu.memory_space<vmem>>
      %dma_wait3A_1431 = arith.constant 0 : i32
      %dma_wait3A_1432 = arith.constant 0 : i32
      %dma_wait3A_1433 = tpu.memref_slice %arg3[%dma_wait3A_1431, %dma_wait3A_1432] : memref<1000000x64xf32, #tpu.memory_space<hbm>> -> memref<1000000x64xf32, #tpu.memory_space<hbm>>
      tpu.wait_indirect_dma semaphore(%arg11 : memref<!tpu.dma_semaphore, #tpu.memory_space<semaphore_mem>>) src(%dma_wait3A_1433 : memref<1000000x64xf32, #tpu.memory_space<hbm>>) dst(%dma_wait3A_1427 : memref<128x64xf32, #tpu.memory_space<vmem>>)
      %mul3A_1434 = arith.constant 200 : i32
      %mul3A_1435 = arith.muli %add3A, %mul3A_1434 : i32
      %add3A_1436 = arith.addi %mul3A_1435, %add3A_1421 : i32
      %dma_start3A_1437 = arith.constant 4 : i32
      %dma_start3A_1438 = arith.constant 0 : i32
      %dma_start3A_1439 = arith.constant 0 : i32
      %dma_start3A_1440 = tpu.memref_slice %arg6[%dma_start3A_1437, %dma_start3A_1438, %dma_start3A_1439] : memref<10x128x64xf32, #tpu.memory_space<vmem>> -> memref<1x128x64xf32, #tpu.memory_space<vmem>>
      %dma_start3A_1441 = tpu.memref_squeeze %dma_start3A_1440 : memref<1x128x64xf32, #tpu.memory_space<vmem>> -> memref<128x64xf32, #tpu.memory_space<vmem>>
      %dma_start3A_1442 = arith.constant 0 : i32
      %dma_start3A_1443 = arith.constant 0 : i32
      %dma_start3A_1444 = tpu.memref_slice %arg4[%add3A_1436, %dma_start3A_1442, %dma_start3A_1443] : memref<6400x128x64xf32, #tpu.memory_space<hbm>> -> memref<1x128x64xf32, #tpu.memory_space<hbm>>
      %dma_start3A_1445 = tpu.memref_squeeze %dma_start3A_1444 : memref<1x128x64xf32, #tpu.memory_space<hbm>> -> memref<128x64xf32, #tpu.memory_space<hbm>>
      %dma_start3A_1446 = arith.constant 0 : i32
      %dma_start3A_1447 = arith.constant 0 : i32
      %dma_start3A_1448 = tpu.memref_slice %arg4[%add3A_1436, %dma_start3A_1446, %dma_start3A_1447] : memref<6400x128x64xf32, #tpu.memory_space<hbm>> -> memref<1x128x64xf32, #tpu.memory_space<hbm>>
      %dma_start3A_1449 = tpu.memref_squeeze %dma_start3A_1448 : memref<1x128x64xf32, #tpu.memory_space<hbm>> -> memref<128x64xf32, #tpu.memory_space<hbm>>
      %dma_start3A_1450 = arith.constant 0 : i32
      %dma_start3A_1451 = arith.constant 0 : i32
      %dma_start3A_1452 = tpu.memref_slice %arg6[%dma_start3A_1437, %dma_start3A_1450, %dma_start3A_1451] : memref<10x128x64xf32, #tpu.memory_space<vmem>> -> memref<1x128x64xf32, #tpu.memory_space<vmem>>
      %dma_start3A_1453 = tpu.memref_squeeze %dma_start3A_1452 : memref<1x128x64xf32, #tpu.memory_space<vmem>> -> memref<128x64xf32, #tpu.memory_space<vmem>>
      tpu.enqueue_dma source(%dma_start3A_1453 : memref<128x64xf32, #tpu.memory_space<vmem>>) target(%dma_start3A_1449 : memref<128x64xf32, #tpu.memory_space<hbm>>) target_semaphore(%arg21 : memref<!tpu.dma_semaphore, #tpu.memory_space<semaphore_mem>>)
      %sub3A_1454 = arith.constant 4 : i32
      %sub3A_1455 = arith.subi %add3A_1421, %sub3A_1454 : i32
      %ge3A_1456 = arith.constant 0 : i32
      %ge3A_1457 = arith.cmpi sge, %sub3A_1455, %ge3A_1456 : i32
      %sub3A_1458 = arith.constant 4 : i32
      %sub3A_1459 = arith.subi %add3A_1421, %sub3A_1458 : i32
      %add3A_1460 = arith.constant 10 : i32
      %add3A_1461 = arith.addi %sub3A_1459, %add3A_1460 : i32
      %lt3A_1462 = arith.constant 200 : i32
      %lt3A_1463 = arith.cmpi slt, %add3A_1461, %lt3A_1462 : i32
      %and3A_1464 = arith.andi %ge3A_1457, %lt3A_1463 : i1
      %convert_element_type3A_1465 = arith.extui %and3A_1464 : i1 to i32
      %cond3A_1466 = arith.constant 0 : i32
      %cond3A_1467 = arith.cmpi ne, %convert_element_type3A_1465, %cond3A_1466 : i32
      scf.if %cond3A_1467 {
        %dma_wait3A_1718 = arith.constant 0 : i32
        %dma_wait3A_1719 = arith.constant 0 : i32
        %dma_wait3A_1720 = arith.constant 0 : i32
        %dma_wait3A_1721 = arith.constant 0 : i32
        %dma_wait3A_1722 = tpu.memref_slice %arg6[%dma_wait3A_1718, %dma_wait3A_1720, %dma_wait3A_1721] : memref<10x128x64xf32, #tpu.memory_space<vmem>> -> memref<1x128x64xf32, #tpu.memory_space<vmem>>
        %dma_wait3A_1723 = tpu.memref_squeeze %dma_wait3A_1722 : memref<1x128x64xf32, #tpu.memory_space<vmem>> -> memref<128x64xf32, #tpu.memory_space<vmem>>
        %dma_wait3A_1724 = arith.constant 0 : i32
        %dma_wait3A_1725 = arith.constant 0 : i32
        %dma_wait3A_1726 = tpu.memref_slice %arg4[%dma_wait3A_1719, %dma_wait3A_1724, %dma_wait3A_1725] : memref<6400x128x64xf32, #tpu.memory_space<hbm>> -> memref<1x128x64xf32, #tpu.memory_space<hbm>>
        %dma_wait3A_1727 = tpu.memref_squeeze %dma_wait3A_1726 : memref<1x128x64xf32, #tpu.memory_space<hbm>> -> memref<128x64xf32, #tpu.memory_space<hbm>>
        %dma_wait3A_1728 = arith.constant 0 : i32
        %dma_wait3A_1729 = arith.constant 0 : i32
        %dma_wait3A_1730 = tpu.memref_slice %arg4[%dma_wait3A_1719, %dma_wait3A_1728, %dma_wait3A_1729] : memref<6400x128x64xf32, #tpu.memory_space<hbm>> -> memref<1x128x64xf32, #tpu.memory_space<hbm>>
        %dma_wait3A_1731 = tpu.memref_squeeze %dma_wait3A_1730 : memref<1x128x64xf32, #tpu.memory_space<hbm>> -> memref<128x64xf32, #tpu.memory_space<hbm>>
        %dma_wait3A_1732 = arith.constant 0 : i32
        %dma_wait3A_1733 = arith.constant 0 : i32
        %dma_wait3A_1734 = tpu.memref_slice %arg6[%dma_wait3A_1718, %dma_wait3A_1732, %dma_wait3A_1733] : memref<10x128x64xf32, #tpu.memory_space<vmem>> -> memref<1x128x64xf32, #tpu.memory_space<vmem>>
        %dma_wait3A_1735 = tpu.memref_squeeze %dma_wait3A_1734 : memref<1x128x64xf32, #tpu.memory_space<vmem>> -> memref<128x64xf32, #tpu.memory_space<vmem>>
        tpu.wait_dma2 semaphore(%arg17 : memref<!tpu.dma_semaphore, #tpu.memory_space<semaphore_mem>>) src(%dma_wait3A_1735 : memref<128x64xf32, #tpu.memory_space<vmem>>) dst(%dma_wait3A_1731 : memref<128x64xf32, #tpu.memory_space<hbm>>)
        %sub3A_1736 = arith.constant 4 : i32
        %sub3A_1737 = arith.subi %add3A_1421, %sub3A_1736 : i32
        %add3A_1738 = arith.constant 10 : i32
        %add3A_1739 = arith.addi %sub3A_1737, %add3A_1738 : i32
        %get3A_1740 = arith.index_cast %add3A_1739 : i32 to index
        %get3A_1741 = arith.constant 0 : index
        %get3A_1742 = tpu.vector_load %arg5[%get3A_1740, %get3A_1741] {strides = array<i32>} : memref<200x128xi32, #tpu.memory_space<vmem>>, vector<1x16xi32>,
        %get3A_1743 = vector.shape_cast %get3A_1742 : vector<1x16xi32> to vector<16xi32>
        %dma_start3A_1744 = arith.constant 0 : i32
        %dma_start3A_1745 = arith.constant 0 : i32
        %dma_start3A_1746 = arith.constant 0 : i32
        %dma_start3A_1747 = tpu.memref_slice %arg6[%dma_start3A_1744, %dma_start3A_1745, %dma_start3A_1746] : memref<10x128x64xf32, #tpu.memory_space<vmem>> -> memref<1x16x64xf32, #tpu.memory_space<vmem>>
        %dma_start3A_1748 = tpu.memref_squeeze %dma_start3A_1747 : memref<1x16x64xf32, #tpu.memory_space<vmem>> -> memref<16x64xf32, #tpu.memory_space<vmem>>
        %dma_start3A_1749 = arith.constant 0 : i32
        %dma_start3A_1750 = arith.constant 0 : i32
        %dma_start3A_1751 = tpu.memref_slice %arg3[%dma_start3A_1749, %dma_start3A_1750] : memref<1000000x64xf32, #tpu.memory_space<hbm>> -> memref<1000000x64xf32, #tpu.memory_space<hbm>>
        tpu.enqueue_indirect_dma source(%dma_start3A_1751 : memref<1000000x64xf32, #tpu.memory_space<hbm>>) target(%dma_start3A_1748 : memref<16x64xf32, #tpu.memory_space<vmem>>) offsets(%get3A_1743 : vector<16xi32>) semaphore(%arg7 : memref<!tpu.dma_semaphore, #tpu.memory_space<semaphore_mem>>)
        %get3A_1752 = arith.index_cast %add3A_1739 : i32 to index
        %get3A_1753 = arith.constant 16 : index
        %get3A_1754 = tpu.vector_load %arg5[%get3A_1752, %get3A_1753] {strides = array<i32>} : memref<200x128xi32, #tpu.memory_space<vmem>>, vector<1x16xi32>,
        %get3A_1755 = vector.shape_cast %get3A_1754 : vector<1x16xi32> to vector<16xi32>
        %dma_start3A_1756 = arith.constant 0 : i32
        %dma_start3A_1757 = arith.constant 16 : i32
        %dma_start3A_1758 = arith.constant 0 : i32
        %dma_start3A_1759 = tpu.memref_slice %arg6[%dma_start3A_1756, %dma_start3A_1757, %dma_start3A_1758] : memref<10x128x64xf32, #tpu.memory_space<vmem>> -> memref<1x16x64xf32, #tpu.memory_space<vmem>>
        %dma_start3A_1760 = tpu.memref_squeeze %dma_start3A_1759 : memref<1x16x64xf32, #tpu.memory_space<vmem>> -> memref<16x64xf32, #tpu.memory_space<vmem>>
        %dma_start3A_1761 = arith.constant 0 : i32
        %dma_start3A_1762 = arith.constant 0 : i32
        %dma_start3A_1763 = tpu.memref_slice %arg3[%dma_start3A_1761, %dma_start3A_1762] : memref<1000000x64xf32, #tpu.memory_space<hbm>> -> memref<1000000x64xf32, #tpu.memory_space<hbm>>
        tpu.enqueue_indirect_dma source(%dma_start3A_1763 : memref<1000000x64xf32, #tpu.memory_space<hbm>>) target(%dma_start3A_1760 : memref<16x64xf32, #tpu.memory_space<vmem>>) offsets(%get3A_1755 : vector<16xi32>) semaphore(%arg7 : memref<!tpu.dma_semaphore, #tpu.memory_space<semaphore_mem>>)
        %get3A_1764 = arith.index_cast %add3A_1739 : i32 to index
        %get3A_1765 = arith.constant 32 : index
        %get3A_1766 = tpu.vector_load %arg5[%get3A_1764, %get3A_1765] {strides = array<i32>} : memref<200x128xi32, #tpu.memory_space<vmem>>, vector<1x16xi32>,
        %get3A_1767 = vector.shape_cast %get3A_1766 : vector<1x16xi32> to vector<16xi32>
        %dma_start3A_1768 = arith.constant 0 : i32
        %dma_start3A_1769 = arith.constant 32 : i32
        %dma_start3A_1770 = arith.constant 0 : i32
        %dma_start3A_1771 = tpu.memref_slice %arg6[%dma_start3A_1768, %dma_start3A_1769, %dma_start3A_1770] : memref<10x128x64xf32, #tpu.memory_space<vmem>> -> memref<1x16x64xf32, #tpu.memory_space<vmem>>
        %dma_start3A_1772 = tpu.memref_squeeze %dma_start3A_1771 : memref<1x16x64xf32, #tpu.memory_space<vmem>> -> memref<16x64xf32, #tpu.memory_space<vmem>>
        %dma_start3A_1773 = arith.constant 0 : i32
        %dma_start3A_1774 = arith.constant 0 : i32
        %dma_start3A_1775 = tpu.memref_slice %arg3[%dma_start3A_1773, %dma_start3A_1774] : memref<1000000x64xf32, #tpu.memory_space<hbm>> -> memref<1000000x64xf32, #tpu.memory_space<hbm>>
        tpu.enqueue_indirect_dma source(%dma_start3A_1775 : memref<1000000x64xf32, #tpu.memory_space<hbm>>) target(%dma_start3A_1772 : memref<16x64xf32, #tpu.memory_space<vmem>>) offsets(%get3A_1767 : vector<16xi32>) semaphore(%arg7 : memref<!tpu.dma_semaphore, #tpu.memory_space<semaphore_mem>>)
        %get3A_1776 = arith.index_cast %add3A_1739 : i32 to index
        %get3A_1777 = arith.constant 48 : index
        %get3A_1778 = tpu.vector_load %arg5[%get3A_1776, %get3A_1777] {strides = array<i32>} : memref<200x128xi32, #tpu.memory_space<vmem>>, vector<1x16xi32>,
        %get3A_1779 = vector.shape_cast %get3A_1778 : vector<1x16xi32> to vector<16xi32>
        %dma_start3A_1780 = arith.constant 0 : i32
        %dma_start3A_1781 = arith.constant 48 : i32
        %dma_start3A_1782 = arith.constant 0 : i32
        %dma_start3A_1783 = tpu.memref_slice %arg6[%dma_start3A_1780, %dma_start3A_1781, %dma_start3A_1782] : memref<10x128x64xf32, #tpu.memory_space<vmem>> -> memref<1x16x64xf32, #tpu.memory_space<vmem>>
        %dma_start3A_1784 = tpu.memref_squeeze %dma_start3A_1783 : memref<1x16x64xf32, #tpu.memory_space<vmem>> -> memref<16x64xf32, #tpu.memory_space<vmem>>
        %dma_start3A_1785 = arith.constant 0 : i32
        %dma_start3A_1786 = arith.constant 0 : i32
        %dma_start3A_1787 = tpu.memref_slice %arg3[%dma_start3A_1785, %dma_start3A_1786] : memref<1000000x64xf32, #tpu.memory_space<hbm>> -> memref<1000000x64xf32, #tpu.memory_space<hbm>>
        tpu.enqueue_indirect_dma source(%dma_start3A_1787 : memref<1000000x64xf32, #tpu.memory_space<hbm>>) target(%dma_start3A_1784 : memref<16x64xf32, #tpu.memory_space<vmem>>) offsets(%get3A_1779 : vector<16xi32>) semaphore(%arg7 : memref<!tpu.dma_semaphore, #tpu.memory_space<semaphore_mem>>)
        %get3A_1788 = arith.index_cast %add3A_1739 : i32 to index
        %get3A_1789 = arith.constant 64 : index
        %get3A_1790 = tpu.vector_load %arg5[%get3A_1788, %get3A_1789] {strides = array<i32>} : memref<200x128xi32, #tpu.memory_space<vmem>>, vector<1x16xi32>,
        %get3A_1791 = vector.shape_cast %get3A_1790 : vector<1x16xi32> to vector<16xi32>
        %dma_start3A_1792 = arith.constant 0 : i32
        %dma_start3A_1793 = arith.constant 64 : i32
        %dma_start3A_1794 = arith.constant 0 : i32
        %dma_start3A_1795 = tpu.memref_slice %arg6[%dma_start3A_1792, %dma_start3A_1793, %dma_start3A_1794] : memref<10x128x64xf32, #tpu.memory_space<vmem>> -> memref<1x16x64xf32, #tpu.memory_space<vmem>>
        %dma_start3A_1796 = tpu.memref_squeeze %dma_start3A_1795 : memref<1x16x64xf32, #tpu.memory_space<vmem>> -> memref<16x64xf32, #tpu.memory_space<vmem>>
        %dma_start3A_1797 = arith.constant 0 : i32
        %dma_start3A_1798 = arith.constant 0 : i32
        %dma_start3A_1799 = tpu.memref_slice %arg3[%dma_start3A_1797, %dma_start3A_1798] : memref<1000000x64xf32, #tpu.memory_space<hbm>> -> memref<1000000x64xf32, #tpu.memory_space<hbm>>
        tpu.enqueue_indirect_dma source(%dma_start3A_1799 : memref<1000000x64xf32, #tpu.memory_space<hbm>>) target(%dma_start3A_1796 : memref<16x64xf32, #tpu.memory_space<vmem>>) offsets(%get3A_1791 : vector<16xi32>) semaphore(%arg7 : memref<!tpu.dma_semaphore, #tpu.memory_space<semaphore_mem>>)
        %get3A_1800 = arith.index_cast %add3A_1739 : i32 to index
        %get3A_1801 = arith.constant 80 : index
        %get3A_1802 = tpu.vector_load %arg5[%get3A_1800, %get3A_1801] {strides = array<i32>} : memref<200x128xi32, #tpu.memory_space<vmem>>, vector<1x16xi32>,
        %get3A_1803 = vector.shape_cast %get3A_1802 : vector<1x16xi32> to vector<16xi32>
        %dma_start3A_1804 = arith.constant 0 : i32
        %dma_start3A_1805 = arith.constant 80 : i32
        %dma_start3A_1806 = arith.constant 0 : i32
        %dma_start3A_1807 = tpu.memref_slice %arg6[%dma_start3A_1804, %dma_start3A_1805, %dma_start3A_1806] : memref<10x128x64xf32, #tpu.memory_space<vmem>> -> memref<1x16x64xf32, #tpu.memory_space<vmem>>
        %dma_start3A_1808 = tpu.memref_squeeze %dma_start3A_1807 : memref<1x16x64xf32, #tpu.memory_space<vmem>> -> memref<16x64xf32, #tpu.memory_space<vmem>>
        %dma_start3A_1809 = arith.constant 0 : i32
        %dma_start3A_1810 = arith.constant 0 : i32
        %dma_start3A_1811 = tpu.memref_slice %arg3[%dma_start3A_1809, %dma_start3A_1810] : memref<1000000x64xf32, #tpu.memory_space<hbm>> -> memref<1000000x64xf32, #tpu.memory_space<hbm>>
        tpu.enqueue_indirect_dma source(%dma_start3A_1811 : memref<1000000x64xf32, #tpu.memory_space<hbm>>) target(%dma_start3A_1808 : memref<16x64xf32, #tpu.memory_space<vmem>>) offsets(%get3A_1803 : vector<16xi32>) semaphore(%arg7 : memref<!tpu.dma_semaphore, #tpu.memory_space<semaphore_mem>>)
        %get3A_1812 = arith.index_cast %add3A_1739 : i32 to index
        %get3A_1813 = arith.constant 96 : index
        %get3A_1814 = tpu.vector_load %arg5[%get3A_1812, %get3A_1813] {strides = array<i32>} : memref<200x128xi32, #tpu.memory_space<vmem>>, vector<1x16xi32>,
        %get3A_1815 = vector.shape_cast %get3A_1814 : vector<1x16xi32> to vector<16xi32>
        %dma_start3A_1816 = arith.constant 0 : i32
        %dma_start3A_1817 = arith.constant 96 : i32
        %dma_start3A_1818 = arith.constant 0 : i32
        %dma_start3A_1819 = tpu.memref_slice %arg6[%dma_start3A_1816, %dma_start3A_1817, %dma_start3A_1818] : memref<10x128x64xf32, #tpu.memory_space<vmem>> -> memref<1x16x64xf32, #tpu.memory_space<vmem>>
        %dma_start3A_1820 = tpu.memref_squeeze %dma_start3A_1819 : memref<1x16x64xf32, #tpu.memory_space<vmem>> -> memref<16x64xf32, #tpu.memory_space<vmem>>
        %dma_start3A_1821 = arith.constant 0 : i32
        %dma_start3A_1822 = arith.constant 0 : i32
        %dma_start3A_1823 = tpu.memref_slice %arg3[%dma_start3A_1821, %dma_start3A_1822] : memref<1000000x64xf32, #tpu.memory_space<hbm>> -> memref<1000000x64xf32, #tpu.memory_space<hbm>>
        tpu.enqueue_indirect_dma source(%dma_start3A_1823 : memref<1000000x64xf32, #tpu.memory_space<hbm>>) target(%dma_start3A_1820 : memref<16x64xf32, #tpu.memory_space<vmem>>) offsets(%get3A_1815 : vector<16xi32>) semaphore(%arg7 : memref<!tpu.dma_semaphore, #tpu.memory_space<semaphore_mem>>)
        %get3A_1824 = arith.index_cast %add3A_1739 : i32 to index
        %get3A_1825 = arith.constant 112 : index
        %get3A_1826 = tpu.vector_load %arg5[%get3A_1824, %get3A_1825] {strides = array<i32>} : memref<200x128xi32, #tpu.memory_space<vmem>>, vector<1x16xi32>,
        %get3A_1827 = vector.shape_cast %get3A_1826 : vector<1x16xi32> to vector<16xi32>
        %dma_start3A_1828 = arith.constant 0 : i32
        %dma_start3A_1829 = arith.constant 112 : i32
        %dma_start3A_1830 = arith.constant 0 : i32
        %dma_start3A_1831 = tpu.memref_slice %arg6[%dma_start3A_1828, %dma_start3A_1829, %dma_start3A_1830] : memref<10x128x64xf32, #tpu.memory_space<vmem>> -> memref<1x16x64xf32, #tpu.memory_space<vmem>>
        %dma_start3A_1832 = tpu.memref_squeeze %dma_start3A_1831 : memref<1x16x64xf32, #tpu.memory_space<vmem>> -> memref<16x64xf32, #tpu.memory_space<vmem>>
        %dma_start3A_1833 = arith.constant 0 : i32
        %dma_start3A_1834 = arith.constant 0 : i32
        %dma_start3A_1835 = tpu.memref_slice %arg3[%dma_start3A_1833, %dma_start3A_1834] : memref<1000000x64xf32, #tpu.memory_space<hbm>> -> memref<1000000x64xf32, #tpu.memory_space<hbm>>
        tpu.enqueue_indirect_dma source(%dma_start3A_1835 : memref<1000000x64xf32, #tpu.memory_space<hbm>>) target(%dma_start3A_1832 : memref<16x64xf32, #tpu.memory_space<vmem>>) offsets(%get3A_1827 : vector<16xi32>) semaphore(%arg7 : memref<!tpu.dma_semaphore, #tpu.memory_space<semaphore_mem>>)
      } else {
      }
      %mul3A_1468 = arith.constant 10 : i32
      %mul3A_1469 = arith.muli %scan3A_1223, %mul3A_1468 : i32
      %add3A_1470 = arith.constant 5 : i32
      %add3A_1471 = arith.addi %mul3A_1469, %add3A_1470 : i32
      %dma_wait3A_1472 = arith.constant 0 : i32
      %dma_wait3A_1473 = arith.constant 5 : i32
      %dma_wait3A_1474 = arith.constant 0 : i32
      %dma_wait3A_1475 = arith.constant 0 : i32
      %dma_wait3A_1476 = tpu.memref_slice %arg6[%dma_wait3A_1473, %dma_wait3A_1474, %dma_wait3A_1475] : memref<10x128x64xf32, #tpu.memory_space<vmem>> -> memref<1x128x64xf32, #tpu.memory_space<vmem>>
      %dma_wait3A_1477 = tpu.memref_squeeze %dma_wait3A_1476 : memref<1x128x64xf32, #tpu.memory_space<vmem>> -> memref<128x64xf32, #tpu.memory_space<vmem>>
      %dma_wait3A_1478 = arith.constant 0 : i32
      %dma_wait3A_1479 = tpu.memref_slice %arg5[%dma_wait3A_1472, %dma_wait3A_1478] : memref<200x128xi32, #tpu.memory_space<vmem>> -> memref<1x128xi32, #tpu.memory_space<vmem>>
      %dma_wait3A_1480 = tpu.memref_squeeze %dma_wait3A_1479 : memref<1x128xi32, #tpu.memory_space<vmem>> -> memref<128xi32, #tpu.memory_space<vmem>>
      %dma_wait3A_1481 = arith.constant 0 : i32
      %dma_wait3A_1482 = arith.constant 0 : i32
      %dma_wait3A_1483 = tpu.memref_slice %arg3[%dma_wait3A_1481, %dma_wait3A_1482] : memref<1000000x64xf32, #tpu.memory_space<hbm>> -> memref<1000000x64xf32, #tpu.memory_space<hbm>>
      tpu.wait_indirect_dma semaphore(%arg12 : memref<!tpu.dma_semaphore, #tpu.memory_space<semaphore_mem>>) src(%dma_wait3A_1483 : memref<1000000x64xf32, #tpu.memory_space<hbm>>) dst(%dma_wait3A_1477 : memref<128x64xf32, #tpu.memory_space<vmem>>)
      %mul3A_1484 = arith.constant 200 : i32
      %mul3A_1485 = arith.muli %add3A, %mul3A_1484 : i32
      %add3A_1486 = arith.addi %mul3A_1485, %add3A_1471 : i32
      %dma_start3A_1487 = arith.constant 5 : i32
      %dma_start3A_1488 = arith.constant 0 : i32
      %dma_start3A_1489 = arith.constant 0 : i32
      %dma_start3A_1490 = tpu.memref_slice %arg6[%dma_start3A_1487, %dma_start3A_1488, %dma_start3A_1489] : memref<10x128x64xf32, #tpu.memory_space<vmem>> -> memref<1x128x64xf32, #tpu.memory_space<vmem>>
      %dma_start3A_1491 = tpu.memref_squeeze %dma_start3A_1490 : memref<1x128x64xf32, #tpu.memory_space<vmem>> -> memref<128x64xf32, #tpu.memory_space<vmem>>
      %dma_start3A_1492 = arith.constant 0 : i32
      %dma_start3A_1493 = arith.constant 0 : i32
      %dma_start3A_1494 = tpu.memref_slice %arg4[%add3A_1486, %dma_start3A_1492, %dma_start3A_1493] : memref<6400x128x64xf32, #tpu.memory_space<hbm>> -> memref<1x128x64xf32, #tpu.memory_space<hbm>>
      %dma_start3A_1495 = tpu.memref_squeeze %dma_start3A_1494 : memref<1x128x64xf32, #tpu.memory_space<hbm>> -> memref<128x64xf32, #tpu.memory_space<hbm>>
      %dma_start3A_1496 = arith.constant 0 : i32
      %dma_start3A_1497 = arith.constant 0 : i32
      %dma_start3A_1498 = tpu.memref_slice %arg4[%add3A_1486, %dma_start3A_1496, %dma_start3A_1497] : memref<6400x128x64xf32, #tpu.memory_space<hbm>> -> memref<1x128x64xf32, #tpu.memory_space<hbm>>
      %dma_start3A_1499 = tpu.memref_squeeze %dma_start3A_1498 : memref<1x128x64xf32, #tpu.memory_space<hbm>> -> memref<128x64xf32, #tpu.memory_space<hbm>>
      %dma_start3A_1500 = arith.constant 0 : i32
      %dma_start3A_1501 = arith.constant 0 : i32
      %dma_start3A_1502 = tpu.memref_slice %arg6[%dma_start3A_1487, %dma_start3A_1500, %dma_start3A_1501] : memref<10x128x64xf32, #tpu.memory_space<vmem>> -> memref<1x128x64xf32, #tpu.memory_space<vmem>>
      %dma_start3A_1503 = tpu.memref_squeeze %dma_start3A_1502 : memref<1x128x64xf32, #tpu.memory_space<vmem>> -> memref<128x64xf32, #tpu.memory_space<vmem>>
      tpu.enqueue_dma source(%dma_start3A_1503 : memref<128x64xf32, #tpu.memory_space<vmem>>) target(%dma_start3A_1499 : memref<128x64xf32, #tpu.memory_space<hbm>>) target_semaphore(%arg22 : memref<!tpu.dma_semaphore, #tpu.memory_space<semaphore_mem>>)
      %sub3A_1504 = arith.constant 4 : i32
      %sub3A_1505 = arith.subi %add3A_1471, %sub3A_1504 : i32
      %ge3A_1506 = arith.constant 0 : i32
      %ge3A_1507 = arith.cmpi sge, %sub3A_1505, %ge3A_1506 : i32
      %sub3A_1508 = arith.constant 4 : i32
      %sub3A_1509 = arith.subi %add3A_1471, %sub3A_1508 : i32
      %add3A_1510 = arith.constant 10 : i32
      %add3A_1511 = arith.addi %sub3A_1509, %add3A_1510 : i32
      %lt3A_1512 = arith.constant 200 : i32
      %lt3A_1513 = arith.cmpi slt, %add3A_1511, %lt3A_1512 : i32
      %and3A_1514 = arith.andi %ge3A_1507, %lt3A_1513 : i1
      %convert_element_type3A_1515 = arith.extui %and3A_1514 : i1 to i32
      %cond3A_1516 = arith.constant 0 : i32
      %cond3A_1517 = arith.cmpi ne, %convert_element_type3A_1515, %cond3A_1516 : i32
      scf.if %cond3A_1517 {
        %dma_wait3A_1718 = arith.constant 1 : i32
        %dma_wait3A_1719 = arith.constant 0 : i32
        %dma_wait3A_1720 = arith.constant 0 : i32
        %dma_wait3A_1721 = arith.constant 0 : i32
        %dma_wait3A_1722 = tpu.memref_slice %arg6[%dma_wait3A_1718, %dma_wait3A_1720, %dma_wait3A_1721] : memref<10x128x64xf32, #tpu.memory_space<vmem>> -> memref<1x128x64xf32, #tpu.memory_space<vmem>>
        %dma_wait3A_1723 = tpu.memref_squeeze %dma_wait3A_1722 : memref<1x128x64xf32, #tpu.memory_space<vmem>> -> memref<128x64xf32, #tpu.memory_space<vmem>>
        %dma_wait3A_1724 = arith.constant 0 : i32
        %dma_wait3A_1725 = arith.constant 0 : i32
        %dma_wait3A_1726 = tpu.memref_slice %arg4[%dma_wait3A_1719, %dma_wait3A_1724, %dma_wait3A_1725] : memref<6400x128x64xf32, #tpu.memory_space<hbm>> -> memref<1x128x64xf32, #tpu.memory_space<hbm>>
        %dma_wait3A_1727 = tpu.memref_squeeze %dma_wait3A_1726 : memref<1x128x64xf32, #tpu.memory_space<hbm>> -> memref<128x64xf32, #tpu.memory_space<hbm>>
        %dma_wait3A_1728 = arith.constant 0 : i32
        %dma_wait3A_1729 = arith.constant 0 : i32
        %dma_wait3A_1730 = tpu.memref_slice %arg4[%dma_wait3A_1719, %dma_wait3A_1728, %dma_wait3A_1729] : memref<6400x128x64xf32, #tpu.memory_space<hbm>> -> memref<1x128x64xf32, #tpu.memory_space<hbm>>
        %dma_wait3A_1731 = tpu.memref_squeeze %dma_wait3A_1730 : memref<1x128x64xf32, #tpu.memory_space<hbm>> -> memref<128x64xf32, #tpu.memory_space<hbm>>
        %dma_wait3A_1732 = arith.constant 0 : i32
        %dma_wait3A_1733 = arith.constant 0 : i32
        %dma_wait3A_1734 = tpu.memref_slice %arg6[%dma_wait3A_1718, %dma_wait3A_1732, %dma_wait3A_1733] : memref<10x128x64xf32, #tpu.memory_space<vmem>> -> memref<1x128x64xf32, #tpu.memory_space<vmem>>
        %dma_wait3A_1735 = tpu.memref_squeeze %dma_wait3A_1734 : memref<1x128x64xf32, #tpu.memory_space<vmem>> -> memref<128x64xf32, #tpu.memory_space<vmem>>
        tpu.wait_dma2 semaphore(%arg18 : memref<!tpu.dma_semaphore, #tpu.memory_space<semaphore_mem>>) src(%dma_wait3A_1735 : memref<128x64xf32, #tpu.memory_space<vmem>>) dst(%dma_wait3A_1731 : memref<128x64xf32, #tpu.memory_space<hbm>>)
        %sub3A_1736 = arith.constant 4 : i32
        %sub3A_1737 = arith.subi %add3A_1471, %sub3A_1736 : i32
        %add3A_1738 = arith.constant 10 : i32
        %add3A_1739 = arith.addi %sub3A_1737, %add3A_1738 : i32
        %get3A_1740 = arith.index_cast %add3A_1739 : i32 to index
        %get3A_1741 = arith.constant 0 : index
        %get3A_1742 = tpu.vector_load %arg5[%get3A_1740, %get3A_1741] {strides = array<i32>} : memref<200x128xi32, #tpu.memory_space<vmem>>, vector<1x16xi32>,
        %get3A_1743 = vector.shape_cast %get3A_1742 : vector<1x16xi32> to vector<16xi32>
        %dma_start3A_1744 = arith.constant 1 : i32
        %dma_start3A_1745 = arith.constant 0 : i32
        %dma_start3A_1746 = arith.constant 0 : i32
        %dma_start3A_1747 = tpu.memref_slice %arg6[%dma_start3A_1744, %dma_start3A_1745, %dma_start3A_1746] : memref<10x128x64xf32, #tpu.memory_space<vmem>> -> memref<1x16x64xf32, #tpu.memory_space<vmem>>
        %dma_start3A_1748 = tpu.memref_squeeze %dma_start3A_1747 : memref<1x16x64xf32, #tpu.memory_space<vmem>> -> memref<16x64xf32, #tpu.memory_space<vmem>>
        %dma_start3A_1749 = arith.constant 0 : i32
        %dma_start3A_1750 = arith.constant 0 : i32
        %dma_start3A_1751 = tpu.memref_slice %arg3[%dma_start3A_1749, %dma_start3A_1750] : memref<1000000x64xf32, #tpu.memory_space<hbm>> -> memref<1000000x64xf32, #tpu.memory_space<hbm>>
        tpu.enqueue_indirect_dma source(%dma_start3A_1751 : memref<1000000x64xf32, #tpu.memory_space<hbm>>) target(%dma_start3A_1748 : memref<16x64xf32, #tpu.memory_space<vmem>>) offsets(%get3A_1743 : vector<16xi32>) semaphore(%arg8 : memref<!tpu.dma_semaphore, #tpu.memory_space<semaphore_mem>>)
        %get3A_1752 = arith.index_cast %add3A_1739 : i32 to index
        %get3A_1753 = arith.constant 16 : index
        %get3A_1754 = tpu.vector_load %arg5[%get3A_1752, %get3A_1753] {strides = array<i32>} : memref<200x128xi32, #tpu.memory_space<vmem>>, vector<1x16xi32>,
        %get3A_1755 = vector.shape_cast %get3A_1754 : vector<1x16xi32> to vector<16xi32>
        %dma_start3A_1756 = arith.constant 1 : i32
        %dma_start3A_1757 = arith.constant 16 : i32
        %dma_start3A_1758 = arith.constant 0 : i32
        %dma_start3A_1759 = tpu.memref_slice %arg6[%dma_start3A_1756, %dma_start3A_1757, %dma_start3A_1758] : memref<10x128x64xf32, #tpu.memory_space<vmem>> -> memref<1x16x64xf32, #tpu.memory_space<vmem>>
        %dma_start3A_1760 = tpu.memref_squeeze %dma_start3A_1759 : memref<1x16x64xf32, #tpu.memory_space<vmem>> -> memref<16x64xf32, #tpu.memory_space<vmem>>
        %dma_start3A_1761 = arith.constant 0 : i32
        %dma_start3A_1762 = arith.constant 0 : i32
        %dma_start3A_1763 = tpu.memref_slice %arg3[%dma_start3A_1761, %dma_start3A_1762] : memref<1000000x64xf32, #tpu.memory_space<hbm>> -> memref<1000000x64xf32, #tpu.memory_space<hbm>>
        tpu.enqueue_indirect_dma source(%dma_start3A_1763 : memref<1000000x64xf32, #tpu.memory_space<hbm>>) target(%dma_start3A_1760 : memref<16x64xf32, #tpu.memory_space<vmem>>) offsets(%get3A_1755 : vector<16xi32>) semaphore(%arg8 : memref<!tpu.dma_semaphore, #tpu.memory_space<semaphore_mem>>)
        %get3A_1764 = arith.index_cast %add3A_1739 : i32 to index
        %get3A_1765 = arith.constant 32 : index
        %get3A_1766 = tpu.vector_load %arg5[%get3A_1764, %get3A_1765] {strides = array<i32>} : memref<200x128xi32, #tpu.memory_space<vmem>>, vector<1x16xi32>,
        %get3A_1767 = vector.shape_cast %get3A_1766 : vector<1x16xi32> to vector<16xi32>
        %dma_start3A_1768 = arith.constant 1 : i32
        %dma_start3A_1769 = arith.constant 32 : i32
        %dma_start3A_1770 = arith.constant 0 : i32
        %dma_start3A_1771 = tpu.memref_slice %arg6[%dma_start3A_1768, %dma_start3A_1769, %dma_start3A_1770] : memref<10x128x64xf32, #tpu.memory_space<vmem>> -> memref<1x16x64xf32, #tpu.memory_space<vmem>>
        %dma_start3A_1772 = tpu.memref_squeeze %dma_start3A_1771 : memref<1x16x64xf32, #tpu.memory_space<vmem>> -> memref<16x64xf32, #tpu.memory_space<vmem>>
        %dma_start3A_1773 = arith.constant 0 : i32
        %dma_start3A_1774 = arith.constant 0 : i32
        %dma_start3A_1775 = tpu.memref_slice %arg3[%dma_start3A_1773, %dma_start3A_1774] : memref<1000000x64xf32, #tpu.memory_space<hbm>> -> memref<1000000x64xf32, #tpu.memory_space<hbm>>
        tpu.enqueue_indirect_dma source(%dma_start3A_1775 : memref<1000000x64xf32, #tpu.memory_space<hbm>>) target(%dma_start3A_1772 : memref<16x64xf32, #tpu.memory_space<vmem>>) offsets(%get3A_1767 : vector<16xi32>) semaphore(%arg8 : memref<!tpu.dma_semaphore, #tpu.memory_space<semaphore_mem>>)
        %get3A_1776 = arith.index_cast %add3A_1739 : i32 to index
        %get3A_1777 = arith.constant 48 : index
        %get3A_1778 = tpu.vector_load %arg5[%get3A_1776, %get3A_1777] {strides = array<i32>} : memref<200x128xi32, #tpu.memory_space<vmem>>, vector<1x16xi32>,
        %get3A_1779 = vector.shape_cast %get3A_1778 : vector<1x16xi32> to vector<16xi32>
        %dma_start3A_1780 = arith.constant 1 : i32
        %dma_start3A_1781 = arith.constant 48 : i32
        %dma_start3A_1782 = arith.constant 0 : i32
        %dma_start3A_1783 = tpu.memref_slice %arg6[%dma_start3A_1780, %dma_start3A_1781, %dma_start3A_1782] : memref<10x128x64xf32, #tpu.memory_space<vmem>> -> memref<1x16x64xf32, #tpu.memory_space<vmem>>
        %dma_start3A_1784 = tpu.memref_squeeze %dma_start3A_1783 : memref<1x16x64xf32, #tpu.memory_space<vmem>> -> memref<16x64xf32, #tpu.memory_space<vmem>>
        %dma_start3A_1785 = arith.constant 0 : i32
        %dma_start3A_1786 = arith.constant 0 : i32
        %dma_start3A_1787 = tpu.memref_slice %arg3[%dma_start3A_1785, %dma_start3A_1786] : memref<1000000x64xf32, #tpu.memory_space<hbm>> -> memref<1000000x64xf32, #tpu.memory_space<hbm>>
        tpu.enqueue_indirect_dma source(%dma_start3A_1787 : memref<1000000x64xf32, #tpu.memory_space<hbm>>) target(%dma_start3A_1784 : memref<16x64xf32, #tpu.memory_space<vmem>>) offsets(%get3A_1779 : vector<16xi32>) semaphore(%arg8 : memref<!tpu.dma_semaphore, #tpu.memory_space<semaphore_mem>>)
        %get3A_1788 = arith.index_cast %add3A_1739 : i32 to index
        %get3A_1789 = arith.constant 64 : index
        %get3A_1790 = tpu.vector_load %arg5[%get3A_1788, %get3A_1789] {strides = array<i32>} : memref<200x128xi32, #tpu.memory_space<vmem>>, vector<1x16xi32>,
        %get3A_1791 = vector.shape_cast %get3A_1790 : vector<1x16xi32> to vector<16xi32>
        %dma_start3A_1792 = arith.constant 1 : i32
        %dma_start3A_1793 = arith.constant 64 : i32
        %dma_start3A_1794 = arith.constant 0 : i32
        %dma_start3A_1795 = tpu.memref_slice %arg6[%dma_start3A_1792, %dma_start3A_1793, %dma_start3A_1794] : memref<10x128x64xf32, #tpu.memory_space<vmem>> -> memref<1x16x64xf32, #tpu.memory_space<vmem>>
        %dma_start3A_1796 = tpu.memref_squeeze %dma_start3A_1795 : memref<1x16x64xf32, #tpu.memory_space<vmem>> -> memref<16x64xf32, #tpu.memory_space<vmem>>
        %dma_start3A_1797 = arith.constant 0 : i32
        %dma_start3A_1798 = arith.constant 0 : i32
        %dma_start3A_1799 = tpu.memref_slice %arg3[%dma_start3A_1797, %dma_start3A_1798] : memref<1000000x64xf32, #tpu.memory_space<hbm>> -> memref<1000000x64xf32, #tpu.memory_space<hbm>>
        tpu.enqueue_indirect_dma source(%dma_start3A_1799 : memref<1000000x64xf32, #tpu.memory_space<hbm>>) target(%dma_start3A_1796 : memref<16x64xf32, #tpu.memory_space<vmem>>) offsets(%get3A_1791 : vector<16xi32>) semaphore(%arg8 : memref<!tpu.dma_semaphore, #tpu.memory_space<semaphore_mem>>)
        %get3A_1800 = arith.index_cast %add3A_1739 : i32 to index
        %get3A_1801 = arith.constant 80 : index
        %get3A_1802 = tpu.vector_load %arg5[%get3A_1800, %get3A_1801] {strides = array<i32>} : memref<200x128xi32, #tpu.memory_space<vmem>>, vector<1x16xi32>,
        %get3A_1803 = vector.shape_cast %get3A_1802 : vector<1x16xi32> to vector<16xi32>
        %dma_start3A_1804 = arith.constant 1 : i32
        %dma_start3A_1805 = arith.constant 80 : i32
        %dma_start3A_1806 = arith.constant 0 : i32
        %dma_start3A_1807 = tpu.memref_slice %arg6[%dma_start3A_1804, %dma_start3A_1805, %dma_start3A_1806] : memref<10x128x64xf32, #tpu.memory_space<vmem>> -> memref<1x16x64xf32, #tpu.memory_space<vmem>>
        %dma_start3A_1808 = tpu.memref_squeeze %dma_start3A_1807 : memref<1x16x64xf32, #tpu.memory_space<vmem>> -> memref<16x64xf32, #tpu.memory_space<vmem>>
        %dma_start3A_1809 = arith.constant 0 : i32
        %dma_start3A_1810 = arith.constant 0 : i32
        %dma_start3A_1811 = tpu.memref_slice %arg3[%dma_start3A_1809, %dma_start3A_1810] : memref<1000000x64xf32, #tpu.memory_space<hbm>> -> memref<1000000x64xf32, #tpu.memory_space<hbm>>
        tpu.enqueue_indirect_dma source(%dma_start3A_1811 : memref<1000000x64xf32, #tpu.memory_space<hbm>>) target(%dma_start3A_1808 : memref<16x64xf32, #tpu.memory_space<vmem>>) offsets(%get3A_1803 : vector<16xi32>) semaphore(%arg8 : memref<!tpu.dma_semaphore, #tpu.memory_space<semaphore_mem>>)
        %get3A_1812 = arith.index_cast %add3A_1739 : i32 to index
        %get3A_1813 = arith.constant 96 : index
        %get3A_1814 = tpu.vector_load %arg5[%get3A_1812, %get3A_1813] {strides = array<i32>} : memref<200x128xi32, #tpu.memory_space<vmem>>, vector<1x16xi32>,
        %get3A_1815 = vector.shape_cast %get3A_1814 : vector<1x16xi32> to vector<16xi32>
        %dma_start3A_1816 = arith.constant 1 : i32
        %dma_start3A_1817 = arith.constant 96 : i32
        %dma_start3A_1818 = arith.constant 0 : i32
        %dma_start3A_1819 = tpu.memref_slice %arg6[%dma_start3A_1816, %dma_start3A_1817, %dma_start3A_1818] : memref<10x128x64xf32, #tpu.memory_space<vmem>> -> memref<1x16x64xf32, #tpu.memory_space<vmem>>
        %dma_start3A_1820 = tpu.memref_squeeze %dma_start3A_1819 : memref<1x16x64xf32, #tpu.memory_space<vmem>> -> memref<16x64xf32, #tpu.memory_space<vmem>>
        %dma_start3A_1821 = arith.constant 0 : i32
        %dma_start3A_1822 = arith.constant 0 : i32
        %dma_start3A_1823 = tpu.memref_slice %arg3[%dma_start3A_1821, %dma_start3A_1822] : memref<1000000x64xf32, #tpu.memory_space<hbm>> -> memref<1000000x64xf32, #tpu.memory_space<hbm>>
        tpu.enqueue_indirect_dma source(%dma_start3A_1823 : memref<1000000x64xf32, #tpu.memory_space<hbm>>) target(%dma_start3A_1820 : memref<16x64xf32, #tpu.memory_space<vmem>>) offsets(%get3A_1815 : vector<16xi32>) semaphore(%arg8 : memref<!tpu.dma_semaphore, #tpu.memory_space<semaphore_mem>>)
        %get3A_1824 = arith.index_cast %add3A_1739 : i32 to index
        %get3A_1825 = arith.constant 112 : index
        %get3A_1826 = tpu.vector_load %arg5[%get3A_1824, %get3A_1825] {strides = array<i32>} : memref<200x128xi32, #tpu.memory_space<vmem>>, vector<1x16xi32>,
        %get3A_1827 = vector.shape_cast %get3A_1826 : vector<1x16xi32> to vector<16xi32>
        %dma_start3A_1828 = arith.constant 1 : i32
        %dma_start3A_1829 = arith.constant 112 : i32
        %dma_start3A_1830 = arith.constant 0 : i32
        %dma_start3A_1831 = tpu.memref_slice %arg6[%dma_start3A_1828, %dma_start3A_1829, %dma_start3A_1830] : memref<10x128x64xf32, #tpu.memory_space<vmem>> -> memref<1x16x64xf32, #tpu.memory_space<vmem>>
        %dma_start3A_1832 = tpu.memref_squeeze %dma_start3A_1831 : memref<1x16x64xf32, #tpu.memory_space<vmem>> -> memref<16x64xf32, #tpu.memory_space<vmem>>
        %dma_start3A_1833 = arith.constant 0 : i32
        %dma_start3A_1834 = arith.constant 0 : i32
        %dma_start3A_1835 = tpu.memref_slice %arg3[%dma_start3A_1833, %dma_start3A_1834] : memref<1000000x64xf32, #tpu.memory_space<hbm>> -> memref<1000000x64xf32, #tpu.memory_space<hbm>>
        tpu.enqueue_indirect_dma source(%dma_start3A_1835 : memref<1000000x64xf32, #tpu.memory_space<hbm>>) target(%dma_start3A_1832 : memref<16x64xf32, #tpu.memory_space<vmem>>) offsets(%get3A_1827 : vector<16xi32>) semaphore(%arg8 : memref<!tpu.dma_semaphore, #tpu.memory_space<semaphore_mem>>)
      } else {
      }
      %mul3A_1518 = arith.constant 10 : i32
      %mul3A_1519 = arith.muli %scan3A_1223, %mul3A_1518 : i32
      %add3A_1520 = arith.constant 6 : i32
      %add3A_1521 = arith.addi %mul3A_1519, %add3A_1520 : i32
      %dma_wait3A_1522 = arith.constant 0 : i32
      %dma_wait3A_1523 = arith.constant 6 : i32
      %dma_wait3A_1524 = arith.constant 0 : i32
      %dma_wait3A_1525 = arith.constant 0 : i32
      %dma_wait3A_1526 = tpu.memref_slice %arg6[%dma_wait3A_1523, %dma_wait3A_1524, %dma_wait3A_1525] : memref<10x128x64xf32, #tpu.memory_space<vmem>> -> memref<1x128x64xf32, #tpu.memory_space<vmem>>
      %dma_wait3A_1527 = tpu.memref_squeeze %dma_wait3A_1526 : memref<1x128x64xf32, #tpu.memory_space<vmem>> -> memref<128x64xf32, #tpu.memory_space<vmem>>
      %dma_wait3A_1528 = arith.constant 0 : i32
      %dma_wait3A_1529 = tpu.memref_slice %arg5[%dma_wait3A_1522, %dma_wait3A_1528] : memref<200x128xi32, #tpu.memory_space<vmem>> -> memref<1x128xi32, #tpu.memory_space<vmem>>
      %dma_wait3A_1530 = tpu.memref_squeeze %dma_wait3A_1529 : memref<1x128xi32, #tpu.memory_space<vmem>> -> memref<128xi32, #tpu.memory_space<vmem>>
      %dma_wait3A_1531 = arith.constant 0 : i32
      %dma_wait3A_1532 = arith.constant 0 : i32
      %dma_wait3A_1533 = tpu.memref_slice %arg3[%dma_wait3A_1531, %dma_wait3A_1532] : memref<1000000x64xf32, #tpu.memory_space<hbm>> -> memref<1000000x64xf32, #tpu.memory_space<hbm>>
      tpu.wait_indirect_dma semaphore(%arg13 : memref<!tpu.dma_semaphore, #tpu.memory_space<semaphore_mem>>) src(%dma_wait3A_1533 : memref<1000000x64xf32, #tpu.memory_space<hbm>>) dst(%dma_wait3A_1527 : memref<128x64xf32, #tpu.memory_space<vmem>>)
      %mul3A_1534 = arith.constant 200 : i32
      %mul3A_1535 = arith.muli %add3A, %mul3A_1534 : i32
      %add3A_1536 = arith.addi %mul3A_1535, %add3A_1521 : i32
      %dma_start3A_1537 = arith.constant 6 : i32
      %dma_start3A_1538 = arith.constant 0 : i32
      %dma_start3A_1539 = arith.constant 0 : i32
      %dma_start3A_1540 = tpu.memref_slice %arg6[%dma_start3A_1537, %dma_start3A_1538, %dma_start3A_1539] : memref<10x128x64xf32, #tpu.memory_space<vmem>> -> memref<1x128x64xf32, #tpu.memory_space<vmem>>
      %dma_start3A_1541 = tpu.memref_squeeze %dma_start3A_1540 : memref<1x128x64xf32, #tpu.memory_space<vmem>> -> memref<128x64xf32, #tpu.memory_space<vmem>>
      %dma_start3A_1542 = arith.constant 0 : i32
      %dma_start3A_1543 = arith.constant 0 : i32
      %dma_start3A_1544 = tpu.memref_slice %arg4[%add3A_1536, %dma_start3A_1542, %dma_start3A_1543] : memref<6400x128x64xf32, #tpu.memory_space<hbm>> -> memref<1x128x64xf32, #tpu.memory_space<hbm>>
      %dma_start3A_1545 = tpu.memref_squeeze %dma_start3A_1544 : memref<1x128x64xf32, #tpu.memory_space<hbm>> -> memref<128x64xf32, #tpu.memory_space<hbm>>
      %dma_start3A_1546 = arith.constant 0 : i32
      %dma_start3A_1547 = arith.constant 0 : i32
      %dma_start3A_1548 = tpu.memref_slice %arg4[%add3A_1536, %dma_start3A_1546, %dma_start3A_1547] : memref<6400x128x64xf32, #tpu.memory_space<hbm>> -> memref<1x128x64xf32, #tpu.memory_space<hbm>>
      %dma_start3A_1549 = tpu.memref_squeeze %dma_start3A_1548 : memref<1x128x64xf32, #tpu.memory_space<hbm>> -> memref<128x64xf32, #tpu.memory_space<hbm>>
      %dma_start3A_1550 = arith.constant 0 : i32
      %dma_start3A_1551 = arith.constant 0 : i32
      %dma_start3A_1552 = tpu.memref_slice %arg6[%dma_start3A_1537, %dma_start3A_1550, %dma_start3A_1551] : memref<10x128x64xf32, #tpu.memory_space<vmem>> -> memref<1x128x64xf32, #tpu.memory_space<vmem>>
      %dma_start3A_1553 = tpu.memref_squeeze %dma_start3A_1552 : memref<1x128x64xf32, #tpu.memory_space<vmem>> -> memref<128x64xf32, #tpu.memory_space<vmem>>
      tpu.enqueue_dma source(%dma_start3A_1553 : memref<128x64xf32, #tpu.memory_space<vmem>>) target(%dma_start3A_1549 : memref<128x64xf32, #tpu.memory_space<hbm>>) target_semaphore(%arg23 : memref<!tpu.dma_semaphore, #tpu.memory_space<semaphore_mem>>)
      %sub3A_1554 = arith.constant 4 : i32
      %sub3A_1555 = arith.subi %add3A_1521, %sub3A_1554 : i32
      %ge3A_1556 = arith.constant 0 : i32
      %ge3A_1557 = arith.cmpi sge, %sub3A_1555, %ge3A_1556 : i32
      %sub3A_1558 = arith.constant 4 : i32
      %sub3A_1559 = arith.subi %add3A_1521, %sub3A_1558 : i32
      %add3A_1560 = arith.constant 10 : i32
      %add3A_1561 = arith.addi %sub3A_1559, %add3A_1560 : i32
      %lt3A_1562 = arith.constant 200 : i32
      %lt3A_1563 = arith.cmpi slt, %add3A_1561, %lt3A_1562 : i32
      %and3A_1564 = arith.andi %ge3A_1557, %lt3A_1563 : i1
      %convert_element_type3A_1565 = arith.extui %and3A_1564 : i1 to i32
      %cond3A_1566 = arith.constant 0 : i32
      %cond3A_1567 = arith.cmpi ne, %convert_element_type3A_1565, %cond3A_1566 : i32
      scf.if %cond3A_1567 {
        %dma_wait3A_1718 = arith.constant 2 : i32
        %dma_wait3A_1719 = arith.constant 0 : i32
        %dma_wait3A_1720 = arith.constant 0 : i32
        %dma_wait3A_1721 = arith.constant 0 : i32
        %dma_wait3A_1722 = tpu.memref_slice %arg6[%dma_wait3A_1718, %dma_wait3A_1720, %dma_wait3A_1721] : memref<10x128x64xf32, #tpu.memory_space<vmem>> -> memref<1x128x64xf32, #tpu.memory_space<vmem>>
        %dma_wait3A_1723 = tpu.memref_squeeze %dma_wait3A_1722 : memref<1x128x64xf32, #tpu.memory_space<vmem>> -> memref<128x64xf32, #tpu.memory_space<vmem>>
        %dma_wait3A_1724 = arith.constant 0 : i32
        %dma_wait3A_1725 = arith.constant 0 : i32
        %dma_wait3A_1726 = tpu.memref_slice %arg4[%dma_wait3A_1719, %dma_wait3A_1724, %dma_wait3A_1725] : memref<6400x128x64xf32, #tpu.memory_space<hbm>> -> memref<1x128x64xf32, #tpu.memory_space<hbm>>
        %dma_wait3A_1727 = tpu.memref_squeeze %dma_wait3A_1726 : memref<1x128x64xf32, #tpu.memory_space<hbm>> -> memref<128x64xf32, #tpu.memory_space<hbm>>
        %dma_wait3A_1728 = arith.constant 0 : i32
        %dma_wait3A_1729 = arith.constant 0 : i32
        %dma_wait3A_1730 = tpu.memref_slice %arg4[%dma_wait3A_1719, %dma_wait3A_1728, %dma_wait3A_1729] : memref<6400x128x64xf32, #tpu.memory_space<hbm>> -> memref<1x128x64xf32, #tpu.memory_space<hbm>>
        %dma_wait3A_1731 = tpu.memref_squeeze %dma_wait3A_1730 : memref<1x128x64xf32, #tpu.memory_space<hbm>> -> memref<128x64xf32, #tpu.memory_space<hbm>>
        %dma_wait3A_1732 = arith.constant 0 : i32
        %dma_wait3A_1733 = arith.constant 0 : i32
        %dma_wait3A_1734 = tpu.memref_slice %arg6[%dma_wait3A_1718, %dma_wait3A_1732, %dma_wait3A_1733] : memref<10x128x64xf32, #tpu.memory_space<vmem>> -> memref<1x128x64xf32, #tpu.memory_space<vmem>>
        %dma_wait3A_1735 = tpu.memref_squeeze %dma_wait3A_1734 : memref<1x128x64xf32, #tpu.memory_space<vmem>> -> memref<128x64xf32, #tpu.memory_space<vmem>>
        tpu.wait_dma2 semaphore(%arg19 : memref<!tpu.dma_semaphore, #tpu.memory_space<semaphore_mem>>) src(%dma_wait3A_1735 : memref<128x64xf32, #tpu.memory_space<vmem>>) dst(%dma_wait3A_1731 : memref<128x64xf32, #tpu.memory_space<hbm>>)
        %sub3A_1736 = arith.constant 4 : i32
        %sub3A_1737 = arith.subi %add3A_1521, %sub3A_1736 : i32
        %add3A_1738 = arith.constant 10 : i32
        %add3A_1739 = arith.addi %sub3A_1737, %add3A_1738 : i32
        %get3A_1740 = arith.index_cast %add3A_1739 : i32 to index
        %get3A_1741 = arith.constant 0 : index
        %get3A_1742 = tpu.vector_load %arg5[%get3A_1740, %get3A_1741] {strides = array<i32>} : memref<200x128xi32, #tpu.memory_space<vmem>>, vector<1x16xi32>,
        %get3A_1743 = vector.shape_cast %get3A_1742 : vector<1x16xi32> to vector<16xi32>
        %dma_start3A_1744 = arith.constant 2 : i32
        %dma_start3A_1745 = arith.constant 0 : i32
        %dma_start3A_1746 = arith.constant 0 : i32
        %dma_start3A_1747 = tpu.memref_slice %arg6[%dma_start3A_1744, %dma_start3A_1745, %dma_start3A_1746] : memref<10x128x64xf32, #tpu.memory_space<vmem>> -> memref<1x16x64xf32, #tpu.memory_space<vmem>>
        %dma_start3A_1748 = tpu.memref_squeeze %dma_start3A_1747 : memref<1x16x64xf32, #tpu.memory_space<vmem>> -> memref<16x64xf32, #tpu.memory_space<vmem>>
        %dma_start3A_1749 = arith.constant 0 : i32
        %dma_start3A_1750 = arith.constant 0 : i32
        %dma_start3A_1751 = tpu.memref_slice %arg3[%dma_start3A_1749, %dma_start3A_1750] : memref<1000000x64xf32, #tpu.memory_space<hbm>> -> memref<1000000x64xf32, #tpu.memory_space<hbm>>
        tpu.enqueue_indirect_dma source(%dma_start3A_1751 : memref<1000000x64xf32, #tpu.memory_space<hbm>>) target(%dma_start3A_1748 : memref<16x64xf32, #tpu.memory_space<vmem>>) offsets(%get3A_1743 : vector<16xi32>) semaphore(%arg9 : memref<!tpu.dma_semaphore, #tpu.memory_space<semaphore_mem>>)
        %get3A_1752 = arith.index_cast %add3A_1739 : i32 to index
        %get3A_1753 = arith.constant 16 : index
        %get3A_1754 = tpu.vector_load %arg5[%get3A_1752, %get3A_1753] {strides = array<i32>} : memref<200x128xi32, #tpu.memory_space<vmem>>, vector<1x16xi32>,
        %get3A_1755 = vector.shape_cast %get3A_1754 : vector<1x16xi32> to vector<16xi32>
        %dma_start3A_1756 = arith.constant 2 : i32
        %dma_start3A_1757 = arith.constant 16 : i32
        %dma_start3A_1758 = arith.constant 0 : i32
        %dma_start3A_1759 = tpu.memref_slice %arg6[%dma_start3A_1756, %dma_start3A_1757, %dma_start3A_1758] : memref<10x128x64xf32, #tpu.memory_space<vmem>> -> memref<1x16x64xf32, #tpu.memory_space<vmem>>
        %dma_start3A_1760 = tpu.memref_squeeze %dma_start3A_1759 : memref<1x16x64xf32, #tpu.memory_space<vmem>> -> memref<16x64xf32, #tpu.memory_space<vmem>>
        %dma_start3A_1761 = arith.constant 0 : i32
        %dma_start3A_1762 = arith.constant 0 : i32
        %dma_start3A_1763 = tpu.memref_slice %arg3[%dma_start3A_1761, %dma_start3A_1762] : memref<1000000x64xf32, #tpu.memory_space<hbm>> -> memref<1000000x64xf32, #tpu.memory_space<hbm>>
        tpu.enqueue_indirect_dma source(%dma_start3A_1763 : memref<1000000x64xf32, #tpu.memory_space<hbm>>) target(%dma_start3A_1760 : memref<16x64xf32, #tpu.memory_space<vmem>>) offsets(%get3A_1755 : vector<16xi32>) semaphore(%arg9 : memref<!tpu.dma_semaphore, #tpu.memory_space<semaphore_mem>>)
        %get3A_1764 = arith.index_cast %add3A_1739 : i32 to index
        %get3A_1765 = arith.constant 32 : index
        %get3A_1766 = tpu.vector_load %arg5[%get3A_1764, %get3A_1765] {strides = array<i32>} : memref<200x128xi32, #tpu.memory_space<vmem>>, vector<1x16xi32>,
        %get3A_1767 = vector.shape_cast %get3A_1766 : vector<1x16xi32> to vector<16xi32>
        %dma_start3A_1768 = arith.constant 2 : i32
        %dma_start3A_1769 = arith.constant 32 : i32
        %dma_start3A_1770 = arith.constant 0 : i32
        %dma_start3A_1771 = tpu.memref_slice %arg6[%dma_start3A_1768, %dma_start3A_1769, %dma_start3A_1770] : memref<10x128x64xf32, #tpu.memory_space<vmem>> -> memref<1x16x64xf32, #tpu.memory_space<vmem>>
        %dma_start3A_1772 = tpu.memref_squeeze %dma_start3A_1771 : memref<1x16x64xf32, #tpu.memory_space<vmem>> -> memref<16x64xf32, #tpu.memory_space<vmem>>
        %dma_start3A_1773 = arith.constant 0 : i32
        %dma_start3A_1774 = arith.constant 0 : i32
        %dma_start3A_1775 = tpu.memref_slice %arg3[%dma_start3A_1773, %dma_start3A_1774] : memref<1000000x64xf32, #tpu.memory_space<hbm>> -> memref<1000000x64xf32, #tpu.memory_space<hbm>>
        tpu.enqueue_indirect_dma source(%dma_start3A_1775 : memref<1000000x64xf32, #tpu.memory_space<hbm>>) target(%dma_start3A_1772 : memref<16x64xf32, #tpu.memory_space<vmem>>) offsets(%get3A_1767 : vector<16xi32>) semaphore(%arg9 : memref<!tpu.dma_semaphore, #tpu.memory_space<semaphore_mem>>)
        %get3A_1776 = arith.index_cast %add3A_1739 : i32 to index
        %get3A_1777 = arith.constant 48 : index
        %get3A_1778 = tpu.vector_load %arg5[%get3A_1776, %get3A_1777] {strides = array<i32>} : memref<200x128xi32, #tpu.memory_space<vmem>>, vector<1x16xi32>,
        %get3A_1779 = vector.shape_cast %get3A_1778 : vector<1x16xi32> to vector<16xi32>
        %dma_start3A_1780 = arith.constant 2 : i32
        %dma_start3A_1781 = arith.constant 48 : i32
        %dma_start3A_1782 = arith.constant 0 : i32
        %dma_start3A_1783 = tpu.memref_slice %arg6[%dma_start3A_1780, %dma_start3A_1781, %dma_start3A_1782] : memref<10x128x64xf32, #tpu.memory_space<vmem>> -> memref<1x16x64xf32, #tpu.memory_space<vmem>>
        %dma_start3A_1784 = tpu.memref_squeeze %dma_start3A_1783 : memref<1x16x64xf32, #tpu.memory_space<vmem>> -> memref<16x64xf32, #tpu.memory_space<vmem>>
        %dma_start3A_1785 = arith.constant 0 : i32
        %dma_start3A_1786 = arith.constant 0 : i32
        %dma_start3A_1787 = tpu.memref_slice %arg3[%dma_start3A_1785, %dma_start3A_1786] : memref<1000000x64xf32, #tpu.memory_space<hbm>> -> memref<1000000x64xf32, #tpu.memory_space<hbm>>
        tpu.enqueue_indirect_dma source(%dma_start3A_1787 : memref<1000000x64xf32, #tpu.memory_space<hbm>>) target(%dma_start3A_1784 : memref<16x64xf32, #tpu.memory_space<vmem>>) offsets(%get3A_1779 : vector<16xi32>) semaphore(%arg9 : memref<!tpu.dma_semaphore, #tpu.memory_space<semaphore_mem>>)
        %get3A_1788 = arith.index_cast %add3A_1739 : i32 to index
        %get3A_1789 = arith.constant 64 : index
        %get3A_1790 = tpu.vector_load %arg5[%get3A_1788, %get3A_1789] {strides = array<i32>} : memref<200x128xi32, #tpu.memory_space<vmem>>, vector<1x16xi32>,
        %get3A_1791 = vector.shape_cast %get3A_1790 : vector<1x16xi32> to vector<16xi32>
        %dma_start3A_1792 = arith.constant 2 : i32
        %dma_start3A_1793 = arith.constant 64 : i32
        %dma_start3A_1794 = arith.constant 0 : i32
        %dma_start3A_1795 = tpu.memref_slice %arg6[%dma_start3A_1792, %dma_start3A_1793, %dma_start3A_1794] : memref<10x128x64xf32, #tpu.memory_space<vmem>> -> memref<1x16x64xf32, #tpu.memory_space<vmem>>
        %dma_start3A_1796 = tpu.memref_squeeze %dma_start3A_1795 : memref<1x16x64xf32, #tpu.memory_space<vmem>> -> memref<16x64xf32, #tpu.memory_space<vmem>>
        %dma_start3A_1797 = arith.constant 0 : i32
        %dma_start3A_1798 = arith.constant 0 : i32
        %dma_start3A_1799 = tpu.memref_slice %arg3[%dma_start3A_1797, %dma_start3A_1798] : memref<1000000x64xf32, #tpu.memory_space<hbm>> -> memref<1000000x64xf32, #tpu.memory_space<hbm>>
        tpu.enqueue_indirect_dma source(%dma_start3A_1799 : memref<1000000x64xf32, #tpu.memory_space<hbm>>) target(%dma_start3A_1796 : memref<16x64xf32, #tpu.memory_space<vmem>>) offsets(%get3A_1791 : vector<16xi32>) semaphore(%arg9 : memref<!tpu.dma_semaphore, #tpu.memory_space<semaphore_mem>>)
        %get3A_1800 = arith.index_cast %add3A_1739 : i32 to index
        %get3A_1801 = arith.constant 80 : index
        %get3A_1802 = tpu.vector_load %arg5[%get3A_1800, %get3A_1801] {strides = array<i32>} : memref<200x128xi32, #tpu.memory_space<vmem>>, vector<1x16xi32>,
        %get3A_1803 = vector.shape_cast %get3A_1802 : vector<1x16xi32> to vector<16xi32>
        %dma_start3A_1804 = arith.constant 2 : i32
        %dma_start3A_1805 = arith.constant 80 : i32
        %dma_start3A_1806 = arith.constant 0 : i32
        %dma_start3A_1807 = tpu.memref_slice %arg6[%dma_start3A_1804, %dma_start3A_1805, %dma_start3A_1806] : memref<10x128x64xf32, #tpu.memory_space<vmem>> -> memref<1x16x64xf32, #tpu.memory_space<vmem>>
        %dma_start3A_1808 = tpu.memref_squeeze %dma_start3A_1807 : memref<1x16x64xf32, #tpu.memory_space<vmem>> -> memref<16x64xf32, #tpu.memory_space<vmem>>
        %dma_start3A_1809 = arith.constant 0 : i32
        %dma_start3A_1810 = arith.constant 0 : i32
        %dma_start3A_1811 = tpu.memref_slice %arg3[%dma_start3A_1809, %dma_start3A_1810] : memref<1000000x64xf32, #tpu.memory_space<hbm>> -> memref<1000000x64xf32, #tpu.memory_space<hbm>>
        tpu.enqueue_indirect_dma source(%dma_start3A_1811 : memref<1000000x64xf32, #tpu.memory_space<hbm>>) target(%dma_start3A_1808 : memref<16x64xf32, #tpu.memory_space<vmem>>) offsets(%get3A_1803 : vector<16xi32>) semaphore(%arg9 : memref<!tpu.dma_semaphore, #tpu.memory_space<semaphore_mem>>)
        %get3A_1812 = arith.index_cast %add3A_1739 : i32 to index
        %get3A_1813 = arith.constant 96 : index
        %get3A_1814 = tpu.vector_load %arg5[%get3A_1812, %get3A_1813] {strides = array<i32>} : memref<200x128xi32, #tpu.memory_space<vmem>>, vector<1x16xi32>,
        %get3A_1815 = vector.shape_cast %get3A_1814 : vector<1x16xi32> to vector<16xi32>
        %dma_start3A_1816 = arith.constant 2 : i32
        %dma_start3A_1817 = arith.constant 96 : i32
        %dma_start3A_1818 = arith.constant 0 : i32
        %dma_start3A_1819 = tpu.memref_slice %arg6[%dma_start3A_1816, %dma_start3A_1817, %dma_start3A_1818] : memref<10x128x64xf32, #tpu.memory_space<vmem>> -> memref<1x16x64xf32, #tpu.memory_space<vmem>>
        %dma_start3A_1820 = tpu.memref_squeeze %dma_start3A_1819 : memref<1x16x64xf32, #tpu.memory_space<vmem>> -> memref<16x64xf32, #tpu.memory_space<vmem>>
        %dma_start3A_1821 = arith.constant 0 : i32
        %dma_start3A_1822 = arith.constant 0 : i32
        %dma_start3A_1823 = tpu.memref_slice %arg3[%dma_start3A_1821, %dma_start3A_1822] : memref<1000000x64xf32, #tpu.memory_space<hbm>> -> memref<1000000x64xf32, #tpu.memory_space<hbm>>
        tpu.enqueue_indirect_dma source(%dma_start3A_1823 : memref<1000000x64xf32, #tpu.memory_space<hbm>>) target(%dma_start3A_1820 : memref<16x64xf32, #tpu.memory_space<vmem>>) offsets(%get3A_1815 : vector<16xi32>) semaphore(%arg9 : memref<!tpu.dma_semaphore, #tpu.memory_space<semaphore_mem>>)
        %get3A_1824 = arith.index_cast %add3A_1739 : i32 to index
        %get3A_1825 = arith.constant 112 : index
        %get3A_1826 = tpu.vector_load %arg5[%get3A_1824, %get3A_1825] {strides = array<i32>} : memref<200x128xi32, #tpu.memory_space<vmem>>, vector<1x16xi32>,
        %get3A_1827 = vector.shape_cast %get3A_1826 : vector<1x16xi32> to vector<16xi32>
        %dma_start3A_1828 = arith.constant 2 : i32
        %dma_start3A_1829 = arith.constant 112 : i32
        %dma_start3A_1830 = arith.constant 0 : i32
        %dma_start3A_1831 = tpu.memref_slice %arg6[%dma_start3A_1828, %dma_start3A_1829, %dma_start3A_1830] : memref<10x128x64xf32, #tpu.memory_space<vmem>> -> memref<1x16x64xf32, #tpu.memory_space<vmem>>
        %dma_start3A_1832 = tpu.memref_squeeze %dma_start3A_1831 : memref<1x16x64xf32, #tpu.memory_space<vmem>> -> memref<16x64xf32, #tpu.memory_space<vmem>>
        %dma_start3A_1833 = arith.constant 0 : i32
        %dma_start3A_1834 = arith.constant 0 : i32
        %dma_start3A_1835 = tpu.memref_slice %arg3[%dma_start3A_1833, %dma_start3A_1834] : memref<1000000x64xf32, #tpu.memory_space<hbm>> -> memref<1000000x64xf32, #tpu.memory_space<hbm>>
        tpu.enqueue_indirect_dma source(%dma_start3A_1835 : memref<1000000x64xf32, #tpu.memory_space<hbm>>) target(%dma_start3A_1832 : memref<16x64xf32, #tpu.memory_space<vmem>>) offsets(%get3A_1827 : vector<16xi32>) semaphore(%arg9 : memref<!tpu.dma_semaphore, #tpu.memory_space<semaphore_mem>>)
      } else {
      }
      %mul3A_1568 = arith.constant 10 : i32
      %mul3A_1569 = arith.muli %scan3A_1223, %mul3A_1568 : i32
      %add3A_1570 = arith.constant 7 : i32
      %add3A_1571 = arith.addi %mul3A_1569, %add3A_1570 : i32
      %dma_wait3A_1572 = arith.constant 0 : i32
      %dma_wait3A_1573 = arith.constant 7 : i32
      %dma_wait3A_1574 = arith.constant 0 : i32
      %dma_wait3A_1575 = arith.constant 0 : i32
      %dma_wait3A_1576 = tpu.memref_slice %arg6[%dma_wait3A_1573, %dma_wait3A_1574, %dma_wait3A_1575] : memref<10x128x64xf32, #tpu.memory_space<vmem>> -> memref<1x128x64xf32, #tpu.memory_space<vmem>>
      %dma_wait3A_1577 = tpu.memref_squeeze %dma_wait3A_1576 : memref<1x128x64xf32, #tpu.memory_space<vmem>> -> memref<128x64xf32, #tpu.memory_space<vmem>>
      %dma_wait3A_1578 = arith.constant 0 : i32
      %dma_wait3A_1579 = tpu.memref_slice %arg5[%dma_wait3A_1572, %dma_wait3A_1578] : memref<200x128xi32, #tpu.memory_space<vmem>> -> memref<1x128xi32, #tpu.memory_space<vmem>>
      %dma_wait3A_1580 = tpu.memref_squeeze %dma_wait3A_1579 : memref<1x128xi32, #tpu.memory_space<vmem>> -> memref<128xi32, #tpu.memory_space<vmem>>
      %dma_wait3A_1581 = arith.constant 0 : i32
      %dma_wait3A_1582 = arith.constant 0 : i32
      %dma_wait3A_1583 = tpu.memref_slice %arg3[%dma_wait3A_1581, %dma_wait3A_1582] : memref<1000000x64xf32, #tpu.memory_space<hbm>> -> memref<1000000x64xf32, #tpu.memory_space<hbm>>
      tpu.wait_indirect_dma semaphore(%arg14 : memref<!tpu.dma_semaphore, #tpu.memory_space<semaphore_mem>>) src(%dma_wait3A_1583 : memref<1000000x64xf32, #tpu.memory_space<hbm>>) dst(%dma_wait3A_1577 : memref<128x64xf32, #tpu.memory_space<vmem>>)
      %mul3A_1584 = arith.constant 200 : i32
      %mul3A_1585 = arith.muli %add3A, %mul3A_1584 : i32
      %add3A_1586 = arith.addi %mul3A_1585, %add3A_1571 : i32
      %dma_start3A_1587 = arith.constant 7 : i32
      %dma_start3A_1588 = arith.constant 0 : i32
      %dma_start3A_1589 = arith.constant 0 : i32
      %dma_start3A_1590 = tpu.memref_slice %arg6[%dma_start3A_1587, %dma_start3A_1588, %dma_start3A_1589] : memref<10x128x64xf32, #tpu.memory_space<vmem>> -> memref<1x128x64xf32, #tpu.memory_space<vmem>>
      %dma_start3A_1591 = tpu.memref_squeeze %dma_start3A_1590 : memref<1x128x64xf32, #tpu.memory_space<vmem>> -> memref<128x64xf32, #tpu.memory_space<vmem>>
      %dma_start3A_1592 = arith.constant 0 : i32
      %dma_start3A_1593 = arith.constant 0 : i32
      %dma_start3A_1594 = tpu.memref_slice %arg4[%add3A_1586, %dma_start3A_1592, %dma_start3A_1593] : memref<6400x128x64xf32, #tpu.memory_space<hbm>> -> memref<1x128x64xf32, #tpu.memory_space<hbm>>
      %dma_start3A_1595 = tpu.memref_squeeze %dma_start3A_1594 : memref<1x128x64xf32, #tpu.memory_space<hbm>> -> memref<128x64xf32, #tpu.memory_space<hbm>>
      %dma_start3A_1596 = arith.constant 0 : i32
      %dma_start3A_1597 = arith.constant 0 : i32
      %dma_start3A_1598 = tpu.memref_slice %arg4[%add3A_1586, %dma_start3A_1596, %dma_start3A_1597] : memref<6400x128x64xf32, #tpu.memory_space<hbm>> -> memref<1x128x64xf32, #tpu.memory_space<hbm>>
      %dma_start3A_1599 = tpu.memref_squeeze %dma_start3A_1598 : memref<1x128x64xf32, #tpu.memory_space<hbm>> -> memref<128x64xf32, #tpu.memory_space<hbm>>
      %dma_start3A_1600 = arith.constant 0 : i32
      %dma_start3A_1601 = arith.constant 0 : i32
      %dma_start3A_1602 = tpu.memref_slice %arg6[%dma_start3A_1587, %dma_start3A_1600, %dma_start3A_1601] : memref<10x128x64xf32, #tpu.memory_space<vmem>> -> memref<1x128x64xf32, #tpu.memory_space<vmem>>
      %dma_start3A_1603 = tpu.memref_squeeze %dma_start3A_1602 : memref<1x128x64xf32, #tpu.memory_space<vmem>> -> memref<128x64xf32, #tpu.memory_space<vmem>>
      tpu.enqueue_dma source(%dma_start3A_1603 : memref<128x64xf32, #tpu.memory_space<vmem>>) target(%dma_start3A_1599 : memref<128x64xf32, #tpu.memory_space<hbm>>) target_semaphore(%arg24 : memref<!tpu.dma_semaphore, #tpu.memory_space<semaphore_mem>>)
      %sub3A_1604 = arith.constant 4 : i32
      %sub3A_1605 = arith.subi %add3A_1571, %sub3A_1604 : i32
      %ge3A_1606 = arith.constant 0 : i32
      %ge3A_1607 = arith.cmpi sge, %sub3A_1605, %ge3A_1606 : i32
      %sub3A_1608 = arith.constant 4 : i32
      %sub3A_1609 = arith.subi %add3A_1571, %sub3A_1608 : i32
      %add3A_1610 = arith.constant 10 : i32
      %add3A_1611 = arith.addi %sub3A_1609, %add3A_1610 : i32
      %lt3A_1612 = arith.constant 200 : i32
      %lt3A_1613 = arith.cmpi slt, %add3A_1611, %lt3A_1612 : i32
      %and3A_1614 = arith.andi %ge3A_1607, %lt3A_1613 : i1
      %convert_element_type3A_1615 = arith.extui %and3A_1614 : i1 to i32
      %cond3A_1616 = arith.constant 0 : i32
      %cond3A_1617 = arith.cmpi ne, %convert_element_type3A_1615, %cond3A_1616 : i32
      scf.if %cond3A_1617 {
        %dma_wait3A_1718 = arith.constant 3 : i32
        %dma_wait3A_1719 = arith.constant 0 : i32
        %dma_wait3A_1720 = arith.constant 0 : i32
        %dma_wait3A_1721 = arith.constant 0 : i32
        %dma_wait3A_1722 = tpu.memref_slice %arg6[%dma_wait3A_1718, %dma_wait3A_1720, %dma_wait3A_1721] : memref<10x128x64xf32, #tpu.memory_space<vmem>> -> memref<1x128x64xf32, #tpu.memory_space<vmem>>
        %dma_wait3A_1723 = tpu.memref_squeeze %dma_wait3A_1722 : memref<1x128x64xf32, #tpu.memory_space<vmem>> -> memref<128x64xf32, #tpu.memory_space<vmem>>
        %dma_wait3A_1724 = arith.constant 0 : i32
        %dma_wait3A_1725 = arith.constant 0 : i32
        %dma_wait3A_1726 = tpu.memref_slice %arg4[%dma_wait3A_1719, %dma_wait3A_1724, %dma_wait3A_1725] : memref<6400x128x64xf32, #tpu.memory_space<hbm>> -> memref<1x128x64xf32, #tpu.memory_space<hbm>>
        %dma_wait3A_1727 = tpu.memref_squeeze %dma_wait3A_1726 : memref<1x128x64xf32, #tpu.memory_space<hbm>> -> memref<128x64xf32, #tpu.memory_space<hbm>>
        %dma_wait3A_1728 = arith.constant 0 : i32
        %dma_wait3A_1729 = arith.constant 0 : i32
        %dma_wait3A_1730 = tpu.memref_slice %arg4[%dma_wait3A_1719, %dma_wait3A_1728, %dma_wait3A_1729] : memref<6400x128x64xf32, #tpu.memory_space<hbm>> -> memref<1x128x64xf32, #tpu.memory_space<hbm>>
        %dma_wait3A_1731 = tpu.memref_squeeze %dma_wait3A_1730 : memref<1x128x64xf32, #tpu.memory_space<hbm>> -> memref<128x64xf32, #tpu.memory_space<hbm>>
        %dma_wait3A_1732 = arith.constant 0 : i32
        %dma_wait3A_1733 = arith.constant 0 : i32
        %dma_wait3A_1734 = tpu.memref_slice %arg6[%dma_wait3A_1718, %dma_wait3A_1732, %dma_wait3A_1733] : memref<10x128x64xf32, #tpu.memory_space<vmem>> -> memref<1x128x64xf32, #tpu.memory_space<vmem>>
        %dma_wait3A_1735 = tpu.memref_squeeze %dma_wait3A_1734 : memref<1x128x64xf32, #tpu.memory_space<vmem>> -> memref<128x64xf32, #tpu.memory_space<vmem>>
        tpu.wait_dma2 semaphore(%arg20 : memref<!tpu.dma_semaphore, #tpu.memory_space<semaphore_mem>>) src(%dma_wait3A_1735 : memref<128x64xf32, #tpu.memory_space<vmem>>) dst(%dma_wait3A_1731 : memref<128x64xf32, #tpu.memory_space<hbm>>)
        %sub3A_1736 = arith.constant 4 : i32
        %sub3A_1737 = arith.subi %add3A_1571, %sub3A_1736 : i32
        %add3A_1738 = arith.constant 10 : i32
        %add3A_1739 = arith.addi %sub3A_1737, %add3A_1738 : i32
        %get3A_1740 = arith.index_cast %add3A_1739 : i32 to index
        %get3A_1741 = arith.constant 0 : index
        %get3A_1742 = tpu.vector_load %arg5[%get3A_1740, %get3A_1741] {strides = array<i32>} : memref<200x128xi32, #tpu.memory_space<vmem>>, vector<1x16xi32>,
        %get3A_1743 = vector.shape_cast %get3A_1742 : vector<1x16xi32> to vector<16xi32>
        %dma_start3A_1744 = arith.constant 3 : i32
        %dma_start3A_1745 = arith.constant 0 : i32
        %dma_start3A_1746 = arith.constant 0 : i32
        %dma_start3A_1747 = tpu.memref_slice %arg6[%dma_start3A_1744, %dma_start3A_1745, %dma_start3A_1746] : memref<10x128x64xf32, #tpu.memory_space<vmem>> -> memref<1x16x64xf32, #tpu.memory_space<vmem>>
        %dma_start3A_1748 = tpu.memref_squeeze %dma_start3A_1747 : memref<1x16x64xf32, #tpu.memory_space<vmem>> -> memref<16x64xf32, #tpu.memory_space<vmem>>
        %dma_start3A_1749 = arith.constant 0 : i32
        %dma_start3A_1750 = arith.constant 0 : i32
        %dma_start3A_1751 = tpu.memref_slice %arg3[%dma_start3A_1749, %dma_start3A_1750] : memref<1000000x64xf32, #tpu.memory_space<hbm>> -> memref<1000000x64xf32, #tpu.memory_space<hbm>>
        tpu.enqueue_indirect_dma source(%dma_start3A_1751 : memref<1000000x64xf32, #tpu.memory_space<hbm>>) target(%dma_start3A_1748 : memref<16x64xf32, #tpu.memory_space<vmem>>) offsets(%get3A_1743 : vector<16xi32>) semaphore(%arg10 : memref<!tpu.dma_semaphore, #tpu.memory_space<semaphore_mem>>)
        %get3A_1752 = arith.index_cast %add3A_1739 : i32 to index
        %get3A_1753 = arith.constant 16 : index
        %get3A_1754 = tpu.vector_load %arg5[%get3A_1752, %get3A_1753] {strides = array<i32>} : memref<200x128xi32, #tpu.memory_space<vmem>>, vector<1x16xi32>,
        %get3A_1755 = vector.shape_cast %get3A_1754 : vector<1x16xi32> to vector<16xi32>
        %dma_start3A_1756 = arith.constant 3 : i32
        %dma_start3A_1757 = arith.constant 16 : i32
        %dma_start3A_1758 = arith.constant 0 : i32
        %dma_start3A_1759 = tpu.memref_slice %arg6[%dma_start3A_1756, %dma_start3A_1757, %dma_start3A_1758] : memref<10x128x64xf32, #tpu.memory_space<vmem>> -> memref<1x16x64xf32, #tpu.memory_space<vmem>>
        %dma_start3A_1760 = tpu.memref_squeeze %dma_start3A_1759 : memref<1x16x64xf32, #tpu.memory_space<vmem>> -> memref<16x64xf32, #tpu.memory_space<vmem>>
        %dma_start3A_1761 = arith.constant 0 : i32
        %dma_start3A_1762 = arith.constant 0 : i32
        %dma_start3A_1763 = tpu.memref_slice %arg3[%dma_start3A_1761, %dma_start3A_1762] : memref<1000000x64xf32, #tpu.memory_space<hbm>> -> memref<1000000x64xf32, #tpu.memory_space<hbm>>
        tpu.enqueue_indirect_dma source(%dma_start3A_1763 : memref<1000000x64xf32, #tpu.memory_space<hbm>>) target(%dma_start3A_1760 : memref<16x64xf32, #tpu.memory_space<vmem>>) offsets(%get3A_1755 : vector<16xi32>) semaphore(%arg10 : memref<!tpu.dma_semaphore, #tpu.memory_space<semaphore_mem>>)
        %get3A_1764 = arith.index_cast %add3A_1739 : i32 to index
        %get3A_1765 = arith.constant 32 : index
        %get3A_1766 = tpu.vector_load %arg5[%get3A_1764, %get3A_1765] {strides = array<i32>} : memref<200x128xi32, #tpu.memory_space<vmem>>, vector<1x16xi32>,
        %get3A_1767 = vector.shape_cast %get3A_1766 : vector<1x16xi32> to vector<16xi32>
        %dma_start3A_1768 = arith.constant 3 : i32
        %dma_start3A_1769 = arith.constant 32 : i32
        %dma_start3A_1770 = arith.constant 0 : i32
        %dma_start3A_1771 = tpu.memref_slice %arg6[%dma_start3A_1768, %dma_start3A_1769, %dma_start3A_1770] : memref<10x128x64xf32, #tpu.memory_space<vmem>> -> memref<1x16x64xf32, #tpu.memory_space<vmem>>
        %dma_start3A_1772 = tpu.memref_squeeze %dma_start3A_1771 : memref<1x16x64xf32, #tpu.memory_space<vmem>> -> memref<16x64xf32, #tpu.memory_space<vmem>>
        %dma_start3A_1773 = arith.constant 0 : i32
        %dma_start3A_1774 = arith.constant 0 : i32
        %dma_start3A_1775 = tpu.memref_slice %arg3[%dma_start3A_1773, %dma_start3A_1774] : memref<1000000x64xf32, #tpu.memory_space<hbm>> -> memref<1000000x64xf32, #tpu.memory_space<hbm>>
        tpu.enqueue_indirect_dma source(%dma_start3A_1775 : memref<1000000x64xf32, #tpu.memory_space<hbm>>) target(%dma_start3A_1772 : memref<16x64xf32, #tpu.memory_space<vmem>>) offsets(%get3A_1767 : vector<16xi32>) semaphore(%arg10 : memref<!tpu.dma_semaphore, #tpu.memory_space<semaphore_mem>>)
        %get3A_1776 = arith.index_cast %add3A_1739 : i32 to index
        %get3A_1777 = arith.constant 48 : index
        %get3A_1778 = tpu.vector_load %arg5[%get3A_1776, %get3A_1777] {strides = array<i32>} : memref<200x128xi32, #tpu.memory_space<vmem>>, vector<1x16xi32>,
        %get3A_1779 = vector.shape_cast %get3A_1778 : vector<1x16xi32> to vector<16xi32>
        %dma_start3A_1780 = arith.constant 3 : i32
        %dma_start3A_1781 = arith.constant 48 : i32
        %dma_start3A_1782 = arith.constant 0 : i32
        %dma_start3A_1783 = tpu.memref_slice %arg6[%dma_start3A_1780, %dma_start3A_1781, %dma_start3A_1782] : memref<10x128x64xf32, #tpu.memory_space<vmem>> -> memref<1x16x64xf32, #tpu.memory_space<vmem>>
        %dma_start3A_1784 = tpu.memref_squeeze %dma_start3A_1783 : memref<1x16x64xf32, #tpu.memory_space<vmem>> -> memref<16x64xf32, #tpu.memory_space<vmem>>
        %dma_start3A_1785 = arith.constant 0 : i32
        %dma_start3A_1786 = arith.constant 0 : i32
        %dma_start3A_1787 = tpu.memref_slice %arg3[%dma_start3A_1785, %dma_start3A_1786] : memref<1000000x64xf32, #tpu.memory_space<hbm>> -> memref<1000000x64xf32, #tpu.memory_space<hbm>>
        tpu.enqueue_indirect_dma source(%dma_start3A_1787 : memref<1000000x64xf32, #tpu.memory_space<hbm>>) target(%dma_start3A_1784 : memref<16x64xf32, #tpu.memory_space<vmem>>) offsets(%get3A_1779 : vector<16xi32>) semaphore(%arg10 : memref<!tpu.dma_semaphore, #tpu.memory_space<semaphore_mem>>)
        %get3A_1788 = arith.index_cast %add3A_1739 : i32 to index
        %get3A_1789 = arith.constant 64 : index
        %get3A_1790 = tpu.vector_load %arg5[%get3A_1788, %get3A_1789] {strides = array<i32>} : memref<200x128xi32, #tpu.memory_space<vmem>>, vector<1x16xi32>,
        %get3A_1791 = vector.shape_cast %get3A_1790 : vector<1x16xi32> to vector<16xi32>
        %dma_start3A_1792 = arith.constant 3 : i32
        %dma_start3A_1793 = arith.constant 64 : i32
        %dma_start3A_1794 = arith.constant 0 : i32
        %dma_start3A_1795 = tpu.memref_slice %arg6[%dma_start3A_1792, %dma_start3A_1793, %dma_start3A_1794] : memref<10x128x64xf32, #tpu.memory_space<vmem>> -> memref<1x16x64xf32, #tpu.memory_space<vmem>>
        %dma_start3A_1796 = tpu.memref_squeeze %dma_start3A_1795 : memref<1x16x64xf32, #tpu.memory_space<vmem>> -> memref<16x64xf32, #tpu.memory_space<vmem>>
        %dma_start3A_1797 = arith.constant 0 : i32
        %dma_start3A_1798 = arith.constant 0 : i32
        %dma_start3A_1799 = tpu.memref_slice %arg3[%dma_start3A_1797, %dma_start3A_1798] : memref<1000000x64xf32, #tpu.memory_space<hbm>> -> memref<1000000x64xf32, #tpu.memory_space<hbm>>
        tpu.enqueue_indirect_dma source(%dma_start3A_1799 : memref<1000000x64xf32, #tpu.memory_space<hbm>>) target(%dma_start3A_1796 : memref<16x64xf32, #tpu.memory_space<vmem>>) offsets(%get3A_1791 : vector<16xi32>) semaphore(%arg10 : memref<!tpu.dma_semaphore, #tpu.memory_space<semaphore_mem>>)
        %get3A_1800 = arith.index_cast %add3A_1739 : i32 to index
        %get3A_1801 = arith.constant 80 : index
        %get3A_1802 = tpu.vector_load %arg5[%get3A_1800, %get3A_1801] {strides = array<i32>} : memref<200x128xi32, #tpu.memory_space<vmem>>, vector<1x16xi32>,
        %get3A_1803 = vector.shape_cast %get3A_1802 : vector<1x16xi32> to vector<16xi32>
        %dma_start3A_1804 = arith.constant 3 : i32
        %dma_start3A_1805 = arith.constant 80 : i32
        %dma_start3A_1806 = arith.constant 0 : i32
        %dma_start3A_1807 = tpu.memref_slice %arg6[%dma_start3A_1804, %dma_start3A_1805, %dma_start3A_1806] : memref<10x128x64xf32, #tpu.memory_space<vmem>> -> memref<1x16x64xf32, #tpu.memory_space<vmem>>
        %dma_start3A_1808 = tpu.memref_squeeze %dma_start3A_1807 : memref<1x16x64xf32, #tpu.memory_space<vmem>> -> memref<16x64xf32, #tpu.memory_space<vmem>>
        %dma_start3A_1809 = arith.constant 0 : i32
        %dma_start3A_1810 = arith.constant 0 : i32
        %dma_start3A_1811 = tpu.memref_slice %arg3[%dma_start3A_1809, %dma_start3A_1810] : memref<1000000x64xf32, #tpu.memory_space<hbm>> -> memref<1000000x64xf32, #tpu.memory_space<hbm>>
        tpu.enqueue_indirect_dma source(%dma_start3A_1811 : memref<1000000x64xf32, #tpu.memory_space<hbm>>) target(%dma_start3A_1808 : memref<16x64xf32, #tpu.memory_space<vmem>>) offsets(%get3A_1803 : vector<16xi32>) semaphore(%arg10 : memref<!tpu.dma_semaphore, #tpu.memory_space<semaphore_mem>>)
        %get3A_1812 = arith.index_cast %add3A_1739 : i32 to index
        %get3A_1813 = arith.constant 96 : index
        %get3A_1814 = tpu.vector_load %arg5[%get3A_1812, %get3A_1813] {strides = array<i32>} : memref<200x128xi32, #tpu.memory_space<vmem>>, vector<1x16xi32>,
        %get3A_1815 = vector.shape_cast %get3A_1814 : vector<1x16xi32> to vector<16xi32>
        %dma_start3A_1816 = arith.constant 3 : i32
        %dma_start3A_1817 = arith.constant 96 : i32
        %dma_start3A_1818 = arith.constant 0 : i32
        %dma_start3A_1819 = tpu.memref_slice %arg6[%dma_start3A_1816, %dma_start3A_1817, %dma_start3A_1818] : memref<10x128x64xf32, #tpu.memory_space<vmem>> -> memref<1x16x64xf32, #tpu.memory_space<vmem>>
        %dma_start3A_1820 = tpu.memref_squeeze %dma_start3A_1819 : memref<1x16x64xf32, #tpu.memory_space<vmem>> -> memref<16x64xf32, #tpu.memory_space<vmem>>
        %dma_start3A_1821 = arith.constant 0 : i32
        %dma_start3A_1822 = arith.constant 0 : i32
        %dma_start3A_1823 = tpu.memref_slice %arg3[%dma_start3A_1821, %dma_start3A_1822] : memref<1000000x64xf32, #tpu.memory_space<hbm>> -> memref<1000000x64xf32, #tpu.memory_space<hbm>>
        tpu.enqueue_indirect_dma source(%dma_start3A_1823 : memref<1000000x64xf32, #tpu.memory_space<hbm>>) target(%dma_start3A_1820 : memref<16x64xf32, #tpu.memory_space<vmem>>) offsets(%get3A_1815 : vector<16xi32>) semaphore(%arg10 : memref<!tpu.dma_semaphore, #tpu.memory_space<semaphore_mem>>)
        %get3A_1824 = arith.index_cast %add3A_1739 : i32 to index
        %get3A_1825 = arith.constant 112 : index
        %get3A_1826 = tpu.vector_load %arg5[%get3A_1824, %get3A_1825] {strides = array<i32>} : memref<200x128xi32, #tpu.memory_space<vmem>>, vector<1x16xi32>,
        %get3A_1827 = vector.shape_cast %get3A_1826 : vector<1x16xi32> to vector<16xi32>
        %dma_start3A_1828 = arith.constant 3 : i32
        %dma_start3A_1829 = arith.constant 112 : i32
        %dma_start3A_1830 = arith.constant 0 : i32
        %dma_start3A_1831 = tpu.memref_slice %arg6[%dma_start3A_1828, %dma_start3A_1829, %dma_start3A_1830] : memref<10x128x64xf32, #tpu.memory_space<vmem>> -> memref<1x16x64xf32, #tpu.memory_space<vmem>>
        %dma_start3A_1832 = tpu.memref_squeeze %dma_start3A_1831 : memref<1x16x64xf32, #tpu.memory_space<vmem>> -> memref<16x64xf32, #tpu.memory_space<vmem>>
        %dma_start3A_1833 = arith.constant 0 : i32
        %dma_start3A_1834 = arith.constant 0 : i32
        %dma_start3A_1835 = tpu.memref_slice %arg3[%dma_start3A_1833, %dma_start3A_1834] : memref<1000000x64xf32, #tpu.memory_space<hbm>> -> memref<1000000x64xf32, #tpu.memory_space<hbm>>
        tpu.enqueue_indirect_dma source(%dma_start3A_1835 : memref<1000000x64xf32, #tpu.memory_space<hbm>>) target(%dma_start3A_1832 : memref<16x64xf32, #tpu.memory_space<vmem>>) offsets(%get3A_1827 : vector<16xi32>) semaphore(%arg10 : memref<!tpu.dma_semaphore, #tpu.memory_space<semaphore_mem>>)
      } else {
      }
      %mul3A_1618 = arith.constant 10 : i32
      %mul3A_1619 = arith.muli %scan3A_1223, %mul3A_1618 : i32
      %add3A_1620 = arith.constant 8 : i32
      %add3A_1621 = arith.addi %mul3A_1619, %add3A_1620 : i32
      %dma_wait3A_1622 = arith.constant 0 : i32
      %dma_wait3A_1623 = arith.constant 8 : i32
      %dma_wait3A_1624 = arith.constant 0 : i32
      %dma_wait3A_1625 = arith.constant 0 : i32
      %dma_wait3A_1626 = tpu.memref_slice %arg6[%dma_wait3A_1623, %dma_wait3A_1624, %dma_wait3A_1625] : memref<10x128x64xf32, #tpu.memory_space<vmem>> -> memref<1x128x64xf32, #tpu.memory_space<vmem>>
      %dma_wait3A_1627 = tpu.memref_squeeze %dma_wait3A_1626 : memref<1x128x64xf32, #tpu.memory_space<vmem>> -> memref<128x64xf32, #tpu.memory_space<vmem>>
      %dma_wait3A_1628 = arith.constant 0 : i32
      %dma_wait3A_1629 = tpu.memref_slice %arg5[%dma_wait3A_1622, %dma_wait3A_1628] : memref<200x128xi32, #tpu.memory_space<vmem>> -> memref<1x128xi32, #tpu.memory_space<vmem>>
      %dma_wait3A_1630 = tpu.memref_squeeze %dma_wait3A_1629 : memref<1x128xi32, #tpu.memory_space<vmem>> -> memref<128xi32, #tpu.memory_space<vmem>>
      %dma_wait3A_1631 = arith.constant 0 : i32
      %dma_wait3A_1632 = arith.constant 0 : i32
      %dma_wait3A_1633 = tpu.memref_slice %arg3[%dma_wait3A_1631, %dma_wait3A_1632] : memref<1000000x64xf32, #tpu.memory_space<hbm>> -> memref<1000000x64xf32, #tpu.memory_space<hbm>>
      tpu.wait_indirect_dma semaphore(%arg15 : memref<!tpu.dma_semaphore, #tpu.memory_space<semaphore_mem>>) src(%dma_wait3A_1633 : memref<1000000x64xf32, #tpu.memory_space<hbm>>) dst(%dma_wait3A_1627 : memref<128x64xf32, #tpu.memory_space<vmem>>)
      %mul3A_1634 = arith.constant 200 : i32
      %mul3A_1635 = arith.muli %add3A, %mul3A_1634 : i32
      %add3A_1636 = arith.addi %mul3A_1635, %add3A_1621 : i32
      %dma_start3A_1637 = arith.constant 8 : i32
      %dma_start3A_1638 = arith.constant 0 : i32
      %dma_start3A_1639 = arith.constant 0 : i32
      %dma_start3A_1640 = tpu.memref_slice %arg6[%dma_start3A_1637, %dma_start3A_1638, %dma_start3A_1639] : memref<10x128x64xf32, #tpu.memory_space<vmem>> -> memref<1x128x64xf32, #tpu.memory_space<vmem>>
      %dma_start3A_1641 = tpu.memref_squeeze %dma_start3A_1640 : memref<1x128x64xf32, #tpu.memory_space<vmem>> -> memref<128x64xf32, #tpu.memory_space<vmem>>
      %dma_start3A_1642 = arith.constant 0 : i32
      %dma_start3A_1643 = arith.constant 0 : i32
      %dma_start3A_1644 = tpu.memref_slice %arg4[%add3A_1636, %dma_start3A_1642, %dma_start3A_1643] : memref<6400x128x64xf32, #tpu.memory_space<hbm>> -> memref<1x128x64xf32, #tpu.memory_space<hbm>>
      %dma_start3A_1645 = tpu.memref_squeeze %dma_start3A_1644 : memref<1x128x64xf32, #tpu.memory_space<hbm>> -> memref<128x64xf32, #tpu.memory_space<hbm>>
      %dma_start3A_1646 = arith.constant 0 : i32
      %dma_start3A_1647 = arith.constant 0 : i32
      %dma_start3A_1648 = tpu.memref_slice %arg4[%add3A_1636, %dma_start3A_1646, %dma_start3A_1647] : memref<6400x128x64xf32, #tpu.memory_space<hbm>> -> memref<1x128x64xf32, #tpu.memory_space<hbm>>
      %dma_start3A_1649 = tpu.memref_squeeze %dma_start3A_1648 : memref<1x128x64xf32, #tpu.memory_space<hbm>> -> memref<128x64xf32, #tpu.memory_space<hbm>>
      %dma_start3A_1650 = arith.constant 0 : i32
      %dma_start3A_1651 = arith.constant 0 : i32
      %dma_start3A_1652 = tpu.memref_slice %arg6[%dma_start3A_1637, %dma_start3A_1650, %dma_start3A_1651] : memref<10x128x64xf32, #tpu.memory_space<vmem>> -> memref<1x128x64xf32, #tpu.memory_space<vmem>>
      %dma_start3A_1653 = tpu.memref_squeeze %dma_start3A_1652 : memref<1x128x64xf32, #tpu.memory_space<vmem>> -> memref<128x64xf32, #tpu.memory_space<vmem>>
      tpu.enqueue_dma source(%dma_start3A_1653 : memref<128x64xf32, #tpu.memory_space<vmem>>) target(%dma_start3A_1649 : memref<128x64xf32, #tpu.memory_space<hbm>>) target_semaphore(%arg25 : memref<!tpu.dma_semaphore, #tpu.memory_space<semaphore_mem>>)
      %sub3A_1654 = arith.constant 4 : i32
      %sub3A_1655 = arith.subi %add3A_1621, %sub3A_1654 : i32
      %ge3A_1656 = arith.constant 0 : i32
      %ge3A_1657 = arith.cmpi sge, %sub3A_1655, %ge3A_1656 : i32
      %sub3A_1658 = arith.constant 4 : i32
      %sub3A_1659 = arith.subi %add3A_1621, %sub3A_1658 : i32
      %add3A_1660 = arith.constant 10 : i32
      %add3A_1661 = arith.addi %sub3A_1659, %add3A_1660 : i32
      %lt3A_1662 = arith.constant 200 : i32
      %lt3A_1663 = arith.cmpi slt, %add3A_1661, %lt3A_1662 : i32
      %and3A_1664 = arith.andi %ge3A_1657, %lt3A_1663 : i1
      %convert_element_type3A_1665 = arith.extui %and3A_1664 : i1 to i32
      %cond3A_1666 = arith.constant 0 : i32
      %cond3A_1667 = arith.cmpi ne, %convert_element_type3A_1665, %cond3A_1666 : i32
      scf.if %cond3A_1667 {
        %dma_wait3A_1718 = arith.constant 4 : i32
        %dma_wait3A_1719 = arith.constant 0 : i32
        %dma_wait3A_1720 = arith.constant 0 : i32
        %dma_wait3A_1721 = arith.constant 0 : i32
        %dma_wait3A_1722 = tpu.memref_slice %arg6[%dma_wait3A_1718, %dma_wait3A_1720, %dma_wait3A_1721] : memref<10x128x64xf32, #tpu.memory_space<vmem>> -> memref<1x128x64xf32, #tpu.memory_space<vmem>>
        %dma_wait3A_1723 = tpu.memref_squeeze %dma_wait3A_1722 : memref<1x128x64xf32, #tpu.memory_space<vmem>> -> memref<128x64xf32, #tpu.memory_space<vmem>>
        %dma_wait3A_1724 = arith.constant 0 : i32
        %dma_wait3A_1725 = arith.constant 0 : i32
        %dma_wait3A_1726 = tpu.memref_slice %arg4[%dma_wait3A_1719, %dma_wait3A_1724, %dma_wait3A_1725] : memref<6400x128x64xf32, #tpu.memory_space<hbm>> -> memref<1x128x64xf32, #tpu.memory_space<hbm>>
        %dma_wait3A_1727 = tpu.memref_squeeze %dma_wait3A_1726 : memref<1x128x64xf32, #tpu.memory_space<hbm>> -> memref<128x64xf32, #tpu.memory_space<hbm>>
        %dma_wait3A_1728 = arith.constant 0 : i32
        %dma_wait3A_1729 = arith.constant 0 : i32
        %dma_wait3A_1730 = tpu.memref_slice %arg4[%dma_wait3A_1719, %dma_wait3A_1728, %dma_wait3A_1729] : memref<6400x128x64xf32, #tpu.memory_space<hbm>> -> memref<1x128x64xf32, #tpu.memory_space<hbm>>
        %dma_wait3A_1731 = tpu.memref_squeeze %dma_wait3A_1730 : memref<1x128x64xf32, #tpu.memory_space<hbm>> -> memref<128x64xf32, #tpu.memory_space<hbm>>
        %dma_wait3A_1732 = arith.constant 0 : i32
        %dma_wait3A_1733 = arith.constant 0 : i32
        %dma_wait3A_1734 = tpu.memref_slice %arg6[%dma_wait3A_1718, %dma_wait3A_1732, %dma_wait3A_1733] : memref<10x128x64xf32, #tpu.memory_space<vmem>> -> memref<1x128x64xf32, #tpu.memory_space<vmem>>
        %dma_wait3A_1735 = tpu.memref_squeeze %dma_wait3A_1734 : memref<1x128x64xf32, #tpu.memory_space<vmem>> -> memref<128x64xf32, #tpu.memory_space<vmem>>
        tpu.wait_dma2 semaphore(%arg21 : memref<!tpu.dma_semaphore, #tpu.memory_space<semaphore_mem>>) src(%dma_wait3A_1735 : memref<128x64xf32, #tpu.memory_space<vmem>>) dst(%dma_wait3A_1731 : memref<128x64xf32, #tpu.memory_space<hbm>>)
        %sub3A_1736 = arith.constant 4 : i32
        %sub3A_1737 = arith.subi %add3A_1621, %sub3A_1736 : i32
        %add3A_1738 = arith.constant 10 : i32
        %add3A_1739 = arith.addi %sub3A_1737, %add3A_1738 : i32
        %get3A_1740 = arith.index_cast %add3A_1739 : i32 to index
        %get3A_1741 = arith.constant 0 : index
        %get3A_1742 = tpu.vector_load %arg5[%get3A_1740, %get3A_1741] {strides = array<i32>} : memref<200x128xi32, #tpu.memory_space<vmem>>, vector<1x16xi32>,
        %get3A_1743 = vector.shape_cast %get3A_1742 : vector<1x16xi32> to vector<16xi32>
        %dma_start3A_1744 = arith.constant 4 : i32
        %dma_start3A_1745 = arith.constant 0 : i32
        %dma_start3A_1746 = arith.constant 0 : i32
        %dma_start3A_1747 = tpu.memref_slice %arg6[%dma_start3A_1744, %dma_start3A_1745, %dma_start3A_1746] : memref<10x128x64xf32, #tpu.memory_space<vmem>> -> memref<1x16x64xf32, #tpu.memory_space<vmem>>
        %dma_start3A_1748 = tpu.memref_squeeze %dma_start3A_1747 : memref<1x16x64xf32, #tpu.memory_space<vmem>> -> memref<16x64xf32, #tpu.memory_space<vmem>>
        %dma_start3A_1749 = arith.constant 0 : i32
        %dma_start3A_1750 = arith.constant 0 : i32
        %dma_start3A_1751 = tpu.memref_slice %arg3[%dma_start3A_1749, %dma_start3A_1750] : memref<1000000x64xf32, #tpu.memory_space<hbm>> -> memref<1000000x64xf32, #tpu.memory_space<hbm>>
        tpu.enqueue_indirect_dma source(%dma_start3A_1751 : memref<1000000x64xf32, #tpu.memory_space<hbm>>) target(%dma_start3A_1748 : memref<16x64xf32, #tpu.memory_space<vmem>>) offsets(%get3A_1743 : vector<16xi32>) semaphore(%arg11 : memref<!tpu.dma_semaphore, #tpu.memory_space<semaphore_mem>>)
        %get3A_1752 = arith.index_cast %add3A_1739 : i32 to index
        %get3A_1753 = arith.constant 16 : index
        %get3A_1754 = tpu.vector_load %arg5[%get3A_1752, %get3A_1753] {strides = array<i32>} : memref<200x128xi32, #tpu.memory_space<vmem>>, vector<1x16xi32>,
        %get3A_1755 = vector.shape_cast %get3A_1754 : vector<1x16xi32> to vector<16xi32>
        %dma_start3A_1756 = arith.constant 4 : i32
        %dma_start3A_1757 = arith.constant 16 : i32
        %dma_start3A_1758 = arith.constant 0 : i32
        %dma_start3A_1759 = tpu.memref_slice %arg6[%dma_start3A_1756, %dma_start3A_1757, %dma_start3A_1758] : memref<10x128x64xf32, #tpu.memory_space<vmem>> -> memref<1x16x64xf32, #tpu.memory_space<vmem>>
        %dma_start3A_1760 = tpu.memref_squeeze %dma_start3A_1759 : memref<1x16x64xf32, #tpu.memory_space<vmem>> -> memref<16x64xf32, #tpu.memory_space<vmem>>
        %dma_start3A_1761 = arith.constant 0 : i32
        %dma_start3A_1762 = arith.constant 0 : i32
        %dma_start3A_1763 = tpu.memref_slice %arg3[%dma_start3A_1761, %dma_start3A_1762] : memref<1000000x64xf32, #tpu.memory_space<hbm>> -> memref<1000000x64xf32, #tpu.memory_space<hbm>>
        tpu.enqueue_indirect_dma source(%dma_start3A_1763 : memref<1000000x64xf32, #tpu.memory_space<hbm>>) target(%dma_start3A_1760 : memref<16x64xf32, #tpu.memory_space<vmem>>) offsets(%get3A_1755 : vector<16xi32>) semaphore(%arg11 : memref<!tpu.dma_semaphore, #tpu.memory_space<semaphore_mem>>)
        %get3A_1764 = arith.index_cast %add3A_1739 : i32 to index
        %get3A_1765 = arith.constant 32 : index
        %get3A_1766 = tpu.vector_load %arg5[%get3A_1764, %get3A_1765] {strides = array<i32>} : memref<200x128xi32, #tpu.memory_space<vmem>>, vector<1x16xi32>,
        %get3A_1767 = vector.shape_cast %get3A_1766 : vector<1x16xi32> to vector<16xi32>
        %dma_start3A_1768 = arith.constant 4 : i32
        %dma_start3A_1769 = arith.constant 32 : i32
        %dma_start3A_1770 = arith.constant 0 : i32
        %dma_start3A_1771 = tpu.memref_slice %arg6[%dma_start3A_1768, %dma_start3A_1769, %dma_start3A_1770] : memref<10x128x64xf32, #tpu.memory_space<vmem>> -> memref<1x16x64xf32, #tpu.memory_space<vmem>>
        %dma_start3A_1772 = tpu.memref_squeeze %dma_start3A_1771 : memref<1x16x64xf32, #tpu.memory_space<vmem>> -> memref<16x64xf32, #tpu.memory_space<vmem>>
        %dma_start3A_1773 = arith.constant 0 : i32
        %dma_start3A_1774 = arith.constant 0 : i32
        %dma_start3A_1775 = tpu.memref_slice %arg3[%dma_start3A_1773, %dma_start3A_1774] : memref<1000000x64xf32, #tpu.memory_space<hbm>> -> memref<1000000x64xf32, #tpu.memory_space<hbm>>
        tpu.enqueue_indirect_dma source(%dma_start3A_1775 : memref<1000000x64xf32, #tpu.memory_space<hbm>>) target(%dma_start3A_1772 : memref<16x64xf32, #tpu.memory_space<vmem>>) offsets(%get3A_1767 : vector<16xi32>) semaphore(%arg11 : memref<!tpu.dma_semaphore, #tpu.memory_space<semaphore_mem>>)
        %get3A_1776 = arith.index_cast %add3A_1739 : i32 to index
        %get3A_1777 = arith.constant 48 : index
        %get3A_1778 = tpu.vector_load %arg5[%get3A_1776, %get3A_1777] {strides = array<i32>} : memref<200x128xi32, #tpu.memory_space<vmem>>, vector<1x16xi32>,
        %get3A_1779 = vector.shape_cast %get3A_1778 : vector<1x16xi32> to vector<16xi32>
        %dma_start3A_1780 = arith.constant 4 : i32
        %dma_start3A_1781 = arith.constant 48 : i32
        %dma_start3A_1782 = arith.constant 0 : i32
        %dma_start3A_1783 = tpu.memref_slice %arg6[%dma_start3A_1780, %dma_start3A_1781, %dma_start3A_1782] : memref<10x128x64xf32, #tpu.memory_space<vmem>> -> memref<1x16x64xf32, #tpu.memory_space<vmem>>
        %dma_start3A_1784 = tpu.memref_squeeze %dma_start3A_1783 : memref<1x16x64xf32, #tpu.memory_space<vmem>> -> memref<16x64xf32, #tpu.memory_space<vmem>>
        %dma_start3A_1785 = arith.constant 0 : i32
        %dma_start3A_1786 = arith.constant 0 : i32
        %dma_start3A_1787 = tpu.memref_slice %arg3[%dma_start3A_1785, %dma_start3A_1786] : memref<1000000x64xf32, #tpu.memory_space<hbm>> -> memref<1000000x64xf32, #tpu.memory_space<hbm>>
        tpu.enqueue_indirect_dma source(%dma_start3A_1787 : memref<1000000x64xf32, #tpu.memory_space<hbm>>) target(%dma_start3A_1784 : memref<16x64xf32, #tpu.memory_space<vmem>>) offsets(%get3A_1779 : vector<16xi32>) semaphore(%arg11 : memref<!tpu.dma_semaphore, #tpu.memory_space<semaphore_mem>>)
        %get3A_1788 = arith.index_cast %add3A_1739 : i32 to index
        %get3A_1789 = arith.constant 64 : index
        %get3A_1790 = tpu.vector_load %arg5[%get3A_1788, %get3A_1789] {strides = array<i32>} : memref<200x128xi32, #tpu.memory_space<vmem>>, vector<1x16xi32>,
        %get3A_1791 = vector.shape_cast %get3A_1790 : vector<1x16xi32> to vector<16xi32>
        %dma_start3A_1792 = arith.constant 4 : i32
        %dma_start3A_1793 = arith.constant 64 : i32
        %dma_start3A_1794 = arith.constant 0 : i32
        %dma_start3A_1795 = tpu.memref_slice %arg6[%dma_start3A_1792, %dma_start3A_1793, %dma_start3A_1794] : memref<10x128x64xf32, #tpu.memory_space<vmem>> -> memref<1x16x64xf32, #tpu.memory_space<vmem>>
        %dma_start3A_1796 = tpu.memref_squeeze %dma_start3A_1795 : memref<1x16x64xf32, #tpu.memory_space<vmem>> -> memref<16x64xf32, #tpu.memory_space<vmem>>
        %dma_start3A_1797 = arith.constant 0 : i32
        %dma_start3A_1798 = arith.constant 0 : i32
        %dma_start3A_1799 = tpu.memref_slice %arg3[%dma_start3A_1797, %dma_start3A_1798] : memref<1000000x64xf32, #tpu.memory_space<hbm>> -> memref<1000000x64xf32, #tpu.memory_space<hbm>>
        tpu.enqueue_indirect_dma source(%dma_start3A_1799 : memref<1000000x64xf32, #tpu.memory_space<hbm>>) target(%dma_start3A_1796 : memref<16x64xf32, #tpu.memory_space<vmem>>) offsets(%get3A_1791 : vector<16xi32>) semaphore(%arg11 : memref<!tpu.dma_semaphore, #tpu.memory_space<semaphore_mem>>)
        %get3A_1800 = arith.index_cast %add3A_1739 : i32 to index
        %get3A_1801 = arith.constant 80 : index
        %get3A_1802 = tpu.vector_load %arg5[%get3A_1800, %get3A_1801] {strides = array<i32>} : memref<200x128xi32, #tpu.memory_space<vmem>>, vector<1x16xi32>,
        %get3A_1803 = vector.shape_cast %get3A_1802 : vector<1x16xi32> to vector<16xi32>
        %dma_start3A_1804 = arith.constant 4 : i32
        %dma_start3A_1805 = arith.constant 80 : i32
        %dma_start3A_1806 = arith.constant 0 : i32
        %dma_start3A_1807 = tpu.memref_slice %arg6[%dma_start3A_1804, %dma_start3A_1805, %dma_start3A_1806] : memref<10x128x64xf32, #tpu.memory_space<vmem>> -> memref<1x16x64xf32, #tpu.memory_space<vmem>>
        %dma_start3A_1808 = tpu.memref_squeeze %dma_start3A_1807 : memref<1x16x64xf32, #tpu.memory_space<vmem>> -> memref<16x64xf32, #tpu.memory_space<vmem>>
        %dma_start3A_1809 = arith.constant 0 : i32
        %dma_start3A_1810 = arith.constant 0 : i32
        %dma_start3A_1811 = tpu.memref_slice %arg3[%dma_start3A_1809, %dma_start3A_1810] : memref<1000000x64xf32, #tpu.memory_space<hbm>> -> memref<1000000x64xf32, #tpu.memory_space<hbm>>
        tpu.enqueue_indirect_dma source(%dma_start3A_1811 : memref<1000000x64xf32, #tpu.memory_space<hbm>>) target(%dma_start3A_1808 : memref<16x64xf32, #tpu.memory_space<vmem>>) offsets(%get3A_1803 : vector<16xi32>) semaphore(%arg11 : memref<!tpu.dma_semaphore, #tpu.memory_space<semaphore_mem>>)
        %get3A_1812 = arith.index_cast %add3A_1739 : i32 to index
        %get3A_1813 = arith.constant 96 : index
        %get3A_1814 = tpu.vector_load %arg5[%get3A_1812, %get3A_1813] {strides = array<i32>} : memref<200x128xi32, #tpu.memory_space<vmem>>, vector<1x16xi32>,
        %get3A_1815 = vector.shape_cast %get3A_1814 : vector<1x16xi32> to vector<16xi32>
        %dma_start3A_1816 = arith.constant 4 : i32
        %dma_start3A_1817 = arith.constant 96 : i32
        %dma_start3A_1818 = arith.constant 0 : i32
        %dma_start3A_1819 = tpu.memref_slice %arg6[%dma_start3A_1816, %dma_start3A_1817, %dma_start3A_1818] : memref<10x128x64xf32, #tpu.memory_space<vmem>> -> memref<1x16x64xf32, #tpu.memory_space<vmem>>
        %dma_start3A_1820 = tpu.memref_squeeze %dma_start3A_1819 : memref<1x16x64xf32, #tpu.memory_space<vmem>> -> memref<16x64xf32, #tpu.memory_space<vmem>>
        %dma_start3A_1821 = arith.constant 0 : i32
        %dma_start3A_1822 = arith.constant 0 : i32
        %dma_start3A_1823 = tpu.memref_slice %arg3[%dma_start3A_1821, %dma_start3A_1822] : memref<1000000x64xf32, #tpu.memory_space<hbm>> -> memref<1000000x64xf32, #tpu.memory_space<hbm>>
        tpu.enqueue_indirect_dma source(%dma_start3A_1823 : memref<1000000x64xf32, #tpu.memory_space<hbm>>) target(%dma_start3A_1820 : memref<16x64xf32, #tpu.memory_space<vmem>>) offsets(%get3A_1815 : vector<16xi32>) semaphore(%arg11 : memref<!tpu.dma_semaphore, #tpu.memory_space<semaphore_mem>>)
        %get3A_1824 = arith.index_cast %add3A_1739 : i32 to index
        %get3A_1825 = arith.constant 112 : index
        %get3A_1826 = tpu.vector_load %arg5[%get3A_1824, %get3A_1825] {strides = array<i32>} : memref<200x128xi32, #tpu.memory_space<vmem>>, vector<1x16xi32>,
        %get3A_1827 = vector.shape_cast %get3A_1826 : vector<1x16xi32> to vector<16xi32>
        %dma_start3A_1828 = arith.constant 4 : i32
        %dma_start3A_1829 = arith.constant 112 : i32
        %dma_start3A_1830 = arith.constant 0 : i32
        %dma_start3A_1831 = tpu.memref_slice %arg6[%dma_start3A_1828, %dma_start3A_1829, %dma_start3A_1830] : memref<10x128x64xf32, #tpu.memory_space<vmem>> -> memref<1x16x64xf32, #tpu.memory_space<vmem>>
        %dma_start3A_1832 = tpu.memref_squeeze %dma_start3A_1831 : memref<1x16x64xf32, #tpu.memory_space<vmem>> -> memref<16x64xf32, #tpu.memory_space<vmem>>
        %dma_start3A_1833 = arith.constant 0 : i32
        %dma_start3A_1834 = arith.constant 0 : i32
        %dma_start3A_1835 = tpu.memref_slice %arg3[%dma_start3A_1833, %dma_start3A_1834] : memref<1000000x64xf32, #tpu.memory_space<hbm>> -> memref<1000000x64xf32, #tpu.memory_space<hbm>>
        tpu.enqueue_indirect_dma source(%dma_start3A_1835 : memref<1000000x64xf32, #tpu.memory_space<hbm>>) target(%dma_start3A_1832 : memref<16x64xf32, #tpu.memory_space<vmem>>) offsets(%get3A_1827 : vector<16xi32>) semaphore(%arg11 : memref<!tpu.dma_semaphore, #tpu.memory_space<semaphore_mem>>)
      } else {
      }
      %mul3A_1668 = arith.constant 10 : i32
      %mul3A_1669 = arith.muli %scan3A_1223, %mul3A_1668 : i32
      %add3A_1670 = arith.constant 9 : i32
      %add3A_1671 = arith.addi %mul3A_1669, %add3A_1670 : i32
      %dma_wait3A_1672 = arith.constant 0 : i32
      %dma_wait3A_1673 = arith.constant 9 : i32
      %dma_wait3A_1674 = arith.constant 0 : i32
      %dma_wait3A_1675 = arith.constant 0 : i32
      %dma_wait3A_1676 = tpu.memref_slice %arg6[%dma_wait3A_1673, %dma_wait3A_1674, %dma_wait3A_1675] : memref<10x128x64xf32, #tpu.memory_space<vmem>> -> memref<1x128x64xf32, #tpu.memory_space<vmem>>
      %dma_wait3A_1677 = tpu.memref_squeeze %dma_wait3A_1676 : memref<1x128x64xf32, #tpu.memory_space<vmem>> -> memref<128x64xf32, #tpu.memory_space<vmem>>
      %dma_wait3A_1678 = arith.constant 0 : i32
      %dma_wait3A_1679 = tpu.memref_slice %arg5[%dma_wait3A_1672, %dma_wait3A_1678] : memref<200x128xi32, #tpu.memory_space<vmem>> -> memref<1x128xi32, #tpu.memory_space<vmem>>
      %dma_wait3A_1680 = tpu.memref_squeeze %dma_wait3A_1679 : memref<1x128xi32, #tpu.memory_space<vmem>> -> memref<128xi32, #tpu.memory_space<vmem>>
      %dma_wait3A_1681 = arith.constant 0 : i32
      %dma_wait3A_1682 = arith.constant 0 : i32
      %dma_wait3A_1683 = tpu.memref_slice %arg3[%dma_wait3A_1681, %dma_wait3A_1682] : memref<1000000x64xf32, #tpu.memory_space<hbm>> -> memref<1000000x64xf32, #tpu.memory_space<hbm>>
      tpu.wait_indirect_dma semaphore(%arg16 : memref<!tpu.dma_semaphore, #tpu.memory_space<semaphore_mem>>) src(%dma_wait3A_1683 : memref<1000000x64xf32, #tpu.memory_space<hbm>>) dst(%dma_wait3A_1677 : memref<128x64xf32, #tpu.memory_space<vmem>>)
      %mul3A_1684 = arith.constant 200 : i32
      %mul3A_1685 = arith.muli %add3A, %mul3A_1684 : i32
      %add3A_1686 = arith.addi %mul3A_1685, %add3A_1671 : i32
      %dma_start3A_1687 = arith.constant 9 : i32
      %dma_start3A_1688 = arith.constant 0 : i32
      %dma_start3A_1689 = arith.constant 0 : i32
      %dma_start3A_1690 = tpu.memref_slice %arg6[%dma_start3A_1687, %dma_start3A_1688, %dma_start3A_1689] : memref<10x128x64xf32, #tpu.memory_space<vmem>> -> memref<1x128x64xf32, #tpu.memory_space<vmem>>
      %dma_start3A_1691 = tpu.memref_squeeze %dma_start3A_1690 : memref<1x128x64xf32, #tpu.memory_space<vmem>> -> memref<128x64xf32, #tpu.memory_space<vmem>>
      %dma_start3A_1692 = arith.constant 0 : i32
      %dma_start3A_1693 = arith.constant 0 : i32
      %dma_start3A_1694 = tpu.memref_slice %arg4[%add3A_1686, %dma_start3A_1692, %dma_start3A_1693] : memref<6400x128x64xf32, #tpu.memory_space<hbm>> -> memref<1x128x64xf32, #tpu.memory_space<hbm>>
      %dma_start3A_1695 = tpu.memref_squeeze %dma_start3A_1694 : memref<1x128x64xf32, #tpu.memory_space<hbm>> -> memref<128x64xf32, #tpu.memory_space<hbm>>
      %dma_start3A_1696 = arith.constant 0 : i32
      %dma_start3A_1697 = arith.constant 0 : i32
      %dma_start3A_1698 = tpu.memref_slice %arg4[%add3A_1686, %dma_start3A_1696, %dma_start3A_1697] : memref<6400x128x64xf32, #tpu.memory_space<hbm>> -> memref<1x128x64xf32, #tpu.memory_space<hbm>>
      %dma_start3A_1699 = tpu.memref_squeeze %dma_start3A_1698 : memref<1x128x64xf32, #tpu.memory_space<hbm>> -> memref<128x64xf32, #tpu.memory_space<hbm>>
      %dma_start3A_1700 = arith.constant 0 : i32
      %dma_start3A_1701 = arith.constant 0 : i32
      %dma_start3A_1702 = tpu.memref_slice %arg6[%dma_start3A_1687, %dma_start3A_1700, %dma_start3A_1701] : memref<10x128x64xf32, #tpu.memory_space<vmem>> -> memref<1x128x64xf32, #tpu.memory_space<vmem>>
      %dma_start3A_1703 = tpu.memref_squeeze %dma_start3A_1702 : memref<1x128x64xf32, #tpu.memory_space<vmem>> -> memref<128x64xf32, #tpu.memory_space<vmem>>
      tpu.enqueue_dma source(%dma_start3A_1703 : memref<128x64xf32, #tpu.memory_space<vmem>>) target(%dma_start3A_1699 : memref<128x64xf32, #tpu.memory_space<hbm>>) target_semaphore(%arg26 : memref<!tpu.dma_semaphore, #tpu.memory_space<semaphore_mem>>)
      %sub3A_1704 = arith.constant 4 : i32
      %sub3A_1705 = arith.subi %add3A_1671, %sub3A_1704 : i32
      %ge3A_1706 = arith.constant 0 : i32
      %ge3A_1707 = arith.cmpi sge, %sub3A_1705, %ge3A_1706 : i32
      %sub3A_1708 = arith.constant 4 : i32
      %sub3A_1709 = arith.subi %add3A_1671, %sub3A_1708 : i32
      %add3A_1710 = arith.constant 10 : i32
      %add3A_1711 = arith.addi %sub3A_1709, %add3A_1710 : i32
      %lt3A_1712 = arith.constant 200 : i32
      %lt3A_1713 = arith.cmpi slt, %add3A_1711, %lt3A_1712 : i32
      %and3A_1714 = arith.andi %ge3A_1707, %lt3A_1713 : i1
      %convert_element_type3A_1715 = arith.extui %and3A_1714 : i1 to i32
      %cond3A_1716 = arith.constant 0 : i32
      %cond3A_1717 = arith.cmpi ne, %convert_element_type3A_1715, %cond3A_1716 : i32
      scf.if %cond3A_1717 {
        %dma_wait3A_1718 = arith.constant 5 : i32
        %dma_wait3A_1719 = arith.constant 0 : i32
        %dma_wait3A_1720 = arith.constant 0 : i32
        %dma_wait3A_1721 = arith.constant 0 : i32
        %dma_wait3A_1722 = tpu.memref_slice %arg6[%dma_wait3A_1718, %dma_wait3A_1720, %dma_wait3A_1721] : memref<10x128x64xf32, #tpu.memory_space<vmem>> -> memref<1x128x64xf32, #tpu.memory_space<vmem>>
        %dma_wait3A_1723 = tpu.memref_squeeze %dma_wait3A_1722 : memref<1x128x64xf32, #tpu.memory_space<vmem>> -> memref<128x64xf32, #tpu.memory_space<vmem>>
        %dma_wait3A_1724 = arith.constant 0 : i32
        %dma_wait3A_1725 = arith.constant 0 : i32
        %dma_wait3A_1726 = tpu.memref_slice %arg4[%dma_wait3A_1719, %dma_wait3A_1724, %dma_wait3A_1725] : memref<6400x128x64xf32, #tpu.memory_space<hbm>> -> memref<1x128x64xf32, #tpu.memory_space<hbm>>
        %dma_wait3A_1727 = tpu.memref_squeeze %dma_wait3A_1726 : memref<1x128x64xf32, #tpu.memory_space<hbm>> -> memref<128x64xf32, #tpu.memory_space<hbm>>
        %dma_wait3A_1728 = arith.constant 0 : i32
        %dma_wait3A_1729 = arith.constant 0 : i32
        %dma_wait3A_1730 = tpu.memref_slice %arg4[%dma_wait3A_1719, %dma_wait3A_1728, %dma_wait3A_1729] : memref<6400x128x64xf32, #tpu.memory_space<hbm>> -> memref<1x128x64xf32, #tpu.memory_space<hbm>>
        %dma_wait3A_1731 = tpu.memref_squeeze %dma_wait3A_1730 : memref<1x128x64xf32, #tpu.memory_space<hbm>> -> memref<128x64xf32, #tpu.memory_space<hbm>>
        %dma_wait3A_1732 = arith.constant 0 : i32
        %dma_wait3A_1733 = arith.constant 0 : i32
        %dma_wait3A_1734 = tpu.memref_slice %arg6[%dma_wait3A_1718, %dma_wait3A_1732, %dma_wait3A_1733] : memref<10x128x64xf32, #tpu.memory_space<vmem>> -> memref<1x128x64xf32, #tpu.memory_space<vmem>>
        %dma_wait3A_1735 = tpu.memref_squeeze %dma_wait3A_1734 : memref<1x128x64xf32, #tpu.memory_space<vmem>> -> memref<128x64xf32, #tpu.memory_space<vmem>>
        tpu.wait_dma2 semaphore(%arg22 : memref<!tpu.dma_semaphore, #tpu.memory_space<semaphore_mem>>) src(%dma_wait3A_1735 : memref<128x64xf32, #tpu.memory_space<vmem>>) dst(%dma_wait3A_1731 : memref<128x64xf32, #tpu.memory_space<hbm>>)
        %sub3A_1736 = arith.constant 4 : i32
        %sub3A_1737 = arith.subi %add3A_1671, %sub3A_1736 : i32
        %add3A_1738 = arith.constant 10 : i32
        %add3A_1739 = arith.addi %sub3A_1737, %add3A_1738 : i32
        %get3A_1740 = arith.index_cast %add3A_1739 : i32 to index
        %get3A_1741 = arith.constant 0 : index
        %get3A_1742 = tpu.vector_load %arg5[%get3A_1740, %get3A_1741] {strides = array<i32>} : memref<200x128xi32, #tpu.memory_space<vmem>>, vector<1x16xi32>,
        %get3A_1743 = vector.shape_cast %get3A_1742 : vector<1x16xi32> to vector<16xi32>
        %dma_start3A_1744 = arith.constant 5 : i32
        %dma_start3A_1745 = arith.constant 0 : i32
        %dma_start3A_1746 = arith.constant 0 : i32
        %dma_start3A_1747 = tpu.memref_slice %arg6[%dma_start3A_1744, %dma_start3A_1745, %dma_start3A_1746] : memref<10x128x64xf32, #tpu.memory_space<vmem>> -> memref<1x16x64xf32, #tpu.memory_space<vmem>>
        %dma_start3A_1748 = tpu.memref_squeeze %dma_start3A_1747 : memref<1x16x64xf32, #tpu.memory_space<vmem>> -> memref<16x64xf32, #tpu.memory_space<vmem>>
        %dma_start3A_1749 = arith.constant 0 : i32
        %dma_start3A_1750 = arith.constant 0 : i32
        %dma_start3A_1751 = tpu.memref_slice %arg3[%dma_start3A_1749, %dma_start3A_1750] : memref<1000000x64xf32, #tpu.memory_space<hbm>> -> memref<1000000x64xf32, #tpu.memory_space<hbm>>
        tpu.enqueue_indirect_dma source(%dma_start3A_1751 : memref<1000000x64xf32, #tpu.memory_space<hbm>>) target(%dma_start3A_1748 : memref<16x64xf32, #tpu.memory_space<vmem>>) offsets(%get3A_1743 : vector<16xi32>) semaphore(%arg12 : memref<!tpu.dma_semaphore, #tpu.memory_space<semaphore_mem>>)
        %get3A_1752 = arith.index_cast %add3A_1739 : i32 to index
        %get3A_1753 = arith.constant 16 : index
        %get3A_1754 = tpu.vector_load %arg5[%get3A_1752, %get3A_1753] {strides = array<i32>} : memref<200x128xi32, #tpu.memory_space<vmem>>, vector<1x16xi32>,
        %get3A_1755 = vector.shape_cast %get3A_1754 : vector<1x16xi32> to vector<16xi32>
        %dma_start3A_1756 = arith.constant 5 : i32
        %dma_start3A_1757 = arith.constant 16 : i32
        %dma_start3A_1758 = arith.constant 0 : i32
        %dma_start3A_1759 = tpu.memref_slice %arg6[%dma_start3A_1756, %dma_start3A_1757, %dma_start3A_1758] : memref<10x128x64xf32, #tpu.memory_space<vmem>> -> memref<1x16x64xf32, #tpu.memory_space<vmem>>
        %dma_start3A_1760 = tpu.memref_squeeze %dma_start3A_1759 : memref<1x16x64xf32, #tpu.memory_space<vmem>> -> memref<16x64xf32, #tpu.memory_space<vmem>>
        %dma_start3A_1761 = arith.constant 0 : i32
        %dma_start3A_1762 = arith.constant 0 : i32
        %dma_start3A_1763 = tpu.memref_slice %arg3[%dma_start3A_1761, %dma_start3A_1762] : memref<1000000x64xf32, #tpu.memory_space<hbm>> -> memref<1000000x64xf32, #tpu.memory_space<hbm>>
        tpu.enqueue_indirect_dma source(%dma_start3A_1763 : memref<1000000x64xf32, #tpu.memory_space<hbm>>) target(%dma_start3A_1760 : memref<16x64xf32, #tpu.memory_space<vmem>>) offsets(%get3A_1755 : vector<16xi32>) semaphore(%arg12 : memref<!tpu.dma_semaphore, #tpu.memory_space<semaphore_mem>>)
        %get3A_1764 = arith.index_cast %add3A_1739 : i32 to index
        %get3A_1765 = arith.constant 32 : index
        %get3A_1766 = tpu.vector_load %arg5[%get3A_1764, %get3A_1765] {strides = array<i32>} : memref<200x128xi32, #tpu.memory_space<vmem>>, vector<1x16xi32>,
        %get3A_1767 = vector.shape_cast %get3A_1766 : vector<1x16xi32> to vector<16xi32>
        %dma_start3A_1768 = arith.constant 5 : i32
        %dma_start3A_1769 = arith.constant 32 : i32
        %dma_start3A_1770 = arith.constant 0 : i32
        %dma_start3A_1771 = tpu.memref_slice %arg6[%dma_start3A_1768, %dma_start3A_1769, %dma_start3A_1770] : memref<10x128x64xf32, #tpu.memory_space<vmem>> -> memref<1x16x64xf32, #tpu.memory_space<vmem>>
        %dma_start3A_1772 = tpu.memref_squeeze %dma_start3A_1771 : memref<1x16x64xf32, #tpu.memory_space<vmem>> -> memref<16x64xf32, #tpu.memory_space<vmem>>
        %dma_start3A_1773 = arith.constant 0 : i32
        %dma_start3A_1774 = arith.constant 0 : i32
        %dma_start3A_1775 = tpu.memref_slice %arg3[%dma_start3A_1773, %dma_start3A_1774] : memref<1000000x64xf32, #tpu.memory_space<hbm>> -> memref<1000000x64xf32, #tpu.memory_space<hbm>>
        tpu.enqueue_indirect_dma source(%dma_start3A_1775 : memref<1000000x64xf32, #tpu.memory_space<hbm>>) target(%dma_start3A_1772 : memref<16x64xf32, #tpu.memory_space<vmem>>) offsets(%get3A_1767 : vector<16xi32>) semaphore(%arg12 : memref<!tpu.dma_semaphore, #tpu.memory_space<semaphore_mem>>)
        %get3A_1776 = arith.index_cast %add3A_1739 : i32 to index
        %get3A_1777 = arith.constant 48 : index
        %get3A_1778 = tpu.vector_load %arg5[%get3A_1776, %get3A_1777] {strides = array<i32>} : memref<200x128xi32, #tpu.memory_space<vmem>>, vector<1x16xi32>,
        %get3A_1779 = vector.shape_cast %get3A_1778 : vector<1x16xi32> to vector<16xi32>
        %dma_start3A_1780 = arith.constant 5 : i32
        %dma_start3A_1781 = arith.constant 48 : i32
        %dma_start3A_1782 = arith.constant 0 : i32
        %dma_start3A_1783 = tpu.memref_slice %arg6[%dma_start3A_1780, %dma_start3A_1781, %dma_start3A_1782] : memref<10x128x64xf32, #tpu.memory_space<vmem>> -> memref<1x16x64xf32, #tpu.memory_space<vmem>>
        %dma_start3A_1784 = tpu.memref_squeeze %dma_start3A_1783 : memref<1x16x64xf32, #tpu.memory_space<vmem>> -> memref<16x64xf32, #tpu.memory_space<vmem>>
        %dma_start3A_1785 = arith.constant 0 : i32
        %dma_start3A_1786 = arith.constant 0 : i32
        %dma_start3A_1787 = tpu.memref_slice %arg3[%dma_start3A_1785, %dma_start3A_1786] : memref<1000000x64xf32, #tpu.memory_space<hbm>> -> memref<1000000x64xf32, #tpu.memory_space<hbm>>
        tpu.enqueue_indirect_dma source(%dma_start3A_1787 : memref<1000000x64xf32, #tpu.memory_space<hbm>>) target(%dma_start3A_1784 : memref<16x64xf32, #tpu.memory_space<vmem>>) offsets(%get3A_1779 : vector<16xi32>) semaphore(%arg12 : memref<!tpu.dma_semaphore, #tpu.memory_space<semaphore_mem>>)
        %get3A_1788 = arith.index_cast %add3A_1739 : i32 to index
        %get3A_1789 = arith.constant 64 : index
        %get3A_1790 = tpu.vector_load %arg5[%get3A_1788, %get3A_1789] {strides = array<i32>} : memref<200x128xi32, #tpu.memory_space<vmem>>, vector<1x16xi32>,
        %get3A_1791 = vector.shape_cast %get3A_1790 : vector<1x16xi32> to vector<16xi32>
        %dma_start3A_1792 = arith.constant 5 : i32
        %dma_start3A_1793 = arith.constant 64 : i32
        %dma_start3A_1794 = arith.constant 0 : i32
        %dma_start3A_1795 = tpu.memref_slice %arg6[%dma_start3A_1792, %dma_start3A_1793, %dma_start3A_1794] : memref<10x128x64xf32, #tpu.memory_space<vmem>> -> memref<1x16x64xf32, #tpu.memory_space<vmem>>
        %dma_start3A_1796 = tpu.memref_squeeze %dma_start3A_1795 : memref<1x16x64xf32, #tpu.memory_space<vmem>> -> memref<16x64xf32, #tpu.memory_space<vmem>>
        %dma_start3A_1797 = arith.constant 0 : i32
        %dma_start3A_1798 = arith.constant 0 : i32
        %dma_start3A_1799 = tpu.memref_slice %arg3[%dma_start3A_1797, %dma_start3A_1798] : memref<1000000x64xf32, #tpu.memory_space<hbm>> -> memref<1000000x64xf32, #tpu.memory_space<hbm>>
        tpu.enqueue_indirect_dma source(%dma_start3A_1799 : memref<1000000x64xf32, #tpu.memory_space<hbm>>) target(%dma_start3A_1796 : memref<16x64xf32, #tpu.memory_space<vmem>>) offsets(%get3A_1791 : vector<16xi32>) semaphore(%arg12 : memref<!tpu.dma_semaphore, #tpu.memory_space<semaphore_mem>>)
        %get3A_1800 = arith.index_cast %add3A_1739 : i32 to index
        %get3A_1801 = arith.constant 80 : index
        %get3A_1802 = tpu.vector_load %arg5[%get3A_1800, %get3A_1801] {strides = array<i32>} : memref<200x128xi32, #tpu.memory_space<vmem>>, vector<1x16xi32>,
        %get3A_1803 = vector.shape_cast %get3A_1802 : vector<1x16xi32> to vector<16xi32>
        %dma_start3A_1804 = arith.constant 5 : i32
        %dma_start3A_1805 = arith.constant 80 : i32
        %dma_start3A_1806 = arith.constant 0 : i32
        %dma_start3A_1807 = tpu.memref_slice %arg6[%dma_start3A_1804, %dma_start3A_1805, %dma_start3A_1806] : memref<10x128x64xf32, #tpu.memory_space<vmem>> -> memref<1x16x64xf32, #tpu.memory_space<vmem>>
        %dma_start3A_1808 = tpu.memref_squeeze %dma_start3A_1807 : memref<1x16x64xf32, #tpu.memory_space<vmem>> -> memref<16x64xf32, #tpu.memory_space<vmem>>
        %dma_start3A_1809 = arith.constant 0 : i32
        %dma_start3A_1810 = arith.constant 0 : i32
        %dma_start3A_1811 = tpu.memref_slice %arg3[%dma_start3A_1809, %dma_start3A_1810] : memref<1000000x64xf32, #tpu.memory_space<hbm>> -> memref<1000000x64xf32, #tpu.memory_space<hbm>>
        tpu.enqueue_indirect_dma source(%dma_start3A_1811 : memref<1000000x64xf32, #tpu.memory_space<hbm>>) target(%dma_start3A_1808 : memref<16x64xf32, #tpu.memory_space<vmem>>) offsets(%get3A_1803 : vector<16xi32>) semaphore(%arg12 : memref<!tpu.dma_semaphore, #tpu.memory_space<semaphore_mem>>)
        %get3A_1812 = arith.index_cast %add3A_1739 : i32 to index
        %get3A_1813 = arith.constant 96 : index
        %get3A_1814 = tpu.vector_load %arg5[%get3A_1812, %get3A_1813] {strides = array<i32>} : memref<200x128xi32, #tpu.memory_space<vmem>>, vector<1x16xi32>,
        %get3A_1815 = vector.shape_cast %get3A_1814 : vector<1x16xi32> to vector<16xi32>
        %dma_start3A_1816 = arith.constant 5 : i32
        %dma_start3A_1817 = arith.constant 96 : i32
        %dma_start3A_1818 = arith.constant 0 : i32
        %dma_start3A_1819 = tpu.memref_slice %arg6[%dma_start3A_1816, %dma_start3A_1817, %dma_start3A_1818] : memref<10x128x64xf32, #tpu.memory_space<vmem>> -> memref<1x16x64xf32, #tpu.memory_space<vmem>>
        %dma_start3A_1820 = tpu.memref_squeeze %dma_start3A_1819 : memref<1x16x64xf32, #tpu.memory_space<vmem>> -> memref<16x64xf32, #tpu.memory_space<vmem>>
        %dma_start3A_1821 = arith.constant 0 : i32
        %dma_start3A_1822 = arith.constant 0 : i32
        %dma_start3A_1823 = tpu.memref_slice %arg3[%dma_start3A_1821, %dma_start3A_1822] : memref<1000000x64xf32, #tpu.memory_space<hbm>> -> memref<1000000x64xf32, #tpu.memory_space<hbm>>
        tpu.enqueue_indirect_dma source(%dma_start3A_1823 : memref<1000000x64xf32, #tpu.memory_space<hbm>>) target(%dma_start3A_1820 : memref<16x64xf32, #tpu.memory_space<vmem>>) offsets(%get3A_1815 : vector<16xi32>) semaphore(%arg12 : memref<!tpu.dma_semaphore, #tpu.memory_space<semaphore_mem>>)
        %get3A_1824 = arith.index_cast %add3A_1739 : i32 to index
        %get3A_1825 = arith.constant 112 : index
        %get3A_1826 = tpu.vector_load %arg5[%get3A_1824, %get3A_1825] {strides = array<i32>} : memref<200x128xi32, #tpu.memory_space<vmem>>, vector<1x16xi32>,
        %get3A_1827 = vector.shape_cast %get3A_1826 : vector<1x16xi32> to vector<16xi32>
        %dma_start3A_1828 = arith.constant 5 : i32
        %dma_start3A_1829 = arith.constant 112 : i32
        %dma_start3A_1830 = arith.constant 0 : i32
        %dma_start3A_1831 = tpu.memref_slice %arg6[%dma_start3A_1828, %dma_start3A_1829, %dma_start3A_1830] : memref<10x128x64xf32, #tpu.memory_space<vmem>> -> memref<1x16x64xf32, #tpu.memory_space<vmem>>
        %dma_start3A_1832 = tpu.memref_squeeze %dma_start3A_1831 : memref<1x16x64xf32, #tpu.memory_space<vmem>> -> memref<16x64xf32, #tpu.memory_space<vmem>>
        %dma_start3A_1833 = arith.constant 0 : i32
        %dma_start3A_1834 = arith.constant 0 : i32
        %dma_start3A_1835 = tpu.memref_slice %arg3[%dma_start3A_1833, %dma_start3A_1834] : memref<1000000x64xf32, #tpu.memory_space<hbm>> -> memref<1000000x64xf32, #tpu.memory_space<hbm>>
        tpu.enqueue_indirect_dma source(%dma_start3A_1835 : memref<1000000x64xf32, #tpu.memory_space<hbm>>) target(%dma_start3A_1832 : memref<16x64xf32, #tpu.memory_space<vmem>>) offsets(%get3A_1827 : vector<16xi32>) semaphore(%arg12 : memref<!tpu.dma_semaphore, #tpu.memory_space<semaphore_mem>>)
      } else {
      }
    }
    %scan3A_1043 = arith.constant 20 : i32
    %dma_wait3A = arith.constant 0 : i32
    %dma_wait3A_1044 = arith.constant 0 : i32
    %dma_wait3A_1045 = arith.constant 0 : i32
    %dma_wait3A_1046 = arith.constant 0 : i32
    %dma_wait3A_1047 = tpu.memref_slice %arg6[%dma_wait3A, %dma_wait3A_1045, %dma_wait3A_1046] : memref<10x128x64xf32, #tpu.memory_space<vmem>> -> memref<1x128x64xf32, #tpu.memory_space<vmem>>
    %dma_wait3A_1048 = tpu.memref_squeeze %dma_wait3A_1047 : memref<1x128x64xf32, #tpu.memory_space<vmem>> -> memref<128x64xf32, #tpu.memory_space<vmem>>
    %dma_wait3A_1049 = arith.constant 0 : i32
    %dma_wait3A_1050 = arith.constant 0 : i32
    %dma_wait3A_1051 = tpu.memref_slice %arg4[%dma_wait3A_1044, %dma_wait3A_1049, %dma_wait3A_1050] : memref<6400x128x64xf32, #tpu.memory_space<hbm>> -> memref<1x128x64xf32, #tpu.memory_space<hbm>>
    %dma_wait3A_1052 = tpu.memref_squeeze %dma_wait3A_1051 : memref<1x128x64xf32, #tpu.memory_space<hbm>> -> memref<128x64xf32, #tpu.memory_space<hbm>>
    %dma_wait3A_1053 = arith.constant 0 : i32
    %dma_wait3A_1054 = arith.constant 0 : i32
    %dma_wait3A_1055 = tpu.memref_slice %arg4[%dma_wait3A_1044, %dma_wait3A_1053, %dma_wait3A_1054] : memref<6400x128x64xf32, #tpu.memory_space<hbm>> -> memref<1x128x64xf32, #tpu.memory_space<hbm>>
    %dma_wait3A_1056 = tpu.memref_squeeze %dma_wait3A_1055 : memref<1x128x64xf32, #tpu.memory_space<hbm>> -> memref<128x64xf32, #tpu.memory_space<hbm>>
    %dma_wait3A_1057 = arith.constant 0 : i32
    %dma_wait3A_1058 = arith.constant 0 : i32
    %dma_wait3A_1059 = tpu.memref_slice %arg6[%dma_wait3A, %dma_wait3A_1057, %dma_wait3A_1058] : memref<10x128x64xf32, #tpu.memory_space<vmem>> -> memref<1x128x64xf32, #tpu.memory_space<vmem>>
    %dma_wait3A_1060 = tpu.memref_squeeze %dma_wait3A_1059 : memref<1x128x64xf32, #tpu.memory_space<vmem>> -> memref<128x64xf32, #tpu.memory_space<vmem>>
    tpu.wait_dma2 semaphore(%arg17 : memref<!tpu.dma_semaphore, #tpu.memory_space<semaphore_mem>>) src(%dma_wait3A_1060 : memref<128x64xf32, #tpu.memory_space<vmem>>) dst(%dma_wait3A_1056 : memref<128x64xf32, #tpu.memory_space<hbm>>)
    %dma_wait3A_1061 = arith.constant 1 : i32
    %dma_wait3A_1062 = arith.constant 0 : i32
    %dma_wait3A_1063 = arith.constant 0 : i32
    %dma_wait3A_1064 = arith.constant 0 : i32
    %dma_wait3A_1065 = tpu.memref_slice %arg6[%dma_wait3A_1061, %dma_wait3A_1063, %dma_wait3A_1064] : memref<10x128x64xf32, #tpu.memory_space<vmem>> -> memref<1x128x64xf32, #tpu.memory_space<vmem>>
    %dma_wait3A_1066 = tpu.memref_squeeze %dma_wait3A_1065 : memref<1x128x64xf32, #tpu.memory_space<vmem>> -> memref<128x64xf32, #tpu.memory_space<vmem>>
    %dma_wait3A_1067 = arith.constant 0 : i32
    %dma_wait3A_1068 = arith.constant 0 : i32
    %dma_wait3A_1069 = tpu.memref_slice %arg4[%dma_wait3A_1062, %dma_wait3A_1067, %dma_wait3A_1068] : memref<6400x128x64xf32, #tpu.memory_space<hbm>> -> memref<1x128x64xf32, #tpu.memory_space<hbm>>
    %dma_wait3A_1070 = tpu.memref_squeeze %dma_wait3A_1069 : memref<1x128x64xf32, #tpu.memory_space<hbm>> -> memref<128x64xf32, #tpu.memory_space<hbm>>
    %dma_wait3A_1071 = arith.constant 0 : i32
    %dma_wait3A_1072 = arith.constant 0 : i32
    %dma_wait3A_1073 = tpu.memref_slice %arg4[%dma_wait3A_1062, %dma_wait3A_1071, %dma_wait3A_1072] : memref<6400x128x64xf32, #tpu.memory_space<hbm>> -> memref<1x128x64xf32, #tpu.memory_space<hbm>>
    %dma_wait3A_1074 = tpu.memref_squeeze %dma_wait3A_1073 : memref<1x128x64xf32, #tpu.memory_space<hbm>> -> memref<128x64xf32, #tpu.memory_space<hbm>>
    %dma_wait3A_1075 = arith.constant 0 : i32
    %dma_wait3A_1076 = arith.constant 0 : i32
    %dma_wait3A_1077 = tpu.memref_slice %arg6[%dma_wait3A_1061, %dma_wait3A_1075, %dma_wait3A_1076] : memref<10x128x64xf32, #tpu.memory_space<vmem>> -> memref<1x128x64xf32, #tpu.memory_space<vmem>>
    %dma_wait3A_1078 = tpu.memref_squeeze %dma_wait3A_1077 : memref<1x128x64xf32, #tpu.memory_space<vmem>> -> memref<128x64xf32, #tpu.memory_space<vmem>>
    tpu.wait_dma2 semaphore(%arg18 : memref<!tpu.dma_semaphore, #tpu.memory_space<semaphore_mem>>) src(%dma_wait3A_1078 : memref<128x64xf32, #tpu.memory_space<vmem>>) dst(%dma_wait3A_1074 : memref<128x64xf32, #tpu.memory_space<hbm>>)
    %dma_wait3A_1079 = arith.constant 2 : i32
    %dma_wait3A_1080 = arith.constant 0 : i32
    %dma_wait3A_1081 = arith.constant 0 : i32
    %dma_wait3A_1082 = arith.constant 0 : i32
    %dma_wait3A_1083 = tpu.memref_slice %arg6[%dma_wait3A_1079, %dma_wait3A_1081, %dma_wait3A_1082] : memref<10x128x64xf32, #tpu.memory_space<vmem>> -> memref<1x128x64xf32, #tpu.memory_space<vmem>>
    %dma_wait3A_1084 = tpu.memref_squeeze %dma_wait3A_1083 : memref<1x128x64xf32, #tpu.memory_space<vmem>> -> memref<128x64xf32, #tpu.memory_space<vmem>>
    %dma_wait3A_1085 = arith.constant 0 : i32
    %dma_wait3A_1086 = arith.constant 0 : i32
    %dma_wait3A_1087 = tpu.memref_slice %arg4[%dma_wait3A_1080, %dma_wait3A_1085, %dma_wait3A_1086] : memref<6400x128x64xf32, #tpu.memory_space<hbm>> -> memref<1x128x64xf32, #tpu.memory_space<hbm>>
    %dma_wait3A_1088 = tpu.memref_squeeze %dma_wait3A_1087 : memref<1x128x64xf32, #tpu.memory_space<hbm>> -> memref<128x64xf32, #tpu.memory_space<hbm>>
    %dma_wait3A_1089 = arith.constant 0 : i32
    %dma_wait3A_1090 = arith.constant 0 : i32
    %dma_wait3A_1091 = tpu.memref_slice %arg4[%dma_wait3A_1080, %dma_wait3A_1089, %dma_wait3A_1090] : memref<6400x128x64xf32, #tpu.memory_space<hbm>> -> memref<1x128x64xf32, #tpu.memory_space<hbm>>
    %dma_wait3A_1092 = tpu.memref_squeeze %dma_wait3A_1091 : memref<1x128x64xf32, #tpu.memory_space<hbm>> -> memref<128x64xf32, #tpu.memory_space<hbm>>
    %dma_wait3A_1093 = arith.constant 0 : i32
    %dma_wait3A_1094 = arith.constant 0 : i32
    %dma_wait3A_1095 = tpu.memref_slice %arg6[%dma_wait3A_1079, %dma_wait3A_1093, %dma_wait3A_1094] : memref<10x128x64xf32, #tpu.memory_space<vmem>> -> memref<1x128x64xf32, #tpu.memory_space<vmem>>
    %dma_wait3A_1096 = tpu.memref_squeeze %dma_wait3A_1095 : memref<1x128x64xf32, #tpu.memory_space<vmem>> -> memref<128x64xf32, #tpu.memory_space<vmem>>
    tpu.wait_dma2 semaphore(%arg19 : memref<!tpu.dma_semaphore, #tpu.memory_space<semaphore_mem>>) src(%dma_wait3A_1096 : memref<128x64xf32, #tpu.memory_space<vmem>>) dst(%dma_wait3A_1092 : memref<128x64xf32, #tpu.memory_space<hbm>>)
    %dma_wait3A_1097 = arith.constant 3 : i32
    %dma_wait3A_1098 = arith.constant 0 : i32
    %dma_wait3A_1099 = arith.constant 0 : i32
    %dma_wait3A_1100 = arith.constant 0 : i32
    %dma_wait3A_1101 = tpu.memref_slice %arg6[%dma_wait3A_1097, %dma_wait3A_1099, %dma_wait3A_1100] : memref<10x128x64xf32, #tpu.memory_space<vmem>> -> memref<1x128x64xf32, #tpu.memory_space<vmem>>
    %dma_wait3A_1102 = tpu.memref_squeeze %dma_wait3A_1101 : memref<1x128x64xf32, #tpu.memory_space<vmem>> -> memref<128x64xf32, #tpu.memory_space<vmem>>
    %dma_wait3A_1103 = arith.constant 0 : i32
    %dma_wait3A_1104 = arith.constant 0 : i32
    %dma_wait3A_1105 = tpu.memref_slice %arg4[%dma_wait3A_1098, %dma_wait3A_1103, %dma_wait3A_1104] : memref<6400x128x64xf32, #tpu.memory_space<hbm>> -> memref<1x128x64xf32, #tpu.memory_space<hbm>>
    %dma_wait3A_1106 = tpu.memref_squeeze %dma_wait3A_1105 : memref<1x128x64xf32, #tpu.memory_space<hbm>> -> memref<128x64xf32, #tpu.memory_space<hbm>>
    %dma_wait3A_1107 = arith.constant 0 : i32
    %dma_wait3A_1108 = arith.constant 0 : i32
    %dma_wait3A_1109 = tpu.memref_slice %arg4[%dma_wait3A_1098, %dma_wait3A_1107, %dma_wait3A_1108] : memref<6400x128x64xf32, #tpu.memory_space<hbm>> -> memref<1x128x64xf32, #tpu.memory_space<hbm>>
    %dma_wait3A_1110 = tpu.memref_squeeze %dma_wait3A_1109 : memref<1x128x64xf32, #tpu.memory_space<hbm>> -> memref<128x64xf32, #tpu.memory_space<hbm>>
    %dma_wait3A_1111 = arith.constant 0 : i32
    %dma_wait3A_1112 = arith.constant 0 : i32
    %dma_wait3A_1113 = tpu.memref_slice %arg6[%dma_wait3A_1097, %dma_wait3A_1111, %dma_wait3A_1112] : memref<10x128x64xf32, #tpu.memory_space<vmem>> -> memref<1x128x64xf32, #tpu.memory_space<vmem>>
    %dma_wait3A_1114 = tpu.memref_squeeze %dma_wait3A_1113 : memref<1x128x64xf32, #tpu.memory_space<vmem>> -> memref<128x64xf32, #tpu.memory_space<vmem>>
    tpu.wait_dma2 semaphore(%arg20 : memref<!tpu.dma_semaphore, #tpu.memory_space<semaphore_mem>>) src(%dma_wait3A_1114 : memref<128x64xf32, #tpu.memory_space<vmem>>) dst(%dma_wait3A_1110 : memref<128x64xf32, #tpu.memory_space<hbm>>)
    %dma_wait3A_1115 = arith.constant 4 : i32
    %dma_wait3A_1116 = arith.constant 0 : i32
    %dma_wait3A_1117 = arith.constant 0 : i32
    %dma_wait3A_1118 = arith.constant 0 : i32
    %dma_wait3A_1119 = tpu.memref_slice %arg6[%dma_wait3A_1115, %dma_wait3A_1117, %dma_wait3A_1118] : memref<10x128x64xf32, #tpu.memory_space<vmem>> -> memref<1x128x64xf32, #tpu.memory_space<vmem>>
    %dma_wait3A_1120 = tpu.memref_squeeze %dma_wait3A_1119 : memref<1x128x64xf32, #tpu.memory_space<vmem>> -> memref<128x64xf32, #tpu.memory_space<vmem>>
    %dma_wait3A_1121 = arith.constant 0 : i32
    %dma_wait3A_1122 = arith.constant 0 : i32
    %dma_wait3A_1123 = tpu.memref_slice %arg4[%dma_wait3A_1116, %dma_wait3A_1121, %dma_wait3A_1122] : memref<6400x128x64xf32, #tpu.memory_space<hbm>> -> memref<1x128x64xf32, #tpu.memory_space<hbm>>
    %dma_wait3A_1124 = tpu.memref_squeeze %dma_wait3A_1123 : memref<1x128x64xf32, #tpu.memory_space<hbm>> -> memref<128x64xf32, #tpu.memory_space<hbm>>
    %dma_wait3A_1125 = arith.constant 0 : i32
    %dma_wait3A_1126 = arith.constant 0 : i32
    %dma_wait3A_1127 = tpu.memref_slice %arg4[%dma_wait3A_1116, %dma_wait3A_1125, %dma_wait3A_1126] : memref<6400x128x64xf32, #tpu.memory_space<hbm>> -> memref<1x128x64xf32, #tpu.memory_space<hbm>>
    %dma_wait3A_1128 = tpu.memref_squeeze %dma_wait3A_1127 : memref<1x128x64xf32, #tpu.memory_space<hbm>> -> memref<128x64xf32, #tpu.memory_space<hbm>>
    %dma_wait3A_1129 = arith.constant 0 : i32
    %dma_wait3A_1130 = arith.constant 0 : i32
    %dma_wait3A_1131 = tpu.memref_slice %arg6[%dma_wait3A_1115, %dma_wait3A_1129, %dma_wait3A_1130] : memref<10x128x64xf32, #tpu.memory_space<vmem>> -> memref<1x128x64xf32, #tpu.memory_space<vmem>>
    %dma_wait3A_1132 = tpu.memref_squeeze %dma_wait3A_1131 : memref<1x128x64xf32, #tpu.memory_space<vmem>> -> memref<128x64xf32, #tpu.memory_space<vmem>>
    tpu.wait_dma2 semaphore(%arg21 : memref<!tpu.dma_semaphore, #tpu.memory_space<semaphore_mem>>) src(%dma_wait3A_1132 : memref<128x64xf32, #tpu.memory_space<vmem>>) dst(%dma_wait3A_1128 : memref<128x64xf32, #tpu.memory_space<hbm>>)
    %dma_wait3A_1133 = arith.constant 5 : i32
    %dma_wait3A_1134 = arith.constant 0 : i32
    %dma_wait3A_1135 = arith.constant 0 : i32
    %dma_wait3A_1136 = arith.constant 0 : i32
    %dma_wait3A_1137 = tpu.memref_slice %arg6[%dma_wait3A_1133, %dma_wait3A_1135, %dma_wait3A_1136] : memref<10x128x64xf32, #tpu.memory_space<vmem>> -> memref<1x128x64xf32, #tpu.memory_space<vmem>>
    %dma_wait3A_1138 = tpu.memref_squeeze %dma_wait3A_1137 : memref<1x128x64xf32, #tpu.memory_space<vmem>> -> memref<128x64xf32, #tpu.memory_space<vmem>>
    %dma_wait3A_1139 = arith.constant 0 : i32
    %dma_wait3A_1140 = arith.constant 0 : i32
    %dma_wait3A_1141 = tpu.memref_slice %arg4[%dma_wait3A_1134, %dma_wait3A_1139, %dma_wait3A_1140] : memref<6400x128x64xf32, #tpu.memory_space<hbm>> -> memref<1x128x64xf32, #tpu.memory_space<hbm>>
    %dma_wait3A_1142 = tpu.memref_squeeze %dma_wait3A_1141 : memref<1x128x64xf32, #tpu.memory_space<hbm>> -> memref<128x64xf32, #tpu.memory_space<hbm>>
    %dma_wait3A_1143 = arith.constant 0 : i32
    %dma_wait3A_1144 = arith.constant 0 : i32
    %dma_wait3A_1145 = tpu.memref_slice %arg4[%dma_wait3A_1134, %dma_wait3A_1143, %dma_wait3A_1144] : memref<6400x128x64xf32, #tpu.memory_space<hbm>> -> memref<1x128x64xf32, #tpu.memory_space<hbm>>
    %dma_wait3A_1146 = tpu.memref_squeeze %dma_wait3A_1145 : memref<1x128x64xf32, #tpu.memory_space<hbm>> -> memref<128x64xf32, #tpu.memory_space<hbm>>
    %dma_wait3A_1147 = arith.constant 0 : i32
    %dma_wait3A_1148 = arith.constant 0 : i32
    %dma_wait3A_1149 = tpu.memref_slice %arg6[%dma_wait3A_1133, %dma_wait3A_1147, %dma_wait3A_1148] : memref<10x128x64xf32, #tpu.memory_space<vmem>> -> memref<1x128x64xf32, #tpu.memory_space<vmem>>
    %dma_wait3A_1150 = tpu.memref_squeeze %dma_wait3A_1149 : memref<1x128x64xf32, #tpu.memory_space<vmem>> -> memref<128x64xf32, #tpu.memory_space<vmem>>
    tpu.wait_dma2 semaphore(%arg22 : memref<!tpu.dma_semaphore, #tpu.memory_space<semaphore_mem>>) src(%dma_wait3A_1150 : memref<128x64xf32, #tpu.memory_space<vmem>>) dst(%dma_wait3A_1146 : memref<128x64xf32, #tpu.memory_space<hbm>>)
    %dma_wait3A_1151 = arith.constant 6 : i32
    %dma_wait3A_1152 = arith.constant 0 : i32
    %dma_wait3A_1153 = arith.constant 0 : i32
    %dma_wait3A_1154 = arith.constant 0 : i32
    %dma_wait3A_1155 = tpu.memref_slice %arg6[%dma_wait3A_1151, %dma_wait3A_1153, %dma_wait3A_1154] : memref<10x128x64xf32, #tpu.memory_space<vmem>> -> memref<1x128x64xf32, #tpu.memory_space<vmem>>
    %dma_wait3A_1156 = tpu.memref_squeeze %dma_wait3A_1155 : memref<1x128x64xf32, #tpu.memory_space<vmem>> -> memref<128x64xf32, #tpu.memory_space<vmem>>
    %dma_wait3A_1157 = arith.constant 0 : i32
    %dma_wait3A_1158 = arith.constant 0 : i32
    %dma_wait3A_1159 = tpu.memref_slice %arg4[%dma_wait3A_1152, %dma_wait3A_1157, %dma_wait3A_1158] : memref<6400x128x64xf32, #tpu.memory_space<hbm>> -> memref<1x128x64xf32, #tpu.memory_space<hbm>>
    %dma_wait3A_1160 = tpu.memref_squeeze %dma_wait3A_1159 : memref<1x128x64xf32, #tpu.memory_space<hbm>> -> memref<128x64xf32, #tpu.memory_space<hbm>>
    %dma_wait3A_1161 = arith.constant 0 : i32
    %dma_wait3A_1162 = arith.constant 0 : i32
    %dma_wait3A_1163 = tpu.memref_slice %arg4[%dma_wait3A_1152, %dma_wait3A_1161, %dma_wait3A_1162] : memref<6400x128x64xf32, #tpu.memory_space<hbm>> -> memref<1x128x64xf32, #tpu.memory_space<hbm>>
    %dma_wait3A_1164 = tpu.memref_squeeze %dma_wait3A_1163 : memref<1x128x64xf32, #tpu.memory_space<hbm>> -> memref<128x64xf32, #tpu.memory_space<hbm>>
    %dma_wait3A_1165 = arith.constant 0 : i32
    %dma_wait3A_1166 = arith.constant 0 : i32
    %dma_wait3A_1167 = tpu.memref_slice %arg6[%dma_wait3A_1151, %dma_wait3A_1165, %dma_wait3A_1166] : memref<10x128x64xf32, #tpu.memory_space<vmem>> -> memref<1x128x64xf32, #tpu.memory_space<vmem>>
    %dma_wait3A_1168 = tpu.memref_squeeze %dma_wait3A_1167 : memref<1x128x64xf32, #tpu.memory_space<vmem>> -> memref<128x64xf32, #tpu.memory_space<vmem>>
    tpu.wait_dma2 semaphore(%arg23 : memref<!tpu.dma_semaphore, #tpu.memory_space<semaphore_mem>>) src(%dma_wait3A_1168 : memref<128x64xf32, #tpu.memory_space<vmem>>) dst(%dma_wait3A_1164 : memref<128x64xf32, #tpu.memory_space<hbm>>)
    %dma_wait3A_1169 = arith.constant 7 : i32
    %dma_wait3A_1170 = arith.constant 0 : i32
    %dma_wait3A_1171 = arith.constant 0 : i32
    %dma_wait3A_1172 = arith.constant 0 : i32
    %dma_wait3A_1173 = tpu.memref_slice %arg6[%dma_wait3A_1169, %dma_wait3A_1171, %dma_wait3A_1172] : memref<10x128x64xf32, #tpu.memory_space<vmem>> -> memref<1x128x64xf32, #tpu.memory_space<vmem>>
    %dma_wait3A_1174 = tpu.memref_squeeze %dma_wait3A_1173 : memref<1x128x64xf32, #tpu.memory_space<vmem>> -> memref<128x64xf32, #tpu.memory_space<vmem>>
    %dma_wait3A_1175 = arith.constant 0 : i32
    %dma_wait3A_1176 = arith.constant 0 : i32
    %dma_wait3A_1177 = tpu.memref_slice %arg4[%dma_wait3A_1170, %dma_wait3A_1175, %dma_wait3A_1176] : memref<6400x128x64xf32, #tpu.memory_space<hbm>> -> memref<1x128x64xf32, #tpu.memory_space<hbm>>
    %dma_wait3A_1178 = tpu.memref_squeeze %dma_wait3A_1177 : memref<1x128x64xf32, #tpu.memory_space<hbm>> -> memref<128x64xf32, #tpu.memory_space<hbm>>
    %dma_wait3A_1179 = arith.constant 0 : i32
    %dma_wait3A_1180 = arith.constant 0 : i32
    %dma_wait3A_1181 = tpu.memref_slice %arg4[%dma_wait3A_1170, %dma_wait3A_1179, %dma_wait3A_1180] : memref<6400x128x64xf32, #tpu.memory_space<hbm>> -> memref<1x128x64xf32, #tpu.memory_space<hbm>>
    %dma_wait3A_1182 = tpu.memref_squeeze %dma_wait3A_1181 : memref<1x128x64xf32, #tpu.memory_space<hbm>> -> memref<128x64xf32, #tpu.memory_space<hbm>>
    %dma_wait3A_1183 = arith.constant 0 : i32
    %dma_wait3A_1184 = arith.constant 0 : i32
    %dma_wait3A_1185 = tpu.memref_slice %arg6[%dma_wait3A_1169, %dma_wait3A_1183, %dma_wait3A_1184] : memref<10x128x64xf32, #tpu.memory_space<vmem>> -> memref<1x128x64xf32, #tpu.memory_space<vmem>>
    %dma_wait3A_1186 = tpu.memref_squeeze %dma_wait3A_1185 : memref<1x128x64xf32, #tpu.memory_space<vmem>> -> memref<128x64xf32, #tpu.memory_space<vmem>>
    tpu.wait_dma2 semaphore(%arg24 : memref<!tpu.dma_semaphore, #tpu.memory_space<semaphore_mem>>) src(%dma_wait3A_1186 : memref<128x64xf32, #tpu.memory_space<vmem>>) dst(%dma_wait3A_1182 : memref<128x64xf32, #tpu.memory_space<hbm>>)
    %dma_wait3A_1187 = arith.constant 8 : i32
    %dma_wait3A_1188 = arith.constant 0 : i32
    %dma_wait3A_1189 = arith.constant 0 : i32
    %dma_wait3A_1190 = arith.constant 0 : i32
    %dma_wait3A_1191 = tpu.memref_slice %arg6[%dma_wait3A_1187, %dma_wait3A_1189, %dma_wait3A_1190] : memref<10x128x64xf32, #tpu.memory_space<vmem>> -> memref<1x128x64xf32, #tpu.memory_space<vmem>>
    %dma_wait3A_1192 = tpu.memref_squeeze %dma_wait3A_1191 : memref<1x128x64xf32, #tpu.memory_space<vmem>> -> memref<128x64xf32, #tpu.memory_space<vmem>>
    %dma_wait3A_1193 = arith.constant 0 : i32
    %dma_wait3A_1194 = arith.constant 0 : i32
    %dma_wait3A_1195 = tpu.memref_slice %arg4[%dma_wait3A_1188, %dma_wait3A_1193, %dma_wait3A_1194] : memref<6400x128x64xf32, #tpu.memory_space<hbm>> -> memref<1x128x64xf32, #tpu.memory_space<hbm>>
    %dma_wait3A_1196 = tpu.memref_squeeze %dma_wait3A_1195 : memref<1x128x64xf32, #tpu.memory_space<hbm>> -> memref<128x64xf32, #tpu.memory_space<hbm>>
    %dma_wait3A_1197 = arith.constant 0 : i32
    %dma_wait3A_1198 = arith.constant 0 : i32
    %dma_wait3A_1199 = tpu.memref_slice %arg4[%dma_wait3A_1188, %dma_wait3A_1197, %dma_wait3A_1198] : memref<6400x128x64xf32, #tpu.memory_space<hbm>> -> memref<1x128x64xf32, #tpu.memory_space<hbm>>
    %dma_wait3A_1200 = tpu.memref_squeeze %dma_wait3A_1199 : memref<1x128x64xf32, #tpu.memory_space<hbm>> -> memref<128x64xf32, #tpu.memory_space<hbm>>
    %dma_wait3A_1201 = arith.constant 0 : i32
    %dma_wait3A_1202 = arith.constant 0 : i32
    %dma_wait3A_1203 = tpu.memref_slice %arg6[%dma_wait3A_1187, %dma_wait3A_1201, %dma_wait3A_1202] : memref<10x128x64xf32, #tpu.memory_space<vmem>> -> memref<1x128x64xf32, #tpu.memory_space<vmem>>
    %dma_wait3A_1204 = tpu.memref_squeeze %dma_wait3A_1203 : memref<1x128x64xf32, #tpu.memory_space<vmem>> -> memref<128x64xf32, #tpu.memory_space<vmem>>
    tpu.wait_dma2 semaphore(%arg25 : memref<!tpu.dma_semaphore, #tpu.memory_space<semaphore_mem>>) src(%dma_wait3A_1204 : memref<128x64xf32, #tpu.memory_space<vmem>>) dst(%dma_wait3A_1200 : memref<128x64xf32, #tpu.memory_space<hbm>>)
    %dma_wait3A_1205 = arith.constant 9 : i32
    %dma_wait3A_1206 = arith.constant 0 : i32
    %dma_wait3A_1207 = arith.constant 0 : i32
    %dma_wait3A_1208 = arith.constant 0 : i32
    %dma_wait3A_1209 = tpu.memref_slice %arg6[%dma_wait3A_1205, %dma_wait3A_1207, %dma_wait3A_1208] : memref<10x128x64xf32, #tpu.memory_space<vmem>> -> memref<1x128x64xf32, #tpu.memory_space<vmem>>
    %dma_wait3A_1210 = tpu.memref_squeeze %dma_wait3A_1209 : memref<1x128x64xf32, #tpu.memory_space<vmem>> -> memref<128x64xf32, #tpu.memory_space<vmem>>
    %dma_wait3A_1211 = arith.constant 0 : i32
    %dma_wait3A_1212 = arith.constant 0 : i32
    %dma_wait3A_1213 = tpu.memref_slice %arg4[%dma_wait3A_1206, %dma_wait3A_1211, %dma_wait3A_1212] : memref<6400x128x64xf32, #tpu.memory_space<hbm>> -> memref<1x128x64xf32, #tpu.memory_space<hbm>>
    %dma_wait3A_1214 = tpu.memref_squeeze %dma_wait3A_1213 : memref<1x128x64xf32, #tpu.memory_space<hbm>> -> memref<128x64xf32, #tpu.memory_space<hbm>>
    %dma_wait3A_1215 = arith.constant 0 : i32
    %dma_wait3A_1216 = arith.constant 0 : i32
    %dma_wait3A_1217 = tpu.memref_slice %arg4[%dma_wait3A_1206, %dma_wait3A_1215, %dma_wait3A_1216] : memref<6400x128x64xf32, #tpu.memory_space<hbm>> -> memref<1x128x64xf32, #tpu.memory_space<hbm>>
    %dma_wait3A_1218 = tpu.memref_squeeze %dma_wait3A_1217 : memref<1x128x64xf32, #tpu.memory_space<hbm>> -> memref<128x64xf32, #tpu.memory_space<hbm>>
    %dma_wait3A_1219 = arith.constant 0 : i32
    %dma_wait3A_1220 = arith.constant 0 : i32
    %dma_wait3A_1221 = tpu.memref_slice %arg6[%dma_wait3A_1205, %dma_wait3A_1219, %dma_wait3A_1220] : memref<10x128x64xf32, #tpu.memory_space<vmem>> -> memref<1x128x64xf32, #tpu.memory_space<vmem>>
    %dma_wait3A_1222 = tpu.memref_squeeze %dma_wait3A_1221 : memref<1x128x64xf32, #tpu.memory_space<vmem>> -> memref<128x64xf32, #tpu.memory_space<vmem>>
    tpu.wait_dma2 semaphore(%arg26 : memref<!tpu.dma_semaphore, #tpu.memory_space<semaphore_mem>>) src(%dma_wait3A_1222 : memref<128x64xf32, #tpu.memory_space<vmem>>) dst(%dma_wait3A_1218 : memref<128x64xf32, #tpu.memory_space<hbm>>)
    return
  }
}

</mosaic_0001>

<sc_bundles>
// kernel: kernel.3.cloned.1.call-start
scs
__scs_entry_jumppad:
0x0: {  	(pc) =	sbr.rel $0x88, $3  }
0x1: {  	(tag) =	ssettag $0x0;
	lr =	simm.s32 $0x1  }
0x2: {  	[smem:$0x3F9F] =	sst lr;
	_ =	strace $0xD0000000  }
0x3: {  	_ = 	snop  }
0x4: {  	_ = 	snop  }
0x5: {  	_ = 	snop  }
0x6: {  	_ = 	snop  }
0x7: {  	_ = 	snop  }
__scs_overlays_trampoline_lowered:
0x8: {  	[smem:$0x3FAE] =	sst s0  }
0x9: {  	[smem:$0x3FAF] =	sst s1  }
0xa: {  	[smem:$0x3FB0] =	sst s2  }
0xb: {  	[smem:$0x3FB1] =	sst s3  }
0xc: {  	[smem:$0x3FB2] =	sst s4  }
0xd: {  	[smem:$0x3FB3] =	sst s5  }
0xe: {  	[smem:$0x3FB4] =	sst s6  }
0xf: {  	[smem:$0x3FB5] =	sst s7  }
0x10: {  	[smem:$0x3FB6] =	sst s8  }
0x11: {  	[smem:$0x3FB7] =	sst s9;
	s0 =	simm.s32 @!p0 $0x0  }
0x12: {  	s1 =	sld [smem:$0x3F9D];
	s0 =	simm.s32 @p0 $0x1  }
0x13: {  	[smem:$0x3FB8] =	sst s0;
	s0 =	simm.s32 @!p1 $0x0  }
0x14: {  	s2 =	sld [smem:$0x3F9C];
	s0 =	simm.s32 @p1 $0x1  }
0x15: {  	[smem:$0x3FB9] =	sst s0;
	s0 =	simm.s32 @!p2 $0x0  }
0x16: {  	s3 =	sld [smem:$0x3FDB];
	s0 =	simm.s32 @p2 $0x1  }
0x17: {  	s4 =	simm.s32 $0x1BF5;
	[smem:$0x3FBB] =	sst s0  }
0x18: {  	s0 =	sld [smem:$0x3F9E];
	_ =	swait.ge [sflag:s4], $0x0  }
0x19: {  	s7 =	sld [smem:$0x3F9F]  }
0x1a: {  	s8 =	sadd.s32 $0xFFFFE003, lr  }
0x1b: {  	s9 =	sadd.s32 $0xFFFFFEF7, lr;
	s5 =	simm.s32 $0xFFFFFFFF;
	p2 =	slt.u32 s8, $0xFFFFF086  }
0x1c: {  	p1 =	slt.u32 s9, $0xF7A;
	s5 =	simm.s32 @!p2 $0x0  }
0x1d: {  	s5 =	simm.s32 @p1 $0x1;
	p0 =	seq.s32 s7, s2  }
0x1e: {  	s7 =	smul.u32 @!p0 $0xF7A, s2;
	p2 =	seq.s32 @!p0 s5, $0x0  }
0x1f: {  	s9 =	smul.u32 $0xF7A, s1;
	s8 =	simm.s32 @!p0 $0x1BF5;
	p2 =	por !p2, p0  }
0x20: {  	[sflag:s8] =	ssyncset.s32 @!p0 $0xFFFFF086;
	s6 =	sadd.s32 @!p0 s3, s7;
	s7 =	simm.s32 @!p0 $0x108  }
0x21: {  	s3 =	sadd.s32 s3, s9;
	s6 =	sadd.s32 @!p0 $0x88, s6;
	s7 =	simm.s32 @p2 $0x1082  }
0x22: {  	[simem:s7], [sflag:s8] =	dma.local @!p0 [hbm:s6], $0xF7A  }
0x23: {  	s9 =	sor.u32 $0xD0000000, s2;
	s6 =	simm.s32 $0x108;
	_ =	swait.ge @!p0 [sflag:s8], $0x0  }
0x24: {  	s3 =	sadd.s32 $0x88, s3;
	s6 =	simm.s32 @!p1 $0x1082;
	[sflag:s4] =	ssyncset.s32 $0xFFFFF086  }
0x25: {  	[simem:s6], [sflag:s4] =	dma.local [hbm:s3], $0xF7A  }
0x26: {  	[smem:$0x3F9F] =	sst s1;
	(tag) =	ssettag s2;
	_ =	strace s9  }
0x27: {  	s1 =	sld [smem:$0x3FAF]  }
0x28: {  	s2 =	sld [smem:$0x3FB0]  }
0x29: {  	s4 =	sld [smem:$0x3FB2]  }
0x2a: {  	p0 =	seq.s32 s5, $0x0;
	s5 =	sld [smem:$0x3FB3]  }
0x2b: {  	s6 =	sld [smem:$0x3FB4]  }
0x2c: {  	s7 =	sld [smem:$0x3FB5]  }
0x2d: {  	s3 =	simm.s32 $0x108;
	s8 =	sld [smem:$0x3FB6]  }
0x2e: {  	s3 =	simm.s32 @!p0 $0x1082;
	s9 =	sld [smem:$0x3FB7]  }
0x2f: {  	lr =	sadd.s32 s0, s3;
	s0 =	sld [smem:$0x3FAE]  }
0x30: {  	s3 =	sld [smem:$0x3FB1]  }
0x31: {  	[smem:$0x3FBA] =	sst s10  }
0x32: {  	s10 =	sld [smem:$0x3FB8];
	_ =	sdelay $0x3  }
0x33: {  	p0 =	seq.s32 s10, $0x1;
	s10 =	sld [smem:$0x3FBA];
	_ =	sdelay $0x3  }
0x34: {  	[smem:$0x3FBA] =	sst s10  }
0x35: {  	s10 =	sld [smem:$0x3FB9];
	_ =	sdelay $0x3  }
0x36: {  	p1 =	seq.s32 s10, $0x1;
	s10 =	sld [smem:$0x3FBA];
	_ =	sdelay $0x3  }
0x37: {  	[smem:$0x3FBA] =	sst s10  }
0x38: {  	s10 =	sld [smem:$0x3FBB]  }
0x39: {  	_ = 	snop;
	(pc) =	sbr.ind lr, $3  }
0x3a: {  	_ = 	snop  }
0x3b: {  	_ = 	snop  }
0x3c: {  	p2 =	seq.s32 s10, $0x1;
	s10 =	sld [smem:$0x3FBA]  }
0x3d: {  	_ =	shalt  }
0x3e: {  	_ =	shalt  }
0x3f: {  	_ =	shalt  }
0x40: {  	_ =	shalt  }
0x41: {  	_ =	shalt  }
0x42: {  	_ =	shalt  }
0x43: {  	_ =	shalt  }
0x44: {  	_ =	shalt  }
0x45: {  	_ =	shalt  }
0x46: {  	_ =	shalt  }
0x47: {  	_ =	shalt  }
0x48: {  	_ =	shalt  }
0x49: {  	_ =	shalt  }
0x4a: {  	_ =	shalt  }
0x4b: {  	_ =	shalt  }
0x4c: {  	_ =	shalt  }
0x4d: {  	_ =	shalt  }
0x4e: {  	_ =	shalt  }
0x4f: {  	_ =	shalt  }
0x50: {  	_ =	shalt  }
0x51: {  	_ =	shalt  }
0x52: {  	_ =	shalt  }
0x53: {  	_ =	shalt  }
0x54: {  	_ =	shalt  }
0x55: {  	_ =	shalt  }
0x56: {  	_ =	shalt  }
0x57: {  	_ =	shalt  }
0x58: {  	_ =	shalt  }
0x59: {  	_ =	shalt  }
0x5a: {  	_ =	shalt  }
0x5b: {  	_ =	shalt  }
0x5c: {  	_ =	shalt  }
0x5d: {  	_ =	shalt  }
0x5e: {  	_ =	shalt  }
0x5f: {  	_ =	shalt  }
0x60: {  	_ =	shalt  }
0x61: {  	_ =	shalt  }
0x62: {  	_ =	shalt  }
0x63: {  	_ =	shalt  }
0x64: {  	_ =	shalt  }
0x65: {  	_ =	shalt  }
0x66: {  	_ =	shalt  }
0x67: {  	_ =	shalt  }
0x68: {  	_ =	shalt  }
0x69: {  	_ =	shalt  }
0x6a: {  	_ =	shalt  }
0x6b: {  	_ =	shalt  }
0x6c: {  	_ =	shalt  }
0x6d: {  	_ =	shalt  }
0x6e: {  	_ =	shalt  }
0x6f: {  	_ =	shalt  }
0x70: {  	_ =	shalt  }
0x71: {  	_ =	shalt  }
0x72: {  	_ =	shalt  }
0x73: {  	_ =	shalt  }
0x74: {  	_ =	shalt  }
0x75: {  	_ =	shalt  }
0x76: {  	_ =	shalt  }
0x77: {  	_ =	shalt  }
0x78: {  	_ =	shalt  }
0x79: {  	_ =	shalt  }
0x7a: {  	_ =	shalt  }
0x7b: {  	_ =	shalt  }
0x7c: {  	_ =	shalt  }
0x7d: {  	_ =	shalt  }
0x7e: {  	_ =	shalt  }
0x7f: {  	_ =	shalt  }
0x80: {  	_ =	shalt  }
0x81: {  	_ =	shalt  }
0x82: {  	_ =	shalt  }
0x83: {  	_ =	shalt  }
0x84: {  	_ =	shalt  }
0x85: {  	_ =	shalt  }
0x86: {  	_ =	shalt  }
0x87: {  	_ =	shalt  }
.Lfunc_end0:
.L_simem_size_0:
called_computation.1_lowered:
.L_overlay_start_0:
0x88: {  	s2 =	sld [smem:$0x3FD9]  }
0x89: {  	s3 =	sld [smem:$0x3FFE];
	_ =	sdelay $0x1  }
0x8a: {  	s1 =	srdreg.scid  }
0x8b: {  	s0 =	sand.u32 $0x1, s1  }
0x8c: {  	s17 =	sshll.u32 s0, $0xA;
	s2 =	sadd.s32 s3, s2  }
0x8d: {  	s2 =	sadd.s32 s2, s17  }
0x8e: {  	[smem:$0x3FC6] =	sst s2  }
0x8f: {  	_ = 	snop  }
0x90: {  	s2 =	sld [smem:$0x3FD0];
	(tm) =	ssettm $0x1  }
0x91: {  	s18 =	sld [smem:$0x3FFB];
	_ =	sdelay $0x3  }
0x92: {  	_ =	strace s18  }
0x93: {  	s3 =	sld [smem:$0x3FFC];
	_ =	sdelay $0x3  }
0x94: {  	_ =	strace s3  }
0x95: {  	s3 =	sld [smem:$0x3FFD];
	_ =	sdelay $0x3  }
0x96: {  	_ =	strace s3  }
0x97: {  	_ =	strace $0x8FFFFFFF  }
0x98: {  	s19 =	sld [smem:$0x3FDB];
	_ =	sdelay $0x1  }
0x99: {  	s4 =	simm.s32 $_scs_section_size  }
0x9a: {  	s5 =	simm.s32 $_size__tile_overlayer_lowered;
	s6 =	simm.s32 $_tile_overlayer_lowered  }
0x9b: {  	s22 =	simm.s32 $0x1BFF;
	s21 =	sshll.u32 s6, $0x1;
	s3 =	sadd.s32 s4, s19  }
0x9c: {  	s7 =	simm.s32 $0x0;
	s20 =	sshll.u32 s5, $0x1;
	s5 =	sadd.s32 s21, s3  }
0x9d: {  	[timem:s7], [sflag:s22] =	dma.local [hbm:s5], s20  }
0x9e: {  	_ =	swait.ge [sflag:s22], s20  }
0x9f: {  	s4 =	ssub.s32 $0x0, s20;
	[sflag:s22] =	ssyncset.done $0x0  }
0xa0: {  	[sflag:s22] =	ssyncadd.s32 s4;
	_ =	sdelay $0x1  }
0xa1: {  	s23 =	simm.s32 $0x1B8B  }
0xa2: {  	_ =	swait.ge [sflag:s23], $0x1  }
0xa3: {  	[sflag:s23] =	ssyncset.done $0x0  }
0xa4: {  	s25 =	simm.s32 $0x1B8E;
	s24 =	sld [smem:$0x3FFE];
	[sflag:s23] =	ssyncadd.s32 $0xFFFFFFFF  }
0xa5: {  	s26 =	simm.s32 $execute0_lowered;
	[smem:$0x3FD2] =	sst s25  }
0xa6: {  	s5 =	sshll.u32 s26, $0x1;
	_ =	strace $0x80000046;
	[dreg:$0x1] =	wrdreg $0xFFFFFFFF  }
0xa7: {  	s28 =	simm.s32 $_size_execute0_lowered;
	s3 =	sadd.s32 s3, s5;
	[dreg:$0x0] =	wrdreg $0x0  }
0xa8: {  	s5 =	sshll.u32 s28, $0x1;
	[dreg:$0x2] =	wrdreg s3  }
0xa9: {  	[dreg:$0x3] =	wrdreg s5  }
0xaa: {  	[dreg:$0x4] =	wrdreg $0xC0  }
0xab: {  	_ =	task [dreg:s7], $0x5FFFF  }
0xac: {  	[dreg:$0x1] =	wrdreg $0xFFFFFFFF  }
0xad: {  	[dreg:$0x0] =	wrdreg $0x60  }
0xae: {  	[dreg:$0x2] =	wrdreg s24  }
0xaf: {  	[dreg:$0x3] =	wrdreg s2  }
0xb0: {  	[dreg:$0x4] =	wrdreg $0x9  }
0xb1: {  	_ =	task.clear_ibuf [dreg:s7], $0x5FFFF;
	_ =	strace $0x90000046  }
0xb2: {  	s29 =	simm.s32 $0x9;
	_ =	strace $0x80000048  }
0xb3: {  	_ =	swait.ge [sflag:s29], $0x1  }
0xb4: {  	[sflag:s29] =	ssyncadd.s32 $0xFFFFFFFF  }
0xb5: {  	_ =	strace $0x90000048  }
0xb6: {  	_ =	sfence  }
0xb7: {  	s30 =	sld [smem:$0x0];
	_ =	sdelay $0x2  }
0xb8: {  	s31 =	sshll.u32 s1, $0xD;
	s1 =	sshrl.u32 s1, $0x2  }
0xb9: {  	s3 =	sand.u32 $0x4000, s31;
	s1 =	sadd.s32 s1, s30  }
0xba: {  	s0 =	sor.u32 s3, s0;
	s1 =	sshll.u32 s1, $0x11  }
0xbb: {  	s0 =	sor.u32 s1, s0  }
0xbc: {  	s0 =	sadd.s32 $0x8F2B, s0  }
0xbd: {  	[sflag:s0] =	ssyncadd.remote.s32 $0x1  }
0xbe: {  	_ =	sfence.sel $0xFFFF  }
0xbf: {  	[dreg:$0x0] =	wrdreg $0xFFFFFFFF;
	(pc) =	sbr.abs _section_cstart, $3  }
0xc0: {  	[dreg:$0x1] =	wrdreg $0xFFFFFFFF  }
0xc1: {  	_ =	task.clear_ibuf [dreg:s7], $0x2FFFF;
	_ =	strace $0x9FFFFFFF  }
0xc2: {  	(tm) =	ssettm $0x7FFFFFFF  }
0xc3: {  	_ =	shalt  }
tec
execute0_lowered:
.L_overlay_start_1:
0x0: {  	(tag) =	ssettag $0x1  }
0x1: {  	s0 =	srdreg.scid;
	s1 =	rddreg [dreg:$0x0]  }
0x2: {  	s9 =	stileid.u32;
	s4 =	rddreg [dreg:$0x1]  }
0x3: {  	s21 =	simm.s32 $0x10400;
	s17 =	simm.s32 $0x14400;
	s16 =	simm.s32 $0x16400  }
0x4: {  	s19 =	simm.s32 $0x18400;
	s18 =	simm.s32 $0x1;
	s15 =	simm.s32 $0x2  }
0x5: {  	s13 =	simm.s32 $0x5;
	s14 =	simm.s32 $0x6;
	s22 =	simm.s32 $0x7  }
0x6: {  	s31 =	simm.s32 $0x8;
	s23 =	simm.s32 $0x9;
	s5 =	smul.u32 $0x190, s9  }
0x7: {  	s0 =	sand.u32 $0x1, s0;
	s2 =	sshll.u32 s9, $0x1;
	s28 =	smul.u32 $0x64000, s9  }
0x8: {  	s24 =	simm.s32 $0xA;
	s3 =	sor.u32 s0, s2;
	s7 =	smul.u32 $0xC8, s0  }
0x9: {  	s2 =	simm.s32 $0x0;
	s6 =	ssub.s32 $0x2, s0;
	s0 =	smul.u32 $0x32000, s0  }
0xa: {  	s25 =	simm.s32 $0x10;
	s3 =	smul.u32 $0xC80, s3;
	[smem:$0x7FF] =	sst s2  }
0xb: {  	s26 =	sshrl.u32 s6, $0x1;
	s30 =	sadd.s32 s28, s4;
	_ =	strace $0x80000047  }
0xc: {  	s5 =	sadd.s32 s7, s5;
	s7 =	sadd.s32 s0, s30;
	s0 =	simm.s32 $0x12400  }
0xd: {  	s8 =	sadd.s32 s3, s1;
	s3 =	sadd.s32 $0xF42E00, s1;
	s1 =	ssub.s32 s6, s26  }
.Ltmp0:
0xe: {  	s5 =	sshll.u32 s5, $0xA;
	s26 =	simm.s32 $0x0;
	(pc) =	sbr.rel .LBB2_1-.Ltmp0, $4  }
0xf: {  	s29 =	sadd.s32 $0xA00, s8;
	s1 =	smax.u32 s1, $0x1;
	s6 =	sadd.s32 s5, s4  }
0x10: {  	s4 =	simm.s32 $0x3;
	s5 =	simm.s32 $0x4;
	[dreg:$0x3] =	wrdreg s29  }
0x11: {  	[dreg:$0x4] =	wrdreg s1;
	s8 =	sadd.s32 $0x1800, s6;
	s9 =	sadd.s32 $0x2000, s6  }
0x12: {  	vm0 =	vmmov $0xffff;
	s10 =	sadd.s32 $0x2400, s6;
	s11 =	sadd.s32 $0x800, s6;
	s12 =	sadd.s32 $0x1000, s6  }
.LBB2_4:
0x13: {  	s1 =	simm.s32 $0xB  }
0x14: {  	_ =	swait.ge [sflag:s1], $0x2000  }
0x15: {  	[sflag:s1] =	ssyncset.done $0x0  }
0x16: {  	s28 =	simm.s32 $0xC;
	[sflag:s1] =	ssyncadd.s32 $0xFFFFE000  }
0x17: {  	_ =	swait.ge [sflag:s28], $0x2000  }
0x18: {  	[sflag:s28] =	ssyncset.done $0x0  }
0x19: {  	s29 =	simm.s32 $0xD;
	[sflag:s28] =	ssyncadd.s32 $0xFFFFE000  }
0x1a: {  	_ =	swait.ge [sflag:s29], $0x2000  }
0x1b: {  	[sflag:s29] =	ssyncset.done $0x0  }
0x1c: {  	s30 =	simm.s32 $0xE;
	[sflag:s29] =	ssyncadd.s32 $0xFFFFE000  }
0x1d: {  	_ =	swait.ge [sflag:s30], $0x2000  }
0x1e: {  	[sflag:s30] =	ssyncset.done $0x0  }
0x1f: {  	s20 =	simm.s32 $0xF;
	[sflag:s30] =	ssyncadd.s32 $0xFFFFE000  }
0x20: {  	_ =	swait.ge [sflag:s20], $0x2000  }
0x21: {  	[sflag:s20] =	ssyncset.done $0x0  }
0x22: {  	[sflag:s20] =	ssyncadd.s32 $0xFFFFE000  }
0x23: {  	_ =	swait.ge [sflag:s25], $0x2000  }
0x24: {  	[sflag:s25] =	ssyncset.done $0x0  }
0x25: {  	s26 =	simm.s32 $0x11;
	[sflag:s25] =	ssyncadd.s32 $0xFFFFE000  }
0x26: {  	_ =	swait.ge [sflag:s26], $0x2000  }
0x27: {  	[sflag:s26] =	ssyncset.done $0x0  }
0x28: {  	s28 =	simm.s32 $0x12;
	[sflag:s26] =	ssyncadd.s32 $0xFFFFE000  }
0x29: {  	_ =	swait.ge [sflag:s28], $0x2000  }
0x2a: {  	[sflag:s28] =	ssyncset.done $0x0  }
0x2b: {  	s29 =	simm.s32 $0x13;
	[sflag:s28] =	ssyncadd.s32 $0xFFFFE000  }
0x2c: {  	_ =	swait.ge [sflag:s29], $0x2000  }
0x2d: {  	[sflag:s29] =	ssyncset.done $0x0  }
0x2e: {  	s20 =	simm.s32 $0x14;
	[sflag:s29] =	ssyncadd.s32 $0xFFFFE000  }
0x2f: {  	_ =	swait.ge [sflag:s20], $0x2000  }
0x30: {  	s26 =	rddreg [dreg:$0x5]  }
0x31: {  	s30 =	rddreg [dreg:$0x4];
	s26 =	sadd.s32 $0x1, s26  }
0x32: {  	p0 =	sne.s32 s26, s30  }
.Ltmp1:
0x33: {  	_ = 	snop;
	(pc) =	sbr.rel @!p0 .LBB2_5-.Ltmp1, $3  }
0x34: {  	_ =	sdelay $0x1  }
0x35: {  	[sflag:s20] =	ssyncset.done $0x0  }
0x36: {  	[sflag:s20] =	ssyncadd.s32 $0xFFFFE000  }
.LBB2_1:
0x37: {  	[dreg:$0x5] =	wrdreg s26  }
0x38: {  	s1 =	rddreg [dreg:$0x3];
	s30 =	simm.s32 $0x15  }
0x39: {  	[tilespmem:s2], [sflag:$0x15] =	stream.linear.gather [hbm4b:s1+s2], $0x6400, $0x38;
	[tilespmem:$0x1A400] =	vst v63  }
0x3a: {  	_ =	swait.ge [sflag:s30], $0x6400  }
0x3b: {  	[sflag:s30] =	ssyncset.done $0x0  }
0x3c: {  	[sflag:s30] =	ssyncadd.s32 $0xFFFF9C00  }
0x3d: {  	v0 =	vld [tilespmem:$0x0];
	_ =	sdelay $0x6  }
0x3e: {  	s20 =	simm.s32 $0x6400  }
0x3f: {  	[tilespmem:s20], [sflag:$0x1] =	stream.indirect_vreg.gather [hbm4b:s3+s2], $0x40, v0, vm0, $0xb8;
	[tilespmem:$0x1A400] =	vst v63  }
0x40: {  	v0 =	vld [tilespmem:$0x10];
	_ =	sdelay $0x6  }
0x41: {  	s26 =	simm.s32 $0x6800  }
0x42: {  	[tilespmem:s26], [sflag:$0x1] =	stream.indirect_vreg.gather [hbm4b:s3+s2], $0x40, v0, vm0, $0xb8;
	[tilespmem:$0x1A400] =	vst v63  }
0x43: {  	v0 =	vld [tilespmem:$0x20];
	_ =	sdelay $0x6  }
0x44: {  	s28 =	simm.s32 $0x6C00  }
0x45: {  	[tilespmem:s28], [sflag:$0x1] =	stream.indirect_vreg.gather [hbm4b:s3+s2], $0x40, v0, vm0, $0xb8;
	[tilespmem:$0x1A400] =	vst v63  }
0x46: {  	v0 =	vld [tilespmem:$0x30];
	_ =	sdelay $0x6  }
0x47: {  	s29 =	simm.s32 $0x7000  }
0x48: {  	[tilespmem:s29], [sflag:$0x1] =	stream.indirect_vreg.gather [hbm4b:s3+s2], $0x40, v0, vm0, $0xb8;
	[tilespmem:$0x1A400] =	vst v63  }
0x49: {  	v0 =	vld [tilespmem:$0x40];
	_ =	sdelay $0x6  }
0x4a: {  	s30 =	simm.s32 $0x7400  }
0x4b: {  	[tilespmem:s30], [sflag:$0x1] =	stream.indirect_vreg.gather [hbm4b:s3+s2], $0x40, v0, vm0, $0xb8;
	[tilespmem:$0x1A400] =	vst v63  }
0x4c: {  	v0 =	vld [tilespmem:$0x50];
	_ =	sdelay $0x6  }
0x4d: {  	s20 =	simm.s32 $0x7800  }
0x4e: {  	[tilespmem:s20], [sflag:$0x1] =	stream.indirect_vreg.gather [hbm4b:s3+s2], $0x40, v0, vm0, $0xb8;
	[tilespmem:$0x1A400] =	vst v63  }
0x4f: {  	v0 =	vld [tilespmem:$0x60];
	_ =	sdelay $0x6  }
0x50: {  	s26 =	simm.s32 $0x7C00  }
0x51: {  	[tilespmem:s26], [sflag:$0x1] =	stream.indirect_vreg.gather [hbm4b:s3+s2], $0x40, v0, vm0, $0xb8;
	[tilespmem:$0x1A400] =	vst v63  }
0x52: {  	v0 =	vld [tilespmem:$0x70];
	_ =	sdelay $0x6  }
0x53: {  	s28 =	simm.s32 $0x8000  }
0x54: {  	[tilespmem:s28], [sflag:$0x1] =	stream.indirect_vreg.gather [hbm4b:s3+s2], $0x40, v0, vm0, $0xb8;
	[tilespmem:$0x1A400] =	vst v63  }
0x55: {  	v0 =	vld [tilespmem:$0x80];
	_ =	sdelay $0x6  }
0x56: {  	s29 =	simm.s32 $0x8400  }
0x57: {  	[tilespmem:s29], [sflag:$0x2] =	stream.indirect_vreg.gather [hbm4b:s3+s2], $0x40, v0, vm0, $0xb8;
	[tilespmem:$0x1A400] =	vst v63  }
0x58: {  	v0 =	vld [tilespmem:$0x90];
	_ =	sdelay $0x6  }
0x59: {  	s30 =	simm.s32 $0x8800  }
0x5a: {  	[tilespmem:s30], [sflag:$0x2] =	stream.indirect_vreg.gather [hbm4b:s3+s2], $0x40, v0, vm0, $0xb8;
	[tilespmem:$0x1A400] =	vst v63  }
0x5b: {  	v0 =	vld [tilespmem:$0xA0];
	_ =	sdelay $0x6  }
0x5c: {  	s20 =	simm.s32 $0x8C00  }
0x5d: {  	[tilespmem:s20], [sflag:$0x2] =	stream.indirect_vreg.gather [hbm4b:s3+s2], $0x40, v0, vm0, $0xb8;
	[tilespmem:$0x1A400] =	vst v63  }
0x5e: {  	v0 =	vld [tilespmem:$0xB0];
	_ =	sdelay $0x6  }
0x5f: {  	s26 =	simm.s32 $0x9000  }
0x60: {  	[tilespmem:s26], [sflag:$0x2] =	stream.indirect_vreg.gather [hbm4b:s3+s2], $0x40, v0, vm0, $0xb8;
	[tilespmem:$0x1A400] =	vst v63  }
0x61: {  	v0 =	vld [tilespmem:$0xC0];
	_ =	sdelay $0x6  }
0x62: {  	s28 =	simm.s32 $0x9400  }
0x63: {  	[tilespmem:s28], [sflag:$0x2] =	stream.indirect_vreg.gather [hbm4b:s3+s2], $0x40, v0, vm0, $0xb8;
	[tilespmem:$0x1A400] =	vst v63  }
0x64: {  	v0 =	vld [tilespmem:$0xD0];
	_ =	sdelay $0x6  }
0x65: {  	s29 =	simm.s32 $0x9800  }
0x66: {  	[tilespmem:s29], [sflag:$0x2] =	stream.indirect_vreg.gather [hbm4b:s3+s2], $0x40, v0, vm0, $0xb8;
	[tilespmem:$0x1A400] =	vst v63  }
0x67: {  	v0 =	vld [tilespmem:$0xE0];
	_ =	sdelay $0x6  }
0x68: {  	s30 =	simm.s32 $0x9C00  }
0x69: {  	[tilespmem:s30], [sflag:$0x2] =	stream.indirect_vreg.gather [hbm4b:s3+s2], $0x40, v0, vm0, $0xb8;
	[tilespmem:$0x1A400] =	vst v63  }
0x6a: {  	v0 =	vld [tilespmem:$0xF0];
	_ =	sdelay $0x6  }
0x6b: {  	s20 =	simm.s32 $0xA000  }
0x6c: {  	[tilespmem:s20], [sflag:$0x2] =	stream.indirect_vreg.gather [hbm4b:s3+s2], $0x40, v0, vm0, $0xb8;
	[tilespmem:$0x1A400] =	vst v63  }
0x6d: {  	v0 =	vld [tilespmem:$0x100];
	_ =	sdelay $0x6  }
0x6e: {  	s26 =	simm.s32 $0xA400  }
0x6f: {  	[tilespmem:s26], [sflag:$0x3] =	stream.indirect_vreg.gather [hbm4b:s3+s2], $0x40, v0, vm0, $0xb8;
	[tilespmem:$0x1A400] =	vst v63  }
0x70: {  	v0 =	vld [tilespmem:$0x110];
	_ =	sdelay $0x6  }
0x71: {  	s28 =	simm.s32 $0xA800  }
0x72: {  	[tilespmem:s28], [sflag:$0x3] =	stream.indirect_vreg.gather [hbm4b:s3+s2], $0x40, v0, vm0, $0xb8;
	[tilespmem:$0x1A400] =	vst v63  }
0x73: {  	v0 =	vld [tilespmem:$0x120];
	_ =	sdelay $0x6  }
0x74: {  	s29 =	simm.s32 $0xAC00  }
0x75: {  	[tilespmem:s29], [sflag:$0x3] =	stream.indirect_vreg.gather [hbm4b:s3+s2], $0x40, v0, vm0, $0xb8;
	[tilespmem:$0x1A400] =	vst v63  }
0x76: {  	v0 =	vld [tilespmem:$0x130];
	_ =	sdelay $0x6  }
0x77: {  	s30 =	simm.s32 $0xB000  }
0x78: {  	[tilespmem:s30], [sflag:$0x3] =	stream.indirect_vreg.gather [hbm4b:s3+s2], $0x40, v0, vm0, $0xb8;
	[tilespmem:$0x1A400] =	vst v63  }
0x79: {  	v0 =	vld [tilespmem:$0x140];
	_ =	sdelay $0x6  }
0x7a: {  	s20 =	simm.s32 $0xB400  }
0x7b: {  	[tilespmem:s20], [sflag:$0x3] =	stream.indirect_vreg.gather [hbm4b:s3+s2], $0x40, v0, vm0, $0xb8;
	[tilespmem:$0x1A400] =	vst v63  }
0x7c: {  	v0 =	vld [tilespmem:$0x150];
	_ =	sdelay $0x6  }
0x7d: {  	s26 =	simm.s32 $0xB800  }
0x7e: {  	[tilespmem:s26], [sflag:$0x3] =	stream.indirect_vreg.gather [hbm4b:s3+s2], $0x40, v0, vm0, $0xb8;
	[tilespmem:$0x1A400] =	vst v63  }
0x7f: {  	v0 =	vld [tilespmem:$0x160];
	_ =	sdelay $0x6  }
0x80: {  	s28 =	simm.s32 $0xBC00  }
0x81: {  	[tilespmem:s28], [sflag:$0x3] =	stream.indirect_vreg.gather [hbm4b:s3+s2], $0x40, v0, vm0, $0xb8;
	[tilespmem:$0x1A400] =	vst v63  }
0x82: {  	v0 =	vld [tilespmem:$0x170];
	_ =	sdelay $0x6  }
0x83: {  	s29 =	simm.s32 $0xC000  }
0x84: {  	[tilespmem:s29], [sflag:$0x3] =	stream.indirect_vreg.gather [hbm4b:s3+s2], $0x40, v0, vm0, $0xb8;
	[tilespmem:$0x1A400] =	vst v63  }
0x85: {  	v0 =	vld [tilespmem:$0x180];
	_ =	sdelay $0x6  }
0x86: {  	s30 =	simm.s32 $0xC400  }
0x87: {  	[tilespmem:s30], [sflag:$0x4] =	stream.indirect_vreg.gather [hbm4b:s3+s2], $0x40, v0, vm0, $0xb8;
	[tilespmem:$0x1A400] =	vst v63  }
0x88: {  	v0 =	vld [tilespmem:$0x190];
	_ =	sdelay $0x6  }
0x89: {  	s20 =	simm.s32 $0xC800  }
0x8a: {  	[tilespmem:s20], [sflag:$0x4] =	stream.indirect_vreg.gather [hbm4b:s3+s2], $0x40, v0, vm0, $0xb8;
	[tilespmem:$0x1A400] =	vst v63  }
0x8b: {  	v0 =	vld [tilespmem:$0x1A0];
	_ =	sdelay $0x6  }
0x8c: {  	s26 =	simm.s32 $0xCC00  }
0x8d: {  	[tilespmem:s26], [sflag:$0x4] =	stream.indirect_vreg.gather [hbm4b:s3+s2], $0x40, v0, vm0, $0xb8;
	[tilespmem:$0x1A400] =	vst v63  }
0x8e: {  	v0 =	vld [tilespmem:$0x1B0];
	_ =	sdelay $0x6  }
0x8f: {  	s28 =	simm.s32 $0xD000  }
0x90: {  	[tilespmem:s28], [sflag:$0x4] =	stream.indirect_vreg.gather [hbm4b:s3+s2], $0x40, v0, vm0, $0xb8;
	[tilespmem:$0x1A400] =	vst v63  }
0x91: {  	v0 =	vld [tilespmem:$0x1C0];
	_ =	sdelay $0x6  }
0x92: {  	s29 =	simm.s32 $0xD400  }
0x93: {  	[tilespmem:s29], [sflag:$0x4] =	stream.indirect_vreg.gather [hbm4b:s3+s2], $0x40, v0, vm0, $0xb8;
	[tilespmem:$0x1A400] =	vst v63  }
0x94: {  	v0 =	vld [tilespmem:$0x1D0];
	_ =	sdelay $0x6  }
0x95: {  	s30 =	simm.s32 $0xD800  }
0x96: {  	[tilespmem:s30], [sflag:$0x4] =	stream.indirect_vreg.gather [hbm4b:s3+s2], $0x40, v0, vm0, $0xb8;
	[tilespmem:$0x1A400] =	vst v63  }
0x97: {  	v0 =	vld [tilespmem:$0x1E0];
	_ =	sdelay $0x6  }
0x98: {  	s20 =	simm.s32 $0xDC00  }
0x99: {  	[tilespmem:s20], [sflag:$0x4] =	stream.indirect_vreg.gather [hbm4b:s3+s2], $0x40, v0, vm0, $0xb8;
	[tilespmem:$0x1A400] =	vst v63  }
0x9a: {  	v0 =	vld [tilespmem:$0x1F0];
	_ =	sdelay $0x6  }
0x9b: {  	s26 =	simm.s32 $0xE000  }
0x9c: {  	[tilespmem:s26], [sflag:$0x4] =	stream.indirect_vreg.gather [hbm4b:s3+s2], $0x40, v0, vm0, $0xb8;
	[tilespmem:$0x1A400] =	vst v63  }
0x9d: {  	v0 =	vld [tilespmem:$0x200];
	_ =	sdelay $0x6  }
0x9e: {  	s28 =	simm.s32 $0xE400  }
0x9f: {  	[tilespmem:s28], [sflag:$0x5] =	stream.indirect_vreg.gather [hbm4b:s3+s2], $0x40, v0, vm0, $0xb8;
	[tilespmem:$0x1A400] =	vst v63  }
0xa0: {  	v0 =	vld [tilespmem:$0x210];
	_ =	sdelay $0x6  }
0xa1: {  	s29 =	simm.s32 $0xE800  }
0xa2: {  	[tilespmem:s29], [sflag:$0x5] =	stream.indirect_vreg.gather [hbm4b:s3+s2], $0x40, v0, vm0, $0xb8;
	[tilespmem:$0x1A400] =	vst v63  }
0xa3: {  	v0 =	vld [tilespmem:$0x220];
	_ =	sdelay $0x6  }
0xa4: {  	s30 =	simm.s32 $0xEC00  }
0xa5: {  	[tilespmem:s30], [sflag:$0x5] =	stream.indirect_vreg.gather [hbm4b:s3+s2], $0x40, v0, vm0, $0xb8;
	[tilespmem:$0x1A400] =	vst v63  }
0xa6: {  	v0 =	vld [tilespmem:$0x230];
	_ =	sdelay $0x6  }
0xa7: {  	s20 =	simm.s32 $0xF000  }
0xa8: {  	[tilespmem:s20], [sflag:$0x5] =	stream.indirect_vreg.gather [hbm4b:s3+s2], $0x40, v0, vm0, $0xb8;
	[tilespmem:$0x1A400] =	vst v63  }
0xa9: {  	v0 =	vld [tilespmem:$0x240];
	_ =	sdelay $0x6  }
0xaa: {  	s26 =	simm.s32 $0xF400  }
0xab: {  	[tilespmem:s26], [sflag:$0x5] =	stream.indirect_vreg.gather [hbm4b:s3+s2], $0x40, v0, vm0, $0xb8;
	[tilespmem:$0x1A400] =	vst v63  }
0xac: {  	v0 =	vld [tilespmem:$0x250];
	_ =	sdelay $0x6  }
0xad: {  	s28 =	simm.s32 $0xF800  }
0xae: {  	[tilespmem:s28], [sflag:$0x5] =	stream.indirect_vreg.gather [hbm4b:s3+s2], $0x40, v0, vm0, $0xb8;
	[tilespmem:$0x1A400] =	vst v63  }
0xaf: {  	v0 =	vld [tilespmem:$0x260];
	_ =	sdelay $0x6  }
0xb0: {  	s29 =	simm.s32 $0xFC00  }
0xb1: {  	[tilespmem:s29], [sflag:$0x5] =	stream.indirect_vreg.gather [hbm4b:s3+s2], $0x40, v0, vm0, $0xb8;
	[tilespmem:$0x1A400] =	vst v63  }
0xb2: {  	v0 =	vld [tilespmem:$0x270];
	_ =	sdelay $0x6  }
0xb3: {  	s30 =	simm.s32 $0x10000  }
0xb4: {  	[tilespmem:s30], [sflag:$0x5] =	stream.indirect_vreg.gather [hbm4b:s3+s2], $0x40, v0, vm0, $0xb8;
	[tilespmem:$0x1A400] =	vst v63  }
0xb5: {  	v0 =	vld [tilespmem:$0x280];
	_ =	sdelay $0x7  }
0xb6: {  	[tilespmem:s21], [sflag:$0x6] =	stream.indirect_vreg.gather [hbm4b:s3+s2], $0x40, v0, vm0, $0xb8;
	[tilespmem:$0x1A400] =	vst v63  }
0xb7: {  	v0 =	vld [tilespmem:$0x290];
	_ =	sdelay $0x6  }
0xb8: {  	s20 =	simm.s32 $0x10800  }
0xb9: {  	[tilespmem:s20], [sflag:$0x6] =	stream.indirect_vreg.gather [hbm4b:s3+s2], $0x40, v0, vm0, $0xb8;
	[tilespmem:$0x1A400] =	vst v63  }
0xba: {  	v0 =	vld [tilespmem:$0x2A0];
	_ =	sdelay $0x6  }
0xbb: {  	s26 =	simm.s32 $0x10C00  }
0xbc: {  	[tilespmem:s26], [sflag:$0x6] =	stream.indirect_vreg.gather [hbm4b:s3+s2], $0x40, v0, vm0, $0xb8;
	[tilespmem:$0x1A400] =	vst v63  }
0xbd: {  	v0 =	vld [tilespmem:$0x2B0];
	_ =	sdelay $0x6  }
0xbe: {  	s28 =	simm.s32 $0x11000  }
0xbf: {  	[tilespmem:s28], [sflag:$0x6] =	stream.indirect_vreg.gather [hbm4b:s3+s2], $0x40, v0, vm0, $0xb8;
	[tilespmem:$0x1A400] =	vst v63  }
0xc0: {  	v0 =	vld [tilespmem:$0x2C0];
	_ =	sdelay $0x6  }
0xc1: {  	s29 =	simm.s32 $0x11400  }
0xc2: {  	[tilespmem:s29], [sflag:$0x6] =	stream.indirect_vreg.gather [hbm4b:s3+s2], $0x40, v0, vm0, $0xb8;
	[tilespmem:$0x1A400] =	vst v63  }
0xc3: {  	v0 =	vld [tilespmem:$0x2D0];
	_ =	sdelay $0x6  }
0xc4: {  	s30 =	simm.s32 $0x11800  }
0xc5: {  	[tilespmem:s30], [sflag:$0x6] =	stream.indirect_vreg.gather [hbm4b:s3+s2], $0x40, v0, vm0, $0xb8;
	[tilespmem:$0x1A400] =	vst v63  }
0xc6: {  	v0 =	vld [tilespmem:$0x2E0];
	_ =	sdelay $0x6  }
0xc7: {  	s20 =	simm.s32 $0x11C00  }
0xc8: {  	[tilespmem:s20], [sflag:$0x6] =	stream.indirect_vreg.gather [hbm4b:s3+s2], $0x40, v0, vm0, $0xb8;
	[tilespmem:$0x1A400] =	vst v63  }
0xc9: {  	v0 =	vld [tilespmem:$0x2F0];
	_ =	sdelay $0x6  }
0xca: {  	s26 =	simm.s32 $0x12000  }
0xcb: {  	[tilespmem:s26], [sflag:$0x6] =	stream.indirect_vreg.gather [hbm4b:s3+s2], $0x40, v0, vm0, $0xb8;
	[tilespmem:$0x1A400] =	vst v63  }
0xcc: {  	v0 =	vld [tilespmem:$0x300];
	_ =	sdelay $0x7  }
0xcd: {  	[tilespmem:s0], [sflag:$0x7] =	stream.indirect_vreg.gather [hbm4b:s3+s2], $0x40, v0, vm0, $0xb8;
	[tilespmem:$0x1A400] =	vst v63  }
0xce: {  	v0 =	vld [tilespmem:$0x310];
	_ =	sdelay $0x6  }
0xcf: {  	s28 =	simm.s32 $0x12800  }
0xd0: {  	[tilespmem:s28], [sflag:$0x7] =	stream.indirect_vreg.gather [hbm4b:s3+s2], $0x40, v0, vm0, $0xb8;
	[tilespmem:$0x1A400] =	vst v63  }
0xd1: {  	v0 =	vld [tilespmem:$0x320];
	_ =	sdelay $0x6  }
0xd2: {  	s29 =	simm.s32 $0x12C00  }
0xd3: {  	[tilespmem:s29], [sflag:$0x7] =	stream.indirect_vreg.gather [hbm4b:s3+s2], $0x40, v0, vm0, $0xb8;
	[tilespmem:$0x1A400] =	vst v63  }
0xd4: {  	v0 =	vld [tilespmem:$0x330];
	_ =	sdelay $0x6  }
0xd5: {  	s30 =	simm.s32 $0x13000  }
0xd6: {  	[tilespmem:s30], [sflag:$0x7] =	stream.indirect_vreg.gather [hbm4b:s3+s2], $0x40, v0, vm0, $0xb8;
	[tilespmem:$0x1A400] =	vst v63  }
0xd7: {  	v0 =	vld [tilespmem:$0x340];
	_ =	sdelay $0x6  }
0xd8: {  	s20 =	simm.s32 $0x13400  }
0xd9: {  	[tilespmem:s20], [sflag:$0x7] =	stream.indirect_vreg.gather [hbm4b:s3+s2], $0x40, v0, vm0, $0xb8;
	[tilespmem:$0x1A400] =	vst v63  }
0xda: {  	v0 =	vld [tilespmem:$0x350];
	_ =	sdelay $0x6  }
0xdb: {  	s26 =	simm.s32 $0x13800  }
0xdc: {  	[tilespmem:s26], [sflag:$0x7] =	stream.indirect_vreg.gather [hbm4b:s3+s2], $0x40, v0, vm0, $0xb8;
	[tilespmem:$0x1A400] =	vst v63  }
0xdd: {  	v0 =	vld [tilespmem:$0x360];
	_ =	sdelay $0x6  }
0xde: {  	s28 =	simm.s32 $0x13C00  }
0xdf: {  	[tilespmem:s28], [sflag:$0x7] =	stream.indirect_vreg.gather [hbm4b:s3+s2], $0x40, v0, vm0, $0xb8;
	[tilespmem:$0x1A400] =	vst v63  }
0xe0: {  	v0 =	vld [tilespmem:$0x370];
	_ =	sdelay $0x6  }
0xe1: {  	s29 =	simm.s32 $0x14000  }
0xe2: {  	[tilespmem:s29], [sflag:$0x7] =	stream.indirect_vreg.gather [hbm4b:s3+s2], $0x40, v0, vm0, $0xb8;
	[tilespmem:$0x1A400] =	vst v63  }
0xe3: {  	v0 =	vld [tilespmem:$0x380];
	_ =	sdelay $0x7  }
0xe4: {  	[tilespmem:s17], [sflag:$0x8] =	stream.indirect_vreg.gather [hbm4b:s3+s2], $0x40, v0, vm0, $0xb8;
	[tilespmem:$0x1A400] =	vst v63  }
0xe5: {  	v0 =	vld [tilespmem:$0x390];
	_ =	sdelay $0x6  }
0xe6: {  	s30 =	simm.s32 $0x14800  }
0xe7: {  	[tilespmem:s30], [sflag:$0x8] =	stream.indirect_vreg.gather [hbm4b:s3+s2], $0x40, v0, vm0, $0xb8;
	[tilespmem:$0x1A400] =	vst v63  }
0xe8: {  	v0 =	vld [tilespmem:$0x3A0];
	_ =	sdelay $0x6  }
0xe9: {  	s20 =	simm.s32 $0x14C00  }
0xea: {  	[tilespmem:s20], [sflag:$0x8] =	stream.indirect_vreg.gather [hbm4b:s3+s2], $0x40, v0, vm0, $0xb8;
	[tilespmem:$0x1A400] =	vst v63  }
0xeb: {  	v0 =	vld [tilespmem:$0x3B0];
	_ =	sdelay $0x6  }
0xec: {  	s26 =	simm.s32 $0x15000  }
0xed: {  	[tilespmem:s26], [sflag:$0x8] =	stream.indirect_vreg.gather [hbm4b:s3+s2], $0x40, v0, vm0, $0xb8;
	[tilespmem:$0x1A400] =	vst v63  }
0xee: {  	v0 =	vld [tilespmem:$0x3C0];
	_ =	sdelay $0x6  }
0xef: {  	s28 =	simm.s32 $0x15400  }
0xf0: {  	[tilespmem:s28], [sflag:$0x8] =	stream.indirect_vreg.gather [hbm4b:s3+s2], $0x40, v0, vm0, $0xb8;
	[tilespmem:$0x1A400] =	vst v63  }
0xf1: {  	v0 =	vld [tilespmem:$0x3D0];
	_ =	sdelay $0x6  }
0xf2: {  	s29 =	simm.s32 $0x15800  }
0xf3: {  	[tilespmem:s29], [sflag:$0x8] =	stream.indirect_vreg.gather [hbm4b:s3+s2], $0x40, v0, vm0, $0xb8;
	[tilespmem:$0x1A400] =	vst v63  }
0xf4: {  	v0 =	vld [tilespmem:$0x3E0];
	_ =	sdelay $0x6  }
0xf5: {  	s30 =	simm.s32 $0x15C00  }
0xf6: {  	[tilespmem:s30], [sflag:$0x8] =	stream.indirect_vreg.gather [hbm4b:s3+s2], $0x40, v0, vm0, $0xb8;
	[tilespmem:$0x1A400] =	vst v63  }
0xf7: {  	v0 =	vld [tilespmem:$0x3F0];
	_ =	sdelay $0x6  }
0xf8: {  	s20 =	simm.s32 $0x16000  }
0xf9: {  	[tilespmem:s20], [sflag:$0x8] =	stream.indirect_vreg.gather [hbm4b:s3+s2], $0x40, v0, vm0, $0xb8;
	[tilespmem:$0x1A400] =	vst v63  }
0xfa: {  	v0 =	vld [tilespmem:$0x400];
	_ =	sdelay $0x7  }
0xfb: {  	[tilespmem:s16], [sflag:$0x9] =	stream.indirect_vreg.gather [hbm4b:s3+s2], $0x40, v0, vm0, $0xb8;
	[tilespmem:$0x1A400] =	vst v63  }
0xfc: {  	v0 =	vld [tilespmem:$0x410];
	_ =	sdelay $0x6  }
0xfd: {  	s26 =	simm.s32 $0x16800  }
0xfe: {  	[tilespmem:s26], [sflag:$0x9] =	stream.indirect_vreg.gather [hbm4b:s3+s2], $0x40, v0, vm0, $0xb8;
	[tilespmem:$0x1A400] =	vst v63  }
0xff: {  	v0 =	vld [tilespmem:$0x420];
	_ =	sdelay $0x6  }
0x100: {  	s28 =	simm.s32 $0x16C00  }
0x101: {  	[tilespmem:s28], [sflag:$0x9] =	stream.indirect_vreg.gather [hbm4b:s3+s2], $0x40, v0, vm0, $0xb8;
	[tilespmem:$0x1A400] =	vst v63  }
0x102: {  	v0 =	vld [tilespmem:$0x430];
	_ =	sdelay $0x6  }
0x103: {  	s29 =	simm.s32 $0x17000  }
0x104: {  	[tilespmem:s29], [sflag:$0x9] =	stream.indirect_vreg.gather [hbm4b:s3+s2], $0x40, v0, vm0, $0xb8;
	[tilespmem:$0x1A400] =	vst v63  }
0x105: {  	v0 =	vld [tilespmem:$0x440];
	_ =	sdelay $0x6  }
0x106: {  	s30 =	simm.s32 $0x17400  }
0x107: {  	[tilespmem:s30], [sflag:$0x9] =	stream.indirect_vreg.gather [hbm4b:s3+s2], $0x40, v0, vm0, $0xb8;
	[tilespmem:$0x1A400] =	vst v63  }
0x108: {  	v0 =	vld [tilespmem:$0x450];
	_ =	sdelay $0x6  }
0x109: {  	s20 =	simm.s32 $0x17800  }
0x10a: {  	[tilespmem:s20], [sflag:$0x9] =	stream.indirect_vreg.gather [hbm4b:s3+s2], $0x40, v0, vm0, $0xb8;
	[tilespmem:$0x1A400] =	vst v63  }
0x10b: {  	v0 =	vld [tilespmem:$0x460];
	_ =	sdelay $0x6  }
0x10c: {  	s26 =	simm.s32 $0x17C00  }
0x10d: {  	[tilespmem:s26], [sflag:$0x9] =	stream.indirect_vreg.gather [hbm4b:s3+s2], $0x40, v0, vm0, $0xb8;
	[tilespmem:$0x1A400] =	vst v63  }
0x10e: {  	v0 =	vld [tilespmem:$0x470];
	_ =	sdelay $0x6  }
0x10f: {  	s28 =	simm.s32 $0x18000  }
0x110: {  	[tilespmem:s28], [sflag:$0x9] =	stream.indirect_vreg.gather [hbm4b:s3+s2], $0x40, v0, vm0, $0xb8;
	[tilespmem:$0x1A400] =	vst v63  }
0x111: {  	v0 =	vld [tilespmem:$0x480];
	_ =	sdelay $0x7  }
0x112: {  	[tilespmem:s19], [sflag:$0xA] =	stream.indirect_vreg.gather [hbm4b:s3+s2], $0x40, v0, vm0, $0xb8;
	[tilespmem:$0x1A400] =	vst v63  }
0x113: {  	v0 =	vld [tilespmem:$0x490];
	_ =	sdelay $0x6  }
0x114: {  	s29 =	simm.s32 $0x18800  }
0x115: {  	[tilespmem:s29], [sflag:$0xA] =	stream.indirect_vreg.gather [hbm4b:s3+s2], $0x40, v0, vm0, $0xb8;
	[tilespmem:$0x1A400] =	vst v63  }
0x116: {  	v0 =	vld [tilespmem:$0x4A0];
	_ =	sdelay $0x6  }
0x117: {  	s30 =	simm.s32 $0x18C00  }
0x118: {  	[tilespmem:s30], [sflag:$0xA] =	stream.indirect_vreg.gather [hbm4b:s3+s2], $0x40, v0, vm0, $0xb8;
	[tilespmem:$0x1A400] =	vst v63  }
0x119: {  	v0 =	vld [tilespmem:$0x4B0];
	_ =	sdelay $0x6  }
0x11a: {  	s20 =	simm.s32 $0x19000  }
0x11b: {  	[tilespmem:s20], [sflag:$0xA] =	stream.indirect_vreg.gather [hbm4b:s3+s2], $0x40, v0, vm0, $0xb8;
	[tilespmem:$0x1A400] =	vst v63  }
0x11c: {  	v0 =	vld [tilespmem:$0x4C0];
	_ =	sdelay $0x6  }
0x11d: {  	s26 =	simm.s32 $0x19400  }
0x11e: {  	[tilespmem:s26], [sflag:$0xA] =	stream.indirect_vreg.gather [hbm4b:s3+s2], $0x40, v0, vm0, $0xb8;
	[tilespmem:$0x1A400] =	vst v63  }
0x11f: {  	v0 =	vld [tilespmem:$0x4D0];
	_ =	sdelay $0x6  }
0x120: {  	s28 =	simm.s32 $0x19800  }
0x121: {  	[tilespmem:s28], [sflag:$0xA] =	stream.indirect_vreg.gather [hbm4b:s3+s2], $0x40, v0, vm0, $0xb8;
	[tilespmem:$0x1A400] =	vst v63  }
0x122: {  	v0 =	vld [tilespmem:$0x4E0];
	_ =	sdelay $0x6  }
0x123: {  	s29 =	simm.s32 $0x19C00  }
0x124: {  	[tilespmem:s29], [sflag:$0xA] =	stream.indirect_vreg.gather [hbm4b:s3+s2], $0x40, v0, vm0, $0xb8;
	[tilespmem:$0x1A400] =	vst v63  }
0x125: {  	v0 =	vld [tilespmem:$0x4F0];
	_ =	sdelay $0x6  }
0x126: {  	s30 =	simm.s32 $0x1A000;
	s20 =	simm.s32 $0x400;
	s26 =	simm.s32 $0x0  }
0x127: {  	[tilespmem:s30], [sflag:$0xA] =	stream.indirect_vreg.gather [hbm4b:s3+s2], $0x40, v0, vm0, $0xb8;
	[tilespmem:$0x1A400] =	vst v63  }
.LBB2_2:
0x128: {  	_ =	swait.ge [sflag:s18], $0x2000  }
0x129: {  	s28 =	sadd.s32 s26, s7;
	[sflag:s18] =	ssyncset.done $0x0  }
0x12a: {  	s1 =	simm.s32 $0x6400;
	p0 =	seq.s32 s26, $0x0;
	[sflag:s18] =	ssyncadd.s32 $0xFFFFE000  }
0x12b: {  	[hbm4b:s28+s2] =	stream.linear.scatter [tilespmem:s1], [sflag:$0xB], $0x2000, $0x38;
	[tilespmem:$0x1A400] =	vst v63  }
0x12c: {  	s28 =	simm.s32 @!p0 $0x11  }
0x12d: {  	_ =	swait.ge @!p0 [sflag:s28], $0x2000  }
0x12e: {  	[sflag:s28] =	ssyncset.done @!p0 $0x0  }
0x12f: {  	[sflag:s28] =	ssyncadd.s32 @!p0 $0xFFFFE000  }
0x130: {  	v0 =	vld @!p0 [tilespmem:s20+$0xFFFFFF00];
	_ =	sdelay $0x6  }
0x131: {  	vm1 =	vmmov @!p0 $0xffff;
	s29 =	simm.s32 @!p0 $0x0;
	s28 =	simm.s32 @!p0 $0x12400  }
0x132: {  	[tilespmem:s28], [sflag:$0x7] =	stream.indirect_vreg.gather @!p0 [hbm4b:s3+s29], $0x40, v0, vm1, $0xb8;
	[tilespmem:$0x1A400] =	vst v63  }
0x133: {  	v0 =	vld @!p0 [tilespmem:s20+$0xFFFFFF10];
	_ =	sdelay $0x6  }
0x134: {  	s28 =	simm.s32 @!p0 $0x12800  }
0x135: {  	[tilespmem:s28], [sflag:$0x7] =	stream.indirect_vreg.gather @!p0 [hbm4b:s3+s29], $0x40, v0, vm1, $0xb8;
	[tilespmem:$0x1A400] =	vst v63  }
0x136: {  	v0 =	vld @!p0 [tilespmem:s20+$0xFFFFFF20];
	_ =	sdelay $0x6  }
0x137: {  	s28 =	simm.s32 @!p0 $0x12C00  }
0x138: {  	[tilespmem:s28], [sflag:$0x7] =	stream.indirect_vreg.gather @!p0 [hbm4b:s3+s29], $0x40, v0, vm1, $0xb8;
	[tilespmem:$0x1A400] =	vst v63  }
0x139: {  	v0 =	vld @!p0 [tilespmem:s20+$0xFFFFFF30];
	_ =	sdelay $0x6  }
0x13a: {  	s28 =	simm.s32 @!p0 $0x13000  }
0x13b: {  	[tilespmem:s28], [sflag:$0x7] =	stream.indirect_vreg.gather @!p0 [hbm4b:s3+s29], $0x40, v0, vm1, $0xb8;
	[tilespmem:$0x1A400] =	vst v63  }
0x13c: {  	v0 =	vld @!p0 [tilespmem:s20+$0xFFFFFF40];
	_ =	sdelay $0x6  }
0x13d: {  	s28 =	simm.s32 @!p0 $0x13400  }
0x13e: {  	[tilespmem:s28], [sflag:$0x7] =	stream.indirect_vreg.gather @!p0 [hbm4b:s3+s29], $0x40, v0, vm1, $0xb8;
	[tilespmem:$0x1A400] =	vst v63  }
0x13f: {  	v0 =	vld @!p0 [tilespmem:s20+$0xFFFFFF50];
	_ =	sdelay $0x6  }
0x140: {  	s28 =	simm.s32 @!p0 $0x13800  }
0x141: {  	[tilespmem:s28], [sflag:$0x7] =	stream.indirect_vreg.gather @!p0 [hbm4b:s3+s29], $0x40, v0, vm1, $0xb8;
	[tilespmem:$0x1A400] =	vst v63  }
0x142: {  	v0 =	vld @!p0 [tilespmem:s20+$0xFFFFFF60];
	_ =	sdelay $0x6  }
0x143: {  	s28 =	simm.s32 @!p0 $0x13C00  }
0x144: {  	[tilespmem:s28], [sflag:$0x7] =	stream.indirect_vreg.gather @!p0 [hbm4b:s3+s29], $0x40, v0, vm1, $0xb8;
	[tilespmem:$0x1A400] =	vst v63  }
0x145: {  	v0 =	vld @!p0 [tilespmem:s20+$0xFFFFFF70];
	_ =	sdelay $0x6  }
0x146: {  	s28 =	simm.s32 @!p0 $0x14000  }
0x147: {  	[tilespmem:s28], [sflag:$0x7] =	stream.indirect_vreg.gather @!p0 [hbm4b:s3+s29], $0x40, v0, vm1, $0xb8;
	[tilespmem:$0x1A400] =	vst v63  }
0x148: {  	_ =	swait.ge [sflag:s15], $0x2000  }
0x149: {  	s28 =	sadd.s32 s26, s6;
	[sflag:s15] =	ssyncset.done $0x0  }
0x14a: {  	s30 =	simm.s32 $0x8400;
	s1 =	sadd.s32 $0x400, s28;
	[sflag:s15] =	ssyncadd.s32 $0xFFFFE000  }
0x14b: {  	[hbm4b:s1+s2] =	stream.linear.scatter [tilespmem:s30], [sflag:$0xC], $0x2000, $0x38;
	[tilespmem:$0x1A400] =	vst v63  }
0x14c: {  	s1 =	simm.s32 @!p0 $0x12  }
0x14d: {  	_ =	swait.ge @!p0 [sflag:s1], $0x2000  }
0x14e: {  	[sflag:s1] =	ssyncset.done @!p0 $0x0  }
0x14f: {  	[sflag:s1] =	ssyncadd.s32 @!p0 $0xFFFFE000  }
0x150: {  	v0 =	vld @!p0 [tilespmem:s20+$0xFFFFFF80];
	_ =	sdelay $0x6  }
0x151: {  	s1 =	simm.s32 @!p0 $0x14400  }
0x152: {  	[tilespmem:s1], [sflag:$0x8] =	stream.indirect_vreg.gather @!p0 [hbm4b:s3+s29], $0x40, v0, vm1, $0xb8;
	[tilespmem:$0x1A400] =	vst v63  }
0x153: {  	v0 =	vld @!p0 [tilespmem:s20+$0xFFFFFF90];
	_ =	sdelay $0x6  }
0x154: {  	s1 =	simm.s32 @!p0 $0x14800  }
0x155: {  	[tilespmem:s1], [sflag:$0x8] =	stream.indirect_vreg.gather @!p0 [hbm4b:s3+s29], $0x40, v0, vm1, $0xb8;
	[tilespmem:$0x1A400] =	vst v63  }
0x156: {  	v0 =	vld @!p0 [tilespmem:s20+$0xFFFFFFA0];
	_ =	sdelay $0x6  }
0x157: {  	s1 =	simm.s32 @!p0 $0x14C00  }
0x158: {  	[tilespmem:s1], [sflag:$0x8] =	stream.indirect_vreg.gather @!p0 [hbm4b:s3+s29], $0x40, v0, vm1, $0xb8;
	[tilespmem:$0x1A400] =	vst v63  }
0x159: {  	v0 =	vld @!p0 [tilespmem:s20+$0xFFFFFFB0];
	_ =	sdelay $0x6  }
0x15a: {  	s1 =	simm.s32 @!p0 $0x15000  }
0x15b: {  	[tilespmem:s1], [sflag:$0x8] =	stream.indirect_vreg.gather @!p0 [hbm4b:s3+s29], $0x40, v0, vm1, $0xb8;
	[tilespmem:$0x1A400] =	vst v63  }
0x15c: {  	v0 =	vld @!p0 [tilespmem:s20+$0xFFFFFFC0];
	_ =	sdelay $0x6  }
0x15d: {  	s1 =	simm.s32 @!p0 $0x15400  }
0x15e: {  	[tilespmem:s1], [sflag:$0x8] =	stream.indirect_vreg.gather @!p0 [hbm4b:s3+s29], $0x40, v0, vm1, $0xb8;
	[tilespmem:$0x1A400] =	vst v63  }
0x15f: {  	v0 =	vld @!p0 [tilespmem:s20+$0xFFFFFFD0];
	_ =	sdelay $0x6  }
0x160: {  	s1 =	simm.s32 @!p0 $0x15800  }
0x161: {  	[tilespmem:s1], [sflag:$0x8] =	stream.indirect_vreg.gather @!p0 [hbm4b:s3+s29], $0x40, v0, vm1, $0xb8;
	[tilespmem:$0x1A400] =	vst v63  }
0x162: {  	v0 =	vld @!p0 [tilespmem:s20+$0xFFFFFFE0];
	_ =	sdelay $0x6  }
0x163: {  	s1 =	simm.s32 @!p0 $0x15C00  }
0x164: {  	[tilespmem:s1], [sflag:$0x8] =	stream.indirect_vreg.gather @!p0 [hbm4b:s3+s29], $0x40, v0, vm1, $0xb8;
	[tilespmem:$0x1A400] =	vst v63  }
0x165: {  	v0 =	vld @!p0 [tilespmem:s20+$0xFFFFFFF0];
	_ =	sdelay $0x6  }
0x166: {  	s1 =	simm.s32 @!p0 $0x16000  }
0x167: {  	[tilespmem:s1], [sflag:$0x8] =	stream.indirect_vreg.gather @!p0 [hbm4b:s3+s29], $0x40, v0, vm1, $0xb8;
	[tilespmem:$0x1A400] =	vst v63  }
0x168: {  	_ =	swait.ge [sflag:s4], $0x2000  }
0x169: {  	[sflag:s4] =	ssyncset.done $0x0  }
0x16a: {  	s30 =	simm.s32 $0xA400;
	s1 =	sadd.s32 s26, s11;
	[sflag:s4] =	ssyncadd.s32 $0xFFFFE000  }
0x16b: {  	[hbm4b:s1+s2] =	stream.linear.scatter [tilespmem:s30], [sflag:$0xD], $0x2000, $0x38;
	[tilespmem:$0x1A400] =	vst v63  }
0x16c: {  	s1 =	simm.s32 @!p0 $0x13  }
0x16d: {  	_ =	swait.ge @!p0 [sflag:s1], $0x2000  }
0x16e: {  	[sflag:s1] =	ssyncset.done @!p0 $0x0  }
0x16f: {  	[sflag:s1] =	ssyncadd.s32 @!p0 $0xFFFFE000  }
0x170: {  	v0 =	vld @!p0 [tilespmem:s20+$0x0];
	_ =	sdelay $0x6  }
0x171: {  	s1 =	simm.s32 @!p0 $0x16400  }
0x172: {  	[tilespmem:s1], [sflag:$0x9] =	stream.indirect_vreg.gather @!p0 [hbm4b:s3+s29], $0x40, v0, vm1, $0xb8;
	[tilespmem:$0x1A400] =	vst v63  }
0x173: {  	v0 =	vld @!p0 [tilespmem:s20+$0x10];
	_ =	sdelay $0x6  }
0x174: {  	s1 =	simm.s32 @!p0 $0x16800  }
0x175: {  	[tilespmem:s1], [sflag:$0x9] =	stream.indirect_vreg.gather @!p0 [hbm4b:s3+s29], $0x40, v0, vm1, $0xb8;
	[tilespmem:$0x1A400] =	vst v63  }
0x176: {  	v0 =	vld @!p0 [tilespmem:s20+$0x20];
	_ =	sdelay $0x6  }
0x177: {  	s1 =	simm.s32 @!p0 $0x16C00  }
0x178: {  	[tilespmem:s1], [sflag:$0x9] =	stream.indirect_vreg.gather @!p0 [hbm4b:s3+s29], $0x40, v0, vm1, $0xb8;
	[tilespmem:$0x1A400] =	vst v63  }
0x179: {  	v0 =	vld @!p0 [tilespmem:s20+$0x30];
	_ =	sdelay $0x6  }
0x17a: {  	s1 =	simm.s32 @!p0 $0x17000  }
0x17b: {  	[tilespmem:s1], [sflag:$0x9] =	stream.indirect_vreg.gather @!p0 [hbm4b:s3+s29], $0x40, v0, vm1, $0xb8;
	[tilespmem:$0x1A400] =	vst v63  }
0x17c: {  	v0 =	vld @!p0 [tilespmem:s20+$0x40];
	_ =	sdelay $0x6  }
0x17d: {  	s1 =	simm.s32 @!p0 $0x17400  }
0x17e: {  	[tilespmem:s1], [sflag:$0x9] =	stream.indirect_vreg.gather @!p0 [hbm4b:s3+s29], $0x40, v0, vm1, $0xb8;
	[tilespmem:$0x1A400] =	vst v63  }
0x17f: {  	v0 =	vld @!p0 [tilespmem:s20+$0x50];
	_ =	sdelay $0x6  }
0x180: {  	s1 =	simm.s32 @!p0 $0x17800  }
0x181: {  	[tilespmem:s1], [sflag:$0x9] =	stream.indirect_vreg.gather @!p0 [hbm4b:s3+s29], $0x40, v0, vm1, $0xb8;
	[tilespmem:$0x1A400] =	vst v63  }
0x182: {  	v0 =	vld @!p0 [tilespmem:s20+$0x60];
	_ =	sdelay $0x6  }
0x183: {  	s1 =	simm.s32 @!p0 $0x17C00  }
0x184: {  	[tilespmem:s1], [sflag:$0x9] =	stream.indirect_vreg.gather @!p0 [hbm4b:s3+s29], $0x40, v0, vm1, $0xb8;
	[tilespmem:$0x1A400] =	vst v63  }
0x185: {  	v0 =	vld @!p0 [tilespmem:s20+$0x70];
	_ =	sdelay $0x6  }
0x186: {  	s1 =	simm.s32 @!p0 $0x18000  }
0x187: {  	[tilespmem:s1], [sflag:$0x9] =	stream.indirect_vreg.gather @!p0 [hbm4b:s3+s29], $0x40, v0, vm1, $0xb8;
	[tilespmem:$0x1A400] =	vst v63  }
0x188: {  	_ =	swait.ge [sflag:s5], $0x2000  }
0x189: {  	[sflag:s5] =	ssyncset.done $0x0  }
0x18a: {  	s30 =	simm.s32 $0xC400;
	s1 =	sadd.s32 $0xC00, s28;
	[sflag:s5] =	ssyncadd.s32 $0xFFFFE000  }
0x18b: {  	[hbm4b:s1+s2] =	stream.linear.scatter [tilespmem:s30], [sflag:$0xE], $0x2000, $0x38;
	[tilespmem:$0x1A400] =	vst v63  }
0x18c: {  	s1 =	simm.s32 @!p0 $0x14  }
0x18d: {  	_ =	swait.ge @!p0 [sflag:s1], $0x2000  }
0x18e: {  	[sflag:s1] =	ssyncset.done @!p0 $0x0  }
0x18f: {  	[sflag:s1] =	ssyncadd.s32 @!p0 $0xFFFFE000  }
0x190: {  	v0 =	vld @!p0 [tilespmem:s20+$0x80];
	_ =	sdelay $0x6  }
0x191: {  	s1 =	simm.s32 @!p0 $0x18400  }
0x192: {  	[tilespmem:s1], [sflag:$0xA] =	stream.indirect_vreg.gather @!p0 [hbm4b:s3+s29], $0x40, v0, vm1, $0xb8;
	[tilespmem:$0x1A400] =	vst v63  }
0x193: {  	v0 =	vld @!p0 [tilespmem:s20+$0x90];
	_ =	sdelay $0x6  }
0x194: {  	s1 =	simm.s32 @!p0 $0x18800  }
0x195: {  	[tilespmem:s1], [sflag:$0xA] =	stream.indirect_vreg.gather @!p0 [hbm4b:s3+s29], $0x40, v0, vm1, $0xb8;
	[tilespmem:$0x1A400] =	vst v63  }
0x196: {  	v0 =	vld @!p0 [tilespmem:s20+$0xA0];
	_ =	sdelay $0x6  }
0x197: {  	s1 =	simm.s32 @!p0 $0x18C00  }
0x198: {  	[tilespmem:s1], [sflag:$0xA] =	stream.indirect_vreg.gather @!p0 [hbm4b:s3+s29], $0x40, v0, vm1, $0xb8;
	[tilespmem:$0x1A400] =	vst v63  }
0x199: {  	v0 =	vld @!p0 [tilespmem:s20+$0xB0];
	_ =	sdelay $0x6  }
0x19a: {  	s1 =	simm.s32 @!p0 $0x19000  }
0x19b: {  	[tilespmem:s1], [sflag:$0xA] =	stream.indirect_vreg.gather @!p0 [hbm4b:s3+s29], $0x40, v0, vm1, $0xb8;
	[tilespmem:$0x1A400] =	vst v63  }
0x19c: {  	v0 =	vld @!p0 [tilespmem:s20+$0xC0];
	_ =	sdelay $0x6  }
0x19d: {  	s1 =	simm.s32 @!p0 $0x19400  }
0x19e: {  	[tilespmem:s1], [sflag:$0xA] =	stream.indirect_vreg.gather @!p0 [hbm4b:s3+s29], $0x40, v0, vm1, $0xb8;
	[tilespmem:$0x1A400] =	vst v63  }
0x19f: {  	v0 =	vld @!p0 [tilespmem:s20+$0xD0];
	_ =	sdelay $0x6  }
0x1a0: {  	s1 =	simm.s32 @!p0 $0x19800  }
0x1a1: {  	[tilespmem:s1], [sflag:$0xA] =	stream.indirect_vreg.gather @!p0 [hbm4b:s3+s29], $0x40, v0, vm1, $0xb8;
	[tilespmem:$0x1A400] =	vst v63  }
0x1a2: {  	v0 =	vld @!p0 [tilespmem:s20+$0xE0];
	_ =	sdelay $0x6  }
0x1a3: {  	s1 =	simm.s32 @!p0 $0x19C00  }
0x1a4: {  	[tilespmem:s1], [sflag:$0xA] =	stream.indirect_vreg.gather @!p0 [hbm4b:s3+s29], $0x40, v0, vm1, $0xb8;
	[tilespmem:$0x1A400] =	vst v63  }
0x1a5: {  	v0 =	vld @!p0 [tilespmem:s20+$0xF0];
	_ =	sdelay $0x6  }
0x1a6: {  	s1 =	simm.s32 @!p0 $0x1A000  }
0x1a7: {  	[tilespmem:s1], [sflag:$0xA] =	stream.indirect_vreg.gather @!p0 [hbm4b:s3+s29], $0x40, v0, vm1, $0xb8;
	[tilespmem:$0x1A400] =	vst v63  }
0x1a8: {  	_ =	swait.ge [sflag:s13], $0x2000  }
0x1a9: {  	s30 =	simm.s32 $0xE400;
	[sflag:s13] =	ssyncset.done $0x0  }
0x1aa: {  	s1 =	sadd.s32 s26, s12;
	p0 =	seq.s32 s26, $0x2F800;
	[sflag:s13] =	ssyncadd.s32 $0xFFFFE000  }
0x1ab: {  	[hbm4b:s1+s2] =	stream.linear.scatter [tilespmem:s30], [sflag:$0xF], $0x2000, $0x38;
	[tilespmem:$0x1A400] =	vst v63  }
0x1ac: {  	s1 =	simm.s32 @!p0 $0xB  }
0x1ad: {  	_ =	swait.ge @!p0 [sflag:s1], $0x2000  }
0x1ae: {  	[sflag:s1] =	ssyncset.done @!p0 $0x0  }
0x1af: {  	[sflag:s1] =	ssyncadd.s32 @!p0 $0xFFFFE000  }
0x1b0: {  	v0 =	vld @!p0 [tilespmem:s20+$0x100];
	_ =	sdelay $0x6  }
0x1b1: {  	vm1 =	vmmov @!p0 $0xffff;
	s29 =	simm.s32 @!p0 $0x0;
	s1 =	simm.s32 @!p0 $0x6400  }
0x1b2: {  	[tilespmem:s1], [sflag:$0x1] =	stream.indirect_vreg.gather @!p0 [hbm4b:s3+s29], $0x40, v0, vm1, $0xb8;
	[tilespmem:$0x1A400] =	vst v63  }
0x1b3: {  	v0 =	vld @!p0 [tilespmem:s20+$0x110];
	_ =	sdelay $0x6  }
0x1b4: {  	s1 =	simm.s32 @!p0 $0x6800  }
0x1b5: {  	[tilespmem:s1], [sflag:$0x1] =	stream.indirect_vreg.gather @!p0 [hbm4b:s3+s29], $0x40, v0, vm1, $0xb8;
	[tilespmem:$0x1A400] =	vst v63  }
0x1b6: {  	v0 =	vld @!p0 [tilespmem:s20+$0x120];
	_ =	sdelay $0x6  }
0x1b7: {  	s1 =	simm.s32 @!p0 $0x6C00  }
0x1b8: {  	[tilespmem:s1], [sflag:$0x1] =	stream.indirect_vreg.gather @!p0 [hbm4b:s3+s29], $0x40, v0, vm1, $0xb8;
	[tilespmem:$0x1A400] =	vst v63  }
0x1b9: {  	v0 =	vld @!p0 [tilespmem:s20+$0x130];
	_ =	sdelay $0x6  }
0x1ba: {  	s1 =	simm.s32 @!p0 $0x7000  }
0x1bb: {  	[tilespmem:s1], [sflag:$0x1] =	stream.indirect_vreg.gather @!p0 [hbm4b:s3+s29], $0x40, v0, vm1, $0xb8;
	[tilespmem:$0x1A400] =	vst v63  }
0x1bc: {  	v0 =	vld @!p0 [tilespmem:s20+$0x140];
	_ =	sdelay $0x6  }
0x1bd: {  	s1 =	simm.s32 @!p0 $0x7400  }
0x1be: {  	[tilespmem:s1], [sflag:$0x1] =	stream.indirect_vreg.gather @!p0 [hbm4b:s3+s29], $0x40, v0, vm1, $0xb8;
	[tilespmem:$0x1A400] =	vst v63  }
0x1bf: {  	v0 =	vld @!p0 [tilespmem:s20+$0x150];
	_ =	sdelay $0x6  }
0x1c0: {  	s1 =	simm.s32 @!p0 $0x7800  }
0x1c1: {  	[tilespmem:s1], [sflag:$0x1] =	stream.indirect_vreg.gather @!p0 [hbm4b:s3+s29], $0x40, v0, vm1, $0xb8;
	[tilespmem:$0x1A400] =	vst v63  }
0x1c2: {  	v0 =	vld @!p0 [tilespmem:s20+$0x160];
	_ =	sdelay $0x6  }
0x1c3: {  	s1 =	simm.s32 @!p0 $0x7C00  }
0x1c4: {  	[tilespmem:s1], [sflag:$0x1] =	stream.indirect_vreg.gather @!p0 [hbm4b:s3+s29], $0x40, v0, vm1, $0xb8;
	[tilespmem:$0x1A400] =	vst v63  }
0x1c5: {  	v0 =	vld @!p0 [tilespmem:s20+$0x170];
	_ =	sdelay $0x6  }
0x1c6: {  	s1 =	simm.s32 @!p0 $0x8000  }
0x1c7: {  	[tilespmem:s1], [sflag:$0x1] =	stream.indirect_vreg.gather @!p0 [hbm4b:s3+s29], $0x40, v0, vm1, $0xb8;
	[tilespmem:$0x1A400] =	vst v63  }
0x1c8: {  	_ =	swait.ge [sflag:s14], $0x2000  }
0x1c9: {  	[sflag:s14] =	ssyncset.done $0x0  }
0x1ca: {  	s30 =	sadd.s32 $0x1400, s28;
	s1 =	simm.s32 @!p0 $0xC;
	[sflag:s14] =	ssyncadd.s32 $0xFFFFE000  }
0x1cb: {  	[hbm4b:s30+s2] =	stream.linear.scatter [tilespmem:s21], [sflag:$0x10], $0x2000, $0x38;
	[tilespmem:$0x1A400] =	vst v63  }
0x1cc: {  	_ =	swait.ge @!p0 [sflag:s1], $0x2000  }
0x1cd: {  	[sflag:s1] =	ssyncset.done @!p0 $0x0  }
0x1ce: {  	[sflag:s1] =	ssyncadd.s32 @!p0 $0xFFFFE000  }
0x1cf: {  	v0 =	vld @!p0 [tilespmem:s20+$0x180];
	_ =	sdelay $0x6  }
0x1d0: {  	s1 =	simm.s32 @!p0 $0x8400  }
0x1d1: {  	[tilespmem:s1], [sflag:$0x2] =	stream.indirect_vreg.gather @!p0 [hbm4b:s3+s29], $0x40, v0, vm1, $0xb8;
	[tilespmem:$0x1A400] =	vst v63  }
0x1d2: {  	v0 =	vld @!p0 [tilespmem:s20+$0x190];
	_ =	sdelay $0x6  }
0x1d3: {  	s1 =	simm.s32 @!p0 $0x8800  }
0x1d4: {  	[tilespmem:s1], [sflag:$0x2] =	stream.indirect_vreg.gather @!p0 [hbm4b:s3+s29], $0x40, v0, vm1, $0xb8;
	[tilespmem:$0x1A400] =	vst v63  }
0x1d5: {  	v0 =	vld @!p0 [tilespmem:s20+$0x1A0];
	_ =	sdelay $0x6  }
0x1d6: {  	s1 =	simm.s32 @!p0 $0x8C00  }
0x1d7: {  	[tilespmem:s1], [sflag:$0x2] =	stream.indirect_vreg.gather @!p0 [hbm4b:s3+s29], $0x40, v0, vm1, $0xb8;
	[tilespmem:$0x1A400] =	vst v63  }
0x1d8: {  	v0 =	vld @!p0 [tilespmem:s20+$0x1B0];
	_ =	sdelay $0x6  }
0x1d9: {  	s1 =	simm.s32 @!p0 $0x9000  }
0x1da: {  	[tilespmem:s1], [sflag:$0x2] =	stream.indirect_vreg.gather @!p0 [hbm4b:s3+s29], $0x40, v0, vm1, $0xb8;
	[tilespmem:$0x1A400] =	vst v63  }
0x1db: {  	v0 =	vld @!p0 [tilespmem:s20+$0x1C0];
	_ =	sdelay $0x6  }
0x1dc: {  	s1 =	simm.s32 @!p0 $0x9400  }
0x1dd: {  	[tilespmem:s1], [sflag:$0x2] =	stream.indirect_vreg.gather @!p0 [hbm4b:s3+s29], $0x40, v0, vm1, $0xb8;
	[tilespmem:$0x1A400] =	vst v63  }
0x1de: {  	v0 =	vld @!p0 [tilespmem:s20+$0x1D0];
	_ =	sdelay $0x6  }
0x1df: {  	s1 =	simm.s32 @!p0 $0x9800  }
0x1e0: {  	[tilespmem:s1], [sflag:$0x2] =	stream.indirect_vreg.gather @!p0 [hbm4b:s3+s29], $0x40, v0, vm1, $0xb8;
	[tilespmem:$0x1A400] =	vst v63  }
0x1e1: {  	v0 =	vld @!p0 [tilespmem:s20+$0x1E0];
	_ =	sdelay $0x6  }
0x1e2: {  	s1 =	simm.s32 @!p0 $0x9C00  }
0x1e3: {  	[tilespmem:s1], [sflag:$0x2] =	stream.indirect_vreg.gather @!p0 [hbm4b:s3+s29], $0x40, v0, vm1, $0xb8;
	[tilespmem:$0x1A400] =	vst v63  }
0x1e4: {  	v0 =	vld @!p0 [tilespmem:s20+$0x1F0];
	_ =	sdelay $0x6  }
0x1e5: {  	s1 =	simm.s32 @!p0 $0xA000  }
0x1e6: {  	[tilespmem:s1], [sflag:$0x2] =	stream.indirect_vreg.gather @!p0 [hbm4b:s3+s29], $0x40, v0, vm1, $0xb8;
	[tilespmem:$0x1A400] =	vst v63  }
0x1e7: {  	_ =	swait.ge [sflag:s22], $0x2000  }
0x1e8: {  	[sflag:s22] =	ssyncset.done $0x0  }
0x1e9: {  	s30 =	sadd.s32 s26, s8;
	s1 =	simm.s32 @!p0 $0xD;
	[sflag:s22] =	ssyncadd.s32 $0xFFFFE000  }
0x1ea: {  	[hbm4b:s30+s2] =	stream.linear.scatter [tilespmem:s0], [sflag:$0x11], $0x2000, $0x38;
	[tilespmem:$0x1A400] =	vst v63  }
0x1eb: {  	_ =	swait.ge @!p0 [sflag:s1], $0x2000  }
0x1ec: {  	[sflag:s1] =	ssyncset.done @!p0 $0x0  }
0x1ed: {  	[sflag:s1] =	ssyncadd.s32 @!p0 $0xFFFFE000  }
0x1ee: {  	v0 =	vld @!p0 [tilespmem:s20+$0x200];
	_ =	sdelay $0x6  }
0x1ef: {  	s1 =	simm.s32 @!p0 $0xA400  }
0x1f0: {  	[tilespmem:s1], [sflag:$0x3] =	stream.indirect_vreg.gather @!p0 [hbm4b:s3+s29], $0x40, v0, vm1, $0xb8;
	[tilespmem:$0x1A400] =	vst v63  }
0x1f1: {  	v0 =	vld @!p0 [tilespmem:s20+$0x210];
	_ =	sdelay $0x6  }
0x1f2: {  	s1 =	simm.s32 @!p0 $0xA800  }
0x1f3: {  	[tilespmem:s1], [sflag:$0x3] =	stream.indirect_vreg.gather @!p0 [hbm4b:s3+s29], $0x40, v0, vm1, $0xb8;
	[tilespmem:$0x1A400] =	vst v63  }
0x1f4: {  	v0 =	vld @!p0 [tilespmem:s20+$0x220];
	_ =	sdelay $0x6  }
0x1f5: {  	s1 =	simm.s32 @!p0 $0xAC00  }
0x1f6: {  	[tilespmem:s1], [sflag:$0x3] =	stream.indirect_vreg.gather @!p0 [hbm4b:s3+s29], $0x40, v0, vm1, $0xb8;
	[tilespmem:$0x1A400] =	vst v63  }
0x1f7: {  	v0 =	vld @!p0 [tilespmem:s20+$0x230];
	_ =	sdelay $0x6  }
0x1f8: {  	s1 =	simm.s32 @!p0 $0xB000  }
0x1f9: {  	[tilespmem:s1], [sflag:$0x3] =	stream.indirect_vreg.gather @!p0 [hbm4b:s3+s29], $0x40, v0, vm1, $0xb8;
	[tilespmem:$0x1A400] =	vst v63  }
0x1fa: {  	v0 =	vld @!p0 [tilespmem:s20+$0x240];
	_ =	sdelay $0x6  }
0x1fb: {  	s1 =	simm.s32 @!p0 $0xB400  }
0x1fc: {  	[tilespmem:s1], [sflag:$0x3] =	stream.indirect_vreg.gather @!p0 [hbm4b:s3+s29], $0x40, v0, vm1, $0xb8;
	[tilespmem:$0x1A400] =	vst v63  }
0x1fd: {  	v0 =	vld @!p0 [tilespmem:s20+$0x250];
	_ =	sdelay $0x6  }
0x1fe: {  	s1 =	simm.s32 @!p0 $0xB800  }
0x1ff: {  	[tilespmem:s1], [sflag:$0x3] =	stream.indirect_vreg.gather @!p0 [hbm4b:s3+s29], $0x40, v0, vm1, $0xb8;
	[tilespmem:$0x1A400] =	vst v63  }
0x200: {  	v0 =	vld @!p0 [tilespmem:s20+$0x260];
	_ =	sdelay $0x6  }
0x201: {  	s1 =	simm.s32 @!p0 $0xBC00  }
0x202: {  	[tilespmem:s1], [sflag:$0x3] =	stream.indirect_vreg.gather @!p0 [hbm4b:s3+s29], $0x40, v0, vm1, $0xb8;
	[tilespmem:$0x1A400] =	vst v63  }
0x203: {  	v0 =	vld @!p0 [tilespmem:s20+$0x270];
	_ =	sdelay $0x6  }
0x204: {  	s1 =	simm.s32 @!p0 $0xC000  }
0x205: {  	[tilespmem:s1], [sflag:$0x3] =	stream.indirect_vreg.gather @!p0 [hbm4b:s3+s29], $0x40, v0, vm1, $0xb8;
	[tilespmem:$0x1A400] =	vst v63  }
0x206: {  	_ =	swait.ge [sflag:s31], $0x2000  }
0x207: {  	[sflag:s31] =	ssyncset.done $0x0  }
0x208: {  	s30 =	sadd.s32 $0x1C00, s28;
	s1 =	simm.s32 @!p0 $0xE;
	[sflag:s31] =	ssyncadd.s32 $0xFFFFE000  }
0x209: {  	[hbm4b:s30+s2] =	stream.linear.scatter [tilespmem:s17], [sflag:$0x12], $0x2000, $0x38;
	[tilespmem:$0x1A400] =	vst v63  }
0x20a: {  	_ =	swait.ge @!p0 [sflag:s1], $0x2000  }
0x20b: {  	[sflag:s1] =	ssyncset.done @!p0 $0x0  }
0x20c: {  	[sflag:s1] =	ssyncadd.s32 @!p0 $0xFFFFE000  }
0x20d: {  	v0 =	vld @!p0 [tilespmem:s20+$0x280];
	_ =	sdelay $0x6  }
0x20e: {  	s1 =	simm.s32 @!p0 $0xC400  }
0x20f: {  	[tilespmem:s1], [sflag:$0x4] =	stream.indirect_vreg.gather @!p0 [hbm4b:s3+s29], $0x40, v0, vm1, $0xb8;
	[tilespmem:$0x1A400] =	vst v63  }
0x210: {  	v0 =	vld @!p0 [tilespmem:s20+$0x290];
	_ =	sdelay $0x6  }
0x211: {  	s1 =	simm.s32 @!p0 $0xC800  }
0x212: {  	[tilespmem:s1], [sflag:$0x4] =	stream.indirect_vreg.gather @!p0 [hbm4b:s3+s29], $0x40, v0, vm1, $0xb8;
	[tilespmem:$0x1A400] =	vst v63  }
0x213: {  	v0 =	vld @!p0 [tilespmem:s20+$0x2A0];
	_ =	sdelay $0x6  }
0x214: {  	s1 =	simm.s32 @!p0 $0xCC00  }
0x215: {  	[tilespmem:s1], [sflag:$0x4] =	stream.indirect_vreg.gather @!p0 [hbm4b:s3+s29], $0x40, v0, vm1, $0xb8;
	[tilespmem:$0x1A400] =	vst v63  }
0x216: {  	v0 =	vld @!p0 [tilespmem:s20+$0x2B0];
	_ =	sdelay $0x6  }
0x217: {  	s1 =	simm.s32 @!p0 $0xD000  }
0x218: {  	[tilespmem:s1], [sflag:$0x4] =	stream.indirect_vreg.gather @!p0 [hbm4b:s3+s29], $0x40, v0, vm1, $0xb8;
	[tilespmem:$0x1A400] =	vst v63  }
0x219: {  	v0 =	vld @!p0 [tilespmem:s20+$0x2C0];
	_ =	sdelay $0x6  }
0x21a: {  	s1 =	simm.s32 @!p0 $0xD400  }
0x21b: {  	[tilespmem:s1], [sflag:$0x4] =	stream.indirect_vreg.gather @!p0 [hbm4b:s3+s29], $0x40, v0, vm1, $0xb8;
	[tilespmem:$0x1A400] =	vst v63  }
0x21c: {  	v0 =	vld @!p0 [tilespmem:s20+$0x2D0];
	_ =	sdelay $0x6  }
0x21d: {  	s1 =	simm.s32 @!p0 $0xD800  }
0x21e: {  	[tilespmem:s1], [sflag:$0x4] =	stream.indirect_vreg.gather @!p0 [hbm4b:s3+s29], $0x40, v0, vm1, $0xb8;
	[tilespmem:$0x1A400] =	vst v63  }
0x21f: {  	v0 =	vld @!p0 [tilespmem:s20+$0x2E0];
	_ =	sdelay $0x6  }
0x220: {  	s1 =	simm.s32 @!p0 $0xDC00  }
0x221: {  	[tilespmem:s1], [sflag:$0x4] =	stream.indirect_vreg.gather @!p0 [hbm4b:s3+s29], $0x40, v0, vm1, $0xb8;
	[tilespmem:$0x1A400] =	vst v63  }
0x222: {  	v0 =	vld @!p0 [tilespmem:s20+$0x2F0];
	_ =	sdelay $0x6  }
0x223: {  	s1 =	simm.s32 @!p0 $0xE000  }
0x224: {  	[tilespmem:s1], [sflag:$0x4] =	stream.indirect_vreg.gather @!p0 [hbm4b:s3+s29], $0x40, v0, vm1, $0xb8;
	[tilespmem:$0x1A400] =	vst v63  }
0x225: {  	_ =	swait.ge [sflag:s23], $0x2000  }
0x226: {  	[sflag:s23] =	ssyncset.done $0x0  }
0x227: {  	s28 =	sadd.s32 s26, s9;
	s1 =	simm.s32 @!p0 $0xF;
	[sflag:s23] =	ssyncadd.s32 $0xFFFFE000  }
0x228: {  	[hbm4b:s28+s2] =	stream.linear.scatter [tilespmem:s16], [sflag:$0x13], $0x2000, $0x38;
	[tilespmem:$0x1A400] =	vst v63  }
0x229: {  	_ =	swait.ge @!p0 [sflag:s1], $0x2000  }
0x22a: {  	[sflag:s1] =	ssyncset.done @!p0 $0x0  }
0x22b: {  	[sflag:s1] =	ssyncadd.s32 @!p0 $0xFFFFE000  }
0x22c: {  	v0 =	vld @!p0 [tilespmem:s20+$0x300];
	_ =	sdelay $0x6  }
0x22d: {  	s1 =	simm.s32 @!p0 $0xE400  }
0x22e: {  	[tilespmem:s1], [sflag:$0x5] =	stream.indirect_vreg.gather @!p0 [hbm4b:s3+s29], $0x40, v0, vm1, $0xb8;
	[tilespmem:$0x1A400] =	vst v63  }
0x22f: {  	v0 =	vld @!p0 [tilespmem:s20+$0x310];
	_ =	sdelay $0x6  }
0x230: {  	s1 =	simm.s32 @!p0 $0xE800  }
0x231: {  	[tilespmem:s1], [sflag:$0x5] =	stream.indirect_vreg.gather @!p0 [hbm4b:s3+s29], $0x40, v0, vm1, $0xb8;
	[tilespmem:$0x1A400] =	vst v63  }
0x232: {  	v0 =	vld @!p0 [tilespmem:s20+$0x320];
	_ =	sdelay $0x6  }
0x233: {  	s1 =	simm.s32 @!p0 $0xEC00  }
0x234: {  	[tilespmem:s1], [sflag:$0x5] =	stream.indirect_vreg.gather @!p0 [hbm4b:s3+s29], $0x40, v0, vm1, $0xb8;
	[tilespmem:$0x1A400] =	vst v63  }
0x235: {  	v0 =	vld @!p0 [tilespmem:s20+$0x330];
	_ =	sdelay $0x6  }
0x236: {  	s1 =	simm.s32 @!p0 $0xF000  }
0x237: {  	[tilespmem:s1], [sflag:$0x5] =	stream.indirect_vreg.gather @!p0 [hbm4b:s3+s29], $0x40, v0, vm1, $0xb8;
	[tilespmem:$0x1A400] =	vst v63  }
0x238: {  	v0 =	vld @!p0 [tilespmem:s20+$0x340];
	_ =	sdelay $0x6  }
0x239: {  	s1 =	simm.s32 @!p0 $0xF400  }
0x23a: {  	[tilespmem:s1], [sflag:$0x5] =	stream.indirect_vreg.gather @!p0 [hbm4b:s3+s29], $0x40, v0, vm1, $0xb8;
	[tilespmem:$0x1A400] =	vst v63  }
0x23b: {  	v0 =	vld @!p0 [tilespmem:s20+$0x350];
	_ =	sdelay $0x6  }
0x23c: {  	s1 =	simm.s32 @!p0 $0xF800  }
0x23d: {  	[tilespmem:s1], [sflag:$0x5] =	stream.indirect_vreg.gather @!p0 [hbm4b:s3+s29], $0x40, v0, vm1, $0xb8;
	[tilespmem:$0x1A400] =	vst v63  }
0x23e: {  	v0 =	vld @!p0 [tilespmem:s20+$0x360];
	_ =	sdelay $0x6  }
0x23f: {  	s1 =	simm.s32 @!p0 $0xFC00  }
0x240: {  	[tilespmem:s1], [sflag:$0x5] =	stream.indirect_vreg.gather @!p0 [hbm4b:s3+s29], $0x40, v0, vm1, $0xb8;
	[tilespmem:$0x1A400] =	vst v63  }
0x241: {  	v0 =	vld @!p0 [tilespmem:s20+$0x370];
	_ =	sdelay $0x6  }
0x242: {  	s1 =	simm.s32 @!p0 $0x10000  }
0x243: {  	[tilespmem:s1], [sflag:$0x5] =	stream.indirect_vreg.gather @!p0 [hbm4b:s3+s29], $0x40, v0, vm1, $0xb8;
	[tilespmem:$0x1A400] =	vst v63  }
.Ltmp2:
0x244: {  	_ = 	snop;
	(pc) =	sbr.rel @p0 .LBB2_4-.Ltmp2, $4  }
0x245: {  	_ =	swait.ge [sflag:s24], $0x2000  }
0x246: {  	[sflag:s24] =	ssyncset.done $0x0  }
0x247: {  	s30 =	sadd.s32 s26, s10;
	[sflag:s24] =	ssyncadd.s32 $0xFFFFE000  }
0x248: {  	[hbm4b:s30+s2] =	stream.linear.scatter [tilespmem:s19], [sflag:$0x14], $0x2000, $0x38;
	[tilespmem:$0x1A400] =	vst v63  }
0x249: {  	_ =	swait.ge [sflag:s25], $0x2000  }
0x24a: {  	[sflag:s25] =	ssyncset.done $0x0  }
0x24b: {  	[sflag:s25] =	ssyncadd.s32 $0xFFFFE000  }
0x24c: {  	v0 =	vld [tilespmem:s20+$0x380];
	_ =	sdelay $0x7  }
0x24d: {  	[tilespmem:s21], [sflag:$0x6] =	stream.indirect_vreg.gather [hbm4b:s3+s2], $0x40, v0, vm0, $0xb8;
	[tilespmem:$0x1A400] =	vst v63  }
0x24e: {  	v0 =	vld [tilespmem:s20+$0x390];
	_ =	sdelay $0x6  }
0x24f: {  	s1 =	simm.s32 $0x10800  }
0x250: {  	[tilespmem:s1], [sflag:$0x6] =	stream.indirect_vreg.gather [hbm4b:s3+s2], $0x40, v0, vm0, $0xb8;
	[tilespmem:$0x1A400] =	vst v63  }
0x251: {  	v0 =	vld [tilespmem:s20+$0x3A0];
	_ =	sdelay $0x6  }
0x252: {  	s28 =	simm.s32 $0x10C00  }
0x253: {  	[tilespmem:s28], [sflag:$0x6] =	stream.indirect_vreg.gather [hbm4b:s3+s2], $0x40, v0, vm0, $0xb8;
	[tilespmem:$0x1A400] =	vst v63  }
0x254: {  	v0 =	vld [tilespmem:s20+$0x3B0];
	_ =	sdelay $0x6  }
0x255: {  	s29 =	simm.s32 $0x11000  }
0x256: {  	[tilespmem:s29], [sflag:$0x6] =	stream.indirect_vreg.gather [hbm4b:s3+s2], $0x40, v0, vm0, $0xb8;
	[tilespmem:$0x1A400] =	vst v63  }
0x257: {  	v0 =	vld [tilespmem:s20+$0x3C0];
	_ =	sdelay $0x6  }
0x258: {  	s30 =	simm.s32 $0x11400  }
0x259: {  	[tilespmem:s30], [sflag:$0x6] =	stream.indirect_vreg.gather [hbm4b:s3+s2], $0x40, v0, vm0, $0xb8;
	[tilespmem:$0x1A400] =	vst v63  }
0x25a: {  	v0 =	vld [tilespmem:s20+$0x3D0];
	_ =	sdelay $0x6  }
0x25b: {  	s28 =	simm.s32 $0x11800  }
0x25c: {  	[tilespmem:s28], [sflag:$0x6] =	stream.indirect_vreg.gather [hbm4b:s3+s2], $0x40, v0, vm0, $0xb8;
	[tilespmem:$0x1A400] =	vst v63  }
0x25d: {  	v0 =	vld [tilespmem:s20+$0x3E0];
	_ =	sdelay $0x6  }
0x25e: {  	s29 =	simm.s32 $0x11C00  }
0x25f: {  	[tilespmem:s29], [sflag:$0x6] =	stream.indirect_vreg.gather [hbm4b:s3+s2], $0x40, v0, vm0, $0xb8;
	[tilespmem:$0x1A400] =	vst v63  }
0x260: {  	v0 =	vld [tilespmem:s20+$0x3F0];
	_ =	sdelay $0x3  }
.Ltmp3:
0x261: {  	_ = 	snop;
	(pc) =	sbr.rel .LBB2_2-.Ltmp3, $3  }
0x262: {  	_ =	sdelay $0x1  }
0x263: {  	s26 =	sadd.s32 $0x2800, s26;
	s30 =	simm.s32 $0x12000;
	s20 =	sadd.s32 $0x500, s20  }
0x264: {  	[tilespmem:s30], [sflag:$0x6] =	stream.indirect_vreg.gather [hbm4b:s3+s2], $0x40, v0, vm0, $0xb8;
	[tilespmem:$0x1A400] =	vst v63  }
.LBB2_5:
0x265: {  	_ =	sfence.sel $0x180000  }
0x266: {  	[bflag:$0x0] =	sbarrier.arrive $0xFFFF  }
0x267: {  	_ =	strace $0x90000047  }
0x268: {  	s0 =	stileid.u32;
	[bflag:$0x2] =	sbarrier.arrive $0xFFFF  }
0x269: {  	p0 =	sne.s32 s0, $0x0;
	s0 =	rddreg [dreg:$0x2]  }
0x26a: {  	s0 =	sadd.s32 @!p0 $0x100000, s0  }
0x26b: {  	[sflag:s0] =	ssyncadd.tile.s32 @!p0 $0x1;
	_ =	shalt  }
.Lfunc_end2:
_tile_overlayer_lowered:
.L_overlay_start_2:
0x26c: {  	(tag) =	ssettag $0x2  }
0x26d: {  	s0 =	rddreg [dreg:$0x0];
	s2 =	stileid.u32  }
0x26e: {  	s1 =	rddreg [dreg:$0x1];
	p0 =	sne.s32 s2, $0x0  }
0x26f: {  	s3 =	rddreg [dreg:$0x2];
	[bflag:$0x3] =	sbarrier.arrive $0xFFFF;
	s2 =	simm.s32 @!p0 $0x1C15  }
0x270: {  	[timem:s3], [sflag:s2] =	dma.local @!p0 [hbm:s0], s1  }
0x271: {  	s0 =	simm.s32 @!p0 $0x15  }
0x272: {  	_ =	swait.ge @!p0 [sflag:s0], s1  }
0x273: {  	s1 =	ssub.s32 @!p0 $0x0, s1;
	[sflag:s0] =	ssyncset.done @!p0 $0x0  }
0x274: {  	[sflag:s0] =	ssyncadd.s32 @!p0 s1  }
0x275: {  	[bflag:$0x3] =	sbarrier.arrive $0xFFFF  }
0x276: {  	_ =	shalt  }

// kernel: sparse-core-data-format-call.cloned.1.call-start
scs
called_computation_lowered:
.L_overlay_start_0:
0x0: {  	s2 =	sld [smem:$0x3FD9]  }
0x1: {  	s3 =	sld [smem:$0x3FFE];
	_ =	sdelay $0x1  }
0x2: {  	s1 =	srdreg.scid  }
0x3: {  	s0 =	sand.u32 $0x1, s1  }
0x4: {  	s18 =	sshll.u32 s0, $0xA;
	s2 =	sadd.s32 s3, s2  }
0x5: {  	s2 =	sadd.s32 s2, s18  }
0x6: {  	[smem:$0x3FC6] =	sst s2  }
0x7: {  	_ = 	snop  }
0x8: {  	s2 =	sld [smem:$0x3FD0];
	(tm) =	ssettm $0x1  }
0x9: {  	s19 =	sld [smem:$0x3FFB];
	_ =	sdelay $0x3  }
0xa: {  	_ =	strace s19  }
0xb: {  	s3 =	sld [smem:$0x3FFC];
	_ =	sdelay $0x3  }
0xc: {  	_ =	strace s3  }
0xd: {  	s3 =	sld [smem:$0x3FFD];
	_ =	sdelay $0x3  }
0xe: {  	_ =	strace s3  }
0xf: {  	_ =	strace $0x8FFFFFFF  }
0x10: {  	s20 =	sld [smem:$0x3FDB];
	_ =	sdelay $0x1  }
0x11: {  	s4 =	simm.s32 $_scs_section_size  }
0x12: {  	s5 =	simm.s32 $_size__tile_overlayer_lowered;
	s6 =	simm.s32 $_tile_overlayer_lowered  }
0x13: {  	s23 =	simm.s32 $0x1BFF;
	s22 =	sshll.u32 s6, $0x1;
	s3 =	sadd.s32 s4, s20  }
0x14: {  	s7 =	simm.s32 $0x0;
	s21 =	sshll.u32 s5, $0x1;
	s5 =	sadd.s32 s22, s3  }
0x15: {  	[timem:s7], [sflag:s23] =	dma.local [hbm:s5], s21  }
0x16: {  	_ =	swait.ge [sflag:s23], s21  }
0x17: {  	s4 =	ssub.s32 $0x0, s21;
	[sflag:s23] =	ssyncset.done $0x0  }
0x18: {  	[sflag:s23] =	ssyncadd.s32 s4;
	_ =	sdelay $0x1  }
0x19: {  	s24 =	simm.s32 $0x1B8B  }
0x1a: {  	_ =	swait.ge [sflag:s24], $0x1  }
0x1b: {  	[sflag:s24] =	ssyncset.done $0x0  }
0x1c: {  	s26 =	simm.s32 $0x1B8E;
	s25 =	sld [smem:$0x3FFE];
	[sflag:s24] =	ssyncadd.s32 $0xFFFFFFFF  }
0x1d: {  	s27 =	simm.s32 $execute0_lowered;
	[smem:$0x3FD2] =	sst s26  }
0x1e: {  	s5 =	sshll.u32 s27, $0x1;
	_ =	strace $0x80000049;
	[dreg:$0x1] =	wrdreg $0xFFFFFFFF  }
0x1f: {  	s28 =	simm.s32 $_size_execute0_lowered;
	s3 =	sadd.s32 s3, s5;
	[dreg:$0x0] =	wrdreg $0x0  }
0x20: {  	s5 =	sshll.u32 s28, $0x1;
	[dreg:$0x2] =	wrdreg s3  }
0x21: {  	[dreg:$0x3] =	wrdreg s5  }
0x22: {  	[dreg:$0x4] =	wrdreg $0xC0  }
0x23: {  	_ =	task [dreg:s7], $0x5FFFF  }
0x24: {  	[dreg:$0x1] =	wrdreg $0xFFFFFFFF  }
0x25: {  	[dreg:$0x0] =	wrdreg $0x60  }
0x26: {  	[dreg:$0x2] =	wrdreg s25  }
0x27: {  	[dreg:$0x3] =	wrdreg s2  }
0x28: {  	[dreg:$0x4] =	wrdreg $0x9  }
0x29: {  	_ =	task.clear_ibuf [dreg:s7], $0x5FFFF;
	_ =	strace $0x90000049  }
0x2a: {  	s29 =	simm.s32 $0x9;
	_ =	strace $0x8000004B  }
0x2b: {  	_ =	swait.ge [sflag:s29], $0x1  }
0x2c: {  	[sflag:s29] =	ssyncadd.s32 $0xFFFFFFFF  }
0x2d: {  	_ =	strace $0x9000004B  }
0x2e: {  	_ =	sfence  }
0x2f: {  	s30 =	sld [smem:$0x0];
	_ =	sdelay $0x2  }
0x30: {  	s31 =	sshll.u32 s1, $0xD;
	s1 =	sshrl.u32 s1, $0x2  }
0x31: {  	s3 =	sand.u32 $0x4000, s31;
	s1 =	sadd.s32 s1, s30  }
0x32: {  	s0 =	sor.u32 s3, s0;
	s1 =	sshll.u32 s1, $0x11  }
0x33: {  	s0 =	sor.u32 s1, s0  }
0x34: {  	s0 =	sadd.s32 $0x8F2B, s0  }
0x35: {  	[sflag:s0] =	ssyncadd.remote.s32 $0x1  }
0x36: {  	_ =	sfence.sel $0xFFFF  }
0x37: {  	[dreg:$0x0] =	wrdreg $0xFFFFFFFF;
	(pc) =	sbr.abs _section_cstart, $3  }
0x38: {  	[dreg:$0x1] =	wrdreg $0xFFFFFFFF  }
0x39: {  	_ =	task.clear_ibuf [dreg:s7], $0x2FFFF;
	_ =	strace $0x9FFFFFFF  }
0x3a: {  	(tm) =	ssettm $0x7FFFFFFF  }
0x3b: {  	_ =	shalt  }
tec
execute0_lowered:
.L_overlay_start_1:
0x0: {  	(tag) =	ssettag $0x1  }
0x1: {  	s0 =	srdreg.scid  }
0x2: {  	s1 =	sshll.u32 s0, $0x4  }
0x3: {  	s0 =	stileid.u32;
	s1 =	sand.u32 $0x10, s1  }
0x4: {  	s1 =	sor.u32 s0, s1  }
0x5: {  	s6 =	rddreg [dreg:$0x0];
	s4 =	simm.s32 $0x1;
	s2 =	sshll.u32 s1, $0x7  }
0x6: {  	s7 =	simm.s32 $0x2;
	s12 =	simm.s32 $0x0;
	s1 =	ssub.s32 $0x1000, s2  }
0x7: {  	s8 =	simm.s32 $0x8000;
	s13 =	simm.s32 $0x0;
	s3 =	sand.u32 $0xF80, s1  }
0x8: {  	s9 =	simm.s32 $0x0;
	s5 =	sshrl.u32 s1, $0xC;
	p0 =	sne.s32 s3, $0x0  }
.Ltmp0:
0x9: {  	s1 =	rddreg [dreg:$0x2];
	s4 =	simm.s32 @!p0 $0x0;
	(pc) =	sbr.rel .LBB1_1-.Ltmp0, $4  }
0xa: {  	s11 =	simm.s32 $0x0;
	s3 =	rddreg [dreg:$0x1];
	s5 =	sadd.s32 s4, s5  }
0xb: {  	_ =	strace $0x8000004A;
	s4 =	simm.s32 $0x1;
	s5 =	smul.u32 $0xC8, s5  }
0xc: {  	s6 =	sadd.s32 $0xA00, s6;
	s10 =	smov.u32 s2;
	[sflag:s4] =	ssyncpa.u1 $0x0  }
0xd: {  	p0 =	por $0x0, $0x0;
	[sflag:s7] =	ssyncpa.u1 $0x0;
	s7 =	sor.u32 $0x1, s5  }
.LBB1_4:
0xe: {  	s16 =	sshll.u32 s13, $0x3;
	s17 =	sand.u32 $0x78, s13  }
0xf: {  	s30 =	sand.u32 $0x7E00, s13;
	s12 =	sshll.u32 s12, $0xF;
	s16 =	sand.u32 $0xC00, s16  }
0x10: {  	[tilespmem:s15+$0x810 ss:$0x81] =	vst.msk $0xffff, v2;
	s31 =	sand.u32 $0x7, s13;
	s16 =	sor.u32 s17, s16;
	s17 =	sadd.s32 s3, s30  }
0x11: {  	[tilespmem:s15+$0x1020 ss:$0x81] =	vst.msk $0xffff, v0;
	s13 =	sshll.u32 s31, $0x12;
	s12 =	sadd.s32 s12, s17;
	s16 =	sshrl.u32 s16, $0x3  }
0x12: {  	[tilespmem:s15+$0x0 ss:$0x81] =	vst.msk $0xffff, v1;
	s13 =	sor.u32 $0x400, s13;
	s12 =	sadd.s32 s16, s12  }
0x13: {  	[hbm4b:s12+s13] =	stream.strided.scatter [tilespmem:s14], [sflag:$0x2], $0x2000, s8, s13, $0x20;
	[tilespmem:$0x8080] =	vst v63  }
.LBB1_5:
0x14: {  	s14 =	sadd.s32 $0x1, s9  }
0x15: {  	s12 =	sadd.s32 $0x1000, s10;
	s16 =	smov.u32 s10;
	p2 =	sgt.s32 s14, $0xC7  }
0x16: {  	s16 =	smov.u32 @p2 s12  }
0x17: {  	s14 =	simm.s32 @p2 $0x0;
	p2 =	sgt.s32 s16, $0xFFF  }
0x18: {  	s16 =	smov.u32 @p2 s2;
	p2 =	sne.s32 s11, s7  }
.Ltmp1:
0x19: {  	p1 =	slt.u32 s11, $0x2;
	(pc) =	sbr.rel @!p2 .LBB1_6-.Ltmp1, $4  }
0x1a: {  	s15 =	simm.s32 @!p1 $0x2  }
0x1b: {  	s13 =	smov.u32 s10;
	p0 =	por !p0, !p0;
	_ =	swait.ge @!p1 [sflag:s15], $0x2000  }
0x1c: {  	s12 =	smov.u32 s9;
	[sflag:s15] =	ssyncset.done @!p1 $0x0;
	s9 =	smov.u32 s14  }
0x1d: {  	s11 =	sadd.s32 $0x1, s11;
	[sflag:s15] =	ssyncadd.s32 @!p1 $0xFFFFE000;
	s10 =	smov.u32 s16  }
.LBB1_1:
0x1e: {  	p1 =	sge.u32 s11, s5  }
0x1f: {  	s14 =	sand.u32 @!p1 $0x1FFFFFF, s9  }
0x20: {  	s15 =	smulhi.u32 @!p1 $0x147AE15, s14;
	_ =	sdelay $0x1  }
0x21: {  	s15 =	smul.u32 @!p1 $0xC8, s15  }
0x22: {  	s16 =	sxor.u32 @!p1 $0xFFFFFFFF, s11;
	s17 =	smul.u32 @!p1 $0xC80, s10  }
0x23: {  	s31 =	sadd.s32 $0xFFFFFFFF, s11;
	s16 =	sshll.u32 @!p1 s16, $0xD;
	s14 =	ssub.s32 @!p1 s14, s15  }
0x24: {  	s15 =	sand.u32 @!p1 $0x2000, s16;
	s16 =	sadd.s32 @!p1 s6, s17;
	s14 =	sshll.u32 @!p1 s14, $0x4  }
0x25: {  	s17 =	simm.s32 @!p1 $0x6400;
	s14 =	sadd.s32 @!p1 s14, s16;
	s16 =	simm.s32 @!p1 $0x40  }
0x26: {  	[tilespmem:s15], [sflag:$0x1] =	stream.strided.gather @!p1 [hbm4b:s14+s16], $0x2000, s17, s16, $0x38;
	[tilespmem:$0x8080] =	vst v63  }
0x27: {  	p1 =	sge.u32 s31, s5  }
.Ltmp2:
0x28: {  	_ = 	snop;
	(pc) =	sbr.rel @p1 .LBB1_5-.Ltmp2, $1  }
0x29: {  	_ =	sdelay $0x3  }
0x2a: {  	s14 =	simm.s32 $0x1  }
0x2b: {  	_ =	swait.ge [sflag:s4], $0x2000;
	s14 =	simm.s32 @!p0 $0x0  }
0x2c: {  	[sflag:s4] =	ssyncset.done $0x0;
	s15 =	sshll.u32 s14, $0xD  }
0x2d: {  	[sflag:s4] =	ssyncadd.s32 $0xFFFFE000;
	s18 =	sor.u32 $0x20, s15  }
0x2e: {  	s14 =	smul.u32 $0x8100, s14;
	v3 =	vld [tilespmem:s18+$0x10]  }
0x2f: {  	s30 =	sand.u32 $0x1, s11;
	v2 =	vld [tilespmem:s18+$0xFFFFFFF0]  }
0x30: {  	s15 =	smul.u32 $0x8100, s30;
	s14 =	sshrl.u32 s14, $0x2;
	v0 =	vld [tilespmem:s18+$0x0]  }
0x31: {  	v1 =	vld [tilespmem:s18+$0xFFFFFFE0];
	s16 =	sor.u32 $0x4000, s14  }
0x32: {  	s31 =	sshrl.u32 s15, $0x2;
	s15 =	sadd.s32 $0x0, s16  }
0x33: {  	s17 =	simm.s32 $0x4;
	s18 =	sadd.s32 $0x40, s18;
	s14 =	sor.u32 $0x4000, s31;
	[tilespmem:s15+$0x1830 ss:$0x81] =	vst.msk $0xffff, v3  }
.LBB1_3:
0x34: {  	v3 =	vld [tilespmem:s18+$0x10];
	p1 =	sne.s32 s17, $0x1FC;
	[tilespmem:s15+$0x810 ss:$0x81] =	vst.msk $0xffff, v2;
	s19 =	smov.u32 s17;
	s17 =	sadd.s32 $0x4, s17  }
.Ltmp3:
0x35: {  	v2 =	vld [tilespmem:s18+$0xFFFFFFF0];
	[tilespmem:s15+$0x1020 ss:$0x81] =	vst.msk $0xffff, v0;
	(pc) =	sbr.rel @p1 .LBB1_3-.Ltmp3, $4  }
0x36: {  	v0 =	vld [tilespmem:s18+$0x0];
	[tilespmem:s15+$0x0 ss:$0x81] =	vst.msk $0xffff, v1  }
0x37: {  	s15 =	sshra.s32 s19, $0x2;
	v1 =	vld [tilespmem:s18+$0xFFFFFFE0]  }
0x38: {  	s15 =	sadd.s32 s15, s16  }
0x39: {  	s18 =	sadd.s32 $0x40, s18;
	[tilespmem:s15+$0x1830 ss:$0x81] =	vst.msk $0xffff, v3  }
.Ltmp4:
0x3a: {  	_ = 	snop;
	(pc) =	sbr.rel .LBB1_4-.Ltmp4, $1  }
0x3b: {  	_ =	sdelay $0x3  }
.LBB1_6:
0x3c: {  	_ =	sfence.sel $0x180000  }
0x3d: {  	s2 =	simm.s32 $0x1;
	[bflag:$0x0] =	sbarrier.arrive $0xFFFF  }
0x3e: {  	s31 =	simm.s32 $0x2;
	[sflag:s2] =	ssyncpa.u1 $0x1  }
0x3f: {  	[sflag:s31] =	ssyncpa.u1 $0x1  }
0x40: {  	p0 =	sne.s32 s0, $0x0;
	_ =	strace $0x9000004A  }
0x41: {  	s0 =	sadd.s32 @!p0 $0x100000, s1;
	[bflag:$0x2] =	sbarrier.arrive $0xFFFF  }
0x42: {  	[sflag:s0] =	ssyncadd.tile.s32 @!p0 $0x1;
	_ =	shalt  }
.Lfunc_end1:
_tile_overlayer_lowered:
.L_overlay_start_2:
0x43: {  	(tag) =	ssettag $0x2  }
0x44: {  	s0 =	rddreg [dreg:$0x0];
	s2 =	stileid.u32  }
0x45: {  	s1 =	rddreg [dreg:$0x1];
	p0 =	sne.s32 s2, $0x0  }
0x46: {  	s3 =	rddreg [dreg:$0x2];
	[bflag:$0x3] =	sbarrier.arrive $0xFFFF;
	s2 =	simm.s32 @!p0 $0x1C01  }
0x47: {  	[timem:s3], [sflag:s2] =	dma.local @!p0 [hbm:s0], s1  }
0x48: {  	s0 =	simm.s32 @!p0 $0x1  }
0x49: {  	_ =	swait.ge @!p0 [sflag:s0], s1  }
0x4a: {  	s1 =	ssub.s32 @!p0 $0x0, s1;
	[sflag:s0] =	ssyncset.done @!p0 $0x0  }
0x4b: {  	[sflag:s0] =	ssyncadd.s32 @!p0 s1  }
0x4c: {  	[bflag:$0x3] =	sbarrier.arrive $0xFFFF  }
0x4d: {  	_ =	shalt  }

</sc_bundles>
